<compile_context>
chip_gen: v7x
topology: tpu7x:2x2x1
jax: 0.10.2.dev20260603
libtpu: 0.0.44.dev20260713+nightly
codegen_flags: <defaults>
</compile_context>

<pallas_src>
import functools

import jax
import jax.numpy as jnp
from jax import lax
from jax.experimental import pallas as pl
from jax.experimental.pallas import tpu as pltpu
from jax.experimental.pallas import tpu_sc as plsc

N = 10000
E = 320000
L = 8
V = 50000
D = 128
H = 256
NG = 64
NC = 2
NS = 16
K = 80
ME = E // (NS * K)
NP_HALF = 5120
GRB = 128
PB = 320
MB = PB * L // K
EE_REP = 64
BLK = 2000
NB = N // BLK

_MESH = plsc.VectorSubcoreMesh(core_axis_name="c", subcore_axis_name="s",
                               num_cores=NC, num_subcores=NS)


def _pipelined(M, start, wait_scatter):
    start(0, 0)
    P = (M - 1) // 2

    def body(i, carry):
        j = 1 + 2 * i
        start(j, 1)
        wait_scatter(j - 1, 0)
        start(j + 1, 0)
        wait_scatter(j, 1)
        return carry

    if P > 0:
        lax.fori_loop(0, P, body, 0)
    if M % 2 == 1:
        wait_scatter(M - 1, 0)
    else:
        start(M - 1, 1)
        wait_scatter(M - 2, 0)
        wait_scatter(M - 1, 1)


@functools.partial(
    pl.kernel,
    out_type=jax.ShapeDtypeStruct((N, D), jnp.float32),
    mesh=_MESH,
    scratch_types=[
        pltpu.VMEM((MB, K), jnp.int32),
        pltpu.VMEM((MB, K), jnp.int32),
        pltpu.VMEM((K, D), jnp.float32),
        pltpu.VMEM((K, D), jnp.float32),
        pltpu.VMEM_SHARED((NP_HALF, D), jnp.float32),
        pltpu.SemaphoreType.DMA,
        pltpu.SemaphoreType.DMA,
    ],
)
def _bag_kernel(emb_hbm, xp_hbm, nidx_hbm, zeros_hbm, h0_hbm,
                xslab, nslab, rows_a, rows_b, acc, sem_a, sem_b):
    c = lax.axis_index("c")
    s = lax.axis_index("s")
    wid = c * NS + s
    pltpu.sync_copy(xp_hbm.at[pl.ds(wid * MB, MB)], xslab)
    pltpu.sync_copy(nidx_hbm.at[pl.ds(s * MB, MB)], nslab)
    pltpu.sync_copy(zeros_hbm.at[pl.ds(0, PB)], acc.at[pl.ds(s * PB, PB)])
    bufs = ((rows_a, sem_a), (rows_b, sem_b))

    def start(j, b):
        rows, sem = bufs[b]
        pltpu.async_copy(emb_hbm.at[xslab.at[j]], rows, sem)

    def wait_scatter(j, b):
        rows, sem = bufs[b]
        pltpu.make_async_copy(emb_hbm.at[xslab.at[j]], rows, sem).wait()
        pltpu.sync_copy(rows, acc.at[nslab.at[j]], add=True)

    _pipelined(MB, start, wait_scatter)
    for jj in range(PB // K):
        gstart = c * NP_HALF + s * PB + jj * K

        @pl.when(gstart < N)
        def _():
            pltpu.sync_copy(acc.at[pl.ds(s * PB + jj * K, K)],
                            h0_hbm.at[pl.ds(gstart, K)])


@functools.partial(
    pl.kernel,
    out_type=jax.ShapeDtypeStruct((N, D), jnp.float32),
    mesh=_MESH,
    scratch_types=[
        pltpu.VMEM((ME, 2, K), jnp.int32),
        pltpu.VMEM((K, D), jnp.float32),
        pltpu.VMEM((K, D), jnp.float32),
        pltpu.VMEM_SHARED((NP_HALF + GRB, D), jnp.float32),
        pltpu.SemaphoreType.DMA,
        pltpu.SemaphoreType.DMA,
    ],
)
def _edge_kernel(table_hbm, idx_hbm, zeros_hbm, out_hbm,
                 slab, rows_a, rows_b, acc, sem_a, sem_b):
    c = lax.axis_index("c")
    s = lax.axis_index("s")
    pltpu.sync_copy(idx_hbm.at[pl.ds(s * ME, ME)], slab)
    pltpu.sync_copy(zeros_hbm.at[pl.ds(0, PB)], acc.at[pl.ds(s * PB, PB)])

    @pl.when(s == 0)
    def _():
        pltpu.sync_copy(zeros_hbm.at[pl.ds(0, GRB)],
                        acc.at[pl.ds(NP_HALF, GRB)])

    base = c * NP_HALF
    plsc.subcore_barrier()
    bufs = ((rows_a, sem_a), (rows_b, sem_b))

    def start(j, b):
        rows, sem = bufs[b]
        pltpu.async_copy(table_hbm.at[slab.at[j, 0]], rows, sem)
        for g in range(K // 16):
            d = slab[j, 1, pl.ds(g * 16, 16)]
            d2 = d - base
            m = (d2 >= 0) & (d2 < NP_HALF)
            grb = NP_HALF + (d & (GRB - 1))
            slab[j, 1, pl.ds(g * 16, 16)] = jnp.where(m, d2, grb)

    def wait_scatter(j, b):
        rows, sem = bufs[b]
        pltpu.make_async_copy(table_hbm.at[slab.at[j, 0]], rows, sem).wait()
        pltpu.sync_copy(rows, acc.at[slab.at[j, 1]], add=True)

    _pipelined(ME, start, wait_scatter)
    plsc.subcore_barrier()
    for jj in range(PB // K):
        gstart = c * NP_HALF + s * PB + jj * K

        @pl.when(gstart < N)
        def _():
            pltpu.sync_copy(acc.at[pl.ds(s * PB + jj * K, K)],
                            out_hbm.at[pl.ds(gstart, K)])


def _dense_body(h_ref, s_ref, e_ref,
                w1_ref, b1_ref, w2_ref, b2_ref, g_ref, be_ref,
                out_ref, u_s, stats, *, relu_out):
    p = pl.program_id(0)
    i = pl.program_id(1)

    @pl.when(p == 0)
    def _():
        z = s_ref[...] + e_ref[...] + h_ref[...]
        t = jnp.maximum(jnp.dot(z, w1_ref[...],
                                preferred_element_type=jnp.float32)
                        + b1_ref[...], 0.0)
        u = jnp.dot(t, w2_ref[...],
                    preferred_element_type=jnp.float32) + b2_ref[...]
        u_s[pl.ds(i * BLK, BLK), :] = u

        @pl.when(i == 0)
        def _():
            stats[...] = jnp.zeros_like(stats)

        stats[0:1, :] += jnp.sum(u, 0, keepdims=True)
        stats[1:2, :] += jnp.sum(u * u, 0, keepdims=True)

    @pl.when(p == 1)
    def _():
        u = u_s[pl.ds(i * BLK, BLK), :]
        mean = stats[0:1, :] * (1.0 / N)
        var = stats[1:2, :] * (1.0 / N) - mean * mean
        y = (u - mean) * lax.rsqrt(var + 1e-5) * g_ref[...] + be_ref[...]
        if relu_out:
            y = jnp.maximum(y, 0.0)
        out_ref[...] = y


def _final_body(h_ref, s_ref, e_ref,
                w1_ref, b1_ref, w2_ref, b2_ref, g_ref, be_ref,
                batch_ref, wp_ref, bp_ref,
                out_ref, u_s, stats, pool_s, cnt_s):
    p = pl.program_id(0)
    i = pl.program_id(1)

    @pl.when(p == 0)
    def _():
        z = s_ref[...] + e_ref[...] + h_ref[...]
        t = jnp.maximum(jnp.dot(z, w1_ref[...],
                                preferred_element_type=jnp.float32)
                        + b1_ref[...], 0.0)
        u = jnp.dot(t, w2_ref[...],
                    preferred_element_type=jnp.float32) + b2_ref[...]
        u_s[pl.ds(i * BLK, BLK), :] = u

        @pl.when(i == 0)
        def _():
            stats[...] = jnp.zeros_like(stats)

        stats[0:1, :] += jnp.sum(u, 0, keepdims=True)
        stats[1:2, :] += jnp.sum(u * u, 0, keepdims=True)

    @pl.when(p == 1)
    def _():
        u = u_s[pl.ds(i * BLK, BLK), :]
        mean = stats[0:1, :] * (1.0 / N)
        var = stats[1:2, :] * (1.0 / N) - mean * mean
        y = (u - mean) * lax.rsqrt(var + 1e-5) * g_ref[...] + be_ref[...]
        gids = lax.broadcasted_iota(jnp.int32, (1, NG), 1)
        oneh = (batch_ref[...] == gids).astype(jnp.float32)

        @pl.when(i == 0)
        def _():
            pool_s[...] = jnp.zeros_like(pool_s)
            cnt_s[...] = jnp.zeros_like(cnt_s)

        pool_s[...] += lax.dot_general(
            oneh, y, (((0,), (0,)), ((), ())),
            preferred_element_type=jnp.float32)
        cnt_s[...] += jnp.broadcast_to(
            jnp.sum(oneh, 0)[:, None], (NG, D))

        @pl.when(i == NB - 1)
        def _():
            pooled = pool_s[...] / jnp.maximum(cnt_s[...], 1.0)
            out_ref[...] = (jnp.dot(pooled, wp_ref[...],
                                    preferred_element_type=jnp.float32)
                            + bp_ref[...])


def _row_spec(width):
    return pl.BlockSpec((BLK, width), lambda p, i: (i, 0))


def _p0_row_spec(width):
    return pl.BlockSpec((BLK, width),
                        lambda p, i: (jnp.where(p == 0, i, 0), 0))


def _p1_row_spec(width):
    return pl.BlockSpec((BLK, width),
                        lambda p, i: (jnp.where(p == 1, i, 0), 0))


def _full_spec(shape):
    return pl.BlockSpec(shape, lambda p, i: (0, 0))


def _dense_layer(h, sp, ep, w1, b1, w2, b2, g, be, relu_out):
    return pl.pallas_call(
        functools.partial(_dense_body, relu_out=relu_out),
        grid=(2, NB),
        in_specs=[
            _p0_row_spec(D), _p0_row_spec(D), _p0_row_spec(D),
            _full_spec((D, H)), _full_spec((1, H)),
            _full_spec((H, D)), _full_spec((1, D)),
            _full_spec((1, D)), _full_spec((1, D)),
        ],
        out_specs=_p1_row_spec(D),
        out_shape=jax.ShapeDtypeStruct((N, D), jnp.float32),
        scratch_shapes=[
            pltpu.VMEM((N, D), jnp.float32),
            pltpu.VMEM((8, D), jnp.float32),
        ],
    )(h, sp, ep, w1, b1, w2, b2, g, be)


def _final_layer(h, sp, ep, w1, b1, w2, b2, g, be, batch2, wp, bp):
    return pl.pallas_call(
        _final_body,
        grid=(2, NB),
        in_specs=[
            _p0_row_spec(D), _p0_row_spec(D), _p0_row_spec(D),
            _full_spec((D, H)), _full_spec((1, H)),
            _full_spec((H, D)), _full_spec((1, D)),
            _full_spec((1, D)), _full_spec((1, D)),
            _p1_row_spec(1),
            _full_spec((D, 1)), _full_spec((1, 1)),
        ],
        out_specs=pl.BlockSpec((NG, 1), lambda p, i: (0, 0)),
        out_shape=jax.ShapeDtypeStruct((NG, 1), jnp.float32),
        scratch_shapes=[
            pltpu.VMEM((N, D), jnp.float32),
            pltpu.VMEM((8, D), jnp.float32),
            pltpu.VMEM((NG, D), jnp.float32),
            pltpu.VMEM((NG, D), jnp.float32),
        ],
    )(h, sp, ep, w1, b1, w2, b2, g, be, batch2, wp, bp)


def kernel(x, edge_index, edge_attr, ins_length, batch, emb_table, edge_emb,
           W1_0, b1_0, W2_0, b2_0, g_0, be_0,
           W1_1, b1_1, W2_1, b2_1, g_1, be_1,
           W_pred, b_pred):
    src = edge_index[0]
    dst = edge_index[1]
    nchunk = E // K
    attr_rep = edge_attr + 16 * (jnp.arange(E, dtype=jnp.int32) % EE_REP)
    ei3 = jnp.stack([src.reshape(nchunk, K), dst.reshape(nchunk, K)], axis=1)
    ea3 = jnp.stack([attr_rep.reshape(nchunk, K),
                     dst.reshape(nchunk, K)], axis=1)
    xflat = x.reshape(-1)
    pad = NC * NP_HALF * L - xflat.shape[0]
    xp = jnp.concatenate([xflat, jnp.zeros((pad,), xflat.dtype)])
    xp = xp.reshape(-1, K)
    nidx = (jnp.arange(NS, dtype=jnp.int32)[:, None] * PB
            + jnp.repeat(jnp.arange(PB, dtype=jnp.int32), L)[None, :]
            ).reshape(NS * MB, K)
    zeros_d = jnp.zeros((PB, D), jnp.float32)

    h0 = _bag_kernel(emb_table, xp, nidx, zeros_d)
    ee_big = jnp.tile(edge_emb, (EE_REP, 1))
    ep = _edge_kernel(ee_big, ea3, zeros_d)
    sp0 = _edge_kernel(h0, ei3, zeros_d)
    h1 = _dense_layer(h0, sp0, ep,
                      W1_0, b1_0.reshape(1, H), W2_0, b2_0.reshape(1, D),
                      g_0.reshape(1, D), be_0.reshape(1, D), True)
    sp1 = _edge_kernel(h1, ei3, zeros_d)
    logits = _final_layer(h1, sp1, ep,
                          W1_1, b1_1.reshape(1, H), W2_1, b2_1.reshape(1, D),
                          g_1.reshape(1, D), be_1.reshape(1, D),
                          batch.reshape(N, 1), W_pred, b_pred.reshape(1, 1))
    return logits

# --- scband reference (transcript-rebuilt; emitter-appended) ---
"""Pipeline reference for scband-gnn-encoder-86878598464218 (READ-ONLY COPY).

The authoritative reference and input builder live on the scoring server;
editing this copy changes nothing except your own understanding.
"""

import jax, jax.numpy as jnp
import numpy as np

N = 10000
E = 320000
L = 8
V = 50000
D = 128
H = 256
NG = 64
NUM_EDGE_TYPE = 16
NUM_CLASS = 1


def setup_inputs(seed: int = 0) -> dict:
    key = jax.random.key(seed)
    ks = jax.random.split(key, 24)
    x = jax.random.randint(ks[0], (N, L), 0, V)
    edge_index = jax.random.randint(ks[1], (2, E), 0, N)
    edge_attr = jax.random.randint(ks[2], (E,), 0, NUM_EDGE_TYPE)
    ins_length = jax.random.randint(ks[3], (N,), 0, L)
    batch = jnp.sort(jax.random.randint(ks[4], (N,), 0, NG))
    s = 0.02
    emb_table = jax.random.normal(ks[5], (V, D), dtype=jnp.float32) * s
    edge_emb = jax.random.normal(ks[6], (NUM_EDGE_TYPE, D), dtype=jnp.float32) * s
    W1_0 = jax.random.normal(ks[7], (D, H), dtype=jnp.float32) * s
    b1_0 = jnp.zeros((H,), dtype=jnp.float32)
    W2_0 = jax.random.normal(ks[8], (H, D), dtype=jnp.float32) * s
    b2_0 = jnp.zeros((D,), dtype=jnp.float32)
    g_0 = jnp.ones((D,), dtype=jnp.float32)
    be_0 = jnp.zeros((D,), dtype=jnp.float32)
    W1_1 = jax.random.normal(ks[9], (D, H), dtype=jnp.float32) * s
    b1_1 = jnp.zeros((H,), dtype=jnp.float32)
    W2_1 = jax.random.normal(ks[10], (H, D), dtype=jnp.float32) * s
    b2_1 = jnp.zeros((D,), dtype=jnp.float32)
    g_1 = jnp.ones((D,), dtype=jnp.float32)
    be_1 = jnp.zeros((D,), dtype=jnp.float32)
    W_pred = jax.random.normal(ks[11], (D, NUM_CLASS), dtype=jnp.float32) * s
    b_pred = jnp.zeros((NUM_CLASS,), dtype=jnp.float32)
    return {
        'x': x, 'edge_index': edge_index, 'edge_attr': edge_attr,
        'ins_length': ins_length, 'batch': batch,
        'emb_table': emb_table, 'edge_emb': edge_emb,
        'W1_0': W1_0, 'b1_0': b1_0, 'W2_0': W2_0, 'b2_0': b2_0, 'g_0': g_0, 'be_0': be_0,
        'W1_1': W1_1, 'b1_1': b1_1, 'W2_1': W2_1, 'b2_1': b2_1, 'g_1': g_1, 'be_1': be_1,
        'W_pred': W_pred, 'b_pred': b_pred,
    }


def _gin_layer(h, src, dst, edge_attr, edge_emb, W1, b1, W2, b2, g, be):
    # GINConv with edge features: message = x_j + edge_embedding, add-aggregate,
    # then MLP((1+eps)*x + aggr) with eps=0, followed by BatchNorm1d (training stats).
    e = jnp.take(edge_emb, edge_attr, axis=0)
    msg = jnp.take(h, src, axis=0) + e
    agg = jnp.zeros_like(h).at[dst].add(msg)
    z = agg + h
    z = jax.nn.relu(z @ W1 + b1) @ W2 + b2
    mean = jnp.mean(z, axis=0, keepdims=True)
    var = jnp.var(z, axis=0, keepdims=True)
    z = (z - mean) / jnp.sqrt(var + 1e-5) * g + be
    return z


def reference(x, edge_index, edge_attr, ins_length, batch, emb_table, edge_emb,
              W1_0, b1_0, W2_0, b2_0, g_0, be_0,
              W1_1, b1_1, W2_1, b2_1, g_1, be_1,
              W_pred, b_pred):
    # WordBag embedding: sum of subtoken embeddings per node (EmbeddingBag mode='sum')
    h0 = jnp.take(emb_table, x, axis=0).sum(axis=1)
    src = edge_index[0]
    dst = edge_index[1]
    # layer 0 (not last): BN -> ReLU (dropout ratio 0 -> identity)
    h1 = _gin_layer(h0, src, dst, edge_attr, edge_emb, W1_0, b1_0, W2_0, b2_0, g_0, be_0)
    h1 = jax.nn.relu(h1)
    # layer 1 (last): BN, no ReLU
    h2 = _gin_layer(h1, src, dst, edge_attr, edge_emb, W1_1, b1_1, W2_1, b2_1, g_1, be_1)
    node_rep = h2  # JK='last'
    # global mean pool over graphs
    sums = jax.ops.segment_sum(node_rep, batch, num_segments=NG)
    counts = jax.ops.segment_sum(jnp.ones((node_rep.shape[0],), dtype=node_rep.dtype), batch, num_segments=NG)
    pooled = sums / jnp.maximum(counts, 1.0)[:, None]
    logits = pooled @ W_pred + b_pred
    return logits

if __name__ == "__main__":
    import jax
    _d = setup_inputs()
    print(jax.jit(kernel)(*tuple(_d.values())))

</pallas_src>

<mosaic_0001>
#map = affine_map<(d0, d1) -> (0, 0)>
#map1 = affine_map<(d0, d1) -> (0, 0, 0)>
module attributes {stable_mosaic.version = 14 : i64} {
  func.func @_edge_kernel(%arg0: i32, %arg1: i32, %arg2: memref<10000x128xf32, #tpu.memory_space<hbm>>, %arg3: memref<4000x2x80xi32, #tpu.memory_space<hbm>>, %arg4: memref<320x128xf32, #tpu.memory_space<hbm>>, %arg5: memref<10000x128xf32, #tpu.memory_space<hbm>>, %arg6: memref<250x2x80xi32, #tpu.memory_space<vmem>>, %arg7: memref<80x128xf32, #tpu.memory_space<vmem>>, %arg8: memref<80x128xf32, #tpu.memory_space<vmem>>, %arg9: memref<5248x128xf32, #tpu.memory_space<vmem_shared>>, %arg10: memref<!tpu.dma_semaphore, #tpu.memory_space<semaphore_mem>>, %arg11: memref<!tpu.dma_semaphore, #tpu.memory_space<semaphore_mem>>) attributes {dimension_semantics = [#tpu.dimension_semantics<core_parallel>, #tpu.dimension_semantics<subcore_parallel>], iteration_bounds = array<i64: 2, 16>, scalar_prefetch = 0 : i64, scratch_operands = 6 : i64, tpu.core_type = #tpu.core_type<sc_vector_subcore>, window_params = [{transform_indices = #map}, {transform_indices = #map1}, {transform_indices = #map}, {transform_indices = #map}]} {
    %mul3A = arith.constant 250 : i32
    %mul3A_0 = arith.muli %arg1, %mul3A : i32
    "tpu.region"() ({
      %run_scoped3A_396 = tpu.sem_alloc : memref<!tpu.dma_semaphore, #tpu.memory_space<semaphore_mem>>
      %dma_start3A_397 = arith.constant 0 : i32
      %dma_start3A_398 = arith.constant 0 : i32
      %dma_start3A_399 = tpu.memref_slice %arg3[%mul3A_0, %dma_start3A_397, %dma_start3A_398] : memref<4000x2x80xi32, #tpu.memory_space<hbm>> -> memref<250x2x80xi32, #tpu.memory_space<hbm>>
      %dma_start3A_400 = arith.constant 0 : i32
      %dma_start3A_401 = arith.constant 0 : i32
      %dma_start3A_402 = tpu.memref_slice %arg3[%mul3A_0, %dma_start3A_400, %dma_start3A_401] : memref<4000x2x80xi32, #tpu.memory_space<hbm>> -> memref<250x2x80xi32, #tpu.memory_space<hbm>>
      tpu.enqueue_dma source(%dma_start3A_402 : memref<250x2x80xi32, #tpu.memory_space<hbm>>) target(%arg6 : memref<250x2x80xi32, #tpu.memory_space<vmem>>) target_semaphore(%run_scoped3A_396 : memref<!tpu.dma_semaphore, #tpu.memory_space<semaphore_mem>>)
      %dma_wait3A_403 = arith.constant 0 : i32
      %dma_wait3A_404 = arith.constant 0 : i32
      %dma_wait3A_405 = tpu.memref_slice %arg3[%mul3A_0, %dma_wait3A_403, %dma_wait3A_404] : memref<4000x2x80xi32, #tpu.memory_space<hbm>> -> memref<250x2x80xi32, #tpu.memory_space<hbm>>
      %dma_wait3A_406 = arith.constant 0 : i32
      %dma_wait3A_407 = arith.constant 0 : i32
      %dma_wait3A_408 = tpu.memref_slice %arg3[%mul3A_0, %dma_wait3A_406, %dma_wait3A_407] : memref<4000x2x80xi32, #tpu.memory_space<hbm>> -> memref<250x2x80xi32, #tpu.memory_space<hbm>>
      tpu.wait_dma2 semaphore(%run_scoped3A_396 : memref<!tpu.dma_semaphore, #tpu.memory_space<semaphore_mem>>) src(%dma_wait3A_408 : memref<250x2x80xi32, #tpu.memory_space<hbm>>) dst(%arg6 : memref<250x2x80xi32, #tpu.memory_space<vmem>>)
      tpu.yield
    }) : () -> ()
    %mul3A_1 = arith.constant 320 : i32
    %mul3A_2 = arith.muli %arg1, %mul3A_1 : i32
    "tpu.region"() ({
      %run_scoped3A_396 = tpu.sem_alloc : memref<!tpu.dma_semaphore, #tpu.memory_space<semaphore_mem>>
      %dma_start3A_397 = arith.constant 0 : i32
      %dma_start3A_398 = tpu.memref_slice %arg9[%mul3A_2, %dma_start3A_397] : memref<5248x128xf32, #tpu.memory_space<vmem_shared>> -> memref<320x128xf32, #tpu.memory_space<vmem_shared>>
      %dma_start3A_399 = arith.constant 0 : i32
      %dma_start3A_400 = arith.constant 0 : i32
      %dma_start3A_401 = tpu.memref_slice %arg4[%dma_start3A_399, %dma_start3A_400] : memref<320x128xf32, #tpu.memory_space<hbm>> -> memref<320x128xf32, #tpu.memory_space<hbm>>
      tpu.enqueue_dma source(%dma_start3A_401 : memref<320x128xf32, #tpu.memory_space<hbm>>) target(%dma_start3A_398 : memref<320x128xf32, #tpu.memory_space<vmem_shared>>) target_semaphore(%run_scoped3A_396 : memref<!tpu.dma_semaphore, #tpu.memory_space<semaphore_mem>>)
      %dma_wait3A_402 = arith.constant 0 : i32
      %dma_wait3A_403 = tpu.memref_slice %arg9[%mul3A_2, %dma_wait3A_402] : memref<5248x128xf32, #tpu.memory_space<vmem_shared>> -> memref<320x128xf32, #tpu.memory_space<vmem_shared>>
      %dma_wait3A_404 = arith.constant 0 : i32
      %dma_wait3A_405 = arith.constant 0 : i32
      %dma_wait3A_406 = tpu.memref_slice %arg4[%dma_wait3A_404, %dma_wait3A_405] : memref<320x128xf32, #tpu.memory_space<hbm>> -> memref<320x128xf32, #tpu.memory_space<hbm>>
      tpu.wait_dma2 semaphore(%run_scoped3A_396 : memref<!tpu.dma_semaphore, #tpu.memory_space<semaphore_mem>>) src(%dma_wait3A_406 : memref<320x128xf32, #tpu.memory_space<hbm>>) dst(%dma_wait3A_403 : memref<320x128xf32, #tpu.memory_space<vmem_shared>>)
      tpu.yield
    }) : () -> ()
    %eq3A = arith.constant 0 : i32
    %eq3A_3 = arith.cmpi eq, %arg1, %eq3A : i32
    %convert_element_type3A = arith.extui %eq3A_3 : i1 to i32
    %cond3A = arith.constant 0 : i32
    %cond3A_4 = arith.cmpi ne, %convert_element_type3A, %cond3A : i32
    scf.if %cond3A_4 {
      "tpu.region"() ({
        %run_scoped3A_396 = tpu.sem_alloc : memref<!tpu.dma_semaphore, #tpu.memory_space<semaphore_mem>>
        %dma_start3A_397 = arith.constant 5120 : i32
        %dma_start3A_398 = arith.constant 0 : i32
        %dma_start3A_399 = tpu.memref_slice %arg9[%dma_start3A_397, %dma_start3A_398] : memref<5248x128xf32, #tpu.memory_space<vmem_shared>> -> memref<128x128xf32, #tpu.memory_space<vmem_shared>>
        %dma_start3A_400 = arith.constant 0 : i32
        %dma_start3A_401 = arith.constant 0 : i32
        %dma_start3A_402 = tpu.memref_slice %arg4[%dma_start3A_400, %dma_start3A_401] : memref<320x128xf32, #tpu.memory_space<hbm>> -> memref<128x128xf32, #tpu.memory_space<hbm>>
        tpu.enqueue_dma source(%dma_start3A_402 : memref<128x128xf32, #tpu.memory_space<hbm>>) target(%dma_start3A_399 : memref<128x128xf32, #tpu.memory_space<vmem_shared>>) target_semaphore(%run_scoped3A_396 : memref<!tpu.dma_semaphore, #tpu.memory_space<semaphore_mem>>)
        %dma_wait3A_403 = arith.constant 5120 : i32
        %dma_wait3A_404 = arith.constant 0 : i32
        %dma_wait3A_405 = tpu.memref_slice %arg9[%dma_wait3A_403, %dma_wait3A_404] : memref<5248x128xf32, #tpu.memory_space<vmem_shared>> -> memref<128x128xf32, #tpu.memory_space<vmem_shared>>
        %dma_wait3A_406 = arith.constant 0 : i32
        %dma_wait3A_407 = arith.constant 0 : i32
        %dma_wait3A_408 = tpu.memref_slice %arg4[%dma_wait3A_406, %dma_wait3A_407] : memref<320x128xf32, #tpu.memory_space<hbm>> -> memref<128x128xf32, #tpu.memory_space<hbm>>
        tpu.wait_dma2 semaphore(%run_scoped3A_396 : memref<!tpu.dma_semaphore, #tpu.memory_space<semaphore_mem>>) src(%dma_wait3A_408 : memref<128x128xf32, #tpu.memory_space<hbm>>) dst(%dma_wait3A_405 : memref<128x128xf32, #tpu.memory_space<vmem_shared>>)
        tpu.yield
      }) : () -> ()
    } else {
    }
    %mul3A_5 = arith.constant 5120 : i32
    %mul3A_6 = arith.muli %arg0, %mul3A_5 : i32
    %barrier3A = arith.constant 0 : index
    tpu.barrier barrier_id(%barrier3A)
    %dma_start3A = arith.constant 0 : i32
    %dma_start3A_7 = arith.constant 0 : i32
    %dma_start3A_8 = arith.constant 0 : i32
    %dma_start3A_9 = tpu.memref_slice %arg6[%dma_start3A, %dma_start3A_7, %dma_start3A_8] : memref<250x2x80xi32, #tpu.memory_space<vmem>> -> memref<1x1x80xi32, #tpu.memory_space<vmem>>
    %dma_start3A_10 = tpu.memref_squeeze %dma_start3A_9 : memref<1x1x80xi32, #tpu.memory_space<vmem>> -> memref<80xi32, #tpu.memory_space<vmem>>
    %dma_start3A_11 = arith.constant 0 : i32
    %dma_start3A_12 = arith.constant 0 : i32
    %dma_start3A_13 = tpu.memref_slice %arg2[%dma_start3A_11, %dma_start3A_12] : memref<10000x128xf32, #tpu.memory_space<hbm>> -> memref<10000x128xf32, #tpu.memory_space<hbm>>
    tpu.enqueue_indirect_dma source(%dma_start3A_13 : memref<10000x128xf32, #tpu.memory_space<hbm>>) target(%arg7 : memref<80x128xf32, #tpu.memory_space<vmem>>) offsets(%dma_start3A_10 : memref<80xi32, #tpu.memory_space<vmem>>) semaphore(%arg10 : memref<!tpu.dma_semaphore, #tpu.memory_space<semaphore_mem>>)
    %get3A = arith.constant 0 : i32
    %get3A_14 = arith.constant 1 : i32
    %get3A_15 = arith.index_cast %get3A : i32 to index
    %get3A_16 = arith.index_cast %get3A_14 : i32 to index
    %get3A_17 = arith.constant 0 : index
    %get3A_18 = tpu.vector_load %arg6[%get3A_15, %get3A_16, %get3A_17] {strides = array<i32>} : memref<250x2x80xi32, #tpu.memory_space<vmem>>, vector<1x1x16xi32>,
    %get3A_19 = vector.shape_cast %get3A_18 : vector<1x1x16xi32> to vector<16xi32>
    %sub3A = vector.broadcast %mul3A_6 : i32 to vector<16xi32>
    %sub3A_20 = arith.subi %get3A_19, %sub3A : vector<16xi32>
    %ge3A = arith.constant 0 : i32
    %ge3A_21 = vector.broadcast %ge3A : i32 to vector<16xi32>
    %ge3A_22 = arith.cmpi sge, %sub3A_20, %ge3A_21 : vector<16xi32>
    %lt3A = arith.constant 5120 : i32
    %lt3A_23 = vector.broadcast %lt3A : i32 to vector<16xi32>
    %lt3A_24 = arith.cmpi slt, %sub3A_20, %lt3A_23 : vector<16xi32>
    %and3A = arith.andi %ge3A_22, %lt3A_24 : vector<16xi1>
    %and3A_25 = arith.constant 127 : i32
    %and3A_26 = vector.broadcast %and3A_25 : i32 to vector<16xi32>
    %and3A_27 = arith.andi %get3A_19, %and3A_26 : vector<16xi32>
    %add3A = arith.constant 5120 : i32
    %add3A_28 = vector.broadcast %add3A : i32 to vector<16xi32>
    %add3A_29 = arith.addi %add3A_28, %and3A_27 : vector<16xi32>
    %select_n3A = arith.select %and3A, %sub3A_20, %add3A_29 : vector<16xi1>, vector<16xi32>
    %swap3A = arith.constant 0 : i32
    %swap3A_30 = arith.constant 1 : i32
    %swap3A_31 = arith.index_cast %swap3A : i32 to index
    %swap3A_32 = arith.index_cast %swap3A_30 : i32 to index
    %swap3A_33 = arith.constant 0 : index
    %swap3A_34 = tpu.vector_load %arg6[%swap3A_31, %swap3A_32, %swap3A_33] {strides = array<i32>} : memref<250x2x80xi32, #tpu.memory_space<vmem>>, vector<1x1x16xi32>,
    %swap3A_35 = vector.shape_cast %swap3A_34 : vector<1x1x16xi32> to vector<16xi32>
    %swap3A_36 = vector.shape_cast %select_n3A : vector<16xi32> to vector<1x1x16xi32>
    tpu.vector_store %arg6[%swap3A_31, %swap3A_32, %swap3A_33], %swap3A_36 {strides = array<i32>} : memref<250x2x80xi32, #tpu.memory_space<vmem>>, vector<1x1x16xi32>,
    %get3A_37 = arith.constant 0 : i32
    %get3A_38 = arith.constant 1 : i32
    %get3A_39 = arith.index_cast %get3A_37 : i32 to index
    %get3A_40 = arith.index_cast %get3A_38 : i32 to index
    %get3A_41 = arith.constant 16 : index
    %get3A_42 = tpu.vector_load %arg6[%get3A_39, %get3A_40, %get3A_41] {strides = array<i32>} : memref<250x2x80xi32, #tpu.memory_space<vmem>>, vector<1x1x16xi32>,
    %get3A_43 = vector.shape_cast %get3A_42 : vector<1x1x16xi32> to vector<16xi32>
    %sub3A_44 = vector.broadcast %mul3A_6 : i32 to vector<16xi32>
    %sub3A_45 = arith.subi %get3A_43, %sub3A_44 : vector<16xi32>
    %ge3A_46 = arith.constant 0 : i32
    %ge3A_47 = vector.broadcast %ge3A_46 : i32 to vector<16xi32>
    %ge3A_48 = arith.cmpi sge, %sub3A_45, %ge3A_47 : vector<16xi32>
    %lt3A_49 = arith.constant 5120 : i32
    %lt3A_50 = vector.broadcast %lt3A_49 : i32 to vector<16xi32>
    %lt3A_51 = arith.cmpi slt, %sub3A_45, %lt3A_50 : vector<16xi32>
    %and3A_52 = arith.andi %ge3A_48, %lt3A_51 : vector<16xi1>
    %and3A_53 = arith.constant 127 : i32
    %and3A_54 = vector.broadcast %and3A_53 : i32 to vector<16xi32>
    %and3A_55 = arith.andi %get3A_43, %and3A_54 : vector<16xi32>
    %add3A_56 = arith.constant 5120 : i32
    %add3A_57 = vector.broadcast %add3A_56 : i32 to vector<16xi32>
    %add3A_58 = arith.addi %add3A_57, %and3A_55 : vector<16xi32>
    %select_n3A_59 = arith.select %and3A_52, %sub3A_45, %add3A_58 : vector<16xi1>, vector<16xi32>
    %swap3A_60 = arith.constant 0 : i32
    %swap3A_61 = arith.constant 1 : i32
    %swap3A_62 = arith.index_cast %swap3A_60 : i32 to index
    %swap3A_63 = arith.index_cast %swap3A_61 : i32 to index
    %swap3A_64 = arith.constant 16 : index
    %swap3A_65 = tpu.vector_load %arg6[%swap3A_62, %swap3A_63, %swap3A_64] {strides = array<i32>} : memref<250x2x80xi32, #tpu.memory_space<vmem>>, vector<1x1x16xi32>,
    %swap3A_66 = vector.shape_cast %swap3A_65 : vector<1x1x16xi32> to vector<16xi32>
    %swap3A_67 = vector.shape_cast %select_n3A_59 : vector<16xi32> to vector<1x1x16xi32>
    tpu.vector_store %arg6[%swap3A_62, %swap3A_63, %swap3A_64], %swap3A_67 {strides = array<i32>} : memref<250x2x80xi32, #tpu.memory_space<vmem>>, vector<1x1x16xi32>,
    %get3A_68 = arith.constant 0 : i32
    %get3A_69 = arith.constant 1 : i32
    %get3A_70 = arith.index_cast %get3A_68 : i32 to index
    %get3A_71 = arith.index_cast %get3A_69 : i32 to index
    %get3A_72 = arith.constant 32 : index
    %get3A_73 = tpu.vector_load %arg6[%get3A_70, %get3A_71, %get3A_72] {strides = array<i32>} : memref<250x2x80xi32, #tpu.memory_space<vmem>>, vector<1x1x16xi32>,
    %get3A_74 = vector.shape_cast %get3A_73 : vector<1x1x16xi32> to vector<16xi32>
    %sub3A_75 = vector.broadcast %mul3A_6 : i32 to vector<16xi32>
    %sub3A_76 = arith.subi %get3A_74, %sub3A_75 : vector<16xi32>
    %ge3A_77 = arith.constant 0 : i32
    %ge3A_78 = vector.broadcast %ge3A_77 : i32 to vector<16xi32>
    %ge3A_79 = arith.cmpi sge, %sub3A_76, %ge3A_78 : vector<16xi32>
    %lt3A_80 = arith.constant 5120 : i32
    %lt3A_81 = vector.broadcast %lt3A_80 : i32 to vector<16xi32>
    %lt3A_82 = arith.cmpi slt, %sub3A_76, %lt3A_81 : vector<16xi32>
    %and3A_83 = arith.andi %ge3A_79, %lt3A_82 : vector<16xi1>
    %and3A_84 = arith.constant 127 : i32
    %and3A_85 = vector.broadcast %and3A_84 : i32 to vector<16xi32>
    %and3A_86 = arith.andi %get3A_74, %and3A_85 : vector<16xi32>
    %add3A_87 = arith.constant 5120 : i32
    %add3A_88 = vector.broadcast %add3A_87 : i32 to vector<16xi32>
    %add3A_89 = arith.addi %add3A_88, %and3A_86 : vector<16xi32>
    %select_n3A_90 = arith.select %and3A_83, %sub3A_76, %add3A_89 : vector<16xi1>, vector<16xi32>
    %swap3A_91 = arith.constant 0 : i32
    %swap3A_92 = arith.constant 1 : i32
    %swap3A_93 = arith.index_cast %swap3A_91 : i32 to index
    %swap3A_94 = arith.index_cast %swap3A_92 : i32 to index
    %swap3A_95 = arith.constant 32 : index
    %swap3A_96 = tpu.vector_load %arg6[%swap3A_93, %swap3A_94, %swap3A_95] {strides = array<i32>} : memref<250x2x80xi32, #tpu.memory_space<vmem>>, vector<1x1x16xi32>,
    %swap3A_97 = vector.shape_cast %swap3A_96 : vector<1x1x16xi32> to vector<16xi32>
    %swap3A_98 = vector.shape_cast %select_n3A_90 : vector<16xi32> to vector<1x1x16xi32>
    tpu.vector_store %arg6[%swap3A_93, %swap3A_94, %swap3A_95], %swap3A_98 {strides = array<i32>} : memref<250x2x80xi32, #tpu.memory_space<vmem>>, vector<1x1x16xi32>,
    %get3A_99 = arith.constant 0 : i32
    %get3A_100 = arith.constant 1 : i32
    %get3A_101 = arith.index_cast %get3A_99 : i32 to index
    %get3A_102 = arith.index_cast %get3A_100 : i32 to index
    %get3A_103 = arith.constant 48 : index
    %get3A_104 = tpu.vector_load %arg6[%get3A_101, %get3A_102, %get3A_103] {strides = array<i32>} : memref<250x2x80xi32, #tpu.memory_space<vmem>>, vector<1x1x16xi32>,
    %get3A_105 = vector.shape_cast %get3A_104 : vector<1x1x16xi32> to vector<16xi32>
    %sub3A_106 = vector.broadcast %mul3A_6 : i32 to vector<16xi32>
    %sub3A_107 = arith.subi %get3A_105, %sub3A_106 : vector<16xi32>
    %ge3A_108 = arith.constant 0 : i32
    %ge3A_109 = vector.broadcast %ge3A_108 : i32 to vector<16xi32>
    %ge3A_110 = arith.cmpi sge, %sub3A_107, %ge3A_109 : vector<16xi32>
    %lt3A_111 = arith.constant 5120 : i32
    %lt3A_112 = vector.broadcast %lt3A_111 : i32 to vector<16xi32>
    %lt3A_113 = arith.cmpi slt, %sub3A_107, %lt3A_112 : vector<16xi32>
    %and3A_114 = arith.andi %ge3A_110, %lt3A_113 : vector<16xi1>
    %and3A_115 = arith.constant 127 : i32
    %and3A_116 = vector.broadcast %and3A_115 : i32 to vector<16xi32>
    %and3A_117 = arith.andi %get3A_105, %and3A_116 : vector<16xi32>
    %add3A_118 = arith.constant 5120 : i32
    %add3A_119 = vector.broadcast %add3A_118 : i32 to vector<16xi32>
    %add3A_120 = arith.addi %add3A_119, %and3A_117 : vector<16xi32>
    %select_n3A_121 = arith.select %and3A_114, %sub3A_107, %add3A_120 : vector<16xi1>, vector<16xi32>
    %swap3A_122 = arith.constant 0 : i32
    %swap3A_123 = arith.constant 1 : i32
    %swap3A_124 = arith.index_cast %swap3A_122 : i32 to index
    %swap3A_125 = arith.index_cast %swap3A_123 : i32 to index
    %swap3A_126 = arith.constant 48 : index
    %swap3A_127 = tpu.vector_load %arg6[%swap3A_124, %swap3A_125, %swap3A_126] {strides = array<i32>} : memref<250x2x80xi32, #tpu.memory_space<vmem>>, vector<1x1x16xi32>,
    %swap3A_128 = vector.shape_cast %swap3A_127 : vector<1x1x16xi32> to vector<16xi32>
    %swap3A_129 = vector.shape_cast %select_n3A_121 : vector<16xi32> to vector<1x1x16xi32>
    tpu.vector_store %arg6[%swap3A_124, %swap3A_125, %swap3A_126], %swap3A_129 {strides = array<i32>} : memref<250x2x80xi32, #tpu.memory_space<vmem>>, vector<1x1x16xi32>,
    %get3A_130 = arith.constant 0 : i32
    %get3A_131 = arith.constant 1 : i32
    %get3A_132 = arith.index_cast %get3A_130 : i32 to index
    %get3A_133 = arith.index_cast %get3A_131 : i32 to index
    %get3A_134 = arith.constant 64 : index
    %get3A_135 = tpu.vector_load %arg6[%get3A_132, %get3A_133, %get3A_134] {strides = array<i32>} : memref<250x2x80xi32, #tpu.memory_space<vmem>>, vector<1x1x16xi32>,
    %get3A_136 = vector.shape_cast %get3A_135 : vector<1x1x16xi32> to vector<16xi32>
    %sub3A_137 = vector.broadcast %mul3A_6 : i32 to vector<16xi32>
    %sub3A_138 = arith.subi %get3A_136, %sub3A_137 : vector<16xi32>
    %ge3A_139 = arith.constant 0 : i32
    %ge3A_140 = vector.broadcast %ge3A_139 : i32 to vector<16xi32>
    %ge3A_141 = arith.cmpi sge, %sub3A_138, %ge3A_140 : vector<16xi32>
    %lt3A_142 = arith.constant 5120 : i32
    %lt3A_143 = vector.broadcast %lt3A_142 : i32 to vector<16xi32>
    %lt3A_144 = arith.cmpi slt, %sub3A_138, %lt3A_143 : vector<16xi32>
    %and3A_145 = arith.andi %ge3A_141, %lt3A_144 : vector<16xi1>
    %and3A_146 = arith.constant 127 : i32
    %and3A_147 = vector.broadcast %and3A_146 : i32 to vector<16xi32>
    %and3A_148 = arith.andi %get3A_136, %and3A_147 : vector<16xi32>
    %add3A_149 = arith.constant 5120 : i32
    %add3A_150 = vector.broadcast %add3A_149 : i32 to vector<16xi32>
    %add3A_151 = arith.addi %add3A_150, %and3A_148 : vector<16xi32>
    %select_n3A_152 = arith.select %and3A_145, %sub3A_138, %add3A_151 : vector<16xi1>, vector<16xi32>
    %swap3A_153 = arith.constant 0 : i32
    %swap3A_154 = arith.constant 1 : i32
    %swap3A_155 = arith.index_cast %swap3A_153 : i32 to index
    %swap3A_156 = arith.index_cast %swap3A_154 : i32 to index
    %swap3A_157 = arith.constant 64 : index
    %swap3A_158 = tpu.vector_load %arg6[%swap3A_155, %swap3A_156, %swap3A_157] {strides = array<i32>} : memref<250x2x80xi32, #tpu.memory_space<vmem>>, vector<1x1x16xi32>,
    %swap3A_159 = vector.shape_cast %swap3A_158 : vector<1x1x16xi32> to vector<16xi32>
    %swap3A_160 = vector.shape_cast %select_n3A_152 : vector<16xi32> to vector<1x1x16xi32>
    tpu.vector_store %arg6[%swap3A_155, %swap3A_156, %swap3A_157], %swap3A_160 {strides = array<i32>} : memref<250x2x80xi32, #tpu.memory_space<vmem>>, vector<1x1x16xi32>,
    %scan3A = arith.constant 0 : i32
    %scan3A_161 = arith.constant 0 : i32
    %scan3A_162 = arith.constant 124 : i32
    %scan3A_163 = arith.addi %scan3A_161, %scan3A_162 : i32
    %scan3A_164 = arith.constant 1 : i32
    scf.for %scan3A_396 = %scan3A_161 to %scan3A_163 step %scan3A_164  : i32 {
      %mul3A_397 = arith.constant 2 : i32
      %mul3A_398 = arith.muli %mul3A_397, %scan3A_396 : i32
      %add3A_399 = arith.constant 1 : i32
      %add3A_400 = arith.addi %add3A_399, %mul3A_398 : i32
      %dma_start3A_401 = arith.constant 0 : i32
      %dma_start3A_402 = arith.constant 0 : i32
      %dma_start3A_403 = tpu.memref_slice %arg6[%add3A_400, %dma_start3A_401, %dma_start3A_402] : memref<250x2x80xi32, #tpu.memory_space<vmem>> -> memref<1x1x80xi32, #tpu.memory_space<vmem>>
      %dma_start3A_404 = tpu.memref_squeeze %dma_start3A_403 : memref<1x1x80xi32, #tpu.memory_space<vmem>> -> memref<80xi32, #tpu.memory_space<vmem>>
      %dma_start3A_405 = arith.constant 0 : i32
      %dma_start3A_406 = arith.constant 0 : i32
      %dma_start3A_407 = tpu.memref_slice %arg2[%dma_start3A_405, %dma_start3A_406] : memref<10000x128xf32, #tpu.memory_space<hbm>> -> memref<10000x128xf32, #tpu.memory_space<hbm>>
      tpu.enqueue_indirect_dma source(%dma_start3A_407 : memref<10000x128xf32, #tpu.memory_space<hbm>>) target(%arg8 : memref<80x128xf32, #tpu.memory_space<vmem>>) offsets(%dma_start3A_404 : memref<80xi32, #tpu.memory_space<vmem>>) semaphore(%arg11 : memref<!tpu.dma_semaphore, #tpu.memory_space<semaphore_mem>>)
      %get3A_408 = arith.constant 1 : i32
      %get3A_409 = arith.index_cast %add3A_400 : i32 to index
      %get3A_410 = arith.index_cast %get3A_408 : i32 to index
      %get3A_411 = arith.constant 0 : index
      %get3A_412 = tpu.vector_load %arg6[%get3A_409, %get3A_410, %get3A_411] {strides = array<i32>} : memref<250x2x80xi32, #tpu.memory_space<vmem>>, vector<1x1x16xi32>,
      %get3A_413 = vector.shape_cast %get3A_412 : vector<1x1x16xi32> to vector<16xi32>
      %sub3A_414 = vector.broadcast %mul3A_6 : i32 to vector<16xi32>
      %sub3A_415 = arith.subi %get3A_413, %sub3A_414 : vector<16xi32>
      %ge3A_416 = arith.constant 0 : i32
      %ge3A_417 = vector.broadcast %ge3A_416 : i32 to vector<16xi32>
      %ge3A_418 = arith.cmpi sge, %sub3A_415, %ge3A_417 : vector<16xi32>
      %lt3A_419 = arith.constant 5120 : i32
      %lt3A_420 = vector.broadcast %lt3A_419 : i32 to vector<16xi32>
      %lt3A_421 = arith.cmpi slt, %sub3A_415, %lt3A_420 : vector<16xi32>
      %and3A_422 = arith.andi %ge3A_418, %lt3A_421 : vector<16xi1>
      %and3A_423 = arith.constant 127 : i32
      %and3A_424 = vector.broadcast %and3A_423 : i32 to vector<16xi32>
      %and3A_425 = arith.andi %get3A_413, %and3A_424 : vector<16xi32>
      %add3A_426 = arith.constant 5120 : i32
      %add3A_427 = vector.broadcast %add3A_426 : i32 to vector<16xi32>
      %add3A_428 = arith.addi %add3A_427, %and3A_425 : vector<16xi32>
      %select_n3A_429 = arith.select %and3A_422, %sub3A_415, %add3A_428 : vector<16xi1>, vector<16xi32>
      %swap3A_430 = arith.constant 1 : i32
      %swap3A_431 = arith.index_cast %add3A_400 : i32 to index
      %swap3A_432 = arith.index_cast %swap3A_430 : i32 to index
      %swap3A_433 = arith.constant 0 : index
      %swap3A_434 = tpu.vector_load %arg6[%swap3A_431, %swap3A_432, %swap3A_433] {strides = array<i32>} : memref<250x2x80xi32, #tpu.memory_space<vmem>>, vector<1x1x16xi32>,
      %swap3A_435 = vector.shape_cast %swap3A_434 : vector<1x1x16xi32> to vector<16xi32>
      %swap3A_436 = vector.shape_cast %select_n3A_429 : vector<16xi32> to vector<1x1x16xi32>
      tpu.vector_store %arg6[%swap3A_431, %swap3A_432, %swap3A_433], %swap3A_436 {strides = array<i32>} : memref<250x2x80xi32, #tpu.memory_space<vmem>>, vector<1x1x16xi32>,
      %get3A_437 = arith.constant 1 : i32
      %get3A_438 = arith.index_cast %add3A_400 : i32 to index
      %get3A_439 = arith.index_cast %get3A_437 : i32 to index
      %get3A_440 = arith.constant 16 : index
      %get3A_441 = tpu.vector_load %arg6[%get3A_438, %get3A_439, %get3A_440] {strides = array<i32>} : memref<250x2x80xi32, #tpu.memory_space<vmem>>, vector<1x1x16xi32>,
      %get3A_442 = vector.shape_cast %get3A_441 : vector<1x1x16xi32> to vector<16xi32>
      %sub3A_443 = vector.broadcast %mul3A_6 : i32 to vector<16xi32>
      %sub3A_444 = arith.subi %get3A_442, %sub3A_443 : vector<16xi32>
      %ge3A_445 = arith.constant 0 : i32
      %ge3A_446 = vector.broadcast %ge3A_445 : i32 to vector<16xi32>
      %ge3A_447 = arith.cmpi sge, %sub3A_444, %ge3A_446 : vector<16xi32>
      %lt3A_448 = arith.constant 5120 : i32
      %lt3A_449 = vector.broadcast %lt3A_448 : i32 to vector<16xi32>
      %lt3A_450 = arith.cmpi slt, %sub3A_444, %lt3A_449 : vector<16xi32>
      %and3A_451 = arith.andi %ge3A_447, %lt3A_450 : vector<16xi1>
      %and3A_452 = arith.constant 127 : i32
      %and3A_453 = vector.broadcast %and3A_452 : i32 to vector<16xi32>
      %and3A_454 = arith.andi %get3A_442, %and3A_453 : vector<16xi32>
      %add3A_455 = arith.constant 5120 : i32
      %add3A_456 = vector.broadcast %add3A_455 : i32 to vector<16xi32>
      %add3A_457 = arith.addi %add3A_456, %and3A_454 : vector<16xi32>
      %select_n3A_458 = arith.select %and3A_451, %sub3A_444, %add3A_457 : vector<16xi1>, vector<16xi32>
      %swap3A_459 = arith.constant 1 : i32
      %swap3A_460 = arith.index_cast %add3A_400 : i32 to index
      %swap3A_461 = arith.index_cast %swap3A_459 : i32 to index
      %swap3A_462 = arith.constant 16 : index
      %swap3A_463 = tpu.vector_load %arg6[%swap3A_460, %swap3A_461, %swap3A_462] {strides = array<i32>} : memref<250x2x80xi32, #tpu.memory_space<vmem>>, vector<1x1x16xi32>,
      %swap3A_464 = vector.shape_cast %swap3A_463 : vector<1x1x16xi32> to vector<16xi32>
      %swap3A_465 = vector.shape_cast %select_n3A_458 : vector<16xi32> to vector<1x1x16xi32>
      tpu.vector_store %arg6[%swap3A_460, %swap3A_461, %swap3A_462], %swap3A_465 {strides = array<i32>} : memref<250x2x80xi32, #tpu.memory_space<vmem>>, vector<1x1x16xi32>,
      %get3A_466 = arith.constant 1 : i32
      %get3A_467 = arith.index_cast %add3A_400 : i32 to index
      %get3A_468 = arith.index_cast %get3A_466 : i32 to index
      %get3A_469 = arith.constant 32 : index
      %get3A_470 = tpu.vector_load %arg6[%get3A_467, %get3A_468, %get3A_469] {strides = array<i32>} : memref<250x2x80xi32, #tpu.memory_space<vmem>>, vector<1x1x16xi32>,
      %get3A_471 = vector.shape_cast %get3A_470 : vector<1x1x16xi32> to vector<16xi32>
      %sub3A_472 = vector.broadcast %mul3A_6 : i32 to vector<16xi32>
      %sub3A_473 = arith.subi %get3A_471, %sub3A_472 : vector<16xi32>
      %ge3A_474 = arith.constant 0 : i32
      %ge3A_475 = vector.broadcast %ge3A_474 : i32 to vector<16xi32>
      %ge3A_476 = arith.cmpi sge, %sub3A_473, %ge3A_475 : vector<16xi32>
      %lt3A_477 = arith.constant 5120 : i32
      %lt3A_478 = vector.broadcast %lt3A_477 : i32 to vector<16xi32>
      %lt3A_479 = arith.cmpi slt, %sub3A_473, %lt3A_478 : vector<16xi32>
      %and3A_480 = arith.andi %ge3A_476, %lt3A_479 : vector<16xi1>
      %and3A_481 = arith.constant 127 : i32
      %and3A_482 = vector.broadcast %and3A_481 : i32 to vector<16xi32>
      %and3A_483 = arith.andi %get3A_471, %and3A_482 : vector<16xi32>
      %add3A_484 = arith.constant 5120 : i32
      %add3A_485 = vector.broadcast %add3A_484 : i32 to vector<16xi32>
      %add3A_486 = arith.addi %add3A_485, %and3A_483 : vector<16xi32>
      %select_n3A_487 = arith.select %and3A_480, %sub3A_473, %add3A_486 : vector<16xi1>, vector<16xi32>
      %swap3A_488 = arith.constant 1 : i32
      %swap3A_489 = arith.index_cast %add3A_400 : i32 to index
      %swap3A_490 = arith.index_cast %swap3A_488 : i32 to index
      %swap3A_491 = arith.constant 32 : index
      %swap3A_492 = tpu.vector_load %arg6[%swap3A_489, %swap3A_490, %swap3A_491] {strides = array<i32>} : memref<250x2x80xi32, #tpu.memory_space<vmem>>, vector<1x1x16xi32>,
      %swap3A_493 = vector.shape_cast %swap3A_492 : vector<1x1x16xi32> to vector<16xi32>
      %swap3A_494 = vector.shape_cast %select_n3A_487 : vector<16xi32> to vector<1x1x16xi32>
      tpu.vector_store %arg6[%swap3A_489, %swap3A_490, %swap3A_491], %swap3A_494 {strides = array<i32>} : memref<250x2x80xi32, #tpu.memory_space<vmem>>, vector<1x1x16xi32>,
      %get3A_495 = arith.constant 1 : i32
      %get3A_496 = arith.index_cast %add3A_400 : i32 to index
      %get3A_497 = arith.index_cast %get3A_495 : i32 to index
      %get3A_498 = arith.constant 48 : index
      %get3A_499 = tpu.vector_load %arg6[%get3A_496, %get3A_497, %get3A_498] {strides = array<i32>} : memref<250x2x80xi32, #tpu.memory_space<vmem>>, vector<1x1x16xi32>,
      %get3A_500 = vector.shape_cast %get3A_499 : vector<1x1x16xi32> to vector<16xi32>
      %sub3A_501 = vector.broadcast %mul3A_6 : i32 to vector<16xi32>
      %sub3A_502 = arith.subi %get3A_500, %sub3A_501 : vector<16xi32>
      %ge3A_503 = arith.constant 0 : i32
      %ge3A_504 = vector.broadcast %ge3A_503 : i32 to vector<16xi32>
      %ge3A_505 = arith.cmpi sge, %sub3A_502, %ge3A_504 : vector<16xi32>
      %lt3A_506 = arith.constant 5120 : i32
      %lt3A_507 = vector.broadcast %lt3A_506 : i32 to vector<16xi32>
      %lt3A_508 = arith.cmpi slt, %sub3A_502, %lt3A_507 : vector<16xi32>
      %and3A_509 = arith.andi %ge3A_505, %lt3A_508 : vector<16xi1>
      %and3A_510 = arith.constant 127 : i32
      %and3A_511 = vector.broadcast %and3A_510 : i32 to vector<16xi32>
      %and3A_512 = arith.andi %get3A_500, %and3A_511 : vector<16xi32>
      %add3A_513 = arith.constant 5120 : i32
      %add3A_514 = vector.broadcast %add3A_513 : i32 to vector<16xi32>
      %add3A_515 = arith.addi %add3A_514, %and3A_512 : vector<16xi32>
      %select_n3A_516 = arith.select %and3A_509, %sub3A_502, %add3A_515 : vector<16xi1>, vector<16xi32>
      %swap3A_517 = arith.constant 1 : i32
      %swap3A_518 = arith.index_cast %add3A_400 : i32 to index
      %swap3A_519 = arith.index_cast %swap3A_517 : i32 to index
      %swap3A_520 = arith.constant 48 : index
      %swap3A_521 = tpu.vector_load %arg6[%swap3A_518, %swap3A_519, %swap3A_520] {strides = array<i32>} : memref<250x2x80xi32, #tpu.memory_space<vmem>>, vector<1x1x16xi32>,
      %swap3A_522 = vector.shape_cast %swap3A_521 : vector<1x1x16xi32> to vector<16xi32>
      %swap3A_523 = vector.shape_cast %select_n3A_516 : vector<16xi32> to vector<1x1x16xi32>
      tpu.vector_store %arg6[%swap3A_518, %swap3A_519, %swap3A_520], %swap3A_523 {strides = array<i32>} : memref<250x2x80xi32, #tpu.memory_space<vmem>>, vector<1x1x16xi32>,
      %get3A_524 = arith.constant 1 : i32
      %get3A_525 = arith.index_cast %add3A_400 : i32 to index
      %get3A_526 = arith.index_cast %get3A_524 : i32 to index
      %get3A_527 = arith.constant 64 : index
      %get3A_528 = tpu.vector_load %arg6[%get3A_525, %get3A_526, %get3A_527] {strides = array<i32>} : memref<250x2x80xi32, #tpu.memory_space<vmem>>, vector<1x1x16xi32>,
      %get3A_529 = vector.shape_cast %get3A_528 : vector<1x1x16xi32> to vector<16xi32>
      %sub3A_530 = vector.broadcast %mul3A_6 : i32 to vector<16xi32>
      %sub3A_531 = arith.subi %get3A_529, %sub3A_530 : vector<16xi32>
      %ge3A_532 = arith.constant 0 : i32
      %ge3A_533 = vector.broadcast %ge3A_532 : i32 to vector<16xi32>
      %ge3A_534 = arith.cmpi sge, %sub3A_531, %ge3A_533 : vector<16xi32>
      %lt3A_535 = arith.constant 5120 : i32
      %lt3A_536 = vector.broadcast %lt3A_535 : i32 to vector<16xi32>
      %lt3A_537 = arith.cmpi slt, %sub3A_531, %lt3A_536 : vector<16xi32>
      %and3A_538 = arith.andi %ge3A_534, %lt3A_537 : vector<16xi1>
      %and3A_539 = arith.constant 127 : i32
      %and3A_540 = vector.broadcast %and3A_539 : i32 to vector<16xi32>
      %and3A_541 = arith.andi %get3A_529, %and3A_540 : vector<16xi32>
      %add3A_542 = arith.constant 5120 : i32
      %add3A_543 = vector.broadcast %add3A_542 : i32 to vector<16xi32>
      %add3A_544 = arith.addi %add3A_543, %and3A_541 : vector<16xi32>
      %select_n3A_545 = arith.select %and3A_538, %sub3A_531, %add3A_544 : vector<16xi1>, vector<16xi32>
      %swap3A_546 = arith.constant 1 : i32
      %swap3A_547 = arith.index_cast %add3A_400 : i32 to index
      %swap3A_548 = arith.index_cast %swap3A_546 : i32 to index
      %swap3A_549 = arith.constant 64 : index
      %swap3A_550 = tpu.vector_load %arg6[%swap3A_547, %swap3A_548, %swap3A_549] {strides = array<i32>} : memref<250x2x80xi32, #tpu.memory_space<vmem>>, vector<1x1x16xi32>,
      %swap3A_551 = vector.shape_cast %swap3A_550 : vector<1x1x16xi32> to vector<16xi32>
      %swap3A_552 = vector.shape_cast %select_n3A_545 : vector<16xi32> to vector<1x1x16xi32>
      tpu.vector_store %arg6[%swap3A_547, %swap3A_548, %swap3A_549], %swap3A_552 {strides = array<i32>} : memref<250x2x80xi32, #tpu.memory_space<vmem>>, vector<1x1x16xi32>,
      %sub3A_553 = arith.constant 1 : i32
      %sub3A_554 = arith.subi %add3A_400, %sub3A_553 : i32
      %dma_wait3A_555 = arith.constant 0 : i32
      %dma_wait3A_556 = arith.constant 0 : i32
      %dma_wait3A_557 = tpu.memref_slice %arg6[%sub3A_554, %dma_wait3A_555, %dma_wait3A_556] : memref<250x2x80xi32, #tpu.memory_space<vmem>> -> memref<1x1x80xi32, #tpu.memory_space<vmem>>
      %dma_wait3A_558 = tpu.memref_squeeze %dma_wait3A_557 : memref<1x1x80xi32, #tpu.memory_space<vmem>> -> memref<80xi32, #tpu.memory_space<vmem>>
      %dma_wait3A_559 = arith.constant 0 : i32
      %dma_wait3A_560 = arith.constant 0 : i32
      %dma_wait3A_561 = tpu.memref_slice %arg2[%dma_wait3A_559, %dma_wait3A_560] : memref<10000x128xf32, #tpu.memory_space<hbm>> -> memref<10000x128xf32, #tpu.memory_space<hbm>>
      tpu.wait_indirect_dma semaphore(%arg10 : memref<!tpu.dma_semaphore, #tpu.memory_space<semaphore_mem>>) src(%dma_wait3A_561 : memref<10000x128xf32, #tpu.memory_space<hbm>>) dst(%arg7 : memref<80x128xf32, #tpu.memory_space<vmem>>)
      %run_scoped3A_562 = arith.constant 1 : i32
      "tpu.region"() ({
        %run_scoped3A_725 = tpu.sem_alloc : memref<!tpu.dma_semaphore, #tpu.memory_space<semaphore_mem>>
        %dma_start3A_726 = arith.constant 0 : i32
        %dma_start3A_727 = tpu.memref_slice %arg6[%sub3A_554, %run_scoped3A_562, %dma_start3A_726] : memref<250x2x80xi32, #tpu.memory_space<vmem>> -> memref<1x1x80xi32, #tpu.memory_space<vmem>>
        %dma_start3A_728 = tpu.memref_squeeze %dma_start3A_727 : memref<1x1x80xi32, #tpu.memory_space<vmem>> -> memref<80xi32, #tpu.memory_space<vmem>>
        %dma_start3A_729 = arith.constant 0 : i32
        %dma_start3A_730 = arith.constant 0 : i32
        %dma_start3A_731 = tpu.memref_slice %arg9[%dma_start3A_729, %dma_start3A_730] : memref<5248x128xf32, #tpu.memory_space<vmem_shared>> -> memref<5248x128xf32, #tpu.memory_space<vmem_shared>>
        tpu.enqueue_indirect_dma source(%arg7 : memref<80x128xf32, #tpu.memory_space<vmem>>) target(%dma_start3A_731 : memref<5248x128xf32, #tpu.memory_space<vmem_shared>>) offsets(%dma_start3A_728 : memref<80xi32, #tpu.memory_space<vmem>>) semaphore(%run_scoped3A_725 : memref<!tpu.dma_semaphore, #tpu.memory_space<semaphore_mem>>) {add = true}
        %dma_wait3A_732 = arith.constant 0 : i32
        %dma_wait3A_733 = tpu.memref_slice %arg6[%sub3A_554, %run_scoped3A_562, %dma_wait3A_732] : memref<250x2x80xi32, #tpu.memory_space<vmem>> -> memref<1x1x80xi32, #tpu.memory_space<vmem>>
        %dma_wait3A_734 = tpu.memref_squeeze %dma_wait3A_733 : memref<1x1x80xi32, #tpu.memory_space<vmem>> -> memref<80xi32, #tpu.memory_space<vmem>>
        %dma_wait3A_735 = arith.constant 0 : i32
        %dma_wait3A_736 = arith.constant 0 : i32
        %dma_wait3A_737 = tpu.memref_slice %arg9[%dma_wait3A_735, %dma_wait3A_736] : memref<5248x128xf32, #tpu.memory_space<vmem_shared>> -> memref<5248x128xf32, #tpu.memory_space<vmem_shared>>
        tpu.wait_indirect_dma semaphore(%run_scoped3A_725 : memref<!tpu.dma_semaphore, #tpu.memory_space<semaphore_mem>>) src(%arg7 : memref<80x128xf32, #tpu.memory_space<vmem>>) dst(%dma_wait3A_737 : memref<5248x128xf32, #tpu.memory_space<vmem_shared>>)
        tpu.yield
      }) : () -> ()
      %add3A_563 = arith.constant 1 : i32
      %add3A_564 = arith.addi %add3A_400, %add3A_563 : i32
      %dma_start3A_565 = arith.constant 0 : i32
      %dma_start3A_566 = arith.constant 0 : i32
      %dma_start3A_567 = tpu.memref_slice %arg6[%add3A_564, %dma_start3A_565, %dma_start3A_566] : memref<250x2x80xi32, #tpu.memory_space<vmem>> -> memref<1x1x80xi32, #tpu.memory_space<vmem>>
      %dma_start3A_568 = tpu.memref_squeeze %dma_start3A_567 : memref<1x1x80xi32, #tpu.memory_space<vmem>> -> memref<80xi32, #tpu.memory_space<vmem>>
      %dma_start3A_569 = arith.constant 0 : i32
      %dma_start3A_570 = arith.constant 0 : i32
      %dma_start3A_571 = tpu.memref_slice %arg2[%dma_start3A_569, %dma_start3A_570] : memref<10000x128xf32, #tpu.memory_space<hbm>> -> memref<10000x128xf32, #tpu.memory_space<hbm>>
      tpu.enqueue_indirect_dma source(%dma_start3A_571 : memref<10000x128xf32, #tpu.memory_space<hbm>>) target(%arg7 : memref<80x128xf32, #tpu.memory_space<vmem>>) offsets(%dma_start3A_568 : memref<80xi32, #tpu.memory_space<vmem>>) semaphore(%arg10 : memref<!tpu.dma_semaphore, #tpu.memory_space<semaphore_mem>>)
      %get3A_572 = arith.constant 1 : i32
      %get3A_573 = arith.index_cast %add3A_564 : i32 to index
      %get3A_574 = arith.index_cast %get3A_572 : i32 to index
      %get3A_575 = arith.constant 0 : index
      %get3A_576 = tpu.vector_load %arg6[%get3A_573, %get3A_574, %get3A_575] {strides = array<i32>} : memref<250x2x80xi32, #tpu.memory_space<vmem>>, vector<1x1x16xi32>,
      %get3A_577 = vector.shape_cast %get3A_576 : vector<1x1x16xi32> to vector<16xi32>
      %sub3A_578 = vector.broadcast %mul3A_6 : i32 to vector<16xi32>
      %sub3A_579 = arith.subi %get3A_577, %sub3A_578 : vector<16xi32>
      %ge3A_580 = arith.constant 0 : i32
      %ge3A_581 = vector.broadcast %ge3A_580 : i32 to vector<16xi32>
      %ge3A_582 = arith.cmpi sge, %sub3A_579, %ge3A_581 : vector<16xi32>
      %lt3A_583 = arith.constant 5120 : i32
      %lt3A_584 = vector.broadcast %lt3A_583 : i32 to vector<16xi32>
      %lt3A_585 = arith.cmpi slt, %sub3A_579, %lt3A_584 : vector<16xi32>
      %and3A_586 = arith.andi %ge3A_582, %lt3A_585 : vector<16xi1>
      %and3A_587 = arith.constant 127 : i32
      %and3A_588 = vector.broadcast %and3A_587 : i32 to vector<16xi32>
      %and3A_589 = arith.andi %get3A_577, %and3A_588 : vector<16xi32>
      %add3A_590 = arith.constant 5120 : i32
      %add3A_591 = vector.broadcast %add3A_590 : i32 to vector<16xi32>
      %add3A_592 = arith.addi %add3A_591, %and3A_589 : vector<16xi32>
      %select_n3A_593 = arith.select %and3A_586, %sub3A_579, %add3A_592 : vector<16xi1>, vector<16xi32>
      %swap3A_594 = arith.constant 1 : i32
      %swap3A_595 = arith.index_cast %add3A_564 : i32 to index
      %swap3A_596 = arith.index_cast %swap3A_594 : i32 to index
      %swap3A_597 = arith.constant 0 : index
      %swap3A_598 = tpu.vector_load %arg6[%swap3A_595, %swap3A_596, %swap3A_597] {strides = array<i32>} : memref<250x2x80xi32, #tpu.memory_space<vmem>>, vector<1x1x16xi32>,
      %swap3A_599 = vector.shape_cast %swap3A_598 : vector<1x1x16xi32> to vector<16xi32>
      %swap3A_600 = vector.shape_cast %select_n3A_593 : vector<16xi32> to vector<1x1x16xi32>
      tpu.vector_store %arg6[%swap3A_595, %swap3A_596, %swap3A_597], %swap3A_600 {strides = array<i32>} : memref<250x2x80xi32, #tpu.memory_space<vmem>>, vector<1x1x16xi32>,
      %get3A_601 = arith.constant 1 : i32
      %get3A_602 = arith.index_cast %add3A_564 : i32 to index
      %get3A_603 = arith.index_cast %get3A_601 : i32 to index
      %get3A_604 = arith.constant 16 : index
      %get3A_605 = tpu.vector_load %arg6[%get3A_602, %get3A_603, %get3A_604] {strides = array<i32>} : memref<250x2x80xi32, #tpu.memory_space<vmem>>, vector<1x1x16xi32>,
      %get3A_606 = vector.shape_cast %get3A_605 : vector<1x1x16xi32> to vector<16xi32>
      %sub3A_607 = vector.broadcast %mul3A_6 : i32 to vector<16xi32>
      %sub3A_608 = arith.subi %get3A_606, %sub3A_607 : vector<16xi32>
      %ge3A_609 = arith.constant 0 : i32
      %ge3A_610 = vector.broadcast %ge3A_609 : i32 to vector<16xi32>
      %ge3A_611 = arith.cmpi sge, %sub3A_608, %ge3A_610 : vector<16xi32>
      %lt3A_612 = arith.constant 5120 : i32
      %lt3A_613 = vector.broadcast %lt3A_612 : i32 to vector<16xi32>
      %lt3A_614 = arith.cmpi slt, %sub3A_608, %lt3A_613 : vector<16xi32>
      %and3A_615 = arith.andi %ge3A_611, %lt3A_614 : vector<16xi1>
      %and3A_616 = arith.constant 127 : i32
      %and3A_617 = vector.broadcast %and3A_616 : i32 to vector<16xi32>
      %and3A_618 = arith.andi %get3A_606, %and3A_617 : vector<16xi32>
      %add3A_619 = arith.constant 5120 : i32
      %add3A_620 = vector.broadcast %add3A_619 : i32 to vector<16xi32>
      %add3A_621 = arith.addi %add3A_620, %and3A_618 : vector<16xi32>
      %select_n3A_622 = arith.select %and3A_615, %sub3A_608, %add3A_621 : vector<16xi1>, vector<16xi32>
      %swap3A_623 = arith.constant 1 : i32
      %swap3A_624 = arith.index_cast %add3A_564 : i32 to index
      %swap3A_625 = arith.index_cast %swap3A_623 : i32 to index
      %swap3A_626 = arith.constant 16 : index
      %swap3A_627 = tpu.vector_load %arg6[%swap3A_624, %swap3A_625, %swap3A_626] {strides = array<i32>} : memref<250x2x80xi32, #tpu.memory_space<vmem>>, vector<1x1x16xi32>,
      %swap3A_628 = vector.shape_cast %swap3A_627 : vector<1x1x16xi32> to vector<16xi32>
      %swap3A_629 = vector.shape_cast %select_n3A_622 : vector<16xi32> to vector<1x1x16xi32>
      tpu.vector_store %arg6[%swap3A_624, %swap3A_625, %swap3A_626], %swap3A_629 {strides = array<i32>} : memref<250x2x80xi32, #tpu.memory_space<vmem>>, vector<1x1x16xi32>,
      %get3A_630 = arith.constant 1 : i32
      %get3A_631 = arith.index_cast %add3A_564 : i32 to index
      %get3A_632 = arith.index_cast %get3A_630 : i32 to index
      %get3A_633 = arith.constant 32 : index
      %get3A_634 = tpu.vector_load %arg6[%get3A_631, %get3A_632, %get3A_633] {strides = array<i32>} : memref<250x2x80xi32, #tpu.memory_space<vmem>>, vector<1x1x16xi32>,
      %get3A_635 = vector.shape_cast %get3A_634 : vector<1x1x16xi32> to vector<16xi32>
      %sub3A_636 = vector.broadcast %mul3A_6 : i32 to vector<16xi32>
      %sub3A_637 = arith.subi %get3A_635, %sub3A_636 : vector<16xi32>
      %ge3A_638 = arith.constant 0 : i32
      %ge3A_639 = vector.broadcast %ge3A_638 : i32 to vector<16xi32>
      %ge3A_640 = arith.cmpi sge, %sub3A_637, %ge3A_639 : vector<16xi32>
      %lt3A_641 = arith.constant 5120 : i32
      %lt3A_642 = vector.broadcast %lt3A_641 : i32 to vector<16xi32>
      %lt3A_643 = arith.cmpi slt, %sub3A_637, %lt3A_642 : vector<16xi32>
      %and3A_644 = arith.andi %ge3A_640, %lt3A_643 : vector<16xi1>
      %and3A_645 = arith.constant 127 : i32
      %and3A_646 = vector.broadcast %and3A_645 : i32 to vector<16xi32>
      %and3A_647 = arith.andi %get3A_635, %and3A_646 : vector<16xi32>
      %add3A_648 = arith.constant 5120 : i32
      %add3A_649 = vector.broadcast %add3A_648 : i32 to vector<16xi32>
      %add3A_650 = arith.addi %add3A_649, %and3A_647 : vector<16xi32>
      %select_n3A_651 = arith.select %and3A_644, %sub3A_637, %add3A_650 : vector<16xi1>, vector<16xi32>
      %swap3A_652 = arith.constant 1 : i32
      %swap3A_653 = arith.index_cast %add3A_564 : i32 to index
      %swap3A_654 = arith.index_cast %swap3A_652 : i32 to index
      %swap3A_655 = arith.constant 32 : index
      %swap3A_656 = tpu.vector_load %arg6[%swap3A_653, %swap3A_654, %swap3A_655] {strides = array<i32>} : memref<250x2x80xi32, #tpu.memory_space<vmem>>, vector<1x1x16xi32>,
      %swap3A_657 = vector.shape_cast %swap3A_656 : vector<1x1x16xi32> to vector<16xi32>
      %swap3A_658 = vector.shape_cast %select_n3A_651 : vector<16xi32> to vector<1x1x16xi32>
      tpu.vector_store %arg6[%swap3A_653, %swap3A_654, %swap3A_655], %swap3A_658 {strides = array<i32>} : memref<250x2x80xi32, #tpu.memory_space<vmem>>, vector<1x1x16xi32>,
      %get3A_659 = arith.constant 1 : i32
      %get3A_660 = arith.index_cast %add3A_564 : i32 to index
      %get3A_661 = arith.index_cast %get3A_659 : i32 to index
      %get3A_662 = arith.constant 48 : index
      %get3A_663 = tpu.vector_load %arg6[%get3A_660, %get3A_661, %get3A_662] {strides = array<i32>} : memref<250x2x80xi32, #tpu.memory_space<vmem>>, vector<1x1x16xi32>,
      %get3A_664 = vector.shape_cast %get3A_663 : vector<1x1x16xi32> to vector<16xi32>
      %sub3A_665 = vector.broadcast %mul3A_6 : i32 to vector<16xi32>
      %sub3A_666 = arith.subi %get3A_664, %sub3A_665 : vector<16xi32>
      %ge3A_667 = arith.constant 0 : i32
      %ge3A_668 = vector.broadcast %ge3A_667 : i32 to vector<16xi32>
      %ge3A_669 = arith.cmpi sge, %sub3A_666, %ge3A_668 : vector<16xi32>
      %lt3A_670 = arith.constant 5120 : i32
      %lt3A_671 = vector.broadcast %lt3A_670 : i32 to vector<16xi32>
      %lt3A_672 = arith.cmpi slt, %sub3A_666, %lt3A_671 : vector<16xi32>
      %and3A_673 = arith.andi %ge3A_669, %lt3A_672 : vector<16xi1>
      %and3A_674 = arith.constant 127 : i32
      %and3A_675 = vector.broadcast %and3A_674 : i32 to vector<16xi32>
      %and3A_676 = arith.andi %get3A_664, %and3A_675 : vector<16xi32>
      %add3A_677 = arith.constant 5120 : i32
      %add3A_678 = vector.broadcast %add3A_677 : i32 to vector<16xi32>
      %add3A_679 = arith.addi %add3A_678, %and3A_676 : vector<16xi32>
      %select_n3A_680 = arith.select %and3A_673, %sub3A_666, %add3A_679 : vector<16xi1>, vector<16xi32>
      %swap3A_681 = arith.constant 1 : i32
      %swap3A_682 = arith.index_cast %add3A_564 : i32 to index
      %swap3A_683 = arith.index_cast %swap3A_681 : i32 to index
      %swap3A_684 = arith.constant 48 : index
      %swap3A_685 = tpu.vector_load %arg6[%swap3A_682, %swap3A_683, %swap3A_684] {strides = array<i32>} : memref<250x2x80xi32, #tpu.memory_space<vmem>>, vector<1x1x16xi32>,
      %swap3A_686 = vector.shape_cast %swap3A_685 : vector<1x1x16xi32> to vector<16xi32>
      %swap3A_687 = vector.shape_cast %select_n3A_680 : vector<16xi32> to vector<1x1x16xi32>
      tpu.vector_store %arg6[%swap3A_682, %swap3A_683, %swap3A_684], %swap3A_687 {strides = array<i32>} : memref<250x2x80xi32, #tpu.memory_space<vmem>>, vector<1x1x16xi32>,
      %get3A_688 = arith.constant 1 : i32
      %get3A_689 = arith.index_cast %add3A_564 : i32 to index
      %get3A_690 = arith.index_cast %get3A_688 : i32 to index
      %get3A_691 = arith.constant 64 : index
      %get3A_692 = tpu.vector_load %arg6[%get3A_689, %get3A_690, %get3A_691] {strides = array<i32>} : memref<250x2x80xi32, #tpu.memory_space<vmem>>, vector<1x1x16xi32>,
      %get3A_693 = vector.shape_cast %get3A_692 : vector<1x1x16xi32> to vector<16xi32>
      %sub3A_694 = vector.broadcast %mul3A_6 : i32 to vector<16xi32>
      %sub3A_695 = arith.subi %get3A_693, %sub3A_694 : vector<16xi32>
      %ge3A_696 = arith.constant 0 : i32
      %ge3A_697 = vector.broadcast %ge3A_696 : i32 to vector<16xi32>
      %ge3A_698 = arith.cmpi sge, %sub3A_695, %ge3A_697 : vector<16xi32>
      %lt3A_699 = arith.constant 5120 : i32
      %lt3A_700 = vector.broadcast %lt3A_699 : i32 to vector<16xi32>
      %lt3A_701 = arith.cmpi slt, %sub3A_695, %lt3A_700 : vector<16xi32>
      %and3A_702 = arith.andi %ge3A_698, %lt3A_701 : vector<16xi1>
      %and3A_703 = arith.constant 127 : i32
      %and3A_704 = vector.broadcast %and3A_703 : i32 to vector<16xi32>
      %and3A_705 = arith.andi %get3A_693, %and3A_704 : vector<16xi32>
      %add3A_706 = arith.constant 5120 : i32
      %add3A_707 = vector.broadcast %add3A_706 : i32 to vector<16xi32>
      %add3A_708 = arith.addi %add3A_707, %and3A_705 : vector<16xi32>
      %select_n3A_709 = arith.select %and3A_702, %sub3A_695, %add3A_708 : vector<16xi1>, vector<16xi32>
      %swap3A_710 = arith.constant 1 : i32
      %swap3A_711 = arith.index_cast %add3A_564 : i32 to index
      %swap3A_712 = arith.index_cast %swap3A_710 : i32 to index
      %swap3A_713 = arith.constant 64 : index
      %swap3A_714 = tpu.vector_load %arg6[%swap3A_711, %swap3A_712, %swap3A_713] {strides = array<i32>} : memref<250x2x80xi32, #tpu.memory_space<vmem>>, vector<1x1x16xi32>,
      %swap3A_715 = vector.shape_cast %swap3A_714 : vector<1x1x16xi32> to vector<16xi32>
      %swap3A_716 = vector.shape_cast %select_n3A_709 : vector<16xi32> to vector<1x1x16xi32>
      tpu.vector_store %arg6[%swap3A_711, %swap3A_712, %swap3A_713], %swap3A_716 {strides = array<i32>} : memref<250x2x80xi32, #tpu.memory_space<vmem>>, vector<1x1x16xi32>,
      %dma_wait3A_717 = arith.constant 0 : i32
      %dma_wait3A_718 = arith.constant 0 : i32
      %dma_wait3A_719 = tpu.memref_slice %arg6[%add3A_400, %dma_wait3A_717, %dma_wait3A_718] : memref<250x2x80xi32, #tpu.memory_space<vmem>> -> memref<1x1x80xi32, #tpu.memory_space<vmem>>
      %dma_wait3A_720 = tpu.memref_squeeze %dma_wait3A_719 : memref<1x1x80xi32, #tpu.memory_space<vmem>> -> memref<80xi32, #tpu.memory_space<vmem>>
      %dma_wait3A_721 = arith.constant 0 : i32
      %dma_wait3A_722 = arith.constant 0 : i32
      %dma_wait3A_723 = tpu.memref_slice %arg2[%dma_wait3A_721, %dma_wait3A_722] : memref<10000x128xf32, #tpu.memory_space<hbm>> -> memref<10000x128xf32, #tpu.memory_space<hbm>>
      tpu.wait_indirect_dma semaphore(%arg11 : memref<!tpu.dma_semaphore, #tpu.memory_space<semaphore_mem>>) src(%dma_wait3A_723 : memref<10000x128xf32, #tpu.memory_space<hbm>>) dst(%arg8 : memref<80x128xf32, #tpu.memory_space<vmem>>)
      %run_scoped3A_724 = arith.constant 1 : i32
      "tpu.region"() ({
        %run_scoped3A_725 = tpu.sem_alloc : memref<!tpu.dma_semaphore, #tpu.memory_space<semaphore_mem>>
        %dma_start3A_726 = arith.constant 0 : i32
        %dma_start3A_727 = tpu.memref_slice %arg6[%add3A_400, %run_scoped3A_724, %dma_start3A_726] : memref<250x2x80xi32, #tpu.memory_space<vmem>> -> memref<1x1x80xi32, #tpu.memory_space<vmem>>
        %dma_start3A_728 = tpu.memref_squeeze %dma_start3A_727 : memref<1x1x80xi32, #tpu.memory_space<vmem>> -> memref<80xi32, #tpu.memory_space<vmem>>
        %dma_start3A_729 = arith.constant 0 : i32
        %dma_start3A_730 = arith.constant 0 : i32
        %dma_start3A_731 = tpu.memref_slice %arg9[%dma_start3A_729, %dma_start3A_730] : memref<5248x128xf32, #tpu.memory_space<vmem_shared>> -> memref<5248x128xf32, #tpu.memory_space<vmem_shared>>
        tpu.enqueue_indirect_dma source(%arg8 : memref<80x128xf32, #tpu.memory_space<vmem>>) target(%dma_start3A_731 : memref<5248x128xf32, #tpu.memory_space<vmem_shared>>) offsets(%dma_start3A_728 : memref<80xi32, #tpu.memory_space<vmem>>) semaphore(%run_scoped3A_725 : memref<!tpu.dma_semaphore, #tpu.memory_space<semaphore_mem>>) {add = true}
        %dma_wait3A_732 = arith.constant 0 : i32
        %dma_wait3A_733 = tpu.memref_slice %arg6[%add3A_400, %run_scoped3A_724, %dma_wait3A_732] : memref<250x2x80xi32, #tpu.memory_space<vmem>> -> memref<1x1x80xi32, #tpu.memory_space<vmem>>
        %dma_wait3A_734 = tpu.memref_squeeze %dma_wait3A_733 : memref<1x1x80xi32, #tpu.memory_space<vmem>> -> memref<80xi32, #tpu.memory_space<vmem>>
        %dma_wait3A_735 = arith.constant 0 : i32
        %dma_wait3A_736 = arith.constant 0 : i32
        %dma_wait3A_737 = tpu.memref_slice %arg9[%dma_wait3A_735, %dma_wait3A_736] : memref<5248x128xf32, #tpu.memory_space<vmem_shared>> -> memref<5248x128xf32, #tpu.memory_space<vmem_shared>>
        tpu.wait_indirect_dma semaphore(%run_scoped3A_725 : memref<!tpu.dma_semaphore, #tpu.memory_space<semaphore_mem>>) src(%arg8 : memref<80x128xf32, #tpu.memory_space<vmem>>) dst(%dma_wait3A_737 : memref<5248x128xf32, #tpu.memory_space<vmem_shared>>)
        tpu.yield
      }) : () -> ()
    }
    %scan3A_165 = arith.constant 124 : i32
    %dma_start3A_166 = arith.constant 249 : i32
    %dma_start3A_167 = arith.constant 0 : i32
    %dma_start3A_168 = arith.constant 0 : i32
    %dma_start3A_169 = tpu.memref_slice %arg6[%dma_start3A_166, %dma_start3A_167, %dma_start3A_168] : memref<250x2x80xi32, #tpu.memory_space<vmem>> -> memref<1x1x80xi32, #tpu.memory_space<vmem>>
    %dma_start3A_170 = tpu.memref_squeeze %dma_start3A_169 : memref<1x1x80xi32, #tpu.memory_space<vmem>> -> memref<80xi32, #tpu.memory_space<vmem>>
    %dma_start3A_171 = arith.constant 0 : i32
    %dma_start3A_172 = arith.constant 0 : i32
    %dma_start3A_173 = tpu.memref_slice %arg2[%dma_start3A_171, %dma_start3A_172] : memref<10000x128xf32, #tpu.memory_space<hbm>> -> memref<10000x128xf32, #tpu.memory_space<hbm>>
    tpu.enqueue_indirect_dma source(%dma_start3A_173 : memref<10000x128xf32, #tpu.memory_space<hbm>>) target(%arg8 : memref<80x128xf32, #tpu.memory_space<vmem>>) offsets(%dma_start3A_170 : memref<80xi32, #tpu.memory_space<vmem>>) semaphore(%arg11 : memref<!tpu.dma_semaphore, #tpu.memory_space<semaphore_mem>>)
    %get3A_174 = arith.constant 249 : i32
    %get3A_175 = arith.constant 1 : i32
    %get3A_176 = arith.index_cast %get3A_174 : i32 to index
    %get3A_177 = arith.index_cast %get3A_175 : i32 to index
    %get3A_178 = arith.constant 0 : index
    %get3A_179 = tpu.vector_load %arg6[%get3A_176, %get3A_177, %get3A_178] {strides = array<i32>} : memref<250x2x80xi32, #tpu.memory_space<vmem>>, vector<1x1x16xi32>,
    %get3A_180 = vector.shape_cast %get3A_179 : vector<1x1x16xi32> to vector<16xi32>
    %sub3A_181 = vector.broadcast %mul3A_6 : i32 to vector<16xi32>
    %sub3A_182 = arith.subi %get3A_180, %sub3A_181 : vector<16xi32>
    %ge3A_183 = arith.constant 0 : i32
    %ge3A_184 = vector.broadcast %ge3A_183 : i32 to vector<16xi32>
    %ge3A_185 = arith.cmpi sge, %sub3A_182, %ge3A_184 : vector<16xi32>
    %lt3A_186 = arith.constant 5120 : i32
    %lt3A_187 = vector.broadcast %lt3A_186 : i32 to vector<16xi32>
    %lt3A_188 = arith.cmpi slt, %sub3A_182, %lt3A_187 : vector<16xi32>
    %and3A_189 = arith.andi %ge3A_185, %lt3A_188 : vector<16xi1>
    %and3A_190 = arith.constant 127 : i32
    %and3A_191 = vector.broadcast %and3A_190 : i32 to vector<16xi32>
    %and3A_192 = arith.andi %get3A_180, %and3A_191 : vector<16xi32>
    %add3A_193 = arith.constant 5120 : i32
    %add3A_194 = vector.broadcast %add3A_193 : i32 to vector<16xi32>
    %add3A_195 = arith.addi %add3A_194, %and3A_192 : vector<16xi32>
    %select_n3A_196 = arith.select %and3A_189, %sub3A_182, %add3A_195 : vector<16xi1>, vector<16xi32>
    %swap3A_197 = arith.constant 249 : i32
    %swap3A_198 = arith.constant 1 : i32
    %swap3A_199 = arith.index_cast %swap3A_197 : i32 to index
    %swap3A_200 = arith.index_cast %swap3A_198 : i32 to index
    %swap3A_201 = arith.constant 0 : index
    %swap3A_202 = tpu.vector_load %arg6[%swap3A_199, %swap3A_200, %swap3A_201] {strides = array<i32>} : memref<250x2x80xi32, #tpu.memory_space<vmem>>, vector<1x1x16xi32>,
    %swap3A_203 = vector.shape_cast %swap3A_202 : vector<1x1x16xi32> to vector<16xi32>
    %swap3A_204 = vector.shape_cast %select_n3A_196 : vector<16xi32> to vector<1x1x16xi32>
    tpu.vector_store %arg6[%swap3A_199, %swap3A_200, %swap3A_201], %swap3A_204 {strides = array<i32>} : memref<250x2x80xi32, #tpu.memory_space<vmem>>, vector<1x1x16xi32>,
    %get3A_205 = arith.constant 249 : i32
    %get3A_206 = arith.constant 1 : i32
    %get3A_207 = arith.index_cast %get3A_205 : i32 to index
    %get3A_208 = arith.index_cast %get3A_206 : i32 to index
    %get3A_209 = arith.constant 16 : index
    %get3A_210 = tpu.vector_load %arg6[%get3A_207, %get3A_208, %get3A_209] {strides = array<i32>} : memref<250x2x80xi32, #tpu.memory_space<vmem>>, vector<1x1x16xi32>,
    %get3A_211 = vector.shape_cast %get3A_210 : vector<1x1x16xi32> to vector<16xi32>
    %sub3A_212 = vector.broadcast %mul3A_6 : i32 to vector<16xi32>
    %sub3A_213 = arith.subi %get3A_211, %sub3A_212 : vector<16xi32>
    %ge3A_214 = arith.constant 0 : i32
    %ge3A_215 = vector.broadcast %ge3A_214 : i32 to vector<16xi32>
    %ge3A_216 = arith.cmpi sge, %sub3A_213, %ge3A_215 : vector<16xi32>
    %lt3A_217 = arith.constant 5120 : i32
    %lt3A_218 = vector.broadcast %lt3A_217 : i32 to vector<16xi32>
    %lt3A_219 = arith.cmpi slt, %sub3A_213, %lt3A_218 : vector<16xi32>
    %and3A_220 = arith.andi %ge3A_216, %lt3A_219 : vector<16xi1>
    %and3A_221 = arith.constant 127 : i32
    %and3A_222 = vector.broadcast %and3A_221 : i32 to vector<16xi32>
    %and3A_223 = arith.andi %get3A_211, %and3A_222 : vector<16xi32>
    %add3A_224 = arith.constant 5120 : i32
    %add3A_225 = vector.broadcast %add3A_224 : i32 to vector<16xi32>
    %add3A_226 = arith.addi %add3A_225, %and3A_223 : vector<16xi32>
    %select_n3A_227 = arith.select %and3A_220, %sub3A_213, %add3A_226 : vector<16xi1>, vector<16xi32>
    %swap3A_228 = arith.constant 249 : i32
    %swap3A_229 = arith.constant 1 : i32
    %swap3A_230 = arith.index_cast %swap3A_228 : i32 to index
    %swap3A_231 = arith.index_cast %swap3A_229 : i32 to index
    %swap3A_232 = arith.constant 16 : index
    %swap3A_233 = tpu.vector_load %arg6[%swap3A_230, %swap3A_231, %swap3A_232] {strides = array<i32>} : memref<250x2x80xi32, #tpu.memory_space<vmem>>, vector<1x1x16xi32>,
    %swap3A_234 = vector.shape_cast %swap3A_233 : vector<1x1x16xi32> to vector<16xi32>
    %swap3A_235 = vector.shape_cast %select_n3A_227 : vector<16xi32> to vector<1x1x16xi32>
    tpu.vector_store %arg6[%swap3A_230, %swap3A_231, %swap3A_232], %swap3A_235 {strides = array<i32>} : memref<250x2x80xi32, #tpu.memory_space<vmem>>, vector<1x1x16xi32>,
    %get3A_236 = arith.constant 249 : i32
    %get3A_237 = arith.constant 1 : i32
    %get3A_238 = arith.index_cast %get3A_236 : i32 to index
    %get3A_239 = arith.index_cast %get3A_237 : i32 to index
    %get3A_240 = arith.constant 32 : index
    %get3A_241 = tpu.vector_load %arg6[%get3A_238, %get3A_239, %get3A_240] {strides = array<i32>} : memref<250x2x80xi32, #tpu.memory_space<vmem>>, vector<1x1x16xi32>,
    %get3A_242 = vector.shape_cast %get3A_241 : vector<1x1x16xi32> to vector<16xi32>
    %sub3A_243 = vector.broadcast %mul3A_6 : i32 to vector<16xi32>
    %sub3A_244 = arith.subi %get3A_242, %sub3A_243 : vector<16xi32>
    %ge3A_245 = arith.constant 0 : i32
    %ge3A_246 = vector.broadcast %ge3A_245 : i32 to vector<16xi32>
    %ge3A_247 = arith.cmpi sge, %sub3A_244, %ge3A_246 : vector<16xi32>
    %lt3A_248 = arith.constant 5120 : i32
    %lt3A_249 = vector.broadcast %lt3A_248 : i32 to vector<16xi32>
    %lt3A_250 = arith.cmpi slt, %sub3A_244, %lt3A_249 : vector<16xi32>
    %and3A_251 = arith.andi %ge3A_247, %lt3A_250 : vector<16xi1>
    %and3A_252 = arith.constant 127 : i32
    %and3A_253 = vector.broadcast %and3A_252 : i32 to vector<16xi32>
    %and3A_254 = arith.andi %get3A_242, %and3A_253 : vector<16xi32>
    %add3A_255 = arith.constant 5120 : i32
    %add3A_256 = vector.broadcast %add3A_255 : i32 to vector<16xi32>
    %add3A_257 = arith.addi %add3A_256, %and3A_254 : vector<16xi32>
    %select_n3A_258 = arith.select %and3A_251, %sub3A_244, %add3A_257 : vector<16xi1>, vector<16xi32>
    %swap3A_259 = arith.constant 249 : i32
    %swap3A_260 = arith.constant 1 : i32
    %swap3A_261 = arith.index_cast %swap3A_259 : i32 to index
    %swap3A_262 = arith.index_cast %swap3A_260 : i32 to index
    %swap3A_263 = arith.constant 32 : index
    %swap3A_264 = tpu.vector_load %arg6[%swap3A_261, %swap3A_262, %swap3A_263] {strides = array<i32>} : memref<250x2x80xi32, #tpu.memory_space<vmem>>, vector<1x1x16xi32>,
    %swap3A_265 = vector.shape_cast %swap3A_264 : vector<1x1x16xi32> to vector<16xi32>
    %swap3A_266 = vector.shape_cast %select_n3A_258 : vector<16xi32> to vector<1x1x16xi32>
    tpu.vector_store %arg6[%swap3A_261, %swap3A_262, %swap3A_263], %swap3A_266 {strides = array<i32>} : memref<250x2x80xi32, #tpu.memory_space<vmem>>, vector<1x1x16xi32>,
    %get3A_267 = arith.constant 249 : i32
    %get3A_268 = arith.constant 1 : i32
    %get3A_269 = arith.index_cast %get3A_267 : i32 to index
    %get3A_270 = arith.index_cast %get3A_268 : i32 to index
    %get3A_271 = arith.constant 48 : index
    %get3A_272 = tpu.vector_load %arg6[%get3A_269, %get3A_270, %get3A_271] {strides = array<i32>} : memref<250x2x80xi32, #tpu.memory_space<vmem>>, vector<1x1x16xi32>,
    %get3A_273 = vector.shape_cast %get3A_272 : vector<1x1x16xi32> to vector<16xi32>
    %sub3A_274 = vector.broadcast %mul3A_6 : i32 to vector<16xi32>
    %sub3A_275 = arith.subi %get3A_273, %sub3A_274 : vector<16xi32>
    %ge3A_276 = arith.constant 0 : i32
    %ge3A_277 = vector.broadcast %ge3A_276 : i32 to vector<16xi32>
    %ge3A_278 = arith.cmpi sge, %sub3A_275, %ge3A_277 : vector<16xi32>
    %lt3A_279 = arith.constant 5120 : i32
    %lt3A_280 = vector.broadcast %lt3A_279 : i32 to vector<16xi32>
    %lt3A_281 = arith.cmpi slt, %sub3A_275, %lt3A_280 : vector<16xi32>
    %and3A_282 = arith.andi %ge3A_278, %lt3A_281 : vector<16xi1>
    %and3A_283 = arith.constant 127 : i32
    %and3A_284 = vector.broadcast %and3A_283 : i32 to vector<16xi32>
    %and3A_285 = arith.andi %get3A_273, %and3A_284 : vector<16xi32>
    %add3A_286 = arith.constant 5120 : i32
    %add3A_287 = vector.broadcast %add3A_286 : i32 to vector<16xi32>
    %add3A_288 = arith.addi %add3A_287, %and3A_285 : vector<16xi32>
    %select_n3A_289 = arith.select %and3A_282, %sub3A_275, %add3A_288 : vector<16xi1>, vector<16xi32>
    %swap3A_290 = arith.constant 249 : i32
    %swap3A_291 = arith.constant 1 : i32
    %swap3A_292 = arith.index_cast %swap3A_290 : i32 to index
    %swap3A_293 = arith.index_cast %swap3A_291 : i32 to index
    %swap3A_294 = arith.constant 48 : index
    %swap3A_295 = tpu.vector_load %arg6[%swap3A_292, %swap3A_293, %swap3A_294] {strides = array<i32>} : memref<250x2x80xi32, #tpu.memory_space<vmem>>, vector<1x1x16xi32>,
    %swap3A_296 = vector.shape_cast %swap3A_295 : vector<1x1x16xi32> to vector<16xi32>
    %swap3A_297 = vector.shape_cast %select_n3A_289 : vector<16xi32> to vector<1x1x16xi32>
    tpu.vector_store %arg6[%swap3A_292, %swap3A_293, %swap3A_294], %swap3A_297 {strides = array<i32>} : memref<250x2x80xi32, #tpu.memory_space<vmem>>, vector<1x1x16xi32>,
    %get3A_298 = arith.constant 249 : i32
    %get3A_299 = arith.constant 1 : i32
    %get3A_300 = arith.index_cast %get3A_298 : i32 to index
    %get3A_301 = arith.index_cast %get3A_299 : i32 to index
    %get3A_302 = arith.constant 64 : index
    %get3A_303 = tpu.vector_load %arg6[%get3A_300, %get3A_301, %get3A_302] {strides = array<i32>} : memref<250x2x80xi32, #tpu.memory_space<vmem>>, vector<1x1x16xi32>,
    %get3A_304 = vector.shape_cast %get3A_303 : vector<1x1x16xi32> to vector<16xi32>
    %sub3A_305 = vector.broadcast %mul3A_6 : i32 to vector<16xi32>
    %sub3A_306 = arith.subi %get3A_304, %sub3A_305 : vector<16xi32>
    %ge3A_307 = arith.constant 0 : i32
    %ge3A_308 = vector.broadcast %ge3A_307 : i32 to vector<16xi32>
    %ge3A_309 = arith.cmpi sge, %sub3A_306, %ge3A_308 : vector<16xi32>
    %lt3A_310 = arith.constant 5120 : i32
    %lt3A_311 = vector.broadcast %lt3A_310 : i32 to vector<16xi32>
    %lt3A_312 = arith.cmpi slt, %sub3A_306, %lt3A_311 : vector<16xi32>
    %and3A_313 = arith.andi %ge3A_309, %lt3A_312 : vector<16xi1>
    %and3A_314 = arith.constant 127 : i32
    %and3A_315 = vector.broadcast %and3A_314 : i32 to vector<16xi32>
    %and3A_316 = arith.andi %get3A_304, %and3A_315 : vector<16xi32>
    %add3A_317 = arith.constant 5120 : i32
    %add3A_318 = vector.broadcast %add3A_317 : i32 to vector<16xi32>
    %add3A_319 = arith.addi %add3A_318, %and3A_316 : vector<16xi32>
    %select_n3A_320 = arith.select %and3A_313, %sub3A_306, %add3A_319 : vector<16xi1>, vector<16xi32>
    %swap3A_321 = arith.constant 249 : i32
    %swap3A_322 = arith.constant 1 : i32
    %swap3A_323 = arith.index_cast %swap3A_321 : i32 to index
    %swap3A_324 = arith.index_cast %swap3A_322 : i32 to index
    %swap3A_325 = arith.constant 64 : index
    %swap3A_326 = tpu.vector_load %arg6[%swap3A_323, %swap3A_324, %swap3A_325] {strides = array<i32>} : memref<250x2x80xi32, #tpu.memory_space<vmem>>, vector<1x1x16xi32>,
    %swap3A_327 = vector.shape_cast %swap3A_326 : vector<1x1x16xi32> to vector<16xi32>
    %swap3A_328 = vector.shape_cast %select_n3A_320 : vector<16xi32> to vector<1x1x16xi32>
    tpu.vector_store %arg6[%swap3A_323, %swap3A_324, %swap3A_325], %swap3A_328 {strides = array<i32>} : memref<250x2x80xi32, #tpu.memory_space<vmem>>, vector<1x1x16xi32>,
    %dma_wait3A = arith.constant 248 : i32
    %dma_wait3A_329 = arith.constant 0 : i32
    %dma_wait3A_330 = arith.constant 0 : i32
    %dma_wait3A_331 = tpu.memref_slice %arg6[%dma_wait3A, %dma_wait3A_329, %dma_wait3A_330] : memref<250x2x80xi32, #tpu.memory_space<vmem>> -> memref<1x1x80xi32, #tpu.memory_space<vmem>>
    %dma_wait3A_332 = tpu.memref_squeeze %dma_wait3A_331 : memref<1x1x80xi32, #tpu.memory_space<vmem>> -> memref<80xi32, #tpu.memory_space<vmem>>
    %dma_wait3A_333 = arith.constant 0 : i32
    %dma_wait3A_334 = arith.constant 0 : i32
    %dma_wait3A_335 = tpu.memref_slice %arg2[%dma_wait3A_333, %dma_wait3A_334] : memref<10000x128xf32, #tpu.memory_space<hbm>> -> memref<10000x128xf32, #tpu.memory_space<hbm>>
    tpu.wait_indirect_dma semaphore(%arg10 : memref<!tpu.dma_semaphore, #tpu.memory_space<semaphore_mem>>) src(%dma_wait3A_335 : memref<10000x128xf32, #tpu.memory_space<hbm>>) dst(%arg7 : memref<80x128xf32, #tpu.memory_space<vmem>>)
    %run_scoped3A = arith.constant 248 : i32
    %run_scoped3A_336 = arith.constant 1 : i32
    "tpu.region"() ({
      %run_scoped3A_396 = tpu.sem_alloc : memref<!tpu.dma_semaphore, #tpu.memory_space<semaphore_mem>>
      %dma_start3A_397 = arith.constant 0 : i32
      %dma_start3A_398 = tpu.memref_slice %arg6[%run_scoped3A, %run_scoped3A_336, %dma_start3A_397] : memref<250x2x80xi32, #tpu.memory_space<vmem>> -> memref<1x1x80xi32, #tpu.memory_space<vmem>>
      %dma_start3A_399 = tpu.memref_squeeze %dma_start3A_398 : memref<1x1x80xi32, #tpu.memory_space<vmem>> -> memref<80xi32, #tpu.memory_space<vmem>>
      %dma_start3A_400 = arith.constant 0 : i32
      %dma_start3A_401 = arith.constant 0 : i32
      %dma_start3A_402 = tpu.memref_slice %arg9[%dma_start3A_400, %dma_start3A_401] : memref<5248x128xf32, #tpu.memory_space<vmem_shared>> -> memref<5248x128xf32, #tpu.memory_space<vmem_shared>>
      tpu.enqueue_indirect_dma source(%arg7 : memref<80x128xf32, #tpu.memory_space<vmem>>) target(%dma_start3A_402 : memref<5248x128xf32, #tpu.memory_space<vmem_shared>>) offsets(%dma_start3A_399 : memref<80xi32, #tpu.memory_space<vmem>>) semaphore(%run_scoped3A_396 : memref<!tpu.dma_semaphore, #tpu.memory_space<semaphore_mem>>) {add = true}
      %dma_wait3A_403 = arith.constant 0 : i32
      %dma_wait3A_404 = tpu.memref_slice %arg6[%run_scoped3A, %run_scoped3A_336, %dma_wait3A_403] : memref<250x2x80xi32, #tpu.memory_space<vmem>> -> memref<1x1x80xi32, #tpu.memory_space<vmem>>
      %dma_wait3A_405 = tpu.memref_squeeze %dma_wait3A_404 : memref<1x1x80xi32, #tpu.memory_space<vmem>> -> memref<80xi32, #tpu.memory_space<vmem>>
      %dma_wait3A_406 = arith.constant 0 : i32
      %dma_wait3A_407 = arith.constant 0 : i32
      %dma_wait3A_408 = tpu.memref_slice %arg9[%dma_wait3A_406, %dma_wait3A_407] : memref<5248x128xf32, #tpu.memory_space<vmem_shared>> -> memref<5248x128xf32, #tpu.memory_space<vmem_shared>>
      tpu.wait_indirect_dma semaphore(%run_scoped3A_396 : memref<!tpu.dma_semaphore, #tpu.memory_space<semaphore_mem>>) src(%arg7 : memref<80x128xf32, #tpu.memory_space<vmem>>) dst(%dma_wait3A_408 : memref<5248x128xf32, #tpu.memory_space<vmem_shared>>)
      tpu.yield
    }) : () -> ()
    %dma_wait3A_337 = arith.constant 249 : i32
    %dma_wait3A_338 = arith.constant 0 : i32
    %dma_wait3A_339 = arith.constant 0 : i32
    %dma_wait3A_340 = tpu.memref_slice %arg6[%dma_wait3A_337, %dma_wait3A_338, %dma_wait3A_339] : memref<250x2x80xi32, #tpu.memory_space<vmem>> -> memref<1x1x80xi32, #tpu.memory_space<vmem>>
    %dma_wait3A_341 = tpu.memref_squeeze %dma_wait3A_340 : memref<1x1x80xi32, #tpu.memory_space<vmem>> -> memref<80xi32, #tpu.memory_space<vmem>>
    %dma_wait3A_342 = arith.constant 0 : i32
    %dma_wait3A_343 = arith.constant 0 : i32
    %dma_wait3A_344 = tpu.memref_slice %arg2[%dma_wait3A_342, %dma_wait3A_343] : memref<10000x128xf32, #tpu.memory_space<hbm>> -> memref<10000x128xf32, #tpu.memory_space<hbm>>
    tpu.wait_indirect_dma semaphore(%arg11 : memref<!tpu.dma_semaphore, #tpu.memory_space<semaphore_mem>>) src(%dma_wait3A_344 : memref<10000x128xf32, #tpu.memory_space<hbm>>) dst(%arg8 : memref<80x128xf32, #tpu.memory_space<vmem>>)
    %run_scoped3A_345 = arith.constant 249 : i32
    %run_scoped3A_346 = arith.constant 1 : i32
    "tpu.region"() ({
      %run_scoped3A_396 = tpu.sem_alloc : memref<!tpu.dma_semaphore, #tpu.memory_space<semaphore_mem>>
      %dma_start3A_397 = arith.constant 0 : i32
      %dma_start3A_398 = tpu.memref_slice %arg6[%run_scoped3A_345, %run_scoped3A_346, %dma_start3A_397] : memref<250x2x80xi32, #tpu.memory_space<vmem>> -> memref<1x1x80xi32, #tpu.memory_space<vmem>>
      %dma_start3A_399 = tpu.memref_squeeze %dma_start3A_398 : memref<1x1x80xi32, #tpu.memory_space<vmem>> -> memref<80xi32, #tpu.memory_space<vmem>>
      %dma_start3A_400 = arith.constant 0 : i32
      %dma_start3A_401 = arith.constant 0 : i32
      %dma_start3A_402 = tpu.memref_slice %arg9[%dma_start3A_400, %dma_start3A_401] : memref<5248x128xf32, #tpu.memory_space<vmem_shared>> -> memref<5248x128xf32, #tpu.memory_space<vmem_shared>>
      tpu.enqueue_indirect_dma source(%arg8 : memref<80x128xf32, #tpu.memory_space<vmem>>) target(%dma_start3A_402 : memref<5248x128xf32, #tpu.memory_space<vmem_shared>>) offsets(%dma_start3A_399 : memref<80xi32, #tpu.memory_space<vmem>>) semaphore(%run_scoped3A_396 : memref<!tpu.dma_semaphore, #tpu.memory_space<semaphore_mem>>) {add = true}
      %dma_wait3A_403 = arith.constant 0 : i32
      %dma_wait3A_404 = tpu.memref_slice %arg6[%run_scoped3A_345, %run_scoped3A_346, %dma_wait3A_403] : memref<250x2x80xi32, #tpu.memory_space<vmem>> -> memref<1x1x80xi32, #tpu.memory_space<vmem>>
      %dma_wait3A_405 = tpu.memref_squeeze %dma_wait3A_404 : memref<1x1x80xi32, #tpu.memory_space<vmem>> -> memref<80xi32, #tpu.memory_space<vmem>>
      %dma_wait3A_406 = arith.constant 0 : i32
      %dma_wait3A_407 = arith.constant 0 : i32
      %dma_wait3A_408 = tpu.memref_slice %arg9[%dma_wait3A_406, %dma_wait3A_407] : memref<5248x128xf32, #tpu.memory_space<vmem_shared>> -> memref<5248x128xf32, #tpu.memory_space<vmem_shared>>
      tpu.wait_indirect_dma semaphore(%run_scoped3A_396 : memref<!tpu.dma_semaphore, #tpu.memory_space<semaphore_mem>>) src(%arg8 : memref<80x128xf32, #tpu.memory_space<vmem>>) dst(%dma_wait3A_408 : memref<5248x128xf32, #tpu.memory_space<vmem_shared>>)
      tpu.yield
    }) : () -> ()
    %barrier3A_347 = arith.constant 0 : index
    tpu.barrier barrier_id(%barrier3A_347)
    %mul3A_348 = arith.constant 5120 : i32
    %mul3A_349 = arith.muli %arg0, %mul3A_348 : i32
    %mul3A_350 = arith.constant 320 : i32
    %mul3A_351 = arith.muli %arg1, %mul3A_350 : i32
    %add3A_352 = arith.addi %mul3A_349, %mul3A_351 : i32
    %add3A_353 = arith.constant 0 : i32
    %add3A_354 = arith.addi %add3A_352, %add3A_353 : i32
    %lt3A_355 = arith.constant 10000 : i32
    %lt3A_356 = arith.cmpi slt, %add3A_354, %lt3A_355 : i32
    %convert_element_type3A_357 = arith.extui %lt3A_356 : i1 to i32
    %cond3A_358 = arith.constant 0 : i32
    %cond3A_359 = arith.cmpi ne, %convert_element_type3A_357, %cond3A_358 : i32
    scf.if %cond3A_359 {
      %mul3A_396 = arith.constant 320 : i32
      %mul3A_397 = arith.muli %arg1, %mul3A_396 : i32
      %add3A_398 = arith.constant 0 : i32
      %add3A_399 = arith.addi %mul3A_397, %add3A_398 : i32
      "tpu.region"() ({
        %run_scoped3A_400 = tpu.sem_alloc : memref<!tpu.dma_semaphore, #tpu.memory_space<semaphore_mem>>
        %dma_start3A_401 = arith.constant 0 : i32
        %dma_start3A_402 = tpu.memref_slice %arg5[%add3A_354, %dma_start3A_401] : memref<10000x128xf32, #tpu.memory_space<hbm>> -> memref<80x128xf32, #tpu.memory_space<hbm>>
        %dma_start3A_403 = arith.constant 0 : i32
        %dma_start3A_404 = tpu.memref_slice %arg9[%add3A_399, %dma_start3A_403] : memref<5248x128xf32, #tpu.memory_space<vmem_shared>> -> memref<80x128xf32, #tpu.memory_space<vmem_shared>>
        tpu.enqueue_dma source(%dma_start3A_404 : memref<80x128xf32, #tpu.memory_space<vmem_shared>>) target(%dma_start3A_402 : memref<80x128xf32, #tpu.memory_space<hbm>>) target_semaphore(%run_scoped3A_400 : memref<!tpu.dma_semaphore, #tpu.memory_space<semaphore_mem>>)
        %dma_wait3A_405 = arith.constant 0 : i32
        %dma_wait3A_406 = tpu.memref_slice %arg5[%add3A_354, %dma_wait3A_405] : memref<10000x128xf32, #tpu.memory_space<hbm>> -> memref<80x128xf32, #tpu.memory_space<hbm>>
        %dma_wait3A_407 = arith.constant 0 : i32
        %dma_wait3A_408 = tpu.memref_slice %arg9[%add3A_399, %dma_wait3A_407] : memref<5248x128xf32, #tpu.memory_space<vmem_shared>> -> memref<80x128xf32, #tpu.memory_space<vmem_shared>>
        tpu.wait_dma2 semaphore(%run_scoped3A_400 : memref<!tpu.dma_semaphore, #tpu.memory_space<semaphore_mem>>) src(%dma_wait3A_408 : memref<80x128xf32, #tpu.memory_space<vmem_shared>>) dst(%dma_wait3A_406 : memref<80x128xf32, #tpu.memory_space<hbm>>)
        tpu.yield
      }) : () -> ()
    } else {
    }
    %mul3A_360 = arith.constant 5120 : i32
    %mul3A_361 = arith.muli %arg0, %mul3A_360 : i32
    %mul3A_362 = arith.constant 320 : i32
    %mul3A_363 = arith.muli %arg1, %mul3A_362 : i32
    %add3A_364 = arith.addi %mul3A_361, %mul3A_363 : i32
    %add3A_365 = arith.constant 80 : i32
    %add3A_366 = arith.addi %add3A_364, %add3A_365 : i32
    %lt3A_367 = arith.constant 10000 : i32
    %lt3A_368 = arith.cmpi slt, %add3A_366, %lt3A_367 : i32
    %convert_element_type3A_369 = arith.extui %lt3A_368 : i1 to i32
    %cond3A_370 = arith.constant 0 : i32
    %cond3A_371 = arith.cmpi ne, %convert_element_type3A_369, %cond3A_370 : i32
    scf.if %cond3A_371 {
      %mul3A_396 = arith.constant 320 : i32
      %mul3A_397 = arith.muli %arg1, %mul3A_396 : i32
      %add3A_398 = arith.constant 80 : i32
      %add3A_399 = arith.addi %mul3A_397, %add3A_398 : i32
      "tpu.region"() ({
        %run_scoped3A_400 = tpu.sem_alloc : memref<!tpu.dma_semaphore, #tpu.memory_space<semaphore_mem>>
        %dma_start3A_401 = arith.constant 0 : i32
        %dma_start3A_402 = tpu.memref_slice %arg5[%add3A_366, %dma_start3A_401] : memref<10000x128xf32, #tpu.memory_space<hbm>> -> memref<80x128xf32, #tpu.memory_space<hbm>>
        %dma_start3A_403 = arith.constant 0 : i32
        %dma_start3A_404 = tpu.memref_slice %arg9[%add3A_399, %dma_start3A_403] : memref<5248x128xf32, #tpu.memory_space<vmem_shared>> -> memref<80x128xf32, #tpu.memory_space<vmem_shared>>
        tpu.enqueue_dma source(%dma_start3A_404 : memref<80x128xf32, #tpu.memory_space<vmem_shared>>) target(%dma_start3A_402 : memref<80x128xf32, #tpu.memory_space<hbm>>) target_semaphore(%run_scoped3A_400 : memref<!tpu.dma_semaphore, #tpu.memory_space<semaphore_mem>>)
        %dma_wait3A_405 = arith.constant 0 : i32
        %dma_wait3A_406 = tpu.memref_slice %arg5[%add3A_366, %dma_wait3A_405] : memref<10000x128xf32, #tpu.memory_space<hbm>> -> memref<80x128xf32, #tpu.memory_space<hbm>>
        %dma_wait3A_407 = arith.constant 0 : i32
        %dma_wait3A_408 = tpu.memref_slice %arg9[%add3A_399, %dma_wait3A_407] : memref<5248x128xf32, #tpu.memory_space<vmem_shared>> -> memref<80x128xf32, #tpu.memory_space<vmem_shared>>
        tpu.wait_dma2 semaphore(%run_scoped3A_400 : memref<!tpu.dma_semaphore, #tpu.memory_space<semaphore_mem>>) src(%dma_wait3A_408 : memref<80x128xf32, #tpu.memory_space<vmem_shared>>) dst(%dma_wait3A_406 : memref<80x128xf32, #tpu.memory_space<hbm>>)
        tpu.yield
      }) : () -> ()
    } else {
    }
    %mul3A_372 = arith.constant 5120 : i32
    %mul3A_373 = arith.muli %arg0, %mul3A_372 : i32
    %mul3A_374 = arith.constant 320 : i32
    %mul3A_375 = arith.muli %arg1, %mul3A_374 : i32
    %add3A_376 = arith.addi %mul3A_373, %mul3A_375 : i32
    %add3A_377 = arith.constant 160 : i32
    %add3A_378 = arith.addi %add3A_376, %add3A_377 : i32
    %lt3A_379 = arith.constant 10000 : i32
    %lt3A_380 = arith.cmpi slt, %add3A_378, %lt3A_379 : i32
    %convert_element_type3A_381 = arith.extui %lt3A_380 : i1 to i32
    %cond3A_382 = arith.constant 0 : i32
    %cond3A_383 = arith.cmpi ne, %convert_element_type3A_381, %cond3A_382 : i32
    scf.if %cond3A_383 {
      %mul3A_396 = arith.constant 320 : i32
      %mul3A_397 = arith.muli %arg1, %mul3A_396 : i32
      %add3A_398 = arith.constant 160 : i32
      %add3A_399 = arith.addi %mul3A_397, %add3A_398 : i32
      "tpu.region"() ({
        %run_scoped3A_400 = tpu.sem_alloc : memref<!tpu.dma_semaphore, #tpu.memory_space<semaphore_mem>>
        %dma_start3A_401 = arith.constant 0 : i32
        %dma_start3A_402 = tpu.memref_slice %arg5[%add3A_378, %dma_start3A_401] : memref<10000x128xf32, #tpu.memory_space<hbm>> -> memref<80x128xf32, #tpu.memory_space<hbm>>
        %dma_start3A_403 = arith.constant 0 : i32
        %dma_start3A_404 = tpu.memref_slice %arg9[%add3A_399, %dma_start3A_403] : memref<5248x128xf32, #tpu.memory_space<vmem_shared>> -> memref<80x128xf32, #tpu.memory_space<vmem_shared>>
        tpu.enqueue_dma source(%dma_start3A_404 : memref<80x128xf32, #tpu.memory_space<vmem_shared>>) target(%dma_start3A_402 : memref<80x128xf32, #tpu.memory_space<hbm>>) target_semaphore(%run_scoped3A_400 : memref<!tpu.dma_semaphore, #tpu.memory_space<semaphore_mem>>)
        %dma_wait3A_405 = arith.constant 0 : i32
        %dma_wait3A_406 = tpu.memref_slice %arg5[%add3A_378, %dma_wait3A_405] : memref<10000x128xf32, #tpu.memory_space<hbm>> -> memref<80x128xf32, #tpu.memory_space<hbm>>
        %dma_wait3A_407 = arith.constant 0 : i32
        %dma_wait3A_408 = tpu.memref_slice %arg9[%add3A_399, %dma_wait3A_407] : memref<5248x128xf32, #tpu.memory_space<vmem_shared>> -> memref<80x128xf32, #tpu.memory_space<vmem_shared>>
        tpu.wait_dma2 semaphore(%run_scoped3A_400 : memref<!tpu.dma_semaphore, #tpu.memory_space<semaphore_mem>>) src(%dma_wait3A_408 : memref<80x128xf32, #tpu.memory_space<vmem_shared>>) dst(%dma_wait3A_406 : memref<80x128xf32, #tpu.memory_space<hbm>>)
        tpu.yield
      }) : () -> ()
    } else {
    }
    %mul3A_384 = arith.constant 5120 : i32
    %mul3A_385 = arith.muli %arg0, %mul3A_384 : i32
    %mul3A_386 = arith.constant 320 : i32
    %mul3A_387 = arith.muli %arg1, %mul3A_386 : i32
    %add3A_388 = arith.addi %mul3A_385, %mul3A_387 : i32
    %add3A_389 = arith.constant 240 : i32
    %add3A_390 = arith.addi %add3A_388, %add3A_389 : i32
    %lt3A_391 = arith.constant 10000 : i32
    %lt3A_392 = arith.cmpi slt, %add3A_390, %lt3A_391 : i32
    %convert_element_type3A_393 = arith.extui %lt3A_392 : i1 to i32
    %cond3A_394 = arith.constant 0 : i32
    %cond3A_395 = arith.cmpi ne, %convert_element_type3A_393, %cond3A_394 : i32
    scf.if %cond3A_395 {
      %mul3A_396 = arith.constant 320 : i32
      %mul3A_397 = arith.muli %arg1, %mul3A_396 : i32
      %add3A_398 = arith.constant 240 : i32
      %add3A_399 = arith.addi %mul3A_397, %add3A_398 : i32
      "tpu.region"() ({
        %run_scoped3A_400 = tpu.sem_alloc : memref<!tpu.dma_semaphore, #tpu.memory_space<semaphore_mem>>
        %dma_start3A_401 = arith.constant 0 : i32
        %dma_start3A_402 = tpu.memref_slice %arg5[%add3A_390, %dma_start3A_401] : memref<10000x128xf32, #tpu.memory_space<hbm>> -> memref<80x128xf32, #tpu.memory_space<hbm>>
        %dma_start3A_403 = arith.constant 0 : i32
        %dma_start3A_404 = tpu.memref_slice %arg9[%add3A_399, %dma_start3A_403] : memref<5248x128xf32, #tpu.memory_space<vmem_shared>> -> memref<80x128xf32, #tpu.memory_space<vmem_shared>>
        tpu.enqueue_dma source(%dma_start3A_404 : memref<80x128xf32, #tpu.memory_space<vmem_shared>>) target(%dma_start3A_402 : memref<80x128xf32, #tpu.memory_space<hbm>>) target_semaphore(%run_scoped3A_400 : memref<!tpu.dma_semaphore, #tpu.memory_space<semaphore_mem>>)
        %dma_wait3A_405 = arith.constant 0 : i32
        %dma_wait3A_406 = tpu.memref_slice %arg5[%add3A_390, %dma_wait3A_405] : memref<10000x128xf32, #tpu.memory_space<hbm>> -> memref<80x128xf32, #tpu.memory_space<hbm>>
        %dma_wait3A_407 = arith.constant 0 : i32
        %dma_wait3A_408 = tpu.memref_slice %arg9[%add3A_399, %dma_wait3A_407] : memref<5248x128xf32, #tpu.memory_space<vmem_shared>> -> memref<80x128xf32, #tpu.memory_space<vmem_shared>>
        tpu.wait_dma2 semaphore(%run_scoped3A_400 : memref<!tpu.dma_semaphore, #tpu.memory_space<semaphore_mem>>) src(%dma_wait3A_408 : memref<80x128xf32, #tpu.memory_space<vmem_shared>>) dst(%dma_wait3A_406 : memref<80x128xf32, #tpu.memory_space<hbm>>)
        tpu.yield
      }) : () -> ()
    } else {
    }
    return
  }
}

#map = affine_map<(d0, d1) -> (0, 0)>
#map1 = affine_map<(d0, d1) -> (0, 0, 0)>
module attributes {stable_mosaic.version = 14 : i64} {
  func.func @_edge_kernel(%arg0: i32, %arg1: i32, %arg2: memref<10000x128xf32, #tpu.memory_space<hbm>>, %arg3: memref<4000x2x80xi32, #tpu.memory_space<hbm>>, %arg4: memref<320x128xf32, #tpu.memory_space<hbm>>, %arg5: memref<10000x128xf32, #tpu.memory_space<hbm>>, %arg6: memref<250x2x80xi32, #tpu.memory_space<vmem>>, %arg7: memref<80x128xf32, #tpu.memory_space<vmem>>, %arg8: memref<80x128xf32, #tpu.memory_space<vmem>>, %arg9: memref<5248x128xf32, #tpu.memory_space<vmem_shared>>, %arg10: memref<!tpu.dma_semaphore, #tpu.memory_space<semaphore_mem>>, %arg11: memref<!tpu.dma_semaphore, #tpu.memory_space<semaphore_mem>>) attributes {dimension_semantics = [#tpu.dimension_semantics<core_parallel>, #tpu.dimension_semantics<subcore_parallel>], iteration_bounds = array<i64: 2, 16>, scalar_prefetch = 0 : i64, scratch_operands = 6 : i64, tpu.core_type = #tpu.core_type<sc_vector_subcore>, window_params = [{transform_indices = #map}, {transform_indices = #map1}, {transform_indices = #map}, {transform_indices = #map}]} {
    %mul3A = arith.constant 250 : i32
    %mul3A_0 = arith.muli %arg1, %mul3A : i32
    "tpu.region"() ({
      %run_scoped3A_396 = tpu.sem_alloc : memref<!tpu.dma_semaphore, #tpu.memory_space<semaphore_mem>>
      %dma_start3A_397 = arith.constant 0 : i32
      %dma_start3A_398 = arith.constant 0 : i32
      %dma_start3A_399 = tpu.memref_slice %arg3[%mul3A_0, %dma_start3A_397, %dma_start3A_398] : memref<4000x2x80xi32, #tpu.memory_space<hbm>> -> memref<250x2x80xi32, #tpu.memory_space<hbm>>
      %dma_start3A_400 = arith.constant 0 : i32
      %dma_start3A_401 = arith.constant 0 : i32
      %dma_start3A_402 = tpu.memref_slice %arg3[%mul3A_0, %dma_start3A_400, %dma_start3A_401] : memref<4000x2x80xi32, #tpu.memory_space<hbm>> -> memref<250x2x80xi32, #tpu.memory_space<hbm>>
      tpu.enqueue_dma source(%dma_start3A_402 : memref<250x2x80xi32, #tpu.memory_space<hbm>>) target(%arg6 : memref<250x2x80xi32, #tpu.memory_space<vmem>>) target_semaphore(%run_scoped3A_396 : memref<!tpu.dma_semaphore, #tpu.memory_space<semaphore_mem>>)
      %dma_wait3A_403 = arith.constant 0 : i32
      %dma_wait3A_404 = arith.constant 0 : i32
      %dma_wait3A_405 = tpu.memref_slice %arg3[%mul3A_0, %dma_wait3A_403, %dma_wait3A_404] : memref<4000x2x80xi32, #tpu.memory_space<hbm>> -> memref<250x2x80xi32, #tpu.memory_space<hbm>>
      %dma_wait3A_406 = arith.constant 0 : i32
      %dma_wait3A_407 = arith.constant 0 : i32
      %dma_wait3A_408 = tpu.memref_slice %arg3[%mul3A_0, %dma_wait3A_406, %dma_wait3A_407] : memref<4000x2x80xi32, #tpu.memory_space<hbm>> -> memref<250x2x80xi32, #tpu.memory_space<hbm>>
      tpu.wait_dma2 semaphore(%run_scoped3A_396 : memref<!tpu.dma_semaphore, #tpu.memory_space<semaphore_mem>>) src(%dma_wait3A_408 : memref<250x2x80xi32, #tpu.memory_space<hbm>>) dst(%arg6 : memref<250x2x80xi32, #tpu.memory_space<vmem>>)
      tpu.yield
    }) : () -> ()
    %mul3A_1 = arith.constant 320 : i32
    %mul3A_2 = arith.muli %arg1, %mul3A_1 : i32
    "tpu.region"() ({
      %run_scoped3A_396 = tpu.sem_alloc : memref<!tpu.dma_semaphore, #tpu.memory_space<semaphore_mem>>
      %dma_start3A_397 = arith.constant 0 : i32
      %dma_start3A_398 = tpu.memref_slice %arg9[%mul3A_2, %dma_start3A_397] : memref<5248x128xf32, #tpu.memory_space<vmem_shared>> -> memref<320x128xf32, #tpu.memory_space<vmem_shared>>
      %dma_start3A_399 = arith.constant 0 : i32
      %dma_start3A_400 = arith.constant 0 : i32
      %dma_start3A_401 = tpu.memref_slice %arg4[%dma_start3A_399, %dma_start3A_400] : memref<320x128xf32, #tpu.memory_space<hbm>> -> memref<320x128xf32, #tpu.memory_space<hbm>>
      tpu.enqueue_dma source(%dma_start3A_401 : memref<320x128xf32, #tpu.memory_space<hbm>>) target(%dma_start3A_398 : memref<320x128xf32, #tpu.memory_space<vmem_shared>>) target_semaphore(%run_scoped3A_396 : memref<!tpu.dma_semaphore, #tpu.memory_space<semaphore_mem>>)
      %dma_wait3A_402 = arith.constant 0 : i32
      %dma_wait3A_403 = tpu.memref_slice %arg9[%mul3A_2, %dma_wait3A_402] : memref<5248x128xf32, #tpu.memory_space<vmem_shared>> -> memref<320x128xf32, #tpu.memory_space<vmem_shared>>
      %dma_wait3A_404 = arith.constant 0 : i32
      %dma_wait3A_405 = arith.constant 0 : i32
      %dma_wait3A_406 = tpu.memref_slice %arg4[%dma_wait3A_404, %dma_wait3A_405] : memref<320x128xf32, #tpu.memory_space<hbm>> -> memref<320x128xf32, #tpu.memory_space<hbm>>
      tpu.wait_dma2 semaphore(%run_scoped3A_396 : memref<!tpu.dma_semaphore, #tpu.memory_space<semaphore_mem>>) src(%dma_wait3A_406 : memref<320x128xf32, #tpu.memory_space<hbm>>) dst(%dma_wait3A_403 : memref<320x128xf32, #tpu.memory_space<vmem_shared>>)
      tpu.yield
    }) : () -> ()
    %eq3A = arith.constant 0 : i32
    %eq3A_3 = arith.cmpi eq, %arg1, %eq3A : i32
    %convert_element_type3A = arith.extui %eq3A_3 : i1 to i32
    %cond3A = arith.constant 0 : i32
    %cond3A_4 = arith.cmpi ne, %convert_element_type3A, %cond3A : i32
    scf.if %cond3A_4 {
      "tpu.region"() ({
        %run_scoped3A_396 = tpu.sem_alloc : memref<!tpu.dma_semaphore, #tpu.memory_space<semaphore_mem>>
        %dma_start3A_397 = arith.constant 5120 : i32
        %dma_start3A_398 = arith.constant 0 : i32
        %dma_start3A_399 = tpu.memref_slice %arg9[%dma_start3A_397, %dma_start3A_398] : memref<5248x128xf32, #tpu.memory_space<vmem_shared>> -> memref<128x128xf32, #tpu.memory_space<vmem_shared>>
        %dma_start3A_400 = arith.constant 0 : i32
        %dma_start3A_401 = arith.constant 0 : i32
        %dma_start3A_402 = tpu.memref_slice %arg4[%dma_start3A_400, %dma_start3A_401] : memref<320x128xf32, #tpu.memory_space<hbm>> -> memref<128x128xf32, #tpu.memory_space<hbm>>
        tpu.enqueue_dma source(%dma_start3A_402 : memref<128x128xf32, #tpu.memory_space<hbm>>) target(%dma_start3A_399 : memref<128x128xf32, #tpu.memory_space<vmem_shared>>) target_semaphore(%run_scoped3A_396 : memref<!tpu.dma_semaphore, #tpu.memory_space<semaphore_mem>>)
        %dma_wait3A_403 = arith.constant 5120 : i32
        %dma_wait3A_404 = arith.constant 0 : i32
        %dma_wait3A_405 = tpu.memref_slice %arg9[%dma_wait3A_403, %dma_wait3A_404] : memref<5248x128xf32, #tpu.memory_space<vmem_shared>> -> memref<128x128xf32, #tpu.memory_space<vmem_shared>>
        %dma_wait3A_406 = arith.constant 0 : i32
        %dma_wait3A_407 = arith.constant 0 : i32
        %dma_wait3A_408 = tpu.memref_slice %arg4[%dma_wait3A_406, %dma_wait3A_407] : memref<320x128xf32, #tpu.memory_space<hbm>> -> memref<128x128xf32, #tpu.memory_space<hbm>>
        tpu.wait_dma2 semaphore(%run_scoped3A_396 : memref<!tpu.dma_semaphore, #tpu.memory_space<semaphore_mem>>) src(%dma_wait3A_408 : memref<128x128xf32, #tpu.memory_space<hbm>>) dst(%dma_wait3A_405 : memref<128x128xf32, #tpu.memory_space<vmem_shared>>)
        tpu.yield
      }) : () -> ()
    } else {
    }
    %mul3A_5 = arith.constant 5120 : i32
    %mul3A_6 = arith.muli %arg0, %mul3A_5 : i32
    %barrier3A = arith.constant 0 : index
    tpu.barrier barrier_id(%barrier3A)
    %dma_start3A = arith.constant 0 : i32
    %dma_start3A_7 = arith.constant 0 : i32
    %dma_start3A_8 = arith.constant 0 : i32
    %dma_start3A_9 = tpu.memref_slice %arg6[%dma_start3A, %dma_start3A_7, %dma_start3A_8] : memref<250x2x80xi32, #tpu.memory_space<vmem>> -> memref<1x1x80xi32, #tpu.memory_space<vmem>>
    %dma_start3A_10 = tpu.memref_squeeze %dma_start3A_9 : memref<1x1x80xi32, #tpu.memory_space<vmem>> -> memref<80xi32, #tpu.memory_space<vmem>>
    %dma_start3A_11 = arith.constant 0 : i32
    %dma_start3A_12 = arith.constant 0 : i32
    %dma_start3A_13 = tpu.memref_slice %arg2[%dma_start3A_11, %dma_start3A_12] : memref<10000x128xf32, #tpu.memory_space<hbm>> -> memref<10000x128xf32, #tpu.memory_space<hbm>>
    tpu.enqueue_indirect_dma source(%dma_start3A_13 : memref<10000x128xf32, #tpu.memory_space<hbm>>) target(%arg7 : memref<80x128xf32, #tpu.memory_space<vmem>>) offsets(%dma_start3A_10 : memref<80xi32, #tpu.memory_space<vmem>>) semaphore(%arg10 : memref<!tpu.dma_semaphore, #tpu.memory_space<semaphore_mem>>)
    %get3A = arith.constant 0 : i32
    %get3A_14 = arith.constant 1 : i32
    %get3A_15 = arith.index_cast %get3A : i32 to index
    %get3A_16 = arith.index_cast %get3A_14 : i32 to index
    %get3A_17 = arith.constant 0 : index
    %get3A_18 = tpu.vector_load %arg6[%get3A_15, %get3A_16, %get3A_17] {strides = array<i32>} : memref<250x2x80xi32, #tpu.memory_space<vmem>>, vector<1x1x16xi32>,
    %get3A_19 = vector.shape_cast %get3A_18 : vector<1x1x16xi32> to vector<16xi32>
    %sub3A = vector.broadcast %mul3A_6 : i32 to vector<16xi32>
    %sub3A_20 = arith.subi %get3A_19, %sub3A : vector<16xi32>
    %ge3A = arith.constant 0 : i32
    %ge3A_21 = vector.broadcast %ge3A : i32 to vector<16xi32>
    %ge3A_22 = arith.cmpi sge, %sub3A_20, %ge3A_21 : vector<16xi32>
    %lt3A = arith.constant 5120 : i32
    %lt3A_23 = vector.broadcast %lt3A : i32 to vector<16xi32>
    %lt3A_24 = arith.cmpi slt, %sub3A_20, %lt3A_23 : vector<16xi32>
    %and3A = arith.andi %ge3A_22, %lt3A_24 : vector<16xi1>
    %and3A_25 = arith.constant 127 : i32
    %and3A_26 = vector.broadcast %and3A_25 : i32 to vector<16xi32>
    %and3A_27 = arith.andi %get3A_19, %and3A_26 : vector<16xi32>
    %add3A = arith.constant 5120 : i32
    %add3A_28 = vector.broadcast %add3A : i32 to vector<16xi32>
    %add3A_29 = arith.addi %add3A_28, %and3A_27 : vector<16xi32>
    %select_n3A = arith.select %and3A, %sub3A_20, %add3A_29 : vector<16xi1>, vector<16xi32>
    %swap3A = arith.constant 0 : i32
    %swap3A_30 = arith.constant 1 : i32
    %swap3A_31 = arith.index_cast %swap3A : i32 to index
    %swap3A_32 = arith.index_cast %swap3A_30 : i32 to index
    %swap3A_33 = arith.constant 0 : index
    %swap3A_34 = tpu.vector_load %arg6[%swap3A_31, %swap3A_32, %swap3A_33] {strides = array<i32>} : memref<250x2x80xi32, #tpu.memory_space<vmem>>, vector<1x1x16xi32>,
    %swap3A_35 = vector.shape_cast %swap3A_34 : vector<1x1x16xi32> to vector<16xi32>
    %swap3A_36 = vector.shape_cast %select_n3A : vector<16xi32> to vector<1x1x16xi32>
    tpu.vector_store %arg6[%swap3A_31, %swap3A_32, %swap3A_33], %swap3A_36 {strides = array<i32>} : memref<250x2x80xi32, #tpu.memory_space<vmem>>, vector<1x1x16xi32>,
    %get3A_37 = arith.constant 0 : i32
    %get3A_38 = arith.constant 1 : i32
    %get3A_39 = arith.index_cast %get3A_37 : i32 to index
    %get3A_40 = arith.index_cast %get3A_38 : i32 to index
    %get3A_41 = arith.constant 16 : index
    %get3A_42 = tpu.vector_load %arg6[%get3A_39, %get3A_40, %get3A_41] {strides = array<i32>} : memref<250x2x80xi32, #tpu.memory_space<vmem>>, vector<1x1x16xi32>,
    %get3A_43 = vector.shape_cast %get3A_42 : vector<1x1x16xi32> to vector<16xi32>
    %sub3A_44 = vector.broadcast %mul3A_6 : i32 to vector<16xi32>
    %sub3A_45 = arith.subi %get3A_43, %sub3A_44 : vector<16xi32>
    %ge3A_46 = arith.constant 0 : i32
    %ge3A_47 = vector.broadcast %ge3A_46 : i32 to vector<16xi32>
    %ge3A_48 = arith.cmpi sge, %sub3A_45, %ge3A_47 : vector<16xi32>
    %lt3A_49 = arith.constant 5120 : i32
    %lt3A_50 = vector.broadcast %lt3A_49 : i32 to vector<16xi32>
    %lt3A_51 = arith.cmpi slt, %sub3A_45, %lt3A_50 : vector<16xi32>
    %and3A_52 = arith.andi %ge3A_48, %lt3A_51 : vector<16xi1>
    %and3A_53 = arith.constant 127 : i32
    %and3A_54 = vector.broadcast %and3A_53 : i32 to vector<16xi32>
    %and3A_55 = arith.andi %get3A_43, %and3A_54 : vector<16xi32>
    %add3A_56 = arith.constant 5120 : i32
    %add3A_57 = vector.broadcast %add3A_56 : i32 to vector<16xi32>
    %add3A_58 = arith.addi %add3A_57, %and3A_55 : vector<16xi32>
    %select_n3A_59 = arith.select %and3A_52, %sub3A_45, %add3A_58 : vector<16xi1>, vector<16xi32>
    %swap3A_60 = arith.constant 0 : i32
    %swap3A_61 = arith.constant 1 : i32
    %swap3A_62 = arith.index_cast %swap3A_60 : i32 to index
    %swap3A_63 = arith.index_cast %swap3A_61 : i32 to index
    %swap3A_64 = arith.constant 16 : index
    %swap3A_65 = tpu.vector_load %arg6[%swap3A_62, %swap3A_63, %swap3A_64] {strides = array<i32>} : memref<250x2x80xi32, #tpu.memory_space<vmem>>, vector<1x1x16xi32>,
    %swap3A_66 = vector.shape_cast %swap3A_65 : vector<1x1x16xi32> to vector<16xi32>
    %swap3A_67 = vector.shape_cast %select_n3A_59 : vector<16xi32> to vector<1x1x16xi32>
    tpu.vector_store %arg6[%swap3A_62, %swap3A_63, %swap3A_64], %swap3A_67 {strides = array<i32>} : memref<250x2x80xi32, #tpu.memory_space<vmem>>, vector<1x1x16xi32>,
    %get3A_68 = arith.constant 0 : i32
    %get3A_69 = arith.constant 1 : i32
    %get3A_70 = arith.index_cast %get3A_68 : i32 to index
    %get3A_71 = arith.index_cast %get3A_69 : i32 to index
    %get3A_72 = arith.constant 32 : index
    %get3A_73 = tpu.vector_load %arg6[%get3A_70, %get3A_71, %get3A_72] {strides = array<i32>} : memref<250x2x80xi32, #tpu.memory_space<vmem>>, vector<1x1x16xi32>,
    %get3A_74 = vector.shape_cast %get3A_73 : vector<1x1x16xi32> to vector<16xi32>
    %sub3A_75 = vector.broadcast %mul3A_6 : i32 to vector<16xi32>
    %sub3A_76 = arith.subi %get3A_74, %sub3A_75 : vector<16xi32>
    %ge3A_77 = arith.constant 0 : i32
    %ge3A_78 = vector.broadcast %ge3A_77 : i32 to vector<16xi32>
    %ge3A_79 = arith.cmpi sge, %sub3A_76, %ge3A_78 : vector<16xi32>
    %lt3A_80 = arith.constant 5120 : i32
    %lt3A_81 = vector.broadcast %lt3A_80 : i32 to vector<16xi32>
    %lt3A_82 = arith.cmpi slt, %sub3A_76, %lt3A_81 : vector<16xi32>
    %and3A_83 = arith.andi %ge3A_79, %lt3A_82 : vector<16xi1>
    %and3A_84 = arith.constant 127 : i32
    %and3A_85 = vector.broadcast %and3A_84 : i32 to vector<16xi32>
    %and3A_86 = arith.andi %get3A_74, %and3A_85 : vector<16xi32>
    %add3A_87 = arith.constant 5120 : i32
    %add3A_88 = vector.broadcast %add3A_87 : i32 to vector<16xi32>
    %add3A_89 = arith.addi %add3A_88, %and3A_86 : vector<16xi32>
    %select_n3A_90 = arith.select %and3A_83, %sub3A_76, %add3A_89 : vector<16xi1>, vector<16xi32>
    %swap3A_91 = arith.constant 0 : i32
    %swap3A_92 = arith.constant 1 : i32
    %swap3A_93 = arith.index_cast %swap3A_91 : i32 to index
    %swap3A_94 = arith.index_cast %swap3A_92 : i32 to index
    %swap3A_95 = arith.constant 32 : index
    %swap3A_96 = tpu.vector_load %arg6[%swap3A_93, %swap3A_94, %swap3A_95] {strides = array<i32>} : memref<250x2x80xi32, #tpu.memory_space<vmem>>, vector<1x1x16xi32>,
    %swap3A_97 = vector.shape_cast %swap3A_96 : vector<1x1x16xi32> to vector<16xi32>
    %swap3A_98 = vector.shape_cast %select_n3A_90 : vector<16xi32> to vector<1x1x16xi32>
    tpu.vector_store %arg6[%swap3A_93, %swap3A_94, %swap3A_95], %swap3A_98 {strides = array<i32>} : memref<250x2x80xi32, #tpu.memory_space<vmem>>, vector<1x1x16xi32>,
    %get3A_99 = arith.constant 0 : i32
    %get3A_100 = arith.constant 1 : i32
    %get3A_101 = arith.index_cast %get3A_99 : i32 to index
    %get3A_102 = arith.index_cast %get3A_100 : i32 to index
    %get3A_103 = arith.constant 48 : index
    %get3A_104 = tpu.vector_load %arg6[%get3A_101, %get3A_102, %get3A_103] {strides = array<i32>} : memref<250x2x80xi32, #tpu.memory_space<vmem>>, vector<1x1x16xi32>,
    %get3A_105 = vector.shape_cast %get3A_104 : vector<1x1x16xi32> to vector<16xi32>
    %sub3A_106 = vector.broadcast %mul3A_6 : i32 to vector<16xi32>
    %sub3A_107 = arith.subi %get3A_105, %sub3A_106 : vector<16xi32>
    %ge3A_108 = arith.constant 0 : i32
    %ge3A_109 = vector.broadcast %ge3A_108 : i32 to vector<16xi32>
    %ge3A_110 = arith.cmpi sge, %sub3A_107, %ge3A_109 : vector<16xi32>
    %lt3A_111 = arith.constant 5120 : i32
    %lt3A_112 = vector.broadcast %lt3A_111 : i32 to vector<16xi32>
    %lt3A_113 = arith.cmpi slt, %sub3A_107, %lt3A_112 : vector<16xi32>
    %and3A_114 = arith.andi %ge3A_110, %lt3A_113 : vector<16xi1>
    %and3A_115 = arith.constant 127 : i32
    %and3A_116 = vector.broadcast %and3A_115 : i32 to vector<16xi32>
    %and3A_117 = arith.andi %get3A_105, %and3A_116 : vector<16xi32>
    %add3A_118 = arith.constant 5120 : i32
    %add3A_119 = vector.broadcast %add3A_118 : i32 to vector<16xi32>
    %add3A_120 = arith.addi %add3A_119, %and3A_117 : vector<16xi32>
    %select_n3A_121 = arith.select %and3A_114, %sub3A_107, %add3A_120 : vector<16xi1>, vector<16xi32>
    %swap3A_122 = arith.constant 0 : i32
    %swap3A_123 = arith.constant 1 : i32
    %swap3A_124 = arith.index_cast %swap3A_122 : i32 to index
    %swap3A_125 = arith.index_cast %swap3A_123 : i32 to index
    %swap3A_126 = arith.constant 48 : index
    %swap3A_127 = tpu.vector_load %arg6[%swap3A_124, %swap3A_125, %swap3A_126] {strides = array<i32>} : memref<250x2x80xi32, #tpu.memory_space<vmem>>, vector<1x1x16xi32>,
    %swap3A_128 = vector.shape_cast %swap3A_127 : vector<1x1x16xi32> to vector<16xi32>
    %swap3A_129 = vector.shape_cast %select_n3A_121 : vector<16xi32> to vector<1x1x16xi32>
    tpu.vector_store %arg6[%swap3A_124, %swap3A_125, %swap3A_126], %swap3A_129 {strides = array<i32>} : memref<250x2x80xi32, #tpu.memory_space<vmem>>, vector<1x1x16xi32>,
    %get3A_130 = arith.constant 0 : i32
    %get3A_131 = arith.constant 1 : i32
    %get3A_132 = arith.index_cast %get3A_130 : i32 to index
    %get3A_133 = arith.index_cast %get3A_131 : i32 to index
    %get3A_134 = arith.constant 64 : index
    %get3A_135 = tpu.vector_load %arg6[%get3A_132, %get3A_133, %get3A_134] {strides = array<i32>} : memref<250x2x80xi32, #tpu.memory_space<vmem>>, vector<1x1x16xi32>,
    %get3A_136 = vector.shape_cast %get3A_135 : vector<1x1x16xi32> to vector<16xi32>
    %sub3A_137 = vector.broadcast %mul3A_6 : i32 to vector<16xi32>
    %sub3A_138 = arith.subi %get3A_136, %sub3A_137 : vector<16xi32>
    %ge3A_139 = arith.constant 0 : i32
    %ge3A_140 = vector.broadcast %ge3A_139 : i32 to vector<16xi32>
    %ge3A_141 = arith.cmpi sge, %sub3A_138, %ge3A_140 : vector<16xi32>
    %lt3A_142 = arith.constant 5120 : i32
    %lt3A_143 = vector.broadcast %lt3A_142 : i32 to vector<16xi32>
    %lt3A_144 = arith.cmpi slt, %sub3A_138, %lt3A_143 : vector<16xi32>
    %and3A_145 = arith.andi %ge3A_141, %lt3A_144 : vector<16xi1>
    %and3A_146 = arith.constant 127 : i32
    %and3A_147 = vector.broadcast %and3A_146 : i32 to vector<16xi32>
    %and3A_148 = arith.andi %get3A_136, %and3A_147 : vector<16xi32>
    %add3A_149 = arith.constant 5120 : i32
    %add3A_150 = vector.broadcast %add3A_149 : i32 to vector<16xi32>
    %add3A_151 = arith.addi %add3A_150, %and3A_148 : vector<16xi32>
    %select_n3A_152 = arith.select %and3A_145, %sub3A_138, %add3A_151 : vector<16xi1>, vector<16xi32>
    %swap3A_153 = arith.constant 0 : i32
    %swap3A_154 = arith.constant 1 : i32
    %swap3A_155 = arith.index_cast %swap3A_153 : i32 to index
    %swap3A_156 = arith.index_cast %swap3A_154 : i32 to index
    %swap3A_157 = arith.constant 64 : index
    %swap3A_158 = tpu.vector_load %arg6[%swap3A_155, %swap3A_156, %swap3A_157] {strides = array<i32>} : memref<250x2x80xi32, #tpu.memory_space<vmem>>, vector<1x1x16xi32>,
    %swap3A_159 = vector.shape_cast %swap3A_158 : vector<1x1x16xi32> to vector<16xi32>
    %swap3A_160 = vector.shape_cast %select_n3A_152 : vector<16xi32> to vector<1x1x16xi32>
    tpu.vector_store %arg6[%swap3A_155, %swap3A_156, %swap3A_157], %swap3A_160 {strides = array<i32>} : memref<250x2x80xi32, #tpu.memory_space<vmem>>, vector<1x1x16xi32>,
    %scan3A = arith.constant 0 : i32
    %scan3A_161 = arith.constant 0 : i32
    %scan3A_162 = arith.constant 124 : i32
    %scan3A_163 = arith.addi %scan3A_161, %scan3A_162 : i32
    %scan3A_164 = arith.constant 1 : i32
    scf.for %scan3A_396 = %scan3A_161 to %scan3A_163 step %scan3A_164  : i32 {
      %mul3A_397 = arith.constant 2 : i32
      %mul3A_398 = arith.muli %mul3A_397, %scan3A_396 : i32
      %add3A_399 = arith.constant 1 : i32
      %add3A_400 = arith.addi %add3A_399, %mul3A_398 : i32
      %dma_start3A_401 = arith.constant 0 : i32
      %dma_start3A_402 = arith.constant 0 : i32
      %dma_start3A_403 = tpu.memref_slice %arg6[%add3A_400, %dma_start3A_401, %dma_start3A_402] : memref<250x2x80xi32, #tpu.memory_space<vmem>> -> memref<1x1x80xi32, #tpu.memory_space<vmem>>
      %dma_start3A_404 = tpu.memref_squeeze %dma_start3A_403 : memref<1x1x80xi32, #tpu.memory_space<vmem>> -> memref<80xi32, #tpu.memory_space<vmem>>
      %dma_start3A_405 = arith.constant 0 : i32
      %dma_start3A_406 = arith.constant 0 : i32
      %dma_start3A_407 = tpu.memref_slice %arg2[%dma_start3A_405, %dma_start3A_406] : memref<10000x128xf32, #tpu.memory_space<hbm>> -> memref<10000x128xf32, #tpu.memory_space<hbm>>
      tpu.enqueue_indirect_dma source(%dma_start3A_407 : memref<10000x128xf32, #tpu.memory_space<hbm>>) target(%arg8 : memref<80x128xf32, #tpu.memory_space<vmem>>) offsets(%dma_start3A_404 : memref<80xi32, #tpu.memory_space<vmem>>) semaphore(%arg11 : memref<!tpu.dma_semaphore, #tpu.memory_space<semaphore_mem>>)
      %get3A_408 = arith.constant 1 : i32
      %get3A_409 = arith.index_cast %add3A_400 : i32 to index
      %get3A_410 = arith.index_cast %get3A_408 : i32 to index
      %get3A_411 = arith.constant 0 : index
      %get3A_412 = tpu.vector_load %arg6[%get3A_409, %get3A_410, %get3A_411] {strides = array<i32>} : memref<250x2x80xi32, #tpu.memory_space<vmem>>, vector<1x1x16xi32>,
      %get3A_413 = vector.shape_cast %get3A_412 : vector<1x1x16xi32> to vector<16xi32>
      %sub3A_414 = vector.broadcast %mul3A_6 : i32 to vector<16xi32>
      %sub3A_415 = arith.subi %get3A_413, %sub3A_414 : vector<16xi32>
      %ge3A_416 = arith.constant 0 : i32
      %ge3A_417 = vector.broadcast %ge3A_416 : i32 to vector<16xi32>
      %ge3A_418 = arith.cmpi sge, %sub3A_415, %ge3A_417 : vector<16xi32>
      %lt3A_419 = arith.constant 5120 : i32
      %lt3A_420 = vector.broadcast %lt3A_419 : i32 to vector<16xi32>
      %lt3A_421 = arith.cmpi slt, %sub3A_415, %lt3A_420 : vector<16xi32>
      %and3A_422 = arith.andi %ge3A_418, %lt3A_421 : vector<16xi1>
      %and3A_423 = arith.constant 127 : i32
      %and3A_424 = vector.broadcast %and3A_423 : i32 to vector<16xi32>
      %and3A_425 = arith.andi %get3A_413, %and3A_424 : vector<16xi32>
      %add3A_426 = arith.constant 5120 : i32
      %add3A_427 = vector.broadcast %add3A_426 : i32 to vector<16xi32>
      %add3A_428 = arith.addi %add3A_427, %and3A_425 : vector<16xi32>
      %select_n3A_429 = arith.select %and3A_422, %sub3A_415, %add3A_428 : vector<16xi1>, vector<16xi32>
      %swap3A_430 = arith.constant 1 : i32
      %swap3A_431 = arith.index_cast %add3A_400 : i32 to index
      %swap3A_432 = arith.index_cast %swap3A_430 : i32 to index
      %swap3A_433 = arith.constant 0 : index
      %swap3A_434 = tpu.vector_load %arg6[%swap3A_431, %swap3A_432, %swap3A_433] {strides = array<i32>} : memref<250x2x80xi32, #tpu.memory_space<vmem>>, vector<1x1x16xi32>,
      %swap3A_435 = vector.shape_cast %swap3A_434 : vector<1x1x16xi32> to vector<16xi32>
      %swap3A_436 = vector.shape_cast %select_n3A_429 : vector<16xi32> to vector<1x1x16xi32>
      tpu.vector_store %arg6[%swap3A_431, %swap3A_432, %swap3A_433], %swap3A_436 {strides = array<i32>} : memref<250x2x80xi32, #tpu.memory_space<vmem>>, vector<1x1x16xi32>,
      %get3A_437 = arith.constant 1 : i32
      %get3A_438 = arith.index_cast %add3A_400 : i32 to index
      %get3A_439 = arith.index_cast %get3A_437 : i32 to index
      %get3A_440 = arith.constant 16 : index
      %get3A_441 = tpu.vector_load %arg6[%get3A_438, %get3A_439, %get3A_440] {strides = array<i32>} : memref<250x2x80xi32, #tpu.memory_space<vmem>>, vector<1x1x16xi32>,
      %get3A_442 = vector.shape_cast %get3A_441 : vector<1x1x16xi32> to vector<16xi32>
      %sub3A_443 = vector.broadcast %mul3A_6 : i32 to vector<16xi32>
      %sub3A_444 = arith.subi %get3A_442, %sub3A_443 : vector<16xi32>
      %ge3A_445 = arith.constant 0 : i32
      %ge3A_446 = vector.broadcast %ge3A_445 : i32 to vector<16xi32>
      %ge3A_447 = arith.cmpi sge, %sub3A_444, %ge3A_446 : vector<16xi32>
      %lt3A_448 = arith.constant 5120 : i32
      %lt3A_449 = vector.broadcast %lt3A_448 : i32 to vector<16xi32>
      %lt3A_450 = arith.cmpi slt, %sub3A_444, %lt3A_449 : vector<16xi32>
      %and3A_451 = arith.andi %ge3A_447, %lt3A_450 : vector<16xi1>
      %and3A_452 = arith.constant 127 : i32
      %and3A_453 = vector.broadcast %and3A_452 : i32 to vector<16xi32>
      %and3A_454 = arith.andi %get3A_442, %and3A_453 : vector<16xi32>
      %add3A_455 = arith.constant 5120 : i32
      %add3A_456 = vector.broadcast %add3A_455 : i32 to vector<16xi32>
      %add3A_457 = arith.addi %add3A_456, %and3A_454 : vector<16xi32>
      %select_n3A_458 = arith.select %and3A_451, %sub3A_444, %add3A_457 : vector<16xi1>, vector<16xi32>
      %swap3A_459 = arith.constant 1 : i32
      %swap3A_460 = arith.index_cast %add3A_400 : i32 to index
      %swap3A_461 = arith.index_cast %swap3A_459 : i32 to index
      %swap3A_462 = arith.constant 16 : index
      %swap3A_463 = tpu.vector_load %arg6[%swap3A_460, %swap3A_461, %swap3A_462] {strides = array<i32>} : memref<250x2x80xi32, #tpu.memory_space<vmem>>, vector<1x1x16xi32>,
      %swap3A_464 = vector.shape_cast %swap3A_463 : vector<1x1x16xi32> to vector<16xi32>
      %swap3A_465 = vector.shape_cast %select_n3A_458 : vector<16xi32> to vector<1x1x16xi32>
      tpu.vector_store %arg6[%swap3A_460, %swap3A_461, %swap3A_462], %swap3A_465 {strides = array<i32>} : memref<250x2x80xi32, #tpu.memory_space<vmem>>, vector<1x1x16xi32>,
      %get3A_466 = arith.constant 1 : i32
      %get3A_467 = arith.index_cast %add3A_400 : i32 to index
      %get3A_468 = arith.index_cast %get3A_466 : i32 to index
      %get3A_469 = arith.constant 32 : index
      %get3A_470 = tpu.vector_load %arg6[%get3A_467, %get3A_468, %get3A_469] {strides = array<i32>} : memref<250x2x80xi32, #tpu.memory_space<vmem>>, vector<1x1x16xi32>,
      %get3A_471 = vector.shape_cast %get3A_470 : vector<1x1x16xi32> to vector<16xi32>
      %sub3A_472 = vector.broadcast %mul3A_6 : i32 to vector<16xi32>
      %sub3A_473 = arith.subi %get3A_471, %sub3A_472 : vector<16xi32>
      %ge3A_474 = arith.constant 0 : i32
      %ge3A_475 = vector.broadcast %ge3A_474 : i32 to vector<16xi32>
      %ge3A_476 = arith.cmpi sge, %sub3A_473, %ge3A_475 : vector<16xi32>
      %lt3A_477 = arith.constant 5120 : i32
      %lt3A_478 = vector.broadcast %lt3A_477 : i32 to vector<16xi32>
      %lt3A_479 = arith.cmpi slt, %sub3A_473, %lt3A_478 : vector<16xi32>
      %and3A_480 = arith.andi %ge3A_476, %lt3A_479 : vector<16xi1>
      %and3A_481 = arith.constant 127 : i32
      %and3A_482 = vector.broadcast %and3A_481 : i32 to vector<16xi32>
      %and3A_483 = arith.andi %get3A_471, %and3A_482 : vector<16xi32>
      %add3A_484 = arith.constant 5120 : i32
      %add3A_485 = vector.broadcast %add3A_484 : i32 to vector<16xi32>
      %add3A_486 = arith.addi %add3A_485, %and3A_483 : vector<16xi32>
      %select_n3A_487 = arith.select %and3A_480, %sub3A_473, %add3A_486 : vector<16xi1>, vector<16xi32>
      %swap3A_488 = arith.constant 1 : i32
      %swap3A_489 = arith.index_cast %add3A_400 : i32 to index
      %swap3A_490 = arith.index_cast %swap3A_488 : i32 to index
      %swap3A_491 = arith.constant 32 : index
      %swap3A_492 = tpu.vector_load %arg6[%swap3A_489, %swap3A_490, %swap3A_491] {strides = array<i32>} : memref<250x2x80xi32, #tpu.memory_space<vmem>>, vector<1x1x16xi32>,
      %swap3A_493 = vector.shape_cast %swap3A_492 : vector<1x1x16xi32> to vector<16xi32>
      %swap3A_494 = vector.shape_cast %select_n3A_487 : vector<16xi32> to vector<1x1x16xi32>
      tpu.vector_store %arg6[%swap3A_489, %swap3A_490, %swap3A_491], %swap3A_494 {strides = array<i32>} : memref<250x2x80xi32, #tpu.memory_space<vmem>>, vector<1x1x16xi32>,
      %get3A_495 = arith.constant 1 : i32
      %get3A_496 = arith.index_cast %add3A_400 : i32 to index
      %get3A_497 = arith.index_cast %get3A_495 : i32 to index
      %get3A_498 = arith.constant 48 : index
      %get3A_499 = tpu.vector_load %arg6[%get3A_496, %get3A_497, %get3A_498] {strides = array<i32>} : memref<250x2x80xi32, #tpu.memory_space<vmem>>, vector<1x1x16xi32>,
      %get3A_500 = vector.shape_cast %get3A_499 : vector<1x1x16xi32> to vector<16xi32>
      %sub3A_501 = vector.broadcast %mul3A_6 : i32 to vector<16xi32>
      %sub3A_502 = arith.subi %get3A_500, %sub3A_501 : vector<16xi32>
      %ge3A_503 = arith.constant 0 : i32
      %ge3A_504 = vector.broadcast %ge3A_503 : i32 to vector<16xi32>
      %ge3A_505 = arith.cmpi sge, %sub3A_502, %ge3A_504 : vector<16xi32>
      %lt3A_506 = arith.constant 5120 : i32
      %lt3A_507 = vector.broadcast %lt3A_506 : i32 to vector<16xi32>
      %lt3A_508 = arith.cmpi slt, %sub3A_502, %lt3A_507 : vector<16xi32>
      %and3A_509 = arith.andi %ge3A_505, %lt3A_508 : vector<16xi1>
      %and3A_510 = arith.constant 127 : i32
      %and3A_511 = vector.broadcast %and3A_510 : i32 to vector<16xi32>
      %and3A_512 = arith.andi %get3A_500, %and3A_511 : vector<16xi32>
      %add3A_513 = arith.constant 5120 : i32
      %add3A_514 = vector.broadcast %add3A_513 : i32 to vector<16xi32>
      %add3A_515 = arith.addi %add3A_514, %and3A_512 : vector<16xi32>
      %select_n3A_516 = arith.select %and3A_509, %sub3A_502, %add3A_515 : vector<16xi1>, vector<16xi32>
      %swap3A_517 = arith.constant 1 : i32
      %swap3A_518 = arith.index_cast %add3A_400 : i32 to index
      %swap3A_519 = arith.index_cast %swap3A_517 : i32 to index
      %swap3A_520 = arith.constant 48 : index
      %swap3A_521 = tpu.vector_load %arg6[%swap3A_518, %swap3A_519, %swap3A_520] {strides = array<i32>} : memref<250x2x80xi32, #tpu.memory_space<vmem>>, vector<1x1x16xi32>,
      %swap3A_522 = vector.shape_cast %swap3A_521 : vector<1x1x16xi32> to vector<16xi32>
      %swap3A_523 = vector.shape_cast %select_n3A_516 : vector<16xi32> to vector<1x1x16xi32>
      tpu.vector_store %arg6[%swap3A_518, %swap3A_519, %swap3A_520], %swap3A_523 {strides = array<i32>} : memref<250x2x80xi32, #tpu.memory_space<vmem>>, vector<1x1x16xi32>,
      %get3A_524 = arith.constant 1 : i32
      %get3A_525 = arith.index_cast %add3A_400 : i32 to index
      %get3A_526 = arith.index_cast %get3A_524 : i32 to index
      %get3A_527 = arith.constant 64 : index
      %get3A_528 = tpu.vector_load %arg6[%get3A_525, %get3A_526, %get3A_527] {strides = array<i32>} : memref<250x2x80xi32, #tpu.memory_space<vmem>>, vector<1x1x16xi32>,
      %get3A_529 = vector.shape_cast %get3A_528 : vector<1x1x16xi32> to vector<16xi32>
      %sub3A_530 = vector.broadcast %mul3A_6 : i32 to vector<16xi32>
      %sub3A_531 = arith.subi %get3A_529, %sub3A_530 : vector<16xi32>
      %ge3A_532 = arith.constant 0 : i32
      %ge3A_533 = vector.broadcast %ge3A_532 : i32 to vector<16xi32>
      %ge3A_534 = arith.cmpi sge, %sub3A_531, %ge3A_533 : vector<16xi32>
      %lt3A_535 = arith.constant 5120 : i32
      %lt3A_536 = vector.broadcast %lt3A_535 : i32 to vector<16xi32>
      %lt3A_537 = arith.cmpi slt, %sub3A_531, %lt3A_536 : vector<16xi32>
      %and3A_538 = arith.andi %ge3A_534, %lt3A_537 : vector<16xi1>
      %and3A_539 = arith.constant 127 : i32
      %and3A_540 = vector.broadcast %and3A_539 : i32 to vector<16xi32>
      %and3A_541 = arith.andi %get3A_529, %and3A_540 : vector<16xi32>
      %add3A_542 = arith.constant 5120 : i32
      %add3A_543 = vector.broadcast %add3A_542 : i32 to vector<16xi32>
      %add3A_544 = arith.addi %add3A_543, %and3A_541 : vector<16xi32>
      %select_n3A_545 = arith.select %and3A_538, %sub3A_531, %add3A_544 : vector<16xi1>, vector<16xi32>
      %swap3A_546 = arith.constant 1 : i32
      %swap3A_547 = arith.index_cast %add3A_400 : i32 to index
      %swap3A_548 = arith.index_cast %swap3A_546 : i32 to index
      %swap3A_549 = arith.constant 64 : index
      %swap3A_550 = tpu.vector_load %arg6[%swap3A_547, %swap3A_548, %swap3A_549] {strides = array<i32>} : memref<250x2x80xi32, #tpu.memory_space<vmem>>, vector<1x1x16xi32>,
      %swap3A_551 = vector.shape_cast %swap3A_550 : vector<1x1x16xi32> to vector<16xi32>
      %swap3A_552 = vector.shape_cast %select_n3A_545 : vector<16xi32> to vector<1x1x16xi32>
      tpu.vector_store %arg6[%swap3A_547, %swap3A_548, %swap3A_549], %swap3A_552 {strides = array<i32>} : memref<250x2x80xi32, #tpu.memory_space<vmem>>, vector<1x1x16xi32>,
      %sub3A_553 = arith.constant 1 : i32
      %sub3A_554 = arith.subi %add3A_400, %sub3A_553 : i32
      %dma_wait3A_555 = arith.constant 0 : i32
      %dma_wait3A_556 = arith.constant 0 : i32
      %dma_wait3A_557 = tpu.memref_slice %arg6[%sub3A_554, %dma_wait3A_555, %dma_wait3A_556] : memref<250x2x80xi32, #tpu.memory_space<vmem>> -> memref<1x1x80xi32, #tpu.memory_space<vmem>>
      %dma_wait3A_558 = tpu.memref_squeeze %dma_wait3A_557 : memref<1x1x80xi32, #tpu.memory_space<vmem>> -> memref<80xi32, #tpu.memory_space<vmem>>
      %dma_wait3A_559 = arith.constant 0 : i32
      %dma_wait3A_560 = arith.constant 0 : i32
      %dma_wait3A_561 = tpu.memref_slice %arg2[%dma_wait3A_559, %dma_wait3A_560] : memref<10000x128xf32, #tpu.memory_space<hbm>> -> memref<10000x128xf32, #tpu.memory_space<hbm>>
      tpu.wait_indirect_dma semaphore(%arg10 : memref<!tpu.dma_semaphore, #tpu.memory_space<semaphore_mem>>) src(%dma_wait3A_561 : memref<10000x128xf32, #tpu.memory_space<hbm>>) dst(%arg7 : memref<80x128xf32, #tpu.memory_space<vmem>>)
      %run_scoped3A_562 = arith.constant 1 : i32
      "tpu.region"() ({
        %run_scoped3A_725 = tpu.sem_alloc : memref<!tpu.dma_semaphore, #tpu.memory_space<semaphore_mem>>
        %dma_start3A_726 = arith.constant 0 : i32
        %dma_start3A_727 = tpu.memref_slice %arg6[%sub3A_554, %run_scoped3A_562, %dma_start3A_726] : memref<250x2x80xi32, #tpu.memory_space<vmem>> -> memref<1x1x80xi32, #tpu.memory_space<vmem>>
        %dma_start3A_728 = tpu.memref_squeeze %dma_start3A_727 : memref<1x1x80xi32, #tpu.memory_space<vmem>> -> memref<80xi32, #tpu.memory_space<vmem>>
        %dma_start3A_729 = arith.constant 0 : i32
        %dma_start3A_730 = arith.constant 0 : i32
        %dma_start3A_731 = tpu.memref_slice %arg9[%dma_start3A_729, %dma_start3A_730] : memref<5248x128xf32, #tpu.memory_space<vmem_shared>> -> memref<5248x128xf32, #tpu.memory_space<vmem_shared>>
        tpu.enqueue_indirect_dma source(%arg7 : memref<80x128xf32, #tpu.memory_space<vmem>>) target(%dma_start3A_731 : memref<5248x128xf32, #tpu.memory_space<vmem_shared>>) offsets(%dma_start3A_728 : memref<80xi32, #tpu.memory_space<vmem>>) semaphore(%run_scoped3A_725 : memref<!tpu.dma_semaphore, #tpu.memory_space<semaphore_mem>>) {add = true}
        %dma_wait3A_732 = arith.constant 0 : i32
        %dma_wait3A_733 = tpu.memref_slice %arg6[%sub3A_554, %run_scoped3A_562, %dma_wait3A_732] : memref<250x2x80xi32, #tpu.memory_space<vmem>> -> memref<1x1x80xi32, #tpu.memory_space<vmem>>
        %dma_wait3A_734 = tpu.memref_squeeze %dma_wait3A_733 : memref<1x1x80xi32, #tpu.memory_space<vmem>> -> memref<80xi32, #tpu.memory_space<vmem>>
        %dma_wait3A_735 = arith.constant 0 : i32
        %dma_wait3A_736 = arith.constant 0 : i32
        %dma_wait3A_737 = tpu.memref_slice %arg9[%dma_wait3A_735, %dma_wait3A_736] : memref<5248x128xf32, #tpu.memory_space<vmem_shared>> -> memref<5248x128xf32, #tpu.memory_space<vmem_shared>>
        tpu.wait_indirect_dma semaphore(%run_scoped3A_725 : memref<!tpu.dma_semaphore, #tpu.memory_space<semaphore_mem>>) src(%arg7 : memref<80x128xf32, #tpu.memory_space<vmem>>) dst(%dma_wait3A_737 : memref<5248x128xf32, #tpu.memory_space<vmem_shared>>)
        tpu.yield
      }) : () -> ()
      %add3A_563 = arith.constant 1 : i32
      %add3A_564 = arith.addi %add3A_400, %add3A_563 : i32
      %dma_start3A_565 = arith.constant 0 : i32
      %dma_start3A_566 = arith.constant 0 : i32
      %dma_start3A_567 = tpu.memref_slice %arg6[%add3A_564, %dma_start3A_565, %dma_start3A_566] : memref<250x2x80xi32, #tpu.memory_space<vmem>> -> memref<1x1x80xi32, #tpu.memory_space<vmem>>
      %dma_start3A_568 = tpu.memref_squeeze %dma_start3A_567 : memref<1x1x80xi32, #tpu.memory_space<vmem>> -> memref<80xi32, #tpu.memory_space<vmem>>
      %dma_start3A_569 = arith.constant 0 : i32
      %dma_start3A_570 = arith.constant 0 : i32
      %dma_start3A_571 = tpu.memref_slice %arg2[%dma_start3A_569, %dma_start3A_570] : memref<10000x128xf32, #tpu.memory_space<hbm>> -> memref<10000x128xf32, #tpu.memory_space<hbm>>
      tpu.enqueue_indirect_dma source(%dma_start3A_571 : memref<10000x128xf32, #tpu.memory_space<hbm>>) target(%arg7 : memref<80x128xf32, #tpu.memory_space<vmem>>) offsets(%dma_start3A_568 : memref<80xi32, #tpu.memory_space<vmem>>) semaphore(%arg10 : memref<!tpu.dma_semaphore, #tpu.memory_space<semaphore_mem>>)
      %get3A_572 = arith.constant 1 : i32
      %get3A_573 = arith.index_cast %add3A_564 : i32 to index
      %get3A_574 = arith.index_cast %get3A_572 : i32 to index
      %get3A_575 = arith.constant 0 : index
      %get3A_576 = tpu.vector_load %arg6[%get3A_573, %get3A_574, %get3A_575] {strides = array<i32>} : memref<250x2x80xi32, #tpu.memory_space<vmem>>, vector<1x1x16xi32>,
      %get3A_577 = vector.shape_cast %get3A_576 : vector<1x1x16xi32> to vector<16xi32>
      %sub3A_578 = vector.broadcast %mul3A_6 : i32 to vector<16xi32>
      %sub3A_579 = arith.subi %get3A_577, %sub3A_578 : vector<16xi32>
      %ge3A_580 = arith.constant 0 : i32
      %ge3A_581 = vector.broadcast %ge3A_580 : i32 to vector<16xi32>
      %ge3A_582 = arith.cmpi sge, %sub3A_579, %ge3A_581 : vector<16xi32>
      %lt3A_583 = arith.constant 5120 : i32
      %lt3A_584 = vector.broadcast %lt3A_583 : i32 to vector<16xi32>
      %lt3A_585 = arith.cmpi slt, %sub3A_579, %lt3A_584 : vector<16xi32>
      %and3A_586 = arith.andi %ge3A_582, %lt3A_585 : vector<16xi1>
      %and3A_587 = arith.constant 127 : i32
      %and3A_588 = vector.broadcast %and3A_587 : i32 to vector<16xi32>
      %and3A_589 = arith.andi %get3A_577, %and3A_588 : vector<16xi32>
      %add3A_590 = arith.constant 5120 : i32
      %add3A_591 = vector.broadcast %add3A_590 : i32 to vector<16xi32>
      %add3A_592 = arith.addi %add3A_591, %and3A_589 : vector<16xi32>
      %select_n3A_593 = arith.select %and3A_586, %sub3A_579, %add3A_592 : vector<16xi1>, vector<16xi32>
      %swap3A_594 = arith.constant 1 : i32
      %swap3A_595 = arith.index_cast %add3A_564 : i32 to index
      %swap3A_596 = arith.index_cast %swap3A_594 : i32 to index
      %swap3A_597 = arith.constant 0 : index
      %swap3A_598 = tpu.vector_load %arg6[%swap3A_595, %swap3A_596, %swap3A_597] {strides = array<i32>} : memref<250x2x80xi32, #tpu.memory_space<vmem>>, vector<1x1x16xi32>,
      %swap3A_599 = vector.shape_cast %swap3A_598 : vector<1x1x16xi32> to vector<16xi32>
      %swap3A_600 = vector.shape_cast %select_n3A_593 : vector<16xi32> to vector<1x1x16xi32>
      tpu.vector_store %arg6[%swap3A_595, %swap3A_596, %swap3A_597], %swap3A_600 {strides = array<i32>} : memref<250x2x80xi32, #tpu.memory_space<vmem>>, vector<1x1x16xi32>,
      %get3A_601 = arith.constant 1 : i32
      %get3A_602 = arith.index_cast %add3A_564 : i32 to index
      %get3A_603 = arith.index_cast %get3A_601 : i32 to index
      %get3A_604 = arith.constant 16 : index
      %get3A_605 = tpu.vector_load %arg6[%get3A_602, %get3A_603, %get3A_604] {strides = array<i32>} : memref<250x2x80xi32, #tpu.memory_space<vmem>>, vector<1x1x16xi32>,
      %get3A_606 = vector.shape_cast %get3A_605 : vector<1x1x16xi32> to vector<16xi32>
      %sub3A_607 = vector.broadcast %mul3A_6 : i32 to vector<16xi32>
      %sub3A_608 = arith.subi %get3A_606, %sub3A_607 : vector<16xi32>
      %ge3A_609 = arith.constant 0 : i32
      %ge3A_610 = vector.broadcast %ge3A_609 : i32 to vector<16xi32>
      %ge3A_611 = arith.cmpi sge, %sub3A_608, %ge3A_610 : vector<16xi32>
      %lt3A_612 = arith.constant 5120 : i32
      %lt3A_613 = vector.broadcast %lt3A_612 : i32 to vector<16xi32>
      %lt3A_614 = arith.cmpi slt, %sub3A_608, %lt3A_613 : vector<16xi32>
      %and3A_615 = arith.andi %ge3A_611, %lt3A_614 : vector<16xi1>
      %and3A_616 = arith.constant 127 : i32
      %and3A_617 = vector.broadcast %and3A_616 : i32 to vector<16xi32>
      %and3A_618 = arith.andi %get3A_606, %and3A_617 : vector<16xi32>
      %add3A_619 = arith.constant 5120 : i32
      %add3A_620 = vector.broadcast %add3A_619 : i32 to vector<16xi32>
      %add3A_621 = arith.addi %add3A_620, %and3A_618 : vector<16xi32>
      %select_n3A_622 = arith.select %and3A_615, %sub3A_608, %add3A_621 : vector<16xi1>, vector<16xi32>
      %swap3A_623 = arith.constant 1 : i32
      %swap3A_624 = arith.index_cast %add3A_564 : i32 to index
      %swap3A_625 = arith.index_cast %swap3A_623 : i32 to index
      %swap3A_626 = arith.constant 16 : index
      %swap3A_627 = tpu.vector_load %arg6[%swap3A_624, %swap3A_625, %swap3A_626] {strides = array<i32>} : memref<250x2x80xi32, #tpu.memory_space<vmem>>, vector<1x1x16xi32>,
      %swap3A_628 = vector.shape_cast %swap3A_627 : vector<1x1x16xi32> to vector<16xi32>
      %swap3A_629 = vector.shape_cast %select_n3A_622 : vector<16xi32> to vector<1x1x16xi32>
      tpu.vector_store %arg6[%swap3A_624, %swap3A_625, %swap3A_626], %swap3A_629 {strides = array<i32>} : memref<250x2x80xi32, #tpu.memory_space<vmem>>, vector<1x1x16xi32>,
      %get3A_630 = arith.constant 1 : i32
      %get3A_631 = arith.index_cast %add3A_564 : i32 to index
      %get3A_632 = arith.index_cast %get3A_630 : i32 to index
      %get3A_633 = arith.constant 32 : index
      %get3A_634 = tpu.vector_load %arg6[%get3A_631, %get3A_632, %get3A_633] {strides = array<i32>} : memref<250x2x80xi32, #tpu.memory_space<vmem>>, vector<1x1x16xi32>,
      %get3A_635 = vector.shape_cast %get3A_634 : vector<1x1x16xi32> to vector<16xi32>
      %sub3A_636 = vector.broadcast %mul3A_6 : i32 to vector<16xi32>
      %sub3A_637 = arith.subi %get3A_635, %sub3A_636 : vector<16xi32>
      %ge3A_638 = arith.constant 0 : i32
      %ge3A_639 = vector.broadcast %ge3A_638 : i32 to vector<16xi32>
      %ge3A_640 = arith.cmpi sge, %sub3A_637, %ge3A_639 : vector<16xi32>
      %lt3A_641 = arith.constant 5120 : i32
      %lt3A_642 = vector.broadcast %lt3A_641 : i32 to vector<16xi32>
      %lt3A_643 = arith.cmpi slt, %sub3A_637, %lt3A_642 : vector<16xi32>
      %and3A_644 = arith.andi %ge3A_640, %lt3A_643 : vector<16xi1>
      %and3A_645 = arith.constant 127 : i32
      %and3A_646 = vector.broadcast %and3A_645 : i32 to vector<16xi32>
      %and3A_647 = arith.andi %get3A_635, %and3A_646 : vector<16xi32>
      %add3A_648 = arith.constant 5120 : i32
      %add3A_649 = vector.broadcast %add3A_648 : i32 to vector<16xi32>
      %add3A_650 = arith.addi %add3A_649, %and3A_647 : vector<16xi32>
      %select_n3A_651 = arith.select %and3A_644, %sub3A_637, %add3A_650 : vector<16xi1>, vector<16xi32>
      %swap3A_652 = arith.constant 1 : i32
      %swap3A_653 = arith.index_cast %add3A_564 : i32 to index
      %swap3A_654 = arith.index_cast %swap3A_652 : i32 to index
      %swap3A_655 = arith.constant 32 : index
      %swap3A_656 = tpu.vector_load %arg6[%swap3A_653, %swap3A_654, %swap3A_655] {strides = array<i32>} : memref<250x2x80xi32, #tpu.memory_space<vmem>>, vector<1x1x16xi32>,
      %swap3A_657 = vector.shape_cast %swap3A_656 : vector<1x1x16xi32> to vector<16xi32>
      %swap3A_658 = vector.shape_cast %select_n3A_651 : vector<16xi32> to vector<1x1x16xi32>
      tpu.vector_store %arg6[%swap3A_653, %swap3A_654, %swap3A_655], %swap3A_658 {strides = array<i32>} : memref<250x2x80xi32, #tpu.memory_space<vmem>>, vector<1x1x16xi32>,
      %get3A_659 = arith.constant 1 : i32
      %get3A_660 = arith.index_cast %add3A_564 : i32 to index
      %get3A_661 = arith.index_cast %get3A_659 : i32 to index
      %get3A_662 = arith.constant 48 : index
      %get3A_663 = tpu.vector_load %arg6[%get3A_660, %get3A_661, %get3A_662] {strides = array<i32>} : memref<250x2x80xi32, #tpu.memory_space<vmem>>, vector<1x1x16xi32>,
      %get3A_664 = vector.shape_cast %get3A_663 : vector<1x1x16xi32> to vector<16xi32>
      %sub3A_665 = vector.broadcast %mul3A_6 : i32 to vector<16xi32>
      %sub3A_666 = arith.subi %get3A_664, %sub3A_665 : vector<16xi32>
      %ge3A_667 = arith.constant 0 : i32
      %ge3A_668 = vector.broadcast %ge3A_667 : i32 to vector<16xi32>
      %ge3A_669 = arith.cmpi sge, %sub3A_666, %ge3A_668 : vector<16xi32>
      %lt3A_670 = arith.constant 5120 : i32
      %lt3A_671 = vector.broadcast %lt3A_670 : i32 to vector<16xi32>
      %lt3A_672 = arith.cmpi slt, %sub3A_666, %lt3A_671 : vector<16xi32>
      %and3A_673 = arith.andi %ge3A_669, %lt3A_672 : vector<16xi1>
      %and3A_674 = arith.constant 127 : i32
      %and3A_675 = vector.broadcast %and3A_674 : i32 to vector<16xi32>
      %and3A_676 = arith.andi %get3A_664, %and3A_675 : vector<16xi32>
      %add3A_677 = arith.constant 5120 : i32
      %add3A_678 = vector.broadcast %add3A_677 : i32 to vector<16xi32>
      %add3A_679 = arith.addi %add3A_678, %and3A_676 : vector<16xi32>
      %select_n3A_680 = arith.select %and3A_673, %sub3A_666, %add3A_679 : vector<16xi1>, vector<16xi32>
      %swap3A_681 = arith.constant 1 : i32
      %swap3A_682 = arith.index_cast %add3A_564 : i32 to index
      %swap3A_683 = arith.index_cast %swap3A_681 : i32 to index
      %swap3A_684 = arith.constant 48 : index
      %swap3A_685 = tpu.vector_load %arg6[%swap3A_682, %swap3A_683, %swap3A_684] {strides = array<i32>} : memref<250x2x80xi32, #tpu.memory_space<vmem>>, vector<1x1x16xi32>,
      %swap3A_686 = vector.shape_cast %swap3A_685 : vector<1x1x16xi32> to vector<16xi32>
      %swap3A_687 = vector.shape_cast %select_n3A_680 : vector<16xi32> to vector<1x1x16xi32>
      tpu.vector_store %arg6[%swap3A_682, %swap3A_683, %swap3A_684], %swap3A_687 {strides = array<i32>} : memref<250x2x80xi32, #tpu.memory_space<vmem>>, vector<1x1x16xi32>,
      %get3A_688 = arith.constant 1 : i32
      %get3A_689 = arith.index_cast %add3A_564 : i32 to index
      %get3A_690 = arith.index_cast %get3A_688 : i32 to index
      %get3A_691 = arith.constant 64 : index
      %get3A_692 = tpu.vector_load %arg6[%get3A_689, %get3A_690, %get3A_691] {strides = array<i32>} : memref<250x2x80xi32, #tpu.memory_space<vmem>>, vector<1x1x16xi32>,
      %get3A_693 = vector.shape_cast %get3A_692 : vector<1x1x16xi32> to vector<16xi32>
      %sub3A_694 = vector.broadcast %mul3A_6 : i32 to vector<16xi32>
      %sub3A_695 = arith.subi %get3A_693, %sub3A_694 : vector<16xi32>
      %ge3A_696 = arith.constant 0 : i32
      %ge3A_697 = vector.broadcast %ge3A_696 : i32 to vector<16xi32>
      %ge3A_698 = arith.cmpi sge, %sub3A_695, %ge3A_697 : vector<16xi32>
      %lt3A_699 = arith.constant 5120 : i32
      %lt3A_700 = vector.broadcast %lt3A_699 : i32 to vector<16xi32>
      %lt3A_701 = arith.cmpi slt, %sub3A_695, %lt3A_700 : vector<16xi32>
      %and3A_702 = arith.andi %ge3A_698, %lt3A_701 : vector<16xi1>
      %and3A_703 = arith.constant 127 : i32
      %and3A_704 = vector.broadcast %and3A_703 : i32 to vector<16xi32>
      %and3A_705 = arith.andi %get3A_693, %and3A_704 : vector<16xi32>
      %add3A_706 = arith.constant 5120 : i32
      %add3A_707 = vector.broadcast %add3A_706 : i32 to vector<16xi32>
      %add3A_708 = arith.addi %add3A_707, %and3A_705 : vector<16xi32>
      %select_n3A_709 = arith.select %and3A_702, %sub3A_695, %add3A_708 : vector<16xi1>, vector<16xi32>
      %swap3A_710 = arith.constant 1 : i32
      %swap3A_711 = arith.index_cast %add3A_564 : i32 to index
      %swap3A_712 = arith.index_cast %swap3A_710 : i32 to index
      %swap3A_713 = arith.constant 64 : index
      %swap3A_714 = tpu.vector_load %arg6[%swap3A_711, %swap3A_712, %swap3A_713] {strides = array<i32>} : memref<250x2x80xi32, #tpu.memory_space<vmem>>, vector<1x1x16xi32>,
      %swap3A_715 = vector.shape_cast %swap3A_714 : vector<1x1x16xi32> to vector<16xi32>
      %swap3A_716 = vector.shape_cast %select_n3A_709 : vector<16xi32> to vector<1x1x16xi32>
      tpu.vector_store %arg6[%swap3A_711, %swap3A_712, %swap3A_713], %swap3A_716 {strides = array<i32>} : memref<250x2x80xi32, #tpu.memory_space<vmem>>, vector<1x1x16xi32>,
      %dma_wait3A_717 = arith.constant 0 : i32
      %dma_wait3A_718 = arith.constant 0 : i32
      %dma_wait3A_719 = tpu.memref_slice %arg6[%add3A_400, %dma_wait3A_717, %dma_wait3A_718] : memref<250x2x80xi32, #tpu.memory_space<vmem>> -> memref<1x1x80xi32, #tpu.memory_space<vmem>>
      %dma_wait3A_720 = tpu.memref_squeeze %dma_wait3A_719 : memref<1x1x80xi32, #tpu.memory_space<vmem>> -> memref<80xi32, #tpu.memory_space<vmem>>
      %dma_wait3A_721 = arith.constant 0 : i32
      %dma_wait3A_722 = arith.constant 0 : i32
      %dma_wait3A_723 = tpu.memref_slice %arg2[%dma_wait3A_721, %dma_wait3A_722] : memref<10000x128xf32, #tpu.memory_space<hbm>> -> memref<10000x128xf32, #tpu.memory_space<hbm>>
      tpu.wait_indirect_dma semaphore(%arg11 : memref<!tpu.dma_semaphore, #tpu.memory_space<semaphore_mem>>) src(%dma_wait3A_723 : memref<10000x128xf32, #tpu.memory_space<hbm>>) dst(%arg8 : memref<80x128xf32, #tpu.memory_space<vmem>>)
      %run_scoped3A_724 = arith.constant 1 : i32
      "tpu.region"() ({
        %run_scoped3A_725 = tpu.sem_alloc : memref<!tpu.dma_semaphore, #tpu.memory_space<semaphore_mem>>
        %dma_start3A_726 = arith.constant 0 : i32
        %dma_start3A_727 = tpu.memref_slice %arg6[%add3A_400, %run_scoped3A_724, %dma_start3A_726] : memref<250x2x80xi32, #tpu.memory_space<vmem>> -> memref<1x1x80xi32, #tpu.memory_space<vmem>>
        %dma_start3A_728 = tpu.memref_squeeze %dma_start3A_727 : memref<1x1x80xi32, #tpu.memory_space<vmem>> -> memref<80xi32, #tpu.memory_space<vmem>>
        %dma_start3A_729 = arith.constant 0 : i32
        %dma_start3A_730 = arith.constant 0 : i32
        %dma_start3A_731 = tpu.memref_slice %arg9[%dma_start3A_729, %dma_start3A_730] : memref<5248x128xf32, #tpu.memory_space<vmem_shared>> -> memref<5248x128xf32, #tpu.memory_space<vmem_shared>>
        tpu.enqueue_indirect_dma source(%arg8 : memref<80x128xf32, #tpu.memory_space<vmem>>) target(%dma_start3A_731 : memref<5248x128xf32, #tpu.memory_space<vmem_shared>>) offsets(%dma_start3A_728 : memref<80xi32, #tpu.memory_space<vmem>>) semaphore(%run_scoped3A_725 : memref<!tpu.dma_semaphore, #tpu.memory_space<semaphore_mem>>) {add = true}
        %dma_wait3A_732 = arith.constant 0 : i32
        %dma_wait3A_733 = tpu.memref_slice %arg6[%add3A_400, %run_scoped3A_724, %dma_wait3A_732] : memref<250x2x80xi32, #tpu.memory_space<vmem>> -> memref<1x1x80xi32, #tpu.memory_space<vmem>>
        %dma_wait3A_734 = tpu.memref_squeeze %dma_wait3A_733 : memref<1x1x80xi32, #tpu.memory_space<vmem>> -> memref<80xi32, #tpu.memory_space<vmem>>
        %dma_wait3A_735 = arith.constant 0 : i32
        %dma_wait3A_736 = arith.constant 0 : i32
        %dma_wait3A_737 = tpu.memref_slice %arg9[%dma_wait3A_735, %dma_wait3A_736] : memref<5248x128xf32, #tpu.memory_space<vmem_shared>> -> memref<5248x128xf32, #tpu.memory_space<vmem_shared>>
        tpu.wait_indirect_dma semaphore(%run_scoped3A_725 : memref<!tpu.dma_semaphore, #tpu.memory_space<semaphore_mem>>) src(%arg8 : memref<80x128xf32, #tpu.memory_space<vmem>>) dst(%dma_wait3A_737 : memref<5248x128xf32, #tpu.memory_space<vmem_shared>>)
        tpu.yield
      }) : () -> ()
    }
    %scan3A_165 = arith.constant 124 : i32
    %dma_start3A_166 = arith.constant 249 : i32
    %dma_start3A_167 = arith.constant 0 : i32
    %dma_start3A_168 = arith.constant 0 : i32
    %dma_start3A_169 = tpu.memref_slice %arg6[%dma_start3A_166, %dma_start3A_167, %dma_start3A_168] : memref<250x2x80xi32, #tpu.memory_space<vmem>> -> memref<1x1x80xi32, #tpu.memory_space<vmem>>
    %dma_start3A_170 = tpu.memref_squeeze %dma_start3A_169 : memref<1x1x80xi32, #tpu.memory_space<vmem>> -> memref<80xi32, #tpu.memory_space<vmem>>
    %dma_start3A_171 = arith.constant 0 : i32
    %dma_start3A_172 = arith.constant 0 : i32
    %dma_start3A_173 = tpu.memref_slice %arg2[%dma_start3A_171, %dma_start3A_172] : memref<10000x128xf32, #tpu.memory_space<hbm>> -> memref<10000x128xf32, #tpu.memory_space<hbm>>
    tpu.enqueue_indirect_dma source(%dma_start3A_173 : memref<10000x128xf32, #tpu.memory_space<hbm>>) target(%arg8 : memref<80x128xf32, #tpu.memory_space<vmem>>) offsets(%dma_start3A_170 : memref<80xi32, #tpu.memory_space<vmem>>) semaphore(%arg11 : memref<!tpu.dma_semaphore, #tpu.memory_space<semaphore_mem>>)
    %get3A_174 = arith.constant 249 : i32
    %get3A_175 = arith.constant 1 : i32
    %get3A_176 = arith.index_cast %get3A_174 : i32 to index
    %get3A_177 = arith.index_cast %get3A_175 : i32 to index
    %get3A_178 = arith.constant 0 : index
    %get3A_179 = tpu.vector_load %arg6[%get3A_176, %get3A_177, %get3A_178] {strides = array<i32>} : memref<250x2x80xi32, #tpu.memory_space<vmem>>, vector<1x1x16xi32>,
    %get3A_180 = vector.shape_cast %get3A_179 : vector<1x1x16xi32> to vector<16xi32>
    %sub3A_181 = vector.broadcast %mul3A_6 : i32 to vector<16xi32>
    %sub3A_182 = arith.subi %get3A_180, %sub3A_181 : vector<16xi32>
    %ge3A_183 = arith.constant 0 : i32
    %ge3A_184 = vector.broadcast %ge3A_183 : i32 to vector<16xi32>
    %ge3A_185 = arith.cmpi sge, %sub3A_182, %ge3A_184 : vector<16xi32>
    %lt3A_186 = arith.constant 5120 : i32
    %lt3A_187 = vector.broadcast %lt3A_186 : i32 to vector<16xi32>
    %lt3A_188 = arith.cmpi slt, %sub3A_182, %lt3A_187 : vector<16xi32>
    %and3A_189 = arith.andi %ge3A_185, %lt3A_188 : vector<16xi1>
    %and3A_190 = arith.constant 127 : i32
    %and3A_191 = vector.broadcast %and3A_190 : i32 to vector<16xi32>
    %and3A_192 = arith.andi %get3A_180, %and3A_191 : vector<16xi32>
    %add3A_193 = arith.constant 5120 : i32
    %add3A_194 = vector.broadcast %add3A_193 : i32 to vector<16xi32>
    %add3A_195 = arith.addi %add3A_194, %and3A_192 : vector<16xi32>
    %select_n3A_196 = arith.select %and3A_189, %sub3A_182, %add3A_195 : vector<16xi1>, vector<16xi32>
    %swap3A_197 = arith.constant 249 : i32
    %swap3A_198 = arith.constant 1 : i32
    %swap3A_199 = arith.index_cast %swap3A_197 : i32 to index
    %swap3A_200 = arith.index_cast %swap3A_198 : i32 to index
    %swap3A_201 = arith.constant 0 : index
    %swap3A_202 = tpu.vector_load %arg6[%swap3A_199, %swap3A_200, %swap3A_201] {strides = array<i32>} : memref<250x2x80xi32, #tpu.memory_space<vmem>>, vector<1x1x16xi32>,
    %swap3A_203 = vector.shape_cast %swap3A_202 : vector<1x1x16xi32> to vector<16xi32>
    %swap3A_204 = vector.shape_cast %select_n3A_196 : vector<16xi32> to vector<1x1x16xi32>
    tpu.vector_store %arg6[%swap3A_199, %swap3A_200, %swap3A_201], %swap3A_204 {strides = array<i32>} : memref<250x2x80xi32, #tpu.memory_space<vmem>>, vector<1x1x16xi32>,
    %get3A_205 = arith.constant 249 : i32
    %get3A_206 = arith.constant 1 : i32
    %get3A_207 = arith.index_cast %get3A_205 : i32 to index
    %get3A_208 = arith.index_cast %get3A_206 : i32 to index
    %get3A_209 = arith.constant 16 : index
    %get3A_210 = tpu.vector_load %arg6[%get3A_207, %get3A_208, %get3A_209] {strides = array<i32>} : memref<250x2x80xi32, #tpu.memory_space<vmem>>, vector<1x1x16xi32>,
    %get3A_211 = vector.shape_cast %get3A_210 : vector<1x1x16xi32> to vector<16xi32>
    %sub3A_212 = vector.broadcast %mul3A_6 : i32 to vector<16xi32>
    %sub3A_213 = arith.subi %get3A_211, %sub3A_212 : vector<16xi32>
    %ge3A_214 = arith.constant 0 : i32
    %ge3A_215 = vector.broadcast %ge3A_214 : i32 to vector<16xi32>
    %ge3A_216 = arith.cmpi sge, %sub3A_213, %ge3A_215 : vector<16xi32>
    %lt3A_217 = arith.constant 5120 : i32
    %lt3A_218 = vector.broadcast %lt3A_217 : i32 to vector<16xi32>
    %lt3A_219 = arith.cmpi slt, %sub3A_213, %lt3A_218 : vector<16xi32>
    %and3A_220 = arith.andi %ge3A_216, %lt3A_219 : vector<16xi1>
    %and3A_221 = arith.constant 127 : i32
    %and3A_222 = vector.broadcast %and3A_221 : i32 to vector<16xi32>
    %and3A_223 = arith.andi %get3A_211, %and3A_222 : vector<16xi32>
    %add3A_224 = arith.constant 5120 : i32
    %add3A_225 = vector.broadcast %add3A_224 : i32 to vector<16xi32>
    %add3A_226 = arith.addi %add3A_225, %and3A_223 : vector<16xi32>
    %select_n3A_227 = arith.select %and3A_220, %sub3A_213, %add3A_226 : vector<16xi1>, vector<16xi32>
    %swap3A_228 = arith.constant 249 : i32
    %swap3A_229 = arith.constant 1 : i32
    %swap3A_230 = arith.index_cast %swap3A_228 : i32 to index
    %swap3A_231 = arith.index_cast %swap3A_229 : i32 to index
    %swap3A_232 = arith.constant 16 : index
    %swap3A_233 = tpu.vector_load %arg6[%swap3A_230, %swap3A_231, %swap3A_232] {strides = array<i32>} : memref<250x2x80xi32, #tpu.memory_space<vmem>>, vector<1x1x16xi32>,
    %swap3A_234 = vector.shape_cast %swap3A_233 : vector<1x1x16xi32> to vector<16xi32>
    %swap3A_235 = vector.shape_cast %select_n3A_227 : vector<16xi32> to vector<1x1x16xi32>
    tpu.vector_store %arg6[%swap3A_230, %swap3A_231, %swap3A_232], %swap3A_235 {strides = array<i32>} : memref<250x2x80xi32, #tpu.memory_space<vmem>>, vector<1x1x16xi32>,
    %get3A_236 = arith.constant 249 : i32
    %get3A_237 = arith.constant 1 : i32
    %get3A_238 = arith.index_cast %get3A_236 : i32 to index
    %get3A_239 = arith.index_cast %get3A_237 : i32 to index
    %get3A_240 = arith.constant 32 : index
    %get3A_241 = tpu.vector_load %arg6[%get3A_238, %get3A_239, %get3A_240] {strides = array<i32>} : memref<250x2x80xi32, #tpu.memory_space<vmem>>, vector<1x1x16xi32>,
    %get3A_242 = vector.shape_cast %get3A_241 : vector<1x1x16xi32> to vector<16xi32>
    %sub3A_243 = vector.broadcast %mul3A_6 : i32 to vector<16xi32>
    %sub3A_244 = arith.subi %get3A_242, %sub3A_243 : vector<16xi32>
    %ge3A_245 = arith.constant 0 : i32
    %ge3A_246 = vector.broadcast %ge3A_245 : i32 to vector<16xi32>
    %ge3A_247 = arith.cmpi sge, %sub3A_244, %ge3A_246 : vector<16xi32>
    %lt3A_248 = arith.constant 5120 : i32
    %lt3A_249 = vector.broadcast %lt3A_248 : i32 to vector<16xi32>
    %lt3A_250 = arith.cmpi slt, %sub3A_244, %lt3A_249 : vector<16xi32>
    %and3A_251 = arith.andi %ge3A_247, %lt3A_250 : vector<16xi1>
    %and3A_252 = arith.constant 127 : i32
    %and3A_253 = vector.broadcast %and3A_252 : i32 to vector<16xi32>
    %and3A_254 = arith.andi %get3A_242, %and3A_253 : vector<16xi32>
    %add3A_255 = arith.constant 5120 : i32
    %add3A_256 = vector.broadcast %add3A_255 : i32 to vector<16xi32>
    %add3A_257 = arith.addi %add3A_256, %and3A_254 : vector<16xi32>
    %select_n3A_258 = arith.select %and3A_251, %sub3A_244, %add3A_257 : vector<16xi1>, vector<16xi32>
    %swap3A_259 = arith.constant 249 : i32
    %swap3A_260 = arith.constant 1 : i32
    %swap3A_261 = arith.index_cast %swap3A_259 : i32 to index
    %swap3A_262 = arith.index_cast %swap3A_260 : i32 to index
    %swap3A_263 = arith.constant 32 : index
    %swap3A_264 = tpu.vector_load %arg6[%swap3A_261, %swap3A_262, %swap3A_263] {strides = array<i32>} : memref<250x2x80xi32, #tpu.memory_space<vmem>>, vector<1x1x16xi32>,
    %swap3A_265 = vector.shape_cast %swap3A_264 : vector<1x1x16xi32> to vector<16xi32>
    %swap3A_266 = vector.shape_cast %select_n3A_258 : vector<16xi32> to vector<1x1x16xi32>
    tpu.vector_store %arg6[%swap3A_261, %swap3A_262, %swap3A_263], %swap3A_266 {strides = array<i32>} : memref<250x2x80xi32, #tpu.memory_space<vmem>>, vector<1x1x16xi32>,
    %get3A_267 = arith.constant 249 : i32
    %get3A_268 = arith.constant 1 : i32
    %get3A_269 = arith.index_cast %get3A_267 : i32 to index
    %get3A_270 = arith.index_cast %get3A_268 : i32 to index
    %get3A_271 = arith.constant 48 : index
    %get3A_272 = tpu.vector_load %arg6[%get3A_269, %get3A_270, %get3A_271] {strides = array<i32>} : memref<250x2x80xi32, #tpu.memory_space<vmem>>, vector<1x1x16xi32>,
    %get3A_273 = vector.shape_cast %get3A_272 : vector<1x1x16xi32> to vector<16xi32>
    %sub3A_274 = vector.broadcast %mul3A_6 : i32 to vector<16xi32>
    %sub3A_275 = arith.subi %get3A_273, %sub3A_274 : vector<16xi32>
    %ge3A_276 = arith.constant 0 : i32
    %ge3A_277 = vector.broadcast %ge3A_276 : i32 to vector<16xi32>
    %ge3A_278 = arith.cmpi sge, %sub3A_275, %ge3A_277 : vector<16xi32>
    %lt3A_279 = arith.constant 5120 : i32
    %lt3A_280 = vector.broadcast %lt3A_279 : i32 to vector<16xi32>
    %lt3A_281 = arith.cmpi slt, %sub3A_275, %lt3A_280 : vector<16xi32>
    %and3A_282 = arith.andi %ge3A_278, %lt3A_281 : vector<16xi1>
    %and3A_283 = arith.constant 127 : i32
    %and3A_284 = vector.broadcast %and3A_283 : i32 to vector<16xi32>
    %and3A_285 = arith.andi %get3A_273, %and3A_284 : vector<16xi32>
    %add3A_286 = arith.constant 5120 : i32
    %add3A_287 = vector.broadcast %add3A_286 : i32 to vector<16xi32>
    %add3A_288 = arith.addi %add3A_287, %and3A_285 : vector<16xi32>
    %select_n3A_289 = arith.select %and3A_282, %sub3A_275, %add3A_288 : vector<16xi1>, vector<16xi32>
    %swap3A_290 = arith.constant 249 : i32
    %swap3A_291 = arith.constant 1 : i32
    %swap3A_292 = arith.index_cast %swap3A_290 : i32 to index
    %swap3A_293 = arith.index_cast %swap3A_291 : i32 to index
    %swap3A_294 = arith.constant 48 : index
    %swap3A_295 = tpu.vector_load %arg6[%swap3A_292, %swap3A_293, %swap3A_294] {strides = array<i32>} : memref<250x2x80xi32, #tpu.memory_space<vmem>>, vector<1x1x16xi32>,
    %swap3A_296 = vector.shape_cast %swap3A_295 : vector<1x1x16xi32> to vector<16xi32>
    %swap3A_297 = vector.shape_cast %select_n3A_289 : vector<16xi32> to vector<1x1x16xi32>
    tpu.vector_store %arg6[%swap3A_292, %swap3A_293, %swap3A_294], %swap3A_297 {strides = array<i32>} : memref<250x2x80xi32, #tpu.memory_space<vmem>>, vector<1x1x16xi32>,
    %get3A_298 = arith.constant 249 : i32
    %get3A_299 = arith.constant 1 : i32
    %get3A_300 = arith.index_cast %get3A_298 : i32 to index
    %get3A_301 = arith.index_cast %get3A_299 : i32 to index
    %get3A_302 = arith.constant 64 : index
    %get3A_303 = tpu.vector_load %arg6[%get3A_300, %get3A_301, %get3A_302] {strides = array<i32>} : memref<250x2x80xi32, #tpu.memory_space<vmem>>, vector<1x1x16xi32>,
    %get3A_304 = vector.shape_cast %get3A_303 : vector<1x1x16xi32> to vector<16xi32>
    %sub3A_305 = vector.broadcast %mul3A_6 : i32 to vector<16xi32>
    %sub3A_306 = arith.subi %get3A_304, %sub3A_305 : vector<16xi32>
    %ge3A_307 = arith.constant 0 : i32
    %ge3A_308 = vector.broadcast %ge3A_307 : i32 to vector<16xi32>
    %ge3A_309 = arith.cmpi sge, %sub3A_306, %ge3A_308 : vector<16xi32>
    %lt3A_310 = arith.constant 5120 : i32
    %lt3A_311 = vector.broadcast %lt3A_310 : i32 to vector<16xi32>
    %lt3A_312 = arith.cmpi slt, %sub3A_306, %lt3A_311 : vector<16xi32>
    %and3A_313 = arith.andi %ge3A_309, %lt3A_312 : vector<16xi1>
    %and3A_314 = arith.constant 127 : i32
    %and3A_315 = vector.broadcast %and3A_314 : i32 to vector<16xi32>
    %and3A_316 = arith.andi %get3A_304, %and3A_315 : vector<16xi32>
    %add3A_317 = arith.constant 5120 : i32
    %add3A_318 = vector.broadcast %add3A_317 : i32 to vector<16xi32>
    %add3A_319 = arith.addi %add3A_318, %and3A_316 : vector<16xi32>
    %select_n3A_320 = arith.select %and3A_313, %sub3A_306, %add3A_319 : vector<16xi1>, vector<16xi32>
    %swap3A_321 = arith.constant 249 : i32
    %swap3A_322 = arith.constant 1 : i32
    %swap3A_323 = arith.index_cast %swap3A_321 : i32 to index
    %swap3A_324 = arith.index_cast %swap3A_322 : i32 to index
    %swap3A_325 = arith.constant 64 : index
    %swap3A_326 = tpu.vector_load %arg6[%swap3A_323, %swap3A_324, %swap3A_325] {strides = array<i32>} : memref<250x2x80xi32, #tpu.memory_space<vmem>>, vector<1x1x16xi32>,
    %swap3A_327 = vector.shape_cast %swap3A_326 : vector<1x1x16xi32> to vector<16xi32>
    %swap3A_328 = vector.shape_cast %select_n3A_320 : vector<16xi32> to vector<1x1x16xi32>
    tpu.vector_store %arg6[%swap3A_323, %swap3A_324, %swap3A_325], %swap3A_328 {strides = array<i32>} : memref<250x2x80xi32, #tpu.memory_space<vmem>>, vector<1x1x16xi32>,
    %dma_wait3A = arith.constant 248 : i32
    %dma_wait3A_329 = arith.constant 0 : i32
    %dma_wait3A_330 = arith.constant 0 : i32
    %dma_wait3A_331 = tpu.memref_slice %arg6[%dma_wait3A, %dma_wait3A_329, %dma_wait3A_330] : memref<250x2x80xi32, #tpu.memory_space<vmem>> -> memref<1x1x80xi32, #tpu.memory_space<vmem>>
    %dma_wait3A_332 = tpu.memref_squeeze %dma_wait3A_331 : memref<1x1x80xi32, #tpu.memory_space<vmem>> -> memref<80xi32, #tpu.memory_space<vmem>>
    %dma_wait3A_333 = arith.constant 0 : i32
    %dma_wait3A_334 = arith.constant 0 : i32
    %dma_wait3A_335 = tpu.memref_slice %arg2[%dma_wait3A_333, %dma_wait3A_334] : memref<10000x128xf32, #tpu.memory_space<hbm>> -> memref<10000x128xf32, #tpu.memory_space<hbm>>
    tpu.wait_indirect_dma semaphore(%arg10 : memref<!tpu.dma_semaphore, #tpu.memory_space<semaphore_mem>>) src(%dma_wait3A_335 : memref<10000x128xf32, #tpu.memory_space<hbm>>) dst(%arg7 : memref<80x128xf32, #tpu.memory_space<vmem>>)
    %run_scoped3A = arith.constant 248 : i32
    %run_scoped3A_336 = arith.constant 1 : i32
    "tpu.region"() ({
      %run_scoped3A_396 = tpu.sem_alloc : memref<!tpu.dma_semaphore, #tpu.memory_space<semaphore_mem>>
      %dma_start3A_397 = arith.constant 0 : i32
      %dma_start3A_398 = tpu.memref_slice %arg6[%run_scoped3A, %run_scoped3A_336, %dma_start3A_397] : memref<250x2x80xi32, #tpu.memory_space<vmem>> -> memref<1x1x80xi32, #tpu.memory_space<vmem>>
      %dma_start3A_399 = tpu.memref_squeeze %dma_start3A_398 : memref<1x1x80xi32, #tpu.memory_space<vmem>> -> memref<80xi32, #tpu.memory_space<vmem>>
      %dma_start3A_400 = arith.constant 0 : i32
      %dma_start3A_401 = arith.constant 0 : i32
      %dma_start3A_402 = tpu.memref_slice %arg9[%dma_start3A_400, %dma_start3A_401] : memref<5248x128xf32, #tpu.memory_space<vmem_shared>> -> memref<5248x128xf32, #tpu.memory_space<vmem_shared>>
      tpu.enqueue_indirect_dma source(%arg7 : memref<80x128xf32, #tpu.memory_space<vmem>>) target(%dma_start3A_402 : memref<5248x128xf32, #tpu.memory_space<vmem_shared>>) offsets(%dma_start3A_399 : memref<80xi32, #tpu.memory_space<vmem>>) semaphore(%run_scoped3A_396 : memref<!tpu.dma_semaphore, #tpu.memory_space<semaphore_mem>>) {add = true}
      %dma_wait3A_403 = arith.constant 0 : i32
      %dma_wait3A_404 = tpu.memref_slice %arg6[%run_scoped3A, %run_scoped3A_336, %dma_wait3A_403] : memref<250x2x80xi32, #tpu.memory_space<vmem>> -> memref<1x1x80xi32, #tpu.memory_space<vmem>>
      %dma_wait3A_405 = tpu.memref_squeeze %dma_wait3A_404 : memref<1x1x80xi32, #tpu.memory_space<vmem>> -> memref<80xi32, #tpu.memory_space<vmem>>
      %dma_wait3A_406 = arith.constant 0 : i32
      %dma_wait3A_407 = arith.constant 0 : i32
      %dma_wait3A_408 = tpu.memref_slice %arg9[%dma_wait3A_406, %dma_wait3A_407] : memref<5248x128xf32, #tpu.memory_space<vmem_shared>> -> memref<5248x128xf32, #tpu.memory_space<vmem_shared>>
      tpu.wait_indirect_dma semaphore(%run_scoped3A_396 : memref<!tpu.dma_semaphore, #tpu.memory_space<semaphore_mem>>) src(%arg7 : memref<80x128xf32, #tpu.memory_space<vmem>>) dst(%dma_wait3A_408 : memref<5248x128xf32, #tpu.memory_space<vmem_shared>>)
      tpu.yield
    }) : () -> ()
    %dma_wait3A_337 = arith.constant 249 : i32
    %dma_wait3A_338 = arith.constant 0 : i32
    %dma_wait3A_339 = arith.constant 0 : i32
    %dma_wait3A_340 = tpu.memref_slice %arg6[%dma_wait3A_337, %dma_wait3A_338, %dma_wait3A_339] : memref<250x2x80xi32, #tpu.memory_space<vmem>> -> memref<1x1x80xi32, #tpu.memory_space<vmem>>
    %dma_wait3A_341 = tpu.memref_squeeze %dma_wait3A_340 : memref<1x1x80xi32, #tpu.memory_space<vmem>> -> memref<80xi32, #tpu.memory_space<vmem>>
    %dma_wait3A_342 = arith.constant 0 : i32
    %dma_wait3A_343 = arith.constant 0 : i32
    %dma_wait3A_344 = tpu.memref_slice %arg2[%dma_wait3A_342, %dma_wait3A_343] : memref<10000x128xf32, #tpu.memory_space<hbm>> -> memref<10000x128xf32, #tpu.memory_space<hbm>>
    tpu.wait_indirect_dma semaphore(%arg11 : memref<!tpu.dma_semaphore, #tpu.memory_space<semaphore_mem>>) src(%dma_wait3A_344 : memref<10000x128xf32, #tpu.memory_space<hbm>>) dst(%arg8 : memref<80x128xf32, #tpu.memory_space<vmem>>)
    %run_scoped3A_345 = arith.constant 249 : i32
    %run_scoped3A_346 = arith.constant 1 : i32
    "tpu.region"() ({
      %run_scoped3A_396 = tpu.sem_alloc : memref<!tpu.dma_semaphore, #tpu.memory_space<semaphore_mem>>
      %dma_start3A_397 = arith.constant 0 : i32
      %dma_start3A_398 = tpu.memref_slice %arg6[%run_scoped3A_345, %run_scoped3A_346, %dma_start3A_397] : memref<250x2x80xi32, #tpu.memory_space<vmem>> -> memref<1x1x80xi32, #tpu.memory_space<vmem>>
      %dma_start3A_399 = tpu.memref_squeeze %dma_start3A_398 : memref<1x1x80xi32, #tpu.memory_space<vmem>> -> memref<80xi32, #tpu.memory_space<vmem>>
      %dma_start3A_400 = arith.constant 0 : i32
      %dma_start3A_401 = arith.constant 0 : i32
      %dma_start3A_402 = tpu.memref_slice %arg9[%dma_start3A_400, %dma_start3A_401] : memref<5248x128xf32, #tpu.memory_space<vmem_shared>> -> memref<5248x128xf32, #tpu.memory_space<vmem_shared>>
      tpu.enqueue_indirect_dma source(%arg8 : memref<80x128xf32, #tpu.memory_space<vmem>>) target(%dma_start3A_402 : memref<5248x128xf32, #tpu.memory_space<vmem_shared>>) offsets(%dma_start3A_399 : memref<80xi32, #tpu.memory_space<vmem>>) semaphore(%run_scoped3A_396 : memref<!tpu.dma_semaphore, #tpu.memory_space<semaphore_mem>>) {add = true}
      %dma_wait3A_403 = arith.constant 0 : i32
      %dma_wait3A_404 = tpu.memref_slice %arg6[%run_scoped3A_345, %run_scoped3A_346, %dma_wait3A_403] : memref<250x2x80xi32, #tpu.memory_space<vmem>> -> memref<1x1x80xi32, #tpu.memory_space<vmem>>
      %dma_wait3A_405 = tpu.memref_squeeze %dma_wait3A_404 : memref<1x1x80xi32, #tpu.memory_space<vmem>> -> memref<80xi32, #tpu.memory_space<vmem>>
      %dma_wait3A_406 = arith.constant 0 : i32
      %dma_wait3A_407 = arith.constant 0 : i32
      %dma_wait3A_408 = tpu.memref_slice %arg9[%dma_wait3A_406, %dma_wait3A_407] : memref<5248x128xf32, #tpu.memory_space<vmem_shared>> -> memref<5248x128xf32, #tpu.memory_space<vmem_shared>>
      tpu.wait_indirect_dma semaphore(%run_scoped3A_396 : memref<!tpu.dma_semaphore, #tpu.memory_space<semaphore_mem>>) src(%arg8 : memref<80x128xf32, #tpu.memory_space<vmem>>) dst(%dma_wait3A_408 : memref<5248x128xf32, #tpu.memory_space<vmem_shared>>)
      tpu.yield
    }) : () -> ()
    %barrier3A_347 = arith.constant 0 : index
    tpu.barrier barrier_id(%barrier3A_347)
    %mul3A_348 = arith.constant 5120 : i32
    %mul3A_349 = arith.muli %arg0, %mul3A_348 : i32
    %mul3A_350 = arith.constant 320 : i32
    %mul3A_351 = arith.muli %arg1, %mul3A_350 : i32
    %add3A_352 = arith.addi %mul3A_349, %mul3A_351 : i32
    %add3A_353 = arith.constant 0 : i32
    %add3A_354 = arith.addi %add3A_352, %add3A_353 : i32
    %lt3A_355 = arith.constant 10000 : i32
    %lt3A_356 = arith.cmpi slt, %add3A_354, %lt3A_355 : i32
    %convert_element_type3A_357 = arith.extui %lt3A_356 : i1 to i32
    %cond3A_358 = arith.constant 0 : i32
    %cond3A_359 = arith.cmpi ne, %convert_element_type3A_357, %cond3A_358 : i32
    scf.if %cond3A_359 {
      %mul3A_396 = arith.constant 320 : i32
      %mul3A_397 = arith.muli %arg1, %mul3A_396 : i32
      %add3A_398 = arith.constant 0 : i32
      %add3A_399 = arith.addi %mul3A_397, %add3A_398 : i32
      "tpu.region"() ({
        %run_scoped3A_400 = tpu.sem_alloc : memref<!tpu.dma_semaphore, #tpu.memory_space<semaphore_mem>>
        %dma_start3A_401 = arith.constant 0 : i32
        %dma_start3A_402 = tpu.memref_slice %arg5[%add3A_354, %dma_start3A_401] : memref<10000x128xf32, #tpu.memory_space<hbm>> -> memref<80x128xf32, #tpu.memory_space<hbm>>
        %dma_start3A_403 = arith.constant 0 : i32
        %dma_start3A_404 = tpu.memref_slice %arg9[%add3A_399, %dma_start3A_403] : memref<5248x128xf32, #tpu.memory_space<vmem_shared>> -> memref<80x128xf32, #tpu.memory_space<vmem_shared>>
        tpu.enqueue_dma source(%dma_start3A_404 : memref<80x128xf32, #tpu.memory_space<vmem_shared>>) target(%dma_start3A_402 : memref<80x128xf32, #tpu.memory_space<hbm>>) target_semaphore(%run_scoped3A_400 : memref<!tpu.dma_semaphore, #tpu.memory_space<semaphore_mem>>)
        %dma_wait3A_405 = arith.constant 0 : i32
        %dma_wait3A_406 = tpu.memref_slice %arg5[%add3A_354, %dma_wait3A_405] : memref<10000x128xf32, #tpu.memory_space<hbm>> -> memref<80x128xf32, #tpu.memory_space<hbm>>
        %dma_wait3A_407 = arith.constant 0 : i32
        %dma_wait3A_408 = tpu.memref_slice %arg9[%add3A_399, %dma_wait3A_407] : memref<5248x128xf32, #tpu.memory_space<vmem_shared>> -> memref<80x128xf32, #tpu.memory_space<vmem_shared>>
        tpu.wait_dma2 semaphore(%run_scoped3A_400 : memref<!tpu.dma_semaphore, #tpu.memory_space<semaphore_mem>>) src(%dma_wait3A_408 : memref<80x128xf32, #tpu.memory_space<vmem_shared>>) dst(%dma_wait3A_406 : memref<80x128xf32, #tpu.memory_space<hbm>>)
        tpu.yield
      }) : () -> ()
    } else {
    }
    %mul3A_360 = arith.constant 5120 : i32
    %mul3A_361 = arith.muli %arg0, %mul3A_360 : i32
    %mul3A_362 = arith.constant 320 : i32
    %mul3A_363 = arith.muli %arg1, %mul3A_362 : i32
    %add3A_364 = arith.addi %mul3A_361, %mul3A_363 : i32
    %add3A_365 = arith.constant 80 : i32
    %add3A_366 = arith.addi %add3A_364, %add3A_365 : i32
    %lt3A_367 = arith.constant 10000 : i32
    %lt3A_368 = arith.cmpi slt, %add3A_366, %lt3A_367 : i32
    %convert_element_type3A_369 = arith.extui %lt3A_368 : i1 to i32
    %cond3A_370 = arith.constant 0 : i32
    %cond3A_371 = arith.cmpi ne, %convert_element_type3A_369, %cond3A_370 : i32
    scf.if %cond3A_371 {
      %mul3A_396 = arith.constant 320 : i32
      %mul3A_397 = arith.muli %arg1, %mul3A_396 : i32
      %add3A_398 = arith.constant 80 : i32
      %add3A_399 = arith.addi %mul3A_397, %add3A_398 : i32
      "tpu.region"() ({
        %run_scoped3A_400 = tpu.sem_alloc : memref<!tpu.dma_semaphore, #tpu.memory_space<semaphore_mem>>
        %dma_start3A_401 = arith.constant 0 : i32
        %dma_start3A_402 = tpu.memref_slice %arg5[%add3A_366, %dma_start3A_401] : memref<10000x128xf32, #tpu.memory_space<hbm>> -> memref<80x128xf32, #tpu.memory_space<hbm>>
        %dma_start3A_403 = arith.constant 0 : i32
        %dma_start3A_404 = tpu.memref_slice %arg9[%add3A_399, %dma_start3A_403] : memref<5248x128xf32, #tpu.memory_space<vmem_shared>> -> memref<80x128xf32, #tpu.memory_space<vmem_shared>>
        tpu.enqueue_dma source(%dma_start3A_404 : memref<80x128xf32, #tpu.memory_space<vmem_shared>>) target(%dma_start3A_402 : memref<80x128xf32, #tpu.memory_space<hbm>>) target_semaphore(%run_scoped3A_400 : memref<!tpu.dma_semaphore, #tpu.memory_space<semaphore_mem>>)
        %dma_wait3A_405 = arith.constant 0 : i32
        %dma_wait3A_406 = tpu.memref_slice %arg5[%add3A_366, %dma_wait3A_405] : memref<10000x128xf32, #tpu.memory_space<hbm>> -> memref<80x128xf32, #tpu.memory_space<hbm>>
        %dma_wait3A_407 = arith.constant 0 : i32
        %dma_wait3A_408 = tpu.memref_slice %arg9[%add3A_399, %dma_wait3A_407] : memref<5248x128xf32, #tpu.memory_space<vmem_shared>> -> memref<80x128xf32, #tpu.memory_space<vmem_shared>>
        tpu.wait_dma2 semaphore(%run_scoped3A_400 : memref<!tpu.dma_semaphore, #tpu.memory_space<semaphore_mem>>) src(%dma_wait3A_408 : memref<80x128xf32, #tpu.memory_space<vmem_shared>>) dst(%dma_wait3A_406 : memref<80x128xf32, #tpu.memory_space<hbm>>)
        tpu.yield
      }) : () -> ()
    } else {
    }
    %mul3A_372 = arith.constant 5120 : i32
    %mul3A_373 = arith.muli %arg0, %mul3A_372 : i32
    %mul3A_374 = arith.constant 320 : i32
    %mul3A_375 = arith.muli %arg1, %mul3A_374 : i32
    %add3A_376 = arith.addi %mul3A_373, %mul3A_375 : i32
    %add3A_377 = arith.constant 160 : i32
    %add3A_378 = arith.addi %add3A_376, %add3A_377 : i32
    %lt3A_379 = arith.constant 10000 : i32
    %lt3A_380 = arith.cmpi slt, %add3A_378, %lt3A_379 : i32
    %convert_element_type3A_381 = arith.extui %lt3A_380 : i1 to i32
    %cond3A_382 = arith.constant 0 : i32
    %cond3A_383 = arith.cmpi ne, %convert_element_type3A_381, %cond3A_382 : i32
    scf.if %cond3A_383 {
      %mul3A_396 = arith.constant 320 : i32
      %mul3A_397 = arith.muli %arg1, %mul3A_396 : i32
      %add3A_398 = arith.constant 160 : i32
      %add3A_399 = arith.addi %mul3A_397, %add3A_398 : i32
      "tpu.region"() ({
        %run_scoped3A_400 = tpu.sem_alloc : memref<!tpu.dma_semaphore, #tpu.memory_space<semaphore_mem>>
        %dma_start3A_401 = arith.constant 0 : i32
        %dma_start3A_402 = tpu.memref_slice %arg5[%add3A_378, %dma_start3A_401] : memref<10000x128xf32, #tpu.memory_space<hbm>> -> memref<80x128xf32, #tpu.memory_space<hbm>>
        %dma_start3A_403 = arith.constant 0 : i32
        %dma_start3A_404 = tpu.memref_slice %arg9[%add3A_399, %dma_start3A_403] : memref<5248x128xf32, #tpu.memory_space<vmem_shared>> -> memref<80x128xf32, #tpu.memory_space<vmem_shared>>
        tpu.enqueue_dma source(%dma_start3A_404 : memref<80x128xf32, #tpu.memory_space<vmem_shared>>) target(%dma_start3A_402 : memref<80x128xf32, #tpu.memory_space<hbm>>) target_semaphore(%run_scoped3A_400 : memref<!tpu.dma_semaphore, #tpu.memory_space<semaphore_mem>>)
        %dma_wait3A_405 = arith.constant 0 : i32
        %dma_wait3A_406 = tpu.memref_slice %arg5[%add3A_378, %dma_wait3A_405] : memref<10000x128xf32, #tpu.memory_space<hbm>> -> memref<80x128xf32, #tpu.memory_space<hbm>>
        %dma_wait3A_407 = arith.constant 0 : i32
        %dma_wait3A_408 = tpu.memref_slice %arg9[%add3A_399, %dma_wait3A_407] : memref<5248x128xf32, #tpu.memory_space<vmem_shared>> -> memref<80x128xf32, #tpu.memory_space<vmem_shared>>
        tpu.wait_dma2 semaphore(%run_scoped3A_400 : memref<!tpu.dma_semaphore, #tpu.memory_space<semaphore_mem>>) src(%dma_wait3A_408 : memref<80x128xf32, #tpu.memory_space<vmem_shared>>) dst(%dma_wait3A_406 : memref<80x128xf32, #tpu.memory_space<hbm>>)
        tpu.yield
      }) : () -> ()
    } else {
    }
    %mul3A_384 = arith.constant 5120 : i32
    %mul3A_385 = arith.muli %arg0, %mul3A_384 : i32
    %mul3A_386 = arith.constant 320 : i32
    %mul3A_387 = arith.muli %arg1, %mul3A_386 : i32
    %add3A_388 = arith.addi %mul3A_385, %mul3A_387 : i32
    %add3A_389 = arith.constant 240 : i32
    %add3A_390 = arith.addi %add3A_388, %add3A_389 : i32
    %lt3A_391 = arith.constant 10000 : i32
    %lt3A_392 = arith.cmpi slt, %add3A_390, %lt3A_391 : i32
    %convert_element_type3A_393 = arith.extui %lt3A_392 : i1 to i32
    %cond3A_394 = arith.constant 0 : i32
    %cond3A_395 = arith.cmpi ne, %convert_element_type3A_393, %cond3A_394 : i32
    scf.if %cond3A_395 {
      %mul3A_396 = arith.constant 320 : i32
      %mul3A_397 = arith.muli %arg1, %mul3A_396 : i32
      %add3A_398 = arith.constant 240 : i32
      %add3A_399 = arith.addi %mul3A_397, %add3A_398 : i32
      "tpu.region"() ({
        %run_scoped3A_400 = tpu.sem_alloc : memref<!tpu.dma_semaphore, #tpu.memory_space<semaphore_mem>>
        %dma_start3A_401 = arith.constant 0 : i32
        %dma_start3A_402 = tpu.memref_slice %arg5[%add3A_390, %dma_start3A_401] : memref<10000x128xf32, #tpu.memory_space<hbm>> -> memref<80x128xf32, #tpu.memory_space<hbm>>
        %dma_start3A_403 = arith.constant 0 : i32
        %dma_start3A_404 = tpu.memref_slice %arg9[%add3A_399, %dma_start3A_403] : memref<5248x128xf32, #tpu.memory_space<vmem_shared>> -> memref<80x128xf32, #tpu.memory_space<vmem_shared>>
        tpu.enqueue_dma source(%dma_start3A_404 : memref<80x128xf32, #tpu.memory_space<vmem_shared>>) target(%dma_start3A_402 : memref<80x128xf32, #tpu.memory_space<hbm>>) target_semaphore(%run_scoped3A_400 : memref<!tpu.dma_semaphore, #tpu.memory_space<semaphore_mem>>)
        %dma_wait3A_405 = arith.constant 0 : i32
        %dma_wait3A_406 = tpu.memref_slice %arg5[%add3A_390, %dma_wait3A_405] : memref<10000x128xf32, #tpu.memory_space<hbm>> -> memref<80x128xf32, #tpu.memory_space<hbm>>
        %dma_wait3A_407 = arith.constant 0 : i32
        %dma_wait3A_408 = tpu.memref_slice %arg9[%add3A_399, %dma_wait3A_407] : memref<5248x128xf32, #tpu.memory_space<vmem_shared>> -> memref<80x128xf32, #tpu.memory_space<vmem_shared>>
        tpu.wait_dma2 semaphore(%run_scoped3A_400 : memref<!tpu.dma_semaphore, #tpu.memory_space<semaphore_mem>>) src(%dma_wait3A_408 : memref<80x128xf32, #tpu.memory_space<vmem_shared>>) dst(%dma_wait3A_406 : memref<80x128xf32, #tpu.memory_space<hbm>>)
        tpu.yield
      }) : () -> ()
    } else {
    }
    return
  }
}

#map = affine_map<(d0, d1) -> (0, 0)>
#map1 = affine_map<(d0, d1) -> (0, 0, 0)>
module attributes {stable_mosaic.version = 14 : i64} {
  func.func @_edge_kernel(%arg0: i32, %arg1: i32, %arg2: memref<1024x128xf32, #tpu.memory_space<hbm>>, %arg3: memref<4000x2x80xi32, #tpu.memory_space<hbm>>, %arg4: memref<320x128xf32, #tpu.memory_space<hbm>>, %arg5: memref<10000x128xf32, #tpu.memory_space<hbm>>, %arg6: memref<250x2x80xi32, #tpu.memory_space<vmem>>, %arg7: memref<80x128xf32, #tpu.memory_space<vmem>>, %arg8: memref<80x128xf32, #tpu.memory_space<vmem>>, %arg9: memref<5248x128xf32, #tpu.memory_space<vmem_shared>>, %arg10: memref<!tpu.dma_semaphore, #tpu.memory_space<semaphore_mem>>, %arg11: memref<!tpu.dma_semaphore, #tpu.memory_space<semaphore_mem>>) attributes {dimension_semantics = [#tpu.dimension_semantics<core_parallel>, #tpu.dimension_semantics<subcore_parallel>], iteration_bounds = array<i64: 2, 16>, scalar_prefetch = 0 : i64, scratch_operands = 6 : i64, tpu.core_type = #tpu.core_type<sc_vector_subcore>, window_params = [{transform_indices = #map}, {transform_indices = #map1}, {transform_indices = #map}, {transform_indices = #map}]} {
    %mul3A = arith.constant 250 : i32
    %mul3A_0 = arith.muli %arg1, %mul3A : i32
    "tpu.region"() ({
      %run_scoped3A_396 = tpu.sem_alloc : memref<!tpu.dma_semaphore, #tpu.memory_space<semaphore_mem>>
      %dma_start3A_397 = arith.constant 0 : i32
      %dma_start3A_398 = arith.constant 0 : i32
      %dma_start3A_399 = tpu.memref_slice %arg3[%mul3A_0, %dma_start3A_397, %dma_start3A_398] : memref<4000x2x80xi32, #tpu.memory_space<hbm>> -> memref<250x2x80xi32, #tpu.memory_space<hbm>>
      %dma_start3A_400 = arith.constant 0 : i32
      %dma_start3A_401 = arith.constant 0 : i32
      %dma_start3A_402 = tpu.memref_slice %arg3[%mul3A_0, %dma_start3A_400, %dma_start3A_401] : memref<4000x2x80xi32, #tpu.memory_space<hbm>> -> memref<250x2x80xi32, #tpu.memory_space<hbm>>
      tpu.enqueue_dma source(%dma_start3A_402 : memref<250x2x80xi32, #tpu.memory_space<hbm>>) target(%arg6 : memref<250x2x80xi32, #tpu.memory_space<vmem>>) target_semaphore(%run_scoped3A_396 : memref<!tpu.dma_semaphore, #tpu.memory_space<semaphore_mem>>)
      %dma_wait3A_403 = arith.constant 0 : i32
      %dma_wait3A_404 = arith.constant 0 : i32
      %dma_wait3A_405 = tpu.memref_slice %arg3[%mul3A_0, %dma_wait3A_403, %dma_wait3A_404] : memref<4000x2x80xi32, #tpu.memory_space<hbm>> -> memref<250x2x80xi32, #tpu.memory_space<hbm>>
      %dma_wait3A_406 = arith.constant 0 : i32
      %dma_wait3A_407 = arith.constant 0 : i32
      %dma_wait3A_408 = tpu.memref_slice %arg3[%mul3A_0, %dma_wait3A_406, %dma_wait3A_407] : memref<4000x2x80xi32, #tpu.memory_space<hbm>> -> memref<250x2x80xi32, #tpu.memory_space<hbm>>
      tpu.wait_dma2 semaphore(%run_scoped3A_396 : memref<!tpu.dma_semaphore, #tpu.memory_space<semaphore_mem>>) src(%dma_wait3A_408 : memref<250x2x80xi32, #tpu.memory_space<hbm>>) dst(%arg6 : memref<250x2x80xi32, #tpu.memory_space<vmem>>)
      tpu.yield
    }) : () -> ()
    %mul3A_1 = arith.constant 320 : i32
    %mul3A_2 = arith.muli %arg1, %mul3A_1 : i32
    "tpu.region"() ({
      %run_scoped3A_396 = tpu.sem_alloc : memref<!tpu.dma_semaphore, #tpu.memory_space<semaphore_mem>>
      %dma_start3A_397 = arith.constant 0 : i32
      %dma_start3A_398 = tpu.memref_slice %arg9[%mul3A_2, %dma_start3A_397] : memref<5248x128xf32, #tpu.memory_space<vmem_shared>> -> memref<320x128xf32, #tpu.memory_space<vmem_shared>>
      %dma_start3A_399 = arith.constant 0 : i32
      %dma_start3A_400 = arith.constant 0 : i32
      %dma_start3A_401 = tpu.memref_slice %arg4[%dma_start3A_399, %dma_start3A_400] : memref<320x128xf32, #tpu.memory_space<hbm>> -> memref<320x128xf32, #tpu.memory_space<hbm>>
      tpu.enqueue_dma source(%dma_start3A_401 : memref<320x128xf32, #tpu.memory_space<hbm>>) target(%dma_start3A_398 : memref<320x128xf32, #tpu.memory_space<vmem_shared>>) target_semaphore(%run_scoped3A_396 : memref<!tpu.dma_semaphore, #tpu.memory_space<semaphore_mem>>)
      %dma_wait3A_402 = arith.constant 0 : i32
      %dma_wait3A_403 = tpu.memref_slice %arg9[%mul3A_2, %dma_wait3A_402] : memref<5248x128xf32, #tpu.memory_space<vmem_shared>> -> memref<320x128xf32, #tpu.memory_space<vmem_shared>>
      %dma_wait3A_404 = arith.constant 0 : i32
      %dma_wait3A_405 = arith.constant 0 : i32
      %dma_wait3A_406 = tpu.memref_slice %arg4[%dma_wait3A_404, %dma_wait3A_405] : memref<320x128xf32, #tpu.memory_space<hbm>> -> memref<320x128xf32, #tpu.memory_space<hbm>>
      tpu.wait_dma2 semaphore(%run_scoped3A_396 : memref<!tpu.dma_semaphore, #tpu.memory_space<semaphore_mem>>) src(%dma_wait3A_406 : memref<320x128xf32, #tpu.memory_space<hbm>>) dst(%dma_wait3A_403 : memref<320x128xf32, #tpu.memory_space<vmem_shared>>)
      tpu.yield
    }) : () -> ()
    %eq3A = arith.constant 0 : i32
    %eq3A_3 = arith.cmpi eq, %arg1, %eq3A : i32
    %convert_element_type3A = arith.extui %eq3A_3 : i1 to i32
    %cond3A = arith.constant 0 : i32
    %cond3A_4 = arith.cmpi ne, %convert_element_type3A, %cond3A : i32
    scf.if %cond3A_4 {
      "tpu.region"() ({
        %run_scoped3A_396 = tpu.sem_alloc : memref<!tpu.dma_semaphore, #tpu.memory_space<semaphore_mem>>
        %dma_start3A_397 = arith.constant 5120 : i32
        %dma_start3A_398 = arith.constant 0 : i32
        %dma_start3A_399 = tpu.memref_slice %arg9[%dma_start3A_397, %dma_start3A_398] : memref<5248x128xf32, #tpu.memory_space<vmem_shared>> -> memref<128x128xf32, #tpu.memory_space<vmem_shared>>
        %dma_start3A_400 = arith.constant 0 : i32
        %dma_start3A_401 = arith.constant 0 : i32
        %dma_start3A_402 = tpu.memref_slice %arg4[%dma_start3A_400, %dma_start3A_401] : memref<320x128xf32, #tpu.memory_space<hbm>> -> memref<128x128xf32, #tpu.memory_space<hbm>>
        tpu.enqueue_dma source(%dma_start3A_402 : memref<128x128xf32, #tpu.memory_space<hbm>>) target(%dma_start3A_399 : memref<128x128xf32, #tpu.memory_space<vmem_shared>>) target_semaphore(%run_scoped3A_396 : memref<!tpu.dma_semaphore, #tpu.memory_space<semaphore_mem>>)
        %dma_wait3A_403 = arith.constant 5120 : i32
        %dma_wait3A_404 = arith.constant 0 : i32
        %dma_wait3A_405 = tpu.memref_slice %arg9[%dma_wait3A_403, %dma_wait3A_404] : memref<5248x128xf32, #tpu.memory_space<vmem_shared>> -> memref<128x128xf32, #tpu.memory_space<vmem_shared>>
        %dma_wait3A_406 = arith.constant 0 : i32
        %dma_wait3A_407 = arith.constant 0 : i32
        %dma_wait3A_408 = tpu.memref_slice %arg4[%dma_wait3A_406, %dma_wait3A_407] : memref<320x128xf32, #tpu.memory_space<hbm>> -> memref<128x128xf32, #tpu.memory_space<hbm>>
        tpu.wait_dma2 semaphore(%run_scoped3A_396 : memref<!tpu.dma_semaphore, #tpu.memory_space<semaphore_mem>>) src(%dma_wait3A_408 : memref<128x128xf32, #tpu.memory_space<hbm>>) dst(%dma_wait3A_405 : memref<128x128xf32, #tpu.memory_space<vmem_shared>>)
        tpu.yield
      }) : () -> ()
    } else {
    }
    %mul3A_5 = arith.constant 5120 : i32
    %mul3A_6 = arith.muli %arg0, %mul3A_5 : i32
    %barrier3A = arith.constant 0 : index
    tpu.barrier barrier_id(%barrier3A)
    %dma_start3A = arith.constant 0 : i32
    %dma_start3A_7 = arith.constant 0 : i32
    %dma_start3A_8 = arith.constant 0 : i32
    %dma_start3A_9 = tpu.memref_slice %arg6[%dma_start3A, %dma_start3A_7, %dma_start3A_8] : memref<250x2x80xi32, #tpu.memory_space<vmem>> -> memref<1x1x80xi32, #tpu.memory_space<vmem>>
    %dma_start3A_10 = tpu.memref_squeeze %dma_start3A_9 : memref<1x1x80xi32, #tpu.memory_space<vmem>> -> memref<80xi32, #tpu.memory_space<vmem>>
    %dma_start3A_11 = arith.constant 0 : i32
    %dma_start3A_12 = arith.constant 0 : i32
    %dma_start3A_13 = tpu.memref_slice %arg2[%dma_start3A_11, %dma_start3A_12] : memref<1024x128xf32, #tpu.memory_space<hbm>> -> memref<1024x128xf32, #tpu.memory_space<hbm>>
    tpu.enqueue_indirect_dma source(%dma_start3A_13 : memref<1024x128xf32, #tpu.memory_space<hbm>>) target(%arg7 : memref<80x128xf32, #tpu.memory_space<vmem>>) offsets(%dma_start3A_10 : memref<80xi32, #tpu.memory_space<vmem>>) semaphore(%arg10 : memref<!tpu.dma_semaphore, #tpu.memory_space<semaphore_mem>>)
    %get3A = arith.constant 0 : i32
    %get3A_14 = arith.constant 1 : i32
    %get3A_15 = arith.index_cast %get3A : i32 to index
    %get3A_16 = arith.index_cast %get3A_14 : i32 to index
    %get3A_17 = arith.constant 0 : index
    %get3A_18 = tpu.vector_load %arg6[%get3A_15, %get3A_16, %get3A_17] {strides = array<i32>} : memref<250x2x80xi32, #tpu.memory_space<vmem>>, vector<1x1x16xi32>,
    %get3A_19 = vector.shape_cast %get3A_18 : vector<1x1x16xi32> to vector<16xi32>
    %sub3A = vector.broadcast %mul3A_6 : i32 to vector<16xi32>
    %sub3A_20 = arith.subi %get3A_19, %sub3A : vector<16xi32>
    %ge3A = arith.constant 0 : i32
    %ge3A_21 = vector.broadcast %ge3A : i32 to vector<16xi32>
    %ge3A_22 = arith.cmpi sge, %sub3A_20, %ge3A_21 : vector<16xi32>
    %lt3A = arith.constant 5120 : i32
    %lt3A_23 = vector.broadcast %lt3A : i32 to vector<16xi32>
    %lt3A_24 = arith.cmpi slt, %sub3A_20, %lt3A_23 : vector<16xi32>
    %and3A = arith.andi %ge3A_22, %lt3A_24 : vector<16xi1>
    %and3A_25 = arith.constant 127 : i32
    %and3A_26 = vector.broadcast %and3A_25 : i32 to vector<16xi32>
    %and3A_27 = arith.andi %get3A_19, %and3A_26 : vector<16xi32>
    %add3A = arith.constant 5120 : i32
    %add3A_28 = vector.broadcast %add3A : i32 to vector<16xi32>
    %add3A_29 = arith.addi %add3A_28, %and3A_27 : vector<16xi32>
    %select_n3A = arith.select %and3A, %sub3A_20, %add3A_29 : vector<16xi1>, vector<16xi32>
    %swap3A = arith.constant 0 : i32
    %swap3A_30 = arith.constant 1 : i32
    %swap3A_31 = arith.index_cast %swap3A : i32 to index
    %swap3A_32 = arith.index_cast %swap3A_30 : i32 to index
    %swap3A_33 = arith.constant 0 : index
    %swap3A_34 = tpu.vector_load %arg6[%swap3A_31, %swap3A_32, %swap3A_33] {strides = array<i32>} : memref<250x2x80xi32, #tpu.memory_space<vmem>>, vector<1x1x16xi32>,
    %swap3A_35 = vector.shape_cast %swap3A_34 : vector<1x1x16xi32> to vector<16xi32>
    %swap3A_36 = vector.shape_cast %select_n3A : vector<16xi32> to vector<1x1x16xi32>
    tpu.vector_store %arg6[%swap3A_31, %swap3A_32, %swap3A_33], %swap3A_36 {strides = array<i32>} : memref<250x2x80xi32, #tpu.memory_space<vmem>>, vector<1x1x16xi32>,
    %get3A_37 = arith.constant 0 : i32
    %get3A_38 = arith.constant 1 : i32
    %get3A_39 = arith.index_cast %get3A_37 : i32 to index
    %get3A_40 = arith.index_cast %get3A_38 : i32 to index
    %get3A_41 = arith.constant 16 : index
    %get3A_42 = tpu.vector_load %arg6[%get3A_39, %get3A_40, %get3A_41] {strides = array<i32>} : memref<250x2x80xi32, #tpu.memory_space<vmem>>, vector<1x1x16xi32>,
    %get3A_43 = vector.shape_cast %get3A_42 : vector<1x1x16xi32> to vector<16xi32>
    %sub3A_44 = vector.broadcast %mul3A_6 : i32 to vector<16xi32>
    %sub3A_45 = arith.subi %get3A_43, %sub3A_44 : vector<16xi32>
    %ge3A_46 = arith.constant 0 : i32
    %ge3A_47 = vector.broadcast %ge3A_46 : i32 to vector<16xi32>
    %ge3A_48 = arith.cmpi sge, %sub3A_45, %ge3A_47 : vector<16xi32>
    %lt3A_49 = arith.constant 5120 : i32
    %lt3A_50 = vector.broadcast %lt3A_49 : i32 to vector<16xi32>
    %lt3A_51 = arith.cmpi slt, %sub3A_45, %lt3A_50 : vector<16xi32>
    %and3A_52 = arith.andi %ge3A_48, %lt3A_51 : vector<16xi1>
    %and3A_53 = arith.constant 127 : i32
    %and3A_54 = vector.broadcast %and3A_53 : i32 to vector<16xi32>
    %and3A_55 = arith.andi %get3A_43, %and3A_54 : vector<16xi32>
    %add3A_56 = arith.constant 5120 : i32
    %add3A_57 = vector.broadcast %add3A_56 : i32 to vector<16xi32>
    %add3A_58 = arith.addi %add3A_57, %and3A_55 : vector<16xi32>
    %select_n3A_59 = arith.select %and3A_52, %sub3A_45, %add3A_58 : vector<16xi1>, vector<16xi32>
    %swap3A_60 = arith.constant 0 : i32
    %swap3A_61 = arith.constant 1 : i32
    %swap3A_62 = arith.index_cast %swap3A_60 : i32 to index
    %swap3A_63 = arith.index_cast %swap3A_61 : i32 to index
    %swap3A_64 = arith.constant 16 : index
    %swap3A_65 = tpu.vector_load %arg6[%swap3A_62, %swap3A_63, %swap3A_64] {strides = array<i32>} : memref<250x2x80xi32, #tpu.memory_space<vmem>>, vector<1x1x16xi32>,
    %swap3A_66 = vector.shape_cast %swap3A_65 : vector<1x1x16xi32> to vector<16xi32>
    %swap3A_67 = vector.shape_cast %select_n3A_59 : vector<16xi32> to vector<1x1x16xi32>
    tpu.vector_store %arg6[%swap3A_62, %swap3A_63, %swap3A_64], %swap3A_67 {strides = array<i32>} : memref<250x2x80xi32, #tpu.memory_space<vmem>>, vector<1x1x16xi32>,
    %get3A_68 = arith.constant 0 : i32
    %get3A_69 = arith.constant 1 : i32
    %get3A_70 = arith.index_cast %get3A_68 : i32 to index
    %get3A_71 = arith.index_cast %get3A_69 : i32 to index
    %get3A_72 = arith.constant 32 : index
    %get3A_73 = tpu.vector_load %arg6[%get3A_70, %get3A_71, %get3A_72] {strides = array<i32>} : memref<250x2x80xi32, #tpu.memory_space<vmem>>, vector<1x1x16xi32>,
    %get3A_74 = vector.shape_cast %get3A_73 : vector<1x1x16xi32> to vector<16xi32>
    %sub3A_75 = vector.broadcast %mul3A_6 : i32 to vector<16xi32>
    %sub3A_76 = arith.subi %get3A_74, %sub3A_75 : vector<16xi32>
    %ge3A_77 = arith.constant 0 : i32
    %ge3A_78 = vector.broadcast %ge3A_77 : i32 to vector<16xi32>
    %ge3A_79 = arith.cmpi sge, %sub3A_76, %ge3A_78 : vector<16xi32>
    %lt3A_80 = arith.constant 5120 : i32
    %lt3A_81 = vector.broadcast %lt3A_80 : i32 to vector<16xi32>
    %lt3A_82 = arith.cmpi slt, %sub3A_76, %lt3A_81 : vector<16xi32>
    %and3A_83 = arith.andi %ge3A_79, %lt3A_82 : vector<16xi1>
    %and3A_84 = arith.constant 127 : i32
    %and3A_85 = vector.broadcast %and3A_84 : i32 to vector<16xi32>
    %and3A_86 = arith.andi %get3A_74, %and3A_85 : vector<16xi32>
    %add3A_87 = arith.constant 5120 : i32
    %add3A_88 = vector.broadcast %add3A_87 : i32 to vector<16xi32>
    %add3A_89 = arith.addi %add3A_88, %and3A_86 : vector<16xi32>
    %select_n3A_90 = arith.select %and3A_83, %sub3A_76, %add3A_89 : vector<16xi1>, vector<16xi32>
    %swap3A_91 = arith.constant 0 : i32
    %swap3A_92 = arith.constant 1 : i32
    %swap3A_93 = arith.index_cast %swap3A_91 : i32 to index
    %swap3A_94 = arith.index_cast %swap3A_92 : i32 to index
    %swap3A_95 = arith.constant 32 : index
    %swap3A_96 = tpu.vector_load %arg6[%swap3A_93, %swap3A_94, %swap3A_95] {strides = array<i32>} : memref<250x2x80xi32, #tpu.memory_space<vmem>>, vector<1x1x16xi32>,
    %swap3A_97 = vector.shape_cast %swap3A_96 : vector<1x1x16xi32> to vector<16xi32>
    %swap3A_98 = vector.shape_cast %select_n3A_90 : vector<16xi32> to vector<1x1x16xi32>
    tpu.vector_store %arg6[%swap3A_93, %swap3A_94, %swap3A_95], %swap3A_98 {strides = array<i32>} : memref<250x2x80xi32, #tpu.memory_space<vmem>>, vector<1x1x16xi32>,
    %get3A_99 = arith.constant 0 : i32
    %get3A_100 = arith.constant 1 : i32
    %get3A_101 = arith.index_cast %get3A_99 : i32 to index
    %get3A_102 = arith.index_cast %get3A_100 : i32 to index
    %get3A_103 = arith.constant 48 : index
    %get3A_104 = tpu.vector_load %arg6[%get3A_101, %get3A_102, %get3A_103] {strides = array<i32>} : memref<250x2x80xi32, #tpu.memory_space<vmem>>, vector<1x1x16xi32>,
    %get3A_105 = vector.shape_cast %get3A_104 : vector<1x1x16xi32> to vector<16xi32>
    %sub3A_106 = vector.broadcast %mul3A_6 : i32 to vector<16xi32>
    %sub3A_107 = arith.subi %get3A_105, %sub3A_106 : vector<16xi32>
    %ge3A_108 = arith.constant 0 : i32
    %ge3A_109 = vector.broadcast %ge3A_108 : i32 to vector<16xi32>
    %ge3A_110 = arith.cmpi sge, %sub3A_107, %ge3A_109 : vector<16xi32>
    %lt3A_111 = arith.constant 5120 : i32
    %lt3A_112 = vector.broadcast %lt3A_111 : i32 to vector<16xi32>
    %lt3A_113 = arith.cmpi slt, %sub3A_107, %lt3A_112 : vector<16xi32>
    %and3A_114 = arith.andi %ge3A_110, %lt3A_113 : vector<16xi1>
    %and3A_115 = arith.constant 127 : i32
    %and3A_116 = vector.broadcast %and3A_115 : i32 to vector<16xi32>
    %and3A_117 = arith.andi %get3A_105, %and3A_116 : vector<16xi32>
    %add3A_118 = arith.constant 5120 : i32
    %add3A_119 = vector.broadcast %add3A_118 : i32 to vector<16xi32>
    %add3A_120 = arith.addi %add3A_119, %and3A_117 : vector<16xi32>
    %select_n3A_121 = arith.select %and3A_114, %sub3A_107, %add3A_120 : vector<16xi1>, vector<16xi32>
    %swap3A_122 = arith.constant 0 : i32
    %swap3A_123 = arith.constant 1 : i32
    %swap3A_124 = arith.index_cast %swap3A_122 : i32 to index
    %swap3A_125 = arith.index_cast %swap3A_123 : i32 to index
    %swap3A_126 = arith.constant 48 : index
    %swap3A_127 = tpu.vector_load %arg6[%swap3A_124, %swap3A_125, %swap3A_126] {strides = array<i32>} : memref<250x2x80xi32, #tpu.memory_space<vmem>>, vector<1x1x16xi32>,
    %swap3A_128 = vector.shape_cast %swap3A_127 : vector<1x1x16xi32> to vector<16xi32>
    %swap3A_129 = vector.shape_cast %select_n3A_121 : vector<16xi32> to vector<1x1x16xi32>
    tpu.vector_store %arg6[%swap3A_124, %swap3A_125, %swap3A_126], %swap3A_129 {strides = array<i32>} : memref<250x2x80xi32, #tpu.memory_space<vmem>>, vector<1x1x16xi32>,
    %get3A_130 = arith.constant 0 : i32
    %get3A_131 = arith.constant 1 : i32
    %get3A_132 = arith.index_cast %get3A_130 : i32 to index
    %get3A_133 = arith.index_cast %get3A_131 : i32 to index
    %get3A_134 = arith.constant 64 : index
    %get3A_135 = tpu.vector_load %arg6[%get3A_132, %get3A_133, %get3A_134] {strides = array<i32>} : memref<250x2x80xi32, #tpu.memory_space<vmem>>, vector<1x1x16xi32>,
    %get3A_136 = vector.shape_cast %get3A_135 : vector<1x1x16xi32> to vector<16xi32>
    %sub3A_137 = vector.broadcast %mul3A_6 : i32 to vector<16xi32>
    %sub3A_138 = arith.subi %get3A_136, %sub3A_137 : vector<16xi32>
    %ge3A_139 = arith.constant 0 : i32
    %ge3A_140 = vector.broadcast %ge3A_139 : i32 to vector<16xi32>
    %ge3A_141 = arith.cmpi sge, %sub3A_138, %ge3A_140 : vector<16xi32>
    %lt3A_142 = arith.constant 5120 : i32
    %lt3A_143 = vector.broadcast %lt3A_142 : i32 to vector<16xi32>
    %lt3A_144 = arith.cmpi slt, %sub3A_138, %lt3A_143 : vector<16xi32>
    %and3A_145 = arith.andi %ge3A_141, %lt3A_144 : vector<16xi1>
    %and3A_146 = arith.constant 127 : i32
    %and3A_147 = vector.broadcast %and3A_146 : i32 to vector<16xi32>
    %and3A_148 = arith.andi %get3A_136, %and3A_147 : vector<16xi32>
    %add3A_149 = arith.constant 5120 : i32
    %add3A_150 = vector.broadcast %add3A_149 : i32 to vector<16xi32>
    %add3A_151 = arith.addi %add3A_150, %and3A_148 : vector<16xi32>
    %select_n3A_152 = arith.select %and3A_145, %sub3A_138, %add3A_151 : vector<16xi1>, vector<16xi32>
    %swap3A_153 = arith.constant 0 : i32
    %swap3A_154 = arith.constant 1 : i32
    %swap3A_155 = arith.index_cast %swap3A_153 : i32 to index
    %swap3A_156 = arith.index_cast %swap3A_154 : i32 to index
    %swap3A_157 = arith.constant 64 : index
    %swap3A_158 = tpu.vector_load %arg6[%swap3A_155, %swap3A_156, %swap3A_157] {strides = array<i32>} : memref<250x2x80xi32, #tpu.memory_space<vmem>>, vector<1x1x16xi32>,
    %swap3A_159 = vector.shape_cast %swap3A_158 : vector<1x1x16xi32> to vector<16xi32>
    %swap3A_160 = vector.shape_cast %select_n3A_152 : vector<16xi32> to vector<1x1x16xi32>
    tpu.vector_store %arg6[%swap3A_155, %swap3A_156, %swap3A_157], %swap3A_160 {strides = array<i32>} : memref<250x2x80xi32, #tpu.memory_space<vmem>>, vector<1x1x16xi32>,
    %scan3A = arith.constant 0 : i32
    %scan3A_161 = arith.constant 0 : i32
    %scan3A_162 = arith.constant 124 : i32
    %scan3A_163 = arith.addi %scan3A_161, %scan3A_162 : i32
    %scan3A_164 = arith.constant 1 : i32
    scf.for %scan3A_396 = %scan3A_161 to %scan3A_163 step %scan3A_164  : i32 {
      %mul3A_397 = arith.constant 2 : i32
      %mul3A_398 = arith.muli %mul3A_397, %scan3A_396 : i32
      %add3A_399 = arith.constant 1 : i32
      %add3A_400 = arith.addi %add3A_399, %mul3A_398 : i32
      %dma_start3A_401 = arith.constant 0 : i32
      %dma_start3A_402 = arith.constant 0 : i32
      %dma_start3A_403 = tpu.memref_slice %arg6[%add3A_400, %dma_start3A_401, %dma_start3A_402] : memref<250x2x80xi32, #tpu.memory_space<vmem>> -> memref<1x1x80xi32, #tpu.memory_space<vmem>>
      %dma_start3A_404 = tpu.memref_squeeze %dma_start3A_403 : memref<1x1x80xi32, #tpu.memory_space<vmem>> -> memref<80xi32, #tpu.memory_space<vmem>>
      %dma_start3A_405 = arith.constant 0 : i32
      %dma_start3A_406 = arith.constant 0 : i32
      %dma_start3A_407 = tpu.memref_slice %arg2[%dma_start3A_405, %dma_start3A_406] : memref<1024x128xf32, #tpu.memory_space<hbm>> -> memref<1024x128xf32, #tpu.memory_space<hbm>>
      tpu.enqueue_indirect_dma source(%dma_start3A_407 : memref<1024x128xf32, #tpu.memory_space<hbm>>) target(%arg8 : memref<80x128xf32, #tpu.memory_space<vmem>>) offsets(%dma_start3A_404 : memref<80xi32, #tpu.memory_space<vmem>>) semaphore(%arg11 : memref<!tpu.dma_semaphore, #tpu.memory_space<semaphore_mem>>)
      %get3A_408 = arith.constant 1 : i32
      %get3A_409 = arith.index_cast %add3A_400 : i32 to index
      %get3A_410 = arith.index_cast %get3A_408 : i32 to index
      %get3A_411 = arith.constant 0 : index
      %get3A_412 = tpu.vector_load %arg6[%get3A_409, %get3A_410, %get3A_411] {strides = array<i32>} : memref<250x2x80xi32, #tpu.memory_space<vmem>>, vector<1x1x16xi32>,
      %get3A_413 = vector.shape_cast %get3A_412 : vector<1x1x16xi32> to vector<16xi32>
      %sub3A_414 = vector.broadcast %mul3A_6 : i32 to vector<16xi32>
      %sub3A_415 = arith.subi %get3A_413, %sub3A_414 : vector<16xi32>
      %ge3A_416 = arith.constant 0 : i32
      %ge3A_417 = vector.broadcast %ge3A_416 : i32 to vector<16xi32>
      %ge3A_418 = arith.cmpi sge, %sub3A_415, %ge3A_417 : vector<16xi32>
      %lt3A_419 = arith.constant 5120 : i32
      %lt3A_420 = vector.broadcast %lt3A_419 : i32 to vector<16xi32>
      %lt3A_421 = arith.cmpi slt, %sub3A_415, %lt3A_420 : vector<16xi32>
      %and3A_422 = arith.andi %ge3A_418, %lt3A_421 : vector<16xi1>
      %and3A_423 = arith.constant 127 : i32
      %and3A_424 = vector.broadcast %and3A_423 : i32 to vector<16xi32>
      %and3A_425 = arith.andi %get3A_413, %and3A_424 : vector<16xi32>
      %add3A_426 = arith.constant 5120 : i32
      %add3A_427 = vector.broadcast %add3A_426 : i32 to vector<16xi32>
      %add3A_428 = arith.addi %add3A_427, %and3A_425 : vector<16xi32>
      %select_n3A_429 = arith.select %and3A_422, %sub3A_415, %add3A_428 : vector<16xi1>, vector<16xi32>
      %swap3A_430 = arith.constant 1 : i32
      %swap3A_431 = arith.index_cast %add3A_400 : i32 to index
      %swap3A_432 = arith.index_cast %swap3A_430 : i32 to index
      %swap3A_433 = arith.constant 0 : index
      %swap3A_434 = tpu.vector_load %arg6[%swap3A_431, %swap3A_432, %swap3A_433] {strides = array<i32>} : memref<250x2x80xi32, #tpu.memory_space<vmem>>, vector<1x1x16xi32>,
      %swap3A_435 = vector.shape_cast %swap3A_434 : vector<1x1x16xi32> to vector<16xi32>
      %swap3A_436 = vector.shape_cast %select_n3A_429 : vector<16xi32> to vector<1x1x16xi32>
      tpu.vector_store %arg6[%swap3A_431, %swap3A_432, %swap3A_433], %swap3A_436 {strides = array<i32>} : memref<250x2x80xi32, #tpu.memory_space<vmem>>, vector<1x1x16xi32>,
      %get3A_437 = arith.constant 1 : i32
      %get3A_438 = arith.index_cast %add3A_400 : i32 to index
      %get3A_439 = arith.index_cast %get3A_437 : i32 to index
      %get3A_440 = arith.constant 16 : index
      %get3A_441 = tpu.vector_load %arg6[%get3A_438, %get3A_439, %get3A_440] {strides = array<i32>} : memref<250x2x80xi32, #tpu.memory_space<vmem>>, vector<1x1x16xi32>,
      %get3A_442 = vector.shape_cast %get3A_441 : vector<1x1x16xi32> to vector<16xi32>
      %sub3A_443 = vector.broadcast %mul3A_6 : i32 to vector<16xi32>
      %sub3A_444 = arith.subi %get3A_442, %sub3A_443 : vector<16xi32>
      %ge3A_445 = arith.constant 0 : i32
      %ge3A_446 = vector.broadcast %ge3A_445 : i32 to vector<16xi32>
      %ge3A_447 = arith.cmpi sge, %sub3A_444, %ge3A_446 : vector<16xi32>
      %lt3A_448 = arith.constant 5120 : i32
      %lt3A_449 = vector.broadcast %lt3A_448 : i32 to vector<16xi32>
      %lt3A_450 = arith.cmpi slt, %sub3A_444, %lt3A_449 : vector<16xi32>
      %and3A_451 = arith.andi %ge3A_447, %lt3A_450 : vector<16xi1>
      %and3A_452 = arith.constant 127 : i32
      %and3A_453 = vector.broadcast %and3A_452 : i32 to vector<16xi32>
      %and3A_454 = arith.andi %get3A_442, %and3A_453 : vector<16xi32>
      %add3A_455 = arith.constant 5120 : i32
      %add3A_456 = vector.broadcast %add3A_455 : i32 to vector<16xi32>
      %add3A_457 = arith.addi %add3A_456, %and3A_454 : vector<16xi32>
      %select_n3A_458 = arith.select %and3A_451, %sub3A_444, %add3A_457 : vector<16xi1>, vector<16xi32>
      %swap3A_459 = arith.constant 1 : i32
      %swap3A_460 = arith.index_cast %add3A_400 : i32 to index
      %swap3A_461 = arith.index_cast %swap3A_459 : i32 to index
      %swap3A_462 = arith.constant 16 : index
      %swap3A_463 = tpu.vector_load %arg6[%swap3A_460, %swap3A_461, %swap3A_462] {strides = array<i32>} : memref<250x2x80xi32, #tpu.memory_space<vmem>>, vector<1x1x16xi32>,
      %swap3A_464 = vector.shape_cast %swap3A_463 : vector<1x1x16xi32> to vector<16xi32>
      %swap3A_465 = vector.shape_cast %select_n3A_458 : vector<16xi32> to vector<1x1x16xi32>
      tpu.vector_store %arg6[%swap3A_460, %swap3A_461, %swap3A_462], %swap3A_465 {strides = array<i32>} : memref<250x2x80xi32, #tpu.memory_space<vmem>>, vector<1x1x16xi32>,
      %get3A_466 = arith.constant 1 : i32
      %get3A_467 = arith.index_cast %add3A_400 : i32 to index
      %get3A_468 = arith.index_cast %get3A_466 : i32 to index
      %get3A_469 = arith.constant 32 : index
      %get3A_470 = tpu.vector_load %arg6[%get3A_467, %get3A_468, %get3A_469] {strides = array<i32>} : memref<250x2x80xi32, #tpu.memory_space<vmem>>, vector<1x1x16xi32>,
      %get3A_471 = vector.shape_cast %get3A_470 : vector<1x1x16xi32> to vector<16xi32>
      %sub3A_472 = vector.broadcast %mul3A_6 : i32 to vector<16xi32>
      %sub3A_473 = arith.subi %get3A_471, %sub3A_472 : vector<16xi32>
      %ge3A_474 = arith.constant 0 : i32
      %ge3A_475 = vector.broadcast %ge3A_474 : i32 to vector<16xi32>
      %ge3A_476 = arith.cmpi sge, %sub3A_473, %ge3A_475 : vector<16xi32>
      %lt3A_477 = arith.constant 5120 : i32
      %lt3A_478 = vector.broadcast %lt3A_477 : i32 to vector<16xi32>
      %lt3A_479 = arith.cmpi slt, %sub3A_473, %lt3A_478 : vector<16xi32>
      %and3A_480 = arith.andi %ge3A_476, %lt3A_479 : vector<16xi1>
      %and3A_481 = arith.constant 127 : i32
      %and3A_482 = vector.broadcast %and3A_481 : i32 to vector<16xi32>
      %and3A_483 = arith.andi %get3A_471, %and3A_482 : vector<16xi32>
      %add3A_484 = arith.constant 5120 : i32
      %add3A_485 = vector.broadcast %add3A_484 : i32 to vector<16xi32>
      %add3A_486 = arith.addi %add3A_485, %and3A_483 : vector<16xi32>
      %select_n3A_487 = arith.select %and3A_480, %sub3A_473, %add3A_486 : vector<16xi1>, vector<16xi32>
      %swap3A_488 = arith.constant 1 : i32
      %swap3A_489 = arith.index_cast %add3A_400 : i32 to index
      %swap3A_490 = arith.index_cast %swap3A_488 : i32 to index
      %swap3A_491 = arith.constant 32 : index
      %swap3A_492 = tpu.vector_load %arg6[%swap3A_489, %swap3A_490, %swap3A_491] {strides = array<i32>} : memref<250x2x80xi32, #tpu.memory_space<vmem>>, vector<1x1x16xi32>,
      %swap3A_493 = vector.shape_cast %swap3A_492 : vector<1x1x16xi32> to vector<16xi32>
      %swap3A_494 = vector.shape_cast %select_n3A_487 : vector<16xi32> to vector<1x1x16xi32>
      tpu.vector_store %arg6[%swap3A_489, %swap3A_490, %swap3A_491], %swap3A_494 {strides = array<i32>} : memref<250x2x80xi32, #tpu.memory_space<vmem>>, vector<1x1x16xi32>,
      %get3A_495 = arith.constant 1 : i32
      %get3A_496 = arith.index_cast %add3A_400 : i32 to index
      %get3A_497 = arith.index_cast %get3A_495 : i32 to index
      %get3A_498 = arith.constant 48 : index
      %get3A_499 = tpu.vector_load %arg6[%get3A_496, %get3A_497, %get3A_498] {strides = array<i32>} : memref<250x2x80xi32, #tpu.memory_space<vmem>>, vector<1x1x16xi32>,
      %get3A_500 = vector.shape_cast %get3A_499 : vector<1x1x16xi32> to vector<16xi32>
      %sub3A_501 = vector.broadcast %mul3A_6 : i32 to vector<16xi32>
      %sub3A_502 = arith.subi %get3A_500, %sub3A_501 : vector<16xi32>
      %ge3A_503 = arith.constant 0 : i32
      %ge3A_504 = vector.broadcast %ge3A_503 : i32 to vector<16xi32>
      %ge3A_505 = arith.cmpi sge, %sub3A_502, %ge3A_504 : vector<16xi32>
      %lt3A_506 = arith.constant 5120 : i32
      %lt3A_507 = vector.broadcast %lt3A_506 : i32 to vector<16xi32>
      %lt3A_508 = arith.cmpi slt, %sub3A_502, %lt3A_507 : vector<16xi32>
      %and3A_509 = arith.andi %ge3A_505, %lt3A_508 : vector<16xi1>
      %and3A_510 = arith.constant 127 : i32
      %and3A_511 = vector.broadcast %and3A_510 : i32 to vector<16xi32>
      %and3A_512 = arith.andi %get3A_500, %and3A_511 : vector<16xi32>
      %add3A_513 = arith.constant 5120 : i32
      %add3A_514 = vector.broadcast %add3A_513 : i32 to vector<16xi32>
      %add3A_515 = arith.addi %add3A_514, %and3A_512 : vector<16xi32>
      %select_n3A_516 = arith.select %and3A_509, %sub3A_502, %add3A_515 : vector<16xi1>, vector<16xi32>
      %swap3A_517 = arith.constant 1 : i32
      %swap3A_518 = arith.index_cast %add3A_400 : i32 to index
      %swap3A_519 = arith.index_cast %swap3A_517 : i32 to index
      %swap3A_520 = arith.constant 48 : index
      %swap3A_521 = tpu.vector_load %arg6[%swap3A_518, %swap3A_519, %swap3A_520] {strides = array<i32>} : memref<250x2x80xi32, #tpu.memory_space<vmem>>, vector<1x1x16xi32>,
      %swap3A_522 = vector.shape_cast %swap3A_521 : vector<1x1x16xi32> to vector<16xi32>
      %swap3A_523 = vector.shape_cast %select_n3A_516 : vector<16xi32> to vector<1x1x16xi32>
      tpu.vector_store %arg6[%swap3A_518, %swap3A_519, %swap3A_520], %swap3A_523 {strides = array<i32>} : memref<250x2x80xi32, #tpu.memory_space<vmem>>, vector<1x1x16xi32>,
      %get3A_524 = arith.constant 1 : i32
      %get3A_525 = arith.index_cast %add3A_400 : i32 to index
      %get3A_526 = arith.index_cast %get3A_524 : i32 to index
      %get3A_527 = arith.constant 64 : index
      %get3A_528 = tpu.vector_load %arg6[%get3A_525, %get3A_526, %get3A_527] {strides = array<i32>} : memref<250x2x80xi32, #tpu.memory_space<vmem>>, vector<1x1x16xi32>,
      %get3A_529 = vector.shape_cast %get3A_528 : vector<1x1x16xi32> to vector<16xi32>
      %sub3A_530 = vector.broadcast %mul3A_6 : i32 to vector<16xi32>
      %sub3A_531 = arith.subi %get3A_529, %sub3A_530 : vector<16xi32>
      %ge3A_532 = arith.constant 0 : i32
      %ge3A_533 = vector.broadcast %ge3A_532 : i32 to vector<16xi32>
      %ge3A_534 = arith.cmpi sge, %sub3A_531, %ge3A_533 : vector<16xi32>
      %lt3A_535 = arith.constant 5120 : i32
      %lt3A_536 = vector.broadcast %lt3A_535 : i32 to vector<16xi32>
      %lt3A_537 = arith.cmpi slt, %sub3A_531, %lt3A_536 : vector<16xi32>
      %and3A_538 = arith.andi %ge3A_534, %lt3A_537 : vector<16xi1>
      %and3A_539 = arith.constant 127 : i32
      %and3A_540 = vector.broadcast %and3A_539 : i32 to vector<16xi32>
      %and3A_541 = arith.andi %get3A_529, %and3A_540 : vector<16xi32>
      %add3A_542 = arith.constant 5120 : i32
      %add3A_543 = vector.broadcast %add3A_542 : i32 to vector<16xi32>
      %add3A_544 = arith.addi %add3A_543, %and3A_541 : vector<16xi32>
      %select_n3A_545 = arith.select %and3A_538, %sub3A_531, %add3A_544 : vector<16xi1>, vector<16xi32>
      %swap3A_546 = arith.constant 1 : i32
      %swap3A_547 = arith.index_cast %add3A_400 : i32 to index
      %swap3A_548 = arith.index_cast %swap3A_546 : i32 to index
      %swap3A_549 = arith.constant 64 : index
      %swap3A_550 = tpu.vector_load %arg6[%swap3A_547, %swap3A_548, %swap3A_549] {strides = array<i32>} : memref<250x2x80xi32, #tpu.memory_space<vmem>>, vector<1x1x16xi32>,
      %swap3A_551 = vector.shape_cast %swap3A_550 : vector<1x1x16xi32> to vector<16xi32>
      %swap3A_552 = vector.shape_cast %select_n3A_545 : vector<16xi32> to vector<1x1x16xi32>
      tpu.vector_store %arg6[%swap3A_547, %swap3A_548, %swap3A_549], %swap3A_552 {strides = array<i32>} : memref<250x2x80xi32, #tpu.memory_space<vmem>>, vector<1x1x16xi32>,
      %sub3A_553 = arith.constant 1 : i32
      %sub3A_554 = arith.subi %add3A_400, %sub3A_553 : i32
      %dma_wait3A_555 = arith.constant 0 : i32
      %dma_wait3A_556 = arith.constant 0 : i32
      %dma_wait3A_557 = tpu.memref_slice %arg6[%sub3A_554, %dma_wait3A_555, %dma_wait3A_556] : memref<250x2x80xi32, #tpu.memory_space<vmem>> -> memref<1x1x80xi32, #tpu.memory_space<vmem>>
      %dma_wait3A_558 = tpu.memref_squeeze %dma_wait3A_557 : memref<1x1x80xi32, #tpu.memory_space<vmem>> -> memref<80xi32, #tpu.memory_space<vmem>>
      %dma_wait3A_559 = arith.constant 0 : i32
      %dma_wait3A_560 = arith.constant 0 : i32
      %dma_wait3A_561 = tpu.memref_slice %arg2[%dma_wait3A_559, %dma_wait3A_560] : memref<1024x128xf32, #tpu.memory_space<hbm>> -> memref<1024x128xf32, #tpu.memory_space<hbm>>
      tpu.wait_indirect_dma semaphore(%arg10 : memref<!tpu.dma_semaphore, #tpu.memory_space<semaphore_mem>>) src(%dma_wait3A_561 : memref<1024x128xf32, #tpu.memory_space<hbm>>) dst(%arg7 : memref<80x128xf32, #tpu.memory_space<vmem>>)
      %run_scoped3A_562 = arith.constant 1 : i32
      "tpu.region"() ({
        %run_scoped3A_725 = tpu.sem_alloc : memref<!tpu.dma_semaphore, #tpu.memory_space<semaphore_mem>>
        %dma_start3A_726 = arith.constant 0 : i32
        %dma_start3A_727 = tpu.memref_slice %arg6[%sub3A_554, %run_scoped3A_562, %dma_start3A_726] : memref<250x2x80xi32, #tpu.memory_space<vmem>> -> memref<1x1x80xi32, #tpu.memory_space<vmem>>
        %dma_start3A_728 = tpu.memref_squeeze %dma_start3A_727 : memref<1x1x80xi32, #tpu.memory_space<vmem>> -> memref<80xi32, #tpu.memory_space<vmem>>
        %dma_start3A_729 = arith.constant 0 : i32
        %dma_start3A_730 = arith.constant 0 : i32
        %dma_start3A_731 = tpu.memref_slice %arg9[%dma_start3A_729, %dma_start3A_730] : memref<5248x128xf32, #tpu.memory_space<vmem_shared>> -> memref<5248x128xf32, #tpu.memory_space<vmem_shared>>
        tpu.enqueue_indirect_dma source(%arg7 : memref<80x128xf32, #tpu.memory_space<vmem>>) target(%dma_start3A_731 : memref<5248x128xf32, #tpu.memory_space<vmem_shared>>) offsets(%dma_start3A_728 : memref<80xi32, #tpu.memory_space<vmem>>) semaphore(%run_scoped3A_725 : memref<!tpu.dma_semaphore, #tpu.memory_space<semaphore_mem>>) {add = true}
        %dma_wait3A_732 = arith.constant 0 : i32
        %dma_wait3A_733 = tpu.memref_slice %arg6[%sub3A_554, %run_scoped3A_562, %dma_wait3A_732] : memref<250x2x80xi32, #tpu.memory_space<vmem>> -> memref<1x1x80xi32, #tpu.memory_space<vmem>>
        %dma_wait3A_734 = tpu.memref_squeeze %dma_wait3A_733 : memref<1x1x80xi32, #tpu.memory_space<vmem>> -> memref<80xi32, #tpu.memory_space<vmem>>
        %dma_wait3A_735 = arith.constant 0 : i32
        %dma_wait3A_736 = arith.constant 0 : i32
        %dma_wait3A_737 = tpu.memref_slice %arg9[%dma_wait3A_735, %dma_wait3A_736] : memref<5248x128xf32, #tpu.memory_space<vmem_shared>> -> memref<5248x128xf32, #tpu.memory_space<vmem_shared>>
        tpu.wait_indirect_dma semaphore(%run_scoped3A_725 : memref<!tpu.dma_semaphore, #tpu.memory_space<semaphore_mem>>) src(%arg7 : memref<80x128xf32, #tpu.memory_space<vmem>>) dst(%dma_wait3A_737 : memref<5248x128xf32, #tpu.memory_space<vmem_shared>>)
        tpu.yield
      }) : () -> ()
      %add3A_563 = arith.constant 1 : i32
      %add3A_564 = arith.addi %add3A_400, %add3A_563 : i32
      %dma_start3A_565 = arith.constant 0 : i32
      %dma_start3A_566 = arith.constant 0 : i32
      %dma_start3A_567 = tpu.memref_slice %arg6[%add3A_564, %dma_start3A_565, %dma_start3A_566] : memref<250x2x80xi32, #tpu.memory_space<vmem>> -> memref<1x1x80xi32, #tpu.memory_space<vmem>>
      %dma_start3A_568 = tpu.memref_squeeze %dma_start3A_567 : memref<1x1x80xi32, #tpu.memory_space<vmem>> -> memref<80xi32, #tpu.memory_space<vmem>>
      %dma_start3A_569 = arith.constant 0 : i32
      %dma_start3A_570 = arith.constant 0 : i32
      %dma_start3A_571 = tpu.memref_slice %arg2[%dma_start3A_569, %dma_start3A_570] : memref<1024x128xf32, #tpu.memory_space<hbm>> -> memref<1024x128xf32, #tpu.memory_space<hbm>>
      tpu.enqueue_indirect_dma source(%dma_start3A_571 : memref<1024x128xf32, #tpu.memory_space<hbm>>) target(%arg7 : memref<80x128xf32, #tpu.memory_space<vmem>>) offsets(%dma_start3A_568 : memref<80xi32, #tpu.memory_space<vmem>>) semaphore(%arg10 : memref<!tpu.dma_semaphore, #tpu.memory_space<semaphore_mem>>)
      %get3A_572 = arith.constant 1 : i32
      %get3A_573 = arith.index_cast %add3A_564 : i32 to index
      %get3A_574 = arith.index_cast %get3A_572 : i32 to index
      %get3A_575 = arith.constant 0 : index
      %get3A_576 = tpu.vector_load %arg6[%get3A_573, %get3A_574, %get3A_575] {strides = array<i32>} : memref<250x2x80xi32, #tpu.memory_space<vmem>>, vector<1x1x16xi32>,
      %get3A_577 = vector.shape_cast %get3A_576 : vector<1x1x16xi32> to vector<16xi32>
      %sub3A_578 = vector.broadcast %mul3A_6 : i32 to vector<16xi32>
      %sub3A_579 = arith.subi %get3A_577, %sub3A_578 : vector<16xi32>
      %ge3A_580 = arith.constant 0 : i32
      %ge3A_581 = vector.broadcast %ge3A_580 : i32 to vector<16xi32>
      %ge3A_582 = arith.cmpi sge, %sub3A_579, %ge3A_581 : vector<16xi32>
      %lt3A_583 = arith.constant 5120 : i32
      %lt3A_584 = vector.broadcast %lt3A_583 : i32 to vector<16xi32>
      %lt3A_585 = arith.cmpi slt, %sub3A_579, %lt3A_584 : vector<16xi32>
      %and3A_586 = arith.andi %ge3A_582, %lt3A_585 : vector<16xi1>
      %and3A_587 = arith.constant 127 : i32
      %and3A_588 = vector.broadcast %and3A_587 : i32 to vector<16xi32>
      %and3A_589 = arith.andi %get3A_577, %and3A_588 : vector<16xi32>
      %add3A_590 = arith.constant 5120 : i32
      %add3A_591 = vector.broadcast %add3A_590 : i32 to vector<16xi32>
      %add3A_592 = arith.addi %add3A_591, %and3A_589 : vector<16xi32>
      %select_n3A_593 = arith.select %and3A_586, %sub3A_579, %add3A_592 : vector<16xi1>, vector<16xi32>
      %swap3A_594 = arith.constant 1 : i32
      %swap3A_595 = arith.index_cast %add3A_564 : i32 to index
      %swap3A_596 = arith.index_cast %swap3A_594 : i32 to index
      %swap3A_597 = arith.constant 0 : index
      %swap3A_598 = tpu.vector_load %arg6[%swap3A_595, %swap3A_596, %swap3A_597] {strides = array<i32>} : memref<250x2x80xi32, #tpu.memory_space<vmem>>, vector<1x1x16xi32>,
      %swap3A_599 = vector.shape_cast %swap3A_598 : vector<1x1x16xi32> to vector<16xi32>
      %swap3A_600 = vector.shape_cast %select_n3A_593 : vector<16xi32> to vector<1x1x16xi32>
      tpu.vector_store %arg6[%swap3A_595, %swap3A_596, %swap3A_597], %swap3A_600 {strides = array<i32>} : memref<250x2x80xi32, #tpu.memory_space<vmem>>, vector<1x1x16xi32>,
      %get3A_601 = arith.constant 1 : i32
      %get3A_602 = arith.index_cast %add3A_564 : i32 to index
      %get3A_603 = arith.index_cast %get3A_601 : i32 to index
      %get3A_604 = arith.constant 16 : index
      %get3A_605 = tpu.vector_load %arg6[%get3A_602, %get3A_603, %get3A_604] {strides = array<i32>} : memref<250x2x80xi32, #tpu.memory_space<vmem>>, vector<1x1x16xi32>,
      %get3A_606 = vector.shape_cast %get3A_605 : vector<1x1x16xi32> to vector<16xi32>
      %sub3A_607 = vector.broadcast %mul3A_6 : i32 to vector<16xi32>
      %sub3A_608 = arith.subi %get3A_606, %sub3A_607 : vector<16xi32>
      %ge3A_609 = arith.constant 0 : i32
      %ge3A_610 = vector.broadcast %ge3A_609 : i32 to vector<16xi32>
      %ge3A_611 = arith.cmpi sge, %sub3A_608, %ge3A_610 : vector<16xi32>
      %lt3A_612 = arith.constant 5120 : i32
      %lt3A_613 = vector.broadcast %lt3A_612 : i32 to vector<16xi32>
      %lt3A_614 = arith.cmpi slt, %sub3A_608, %lt3A_613 : vector<16xi32>
      %and3A_615 = arith.andi %ge3A_611, %lt3A_614 : vector<16xi1>
      %and3A_616 = arith.constant 127 : i32
      %and3A_617 = vector.broadcast %and3A_616 : i32 to vector<16xi32>
      %and3A_618 = arith.andi %get3A_606, %and3A_617 : vector<16xi32>
      %add3A_619 = arith.constant 5120 : i32
      %add3A_620 = vector.broadcast %add3A_619 : i32 to vector<16xi32>
      %add3A_621 = arith.addi %add3A_620, %and3A_618 : vector<16xi32>
      %select_n3A_622 = arith.select %and3A_615, %sub3A_608, %add3A_621 : vector<16xi1>, vector<16xi32>
      %swap3A_623 = arith.constant 1 : i32
      %swap3A_624 = arith.index_cast %add3A_564 : i32 to index
      %swap3A_625 = arith.index_cast %swap3A_623 : i32 to index
      %swap3A_626 = arith.constant 16 : index
      %swap3A_627 = tpu.vector_load %arg6[%swap3A_624, %swap3A_625, %swap3A_626] {strides = array<i32>} : memref<250x2x80xi32, #tpu.memory_space<vmem>>, vector<1x1x16xi32>,
      %swap3A_628 = vector.shape_cast %swap3A_627 : vector<1x1x16xi32> to vector<16xi32>
      %swap3A_629 = vector.shape_cast %select_n3A_622 : vector<16xi32> to vector<1x1x16xi32>
      tpu.vector_store %arg6[%swap3A_624, %swap3A_625, %swap3A_626], %swap3A_629 {strides = array<i32>} : memref<250x2x80xi32, #tpu.memory_space<vmem>>, vector<1x1x16xi32>,
      %get3A_630 = arith.constant 1 : i32
      %get3A_631 = arith.index_cast %add3A_564 : i32 to index
      %get3A_632 = arith.index_cast %get3A_630 : i32 to index
      %get3A_633 = arith.constant 32 : index
      %get3A_634 = tpu.vector_load %arg6[%get3A_631, %get3A_632, %get3A_633] {strides = array<i32>} : memref<250x2x80xi32, #tpu.memory_space<vmem>>, vector<1x1x16xi32>,
      %get3A_635 = vector.shape_cast %get3A_634 : vector<1x1x16xi32> to vector<16xi32>
      %sub3A_636 = vector.broadcast %mul3A_6 : i32 to vector<16xi32>
      %sub3A_637 = arith.subi %get3A_635, %sub3A_636 : vector<16xi32>
      %ge3A_638 = arith.constant 0 : i32
      %ge3A_639 = vector.broadcast %ge3A_638 : i32 to vector<16xi32>
      %ge3A_640 = arith.cmpi sge, %sub3A_637, %ge3A_639 : vector<16xi32>
      %lt3A_641 = arith.constant 5120 : i32
      %lt3A_642 = vector.broadcast %lt3A_641 : i32 to vector<16xi32>
      %lt3A_643 = arith.cmpi slt, %sub3A_637, %lt3A_642 : vector<16xi32>
      %and3A_644 = arith.andi %ge3A_640, %lt3A_643 : vector<16xi1>
      %and3A_645 = arith.constant 127 : i32
      %and3A_646 = vector.broadcast %and3A_645 : i32 to vector<16xi32>
      %and3A_647 = arith.andi %get3A_635, %and3A_646 : vector<16xi32>
      %add3A_648 = arith.constant 5120 : i32
      %add3A_649 = vector.broadcast %add3A_648 : i32 to vector<16xi32>
      %add3A_650 = arith.addi %add3A_649, %and3A_647 : vector<16xi32>
      %select_n3A_651 = arith.select %and3A_644, %sub3A_637, %add3A_650 : vector<16xi1>, vector<16xi32>
      %swap3A_652 = arith.constant 1 : i32
      %swap3A_653 = arith.index_cast %add3A_564 : i32 to index
      %swap3A_654 = arith.index_cast %swap3A_652 : i32 to index
      %swap3A_655 = arith.constant 32 : index
      %swap3A_656 = tpu.vector_load %arg6[%swap3A_653, %swap3A_654, %swap3A_655] {strides = array<i32>} : memref<250x2x80xi32, #tpu.memory_space<vmem>>, vector<1x1x16xi32>,
      %swap3A_657 = vector.shape_cast %swap3A_656 : vector<1x1x16xi32> to vector<16xi32>
      %swap3A_658 = vector.shape_cast %select_n3A_651 : vector<16xi32> to vector<1x1x16xi32>
      tpu.vector_store %arg6[%swap3A_653, %swap3A_654, %swap3A_655], %swap3A_658 {strides = array<i32>} : memref<250x2x80xi32, #tpu.memory_space<vmem>>, vector<1x1x16xi32>,
      %get3A_659 = arith.constant 1 : i32
      %get3A_660 = arith.index_cast %add3A_564 : i32 to index
      %get3A_661 = arith.index_cast %get3A_659 : i32 to index
      %get3A_662 = arith.constant 48 : index
      %get3A_663 = tpu.vector_load %arg6[%get3A_660, %get3A_661, %get3A_662] {strides = array<i32>} : memref<250x2x80xi32, #tpu.memory_space<vmem>>, vector<1x1x16xi32>,
      %get3A_664 = vector.shape_cast %get3A_663 : vector<1x1x16xi32> to vector<16xi32>
      %sub3A_665 = vector.broadcast %mul3A_6 : i32 to vector<16xi32>
      %sub3A_666 = arith.subi %get3A_664, %sub3A_665 : vector<16xi32>
      %ge3A_667 = arith.constant 0 : i32
      %ge3A_668 = vector.broadcast %ge3A_667 : i32 to vector<16xi32>
      %ge3A_669 = arith.cmpi sge, %sub3A_666, %ge3A_668 : vector<16xi32>
      %lt3A_670 = arith.constant 5120 : i32
      %lt3A_671 = vector.broadcast %lt3A_670 : i32 to vector<16xi32>
      %lt3A_672 = arith.cmpi slt, %sub3A_666, %lt3A_671 : vector<16xi32>
      %and3A_673 = arith.andi %ge3A_669, %lt3A_672 : vector<16xi1>
      %and3A_674 = arith.constant 127 : i32
      %and3A_675 = vector.broadcast %and3A_674 : i32 to vector<16xi32>
      %and3A_676 = arith.andi %get3A_664, %and3A_675 : vector<16xi32>
      %add3A_677 = arith.constant 5120 : i32
      %add3A_678 = vector.broadcast %add3A_677 : i32 to vector<16xi32>
      %add3A_679 = arith.addi %add3A_678, %and3A_676 : vector<16xi32>
      %select_n3A_680 = arith.select %and3A_673, %sub3A_666, %add3A_679 : vector<16xi1>, vector<16xi32>
      %swap3A_681 = arith.constant 1 : i32
      %swap3A_682 = arith.index_cast %add3A_564 : i32 to index
      %swap3A_683 = arith.index_cast %swap3A_681 : i32 to index
      %swap3A_684 = arith.constant 48 : index
      %swap3A_685 = tpu.vector_load %arg6[%swap3A_682, %swap3A_683, %swap3A_684] {strides = array<i32>} : memref<250x2x80xi32, #tpu.memory_space<vmem>>, vector<1x1x16xi32>,
      %swap3A_686 = vector.shape_cast %swap3A_685 : vector<1x1x16xi32> to vector<16xi32>
      %swap3A_687 = vector.shape_cast %select_n3A_680 : vector<16xi32> to vector<1x1x16xi32>
      tpu.vector_store %arg6[%swap3A_682, %swap3A_683, %swap3A_684], %swap3A_687 {strides = array<i32>} : memref<250x2x80xi32, #tpu.memory_space<vmem>>, vector<1x1x16xi32>,
      %get3A_688 = arith.constant 1 : i32
      %get3A_689 = arith.index_cast %add3A_564 : i32 to index
      %get3A_690 = arith.index_cast %get3A_688 : i32 to index
      %get3A_691 = arith.constant 64 : index
      %get3A_692 = tpu.vector_load %arg6[%get3A_689, %get3A_690, %get3A_691] {strides = array<i32>} : memref<250x2x80xi32, #tpu.memory_space<vmem>>, vector<1x1x16xi32>,
      %get3A_693 = vector.shape_cast %get3A_692 : vector<1x1x16xi32> to vector<16xi32>
      %sub3A_694 = vector.broadcast %mul3A_6 : i32 to vector<16xi32>
      %sub3A_695 = arith.subi %get3A_693, %sub3A_694 : vector<16xi32>
      %ge3A_696 = arith.constant 0 : i32
      %ge3A_697 = vector.broadcast %ge3A_696 : i32 to vector<16xi32>
      %ge3A_698 = arith.cmpi sge, %sub3A_695, %ge3A_697 : vector<16xi32>
      %lt3A_699 = arith.constant 5120 : i32
      %lt3A_700 = vector.broadcast %lt3A_699 : i32 to vector<16xi32>
      %lt3A_701 = arith.cmpi slt, %sub3A_695, %lt3A_700 : vector<16xi32>
      %and3A_702 = arith.andi %ge3A_698, %lt3A_701 : vector<16xi1>
      %and3A_703 = arith.constant 127 : i32
      %and3A_704 = vector.broadcast %and3A_703 : i32 to vector<16xi32>
      %and3A_705 = arith.andi %get3A_693, %and3A_704 : vector<16xi32>
      %add3A_706 = arith.constant 5120 : i32
      %add3A_707 = vector.broadcast %add3A_706 : i32 to vector<16xi32>
      %add3A_708 = arith.addi %add3A_707, %and3A_705 : vector<16xi32>
      %select_n3A_709 = arith.select %and3A_702, %sub3A_695, %add3A_708 : vector<16xi1>, vector<16xi32>
      %swap3A_710 = arith.constant 1 : i32
      %swap3A_711 = arith.index_cast %add3A_564 : i32 to index
      %swap3A_712 = arith.index_cast %swap3A_710 : i32 to index
      %swap3A_713 = arith.constant 64 : index
      %swap3A_714 = tpu.vector_load %arg6[%swap3A_711, %swap3A_712, %swap3A_713] {strides = array<i32>} : memref<250x2x80xi32, #tpu.memory_space<vmem>>, vector<1x1x16xi32>,
      %swap3A_715 = vector.shape_cast %swap3A_714 : vector<1x1x16xi32> to vector<16xi32>
      %swap3A_716 = vector.shape_cast %select_n3A_709 : vector<16xi32> to vector<1x1x16xi32>
      tpu.vector_store %arg6[%swap3A_711, %swap3A_712, %swap3A_713], %swap3A_716 {strides = array<i32>} : memref<250x2x80xi32, #tpu.memory_space<vmem>>, vector<1x1x16xi32>,
      %dma_wait3A_717 = arith.constant 0 : i32
      %dma_wait3A_718 = arith.constant 0 : i32
      %dma_wait3A_719 = tpu.memref_slice %arg6[%add3A_400, %dma_wait3A_717, %dma_wait3A_718] : memref<250x2x80xi32, #tpu.memory_space<vmem>> -> memref<1x1x80xi32, #tpu.memory_space<vmem>>
      %dma_wait3A_720 = tpu.memref_squeeze %dma_wait3A_719 : memref<1x1x80xi32, #tpu.memory_space<vmem>> -> memref<80xi32, #tpu.memory_space<vmem>>
      %dma_wait3A_721 = arith.constant 0 : i32
      %dma_wait3A_722 = arith.constant 0 : i32
      %dma_wait3A_723 = tpu.memref_slice %arg2[%dma_wait3A_721, %dma_wait3A_722] : memref<1024x128xf32, #tpu.memory_space<hbm>> -> memref<1024x128xf32, #tpu.memory_space<hbm>>
      tpu.wait_indirect_dma semaphore(%arg11 : memref<!tpu.dma_semaphore, #tpu.memory_space<semaphore_mem>>) src(%dma_wait3A_723 : memref<1024x128xf32, #tpu.memory_space<hbm>>) dst(%arg8 : memref<80x128xf32, #tpu.memory_space<vmem>>)
      %run_scoped3A_724 = arith.constant 1 : i32
      "tpu.region"() ({
        %run_scoped3A_725 = tpu.sem_alloc : memref<!tpu.dma_semaphore, #tpu.memory_space<semaphore_mem>>
        %dma_start3A_726 = arith.constant 0 : i32
        %dma_start3A_727 = tpu.memref_slice %arg6[%add3A_400, %run_scoped3A_724, %dma_start3A_726] : memref<250x2x80xi32, #tpu.memory_space<vmem>> -> memref<1x1x80xi32, #tpu.memory_space<vmem>>
        %dma_start3A_728 = tpu.memref_squeeze %dma_start3A_727 : memref<1x1x80xi32, #tpu.memory_space<vmem>> -> memref<80xi32, #tpu.memory_space<vmem>>
        %dma_start3A_729 = arith.constant 0 : i32
        %dma_start3A_730 = arith.constant 0 : i32
        %dma_start3A_731 = tpu.memref_slice %arg9[%dma_start3A_729, %dma_start3A_730] : memref<5248x128xf32, #tpu.memory_space<vmem_shared>> -> memref<5248x128xf32, #tpu.memory_space<vmem_shared>>
        tpu.enqueue_indirect_dma source(%arg8 : memref<80x128xf32, #tpu.memory_space<vmem>>) target(%dma_start3A_731 : memref<5248x128xf32, #tpu.memory_space<vmem_shared>>) offsets(%dma_start3A_728 : memref<80xi32, #tpu.memory_space<vmem>>) semaphore(%run_scoped3A_725 : memref<!tpu.dma_semaphore, #tpu.memory_space<semaphore_mem>>) {add = true}
        %dma_wait3A_732 = arith.constant 0 : i32
        %dma_wait3A_733 = tpu.memref_slice %arg6[%add3A_400, %run_scoped3A_724, %dma_wait3A_732] : memref<250x2x80xi32, #tpu.memory_space<vmem>> -> memref<1x1x80xi32, #tpu.memory_space<vmem>>
        %dma_wait3A_734 = tpu.memref_squeeze %dma_wait3A_733 : memref<1x1x80xi32, #tpu.memory_space<vmem>> -> memref<80xi32, #tpu.memory_space<vmem>>
        %dma_wait3A_735 = arith.constant 0 : i32
        %dma_wait3A_736 = arith.constant 0 : i32
        %dma_wait3A_737 = tpu.memref_slice %arg9[%dma_wait3A_735, %dma_wait3A_736] : memref<5248x128xf32, #tpu.memory_space<vmem_shared>> -> memref<5248x128xf32, #tpu.memory_space<vmem_shared>>
        tpu.wait_indirect_dma semaphore(%run_scoped3A_725 : memref<!tpu.dma_semaphore, #tpu.memory_space<semaphore_mem>>) src(%arg8 : memref<80x128xf32, #tpu.memory_space<vmem>>) dst(%dma_wait3A_737 : memref<5248x128xf32, #tpu.memory_space<vmem_shared>>)
        tpu.yield
      }) : () -> ()
    }
    %scan3A_165 = arith.constant 124 : i32
    %dma_start3A_166 = arith.constant 249 : i32
    %dma_start3A_167 = arith.constant 0 : i32
    %dma_start3A_168 = arith.constant 0 : i32
    %dma_start3A_169 = tpu.memref_slice %arg6[%dma_start3A_166, %dma_start3A_167, %dma_start3A_168] : memref<250x2x80xi32, #tpu.memory_space<vmem>> -> memref<1x1x80xi32, #tpu.memory_space<vmem>>
    %dma_start3A_170 = tpu.memref_squeeze %dma_start3A_169 : memref<1x1x80xi32, #tpu.memory_space<vmem>> -> memref<80xi32, #tpu.memory_space<vmem>>
    %dma_start3A_171 = arith.constant 0 : i32
    %dma_start3A_172 = arith.constant 0 : i32
    %dma_start3A_173 = tpu.memref_slice %arg2[%dma_start3A_171, %dma_start3A_172] : memref<1024x128xf32, #tpu.memory_space<hbm>> -> memref<1024x128xf32, #tpu.memory_space<hbm>>
    tpu.enqueue_indirect_dma source(%dma_start3A_173 : memref<1024x128xf32, #tpu.memory_space<hbm>>) target(%arg8 : memref<80x128xf32, #tpu.memory_space<vmem>>) offsets(%dma_start3A_170 : memref<80xi32, #tpu.memory_space<vmem>>) semaphore(%arg11 : memref<!tpu.dma_semaphore, #tpu.memory_space<semaphore_mem>>)
    %get3A_174 = arith.constant 249 : i32
    %get3A_175 = arith.constant 1 : i32
    %get3A_176 = arith.index_cast %get3A_174 : i32 to index
    %get3A_177 = arith.index_cast %get3A_175 : i32 to index
    %get3A_178 = arith.constant 0 : index
    %get3A_179 = tpu.vector_load %arg6[%get3A_176, %get3A_177, %get3A_178] {strides = array<i32>} : memref<250x2x80xi32, #tpu.memory_space<vmem>>, vector<1x1x16xi32>,
    %get3A_180 = vector.shape_cast %get3A_179 : vector<1x1x16xi32> to vector<16xi32>
    %sub3A_181 = vector.broadcast %mul3A_6 : i32 to vector<16xi32>
    %sub3A_182 = arith.subi %get3A_180, %sub3A_181 : vector<16xi32>
    %ge3A_183 = arith.constant 0 : i32
    %ge3A_184 = vector.broadcast %ge3A_183 : i32 to vector<16xi32>
    %ge3A_185 = arith.cmpi sge, %sub3A_182, %ge3A_184 : vector<16xi32>
    %lt3A_186 = arith.constant 5120 : i32
    %lt3A_187 = vector.broadcast %lt3A_186 : i32 to vector<16xi32>
    %lt3A_188 = arith.cmpi slt, %sub3A_182, %lt3A_187 : vector<16xi32>
    %and3A_189 = arith.andi %ge3A_185, %lt3A_188 : vector<16xi1>
    %and3A_190 = arith.constant 127 : i32
    %and3A_191 = vector.broadcast %and3A_190 : i32 to vector<16xi32>
    %and3A_192 = arith.andi %get3A_180, %and3A_191 : vector<16xi32>
    %add3A_193 = arith.constant 5120 : i32
    %add3A_194 = vector.broadcast %add3A_193 : i32 to vector<16xi32>
    %add3A_195 = arith.addi %add3A_194, %and3A_192 : vector<16xi32>
    %select_n3A_196 = arith.select %and3A_189, %sub3A_182, %add3A_195 : vector<16xi1>, vector<16xi32>
    %swap3A_197 = arith.constant 249 : i32
    %swap3A_198 = arith.constant 1 : i32
    %swap3A_199 = arith.index_cast %swap3A_197 : i32 to index
    %swap3A_200 = arith.index_cast %swap3A_198 : i32 to index
    %swap3A_201 = arith.constant 0 : index
    %swap3A_202 = tpu.vector_load %arg6[%swap3A_199, %swap3A_200, %swap3A_201] {strides = array<i32>} : memref<250x2x80xi32, #tpu.memory_space<vmem>>, vector<1x1x16xi32>,
    %swap3A_203 = vector.shape_cast %swap3A_202 : vector<1x1x16xi32> to vector<16xi32>
    %swap3A_204 = vector.shape_cast %select_n3A_196 : vector<16xi32> to vector<1x1x16xi32>
    tpu.vector_store %arg6[%swap3A_199, %swap3A_200, %swap3A_201], %swap3A_204 {strides = array<i32>} : memref<250x2x80xi32, #tpu.memory_space<vmem>>, vector<1x1x16xi32>,
    %get3A_205 = arith.constant 249 : i32
    %get3A_206 = arith.constant 1 : i32
    %get3A_207 = arith.index_cast %get3A_205 : i32 to index
    %get3A_208 = arith.index_cast %get3A_206 : i32 to index
    %get3A_209 = arith.constant 16 : index
    %get3A_210 = tpu.vector_load %arg6[%get3A_207, %get3A_208, %get3A_209] {strides = array<i32>} : memref<250x2x80xi32, #tpu.memory_space<vmem>>, vector<1x1x16xi32>,
    %get3A_211 = vector.shape_cast %get3A_210 : vector<1x1x16xi32> to vector<16xi32>
    %sub3A_212 = vector.broadcast %mul3A_6 : i32 to vector<16xi32>
    %sub3A_213 = arith.subi %get3A_211, %sub3A_212 : vector<16xi32>
    %ge3A_214 = arith.constant 0 : i32
    %ge3A_215 = vector.broadcast %ge3A_214 : i32 to vector<16xi32>
    %ge3A_216 = arith.cmpi sge, %sub3A_213, %ge3A_215 : vector<16xi32>
    %lt3A_217 = arith.constant 5120 : i32
    %lt3A_218 = vector.broadcast %lt3A_217 : i32 to vector<16xi32>
    %lt3A_219 = arith.cmpi slt, %sub3A_213, %lt3A_218 : vector<16xi32>
    %and3A_220 = arith.andi %ge3A_216, %lt3A_219 : vector<16xi1>
    %and3A_221 = arith.constant 127 : i32
    %and3A_222 = vector.broadcast %and3A_221 : i32 to vector<16xi32>
    %and3A_223 = arith.andi %get3A_211, %and3A_222 : vector<16xi32>
    %add3A_224 = arith.constant 5120 : i32
    %add3A_225 = vector.broadcast %add3A_224 : i32 to vector<16xi32>
    %add3A_226 = arith.addi %add3A_225, %and3A_223 : vector<16xi32>
    %select_n3A_227 = arith.select %and3A_220, %sub3A_213, %add3A_226 : vector<16xi1>, vector<16xi32>
    %swap3A_228 = arith.constant 249 : i32
    %swap3A_229 = arith.constant 1 : i32
    %swap3A_230 = arith.index_cast %swap3A_228 : i32 to index
    %swap3A_231 = arith.index_cast %swap3A_229 : i32 to index
    %swap3A_232 = arith.constant 16 : index
    %swap3A_233 = tpu.vector_load %arg6[%swap3A_230, %swap3A_231, %swap3A_232] {strides = array<i32>} : memref<250x2x80xi32, #tpu.memory_space<vmem>>, vector<1x1x16xi32>,
    %swap3A_234 = vector.shape_cast %swap3A_233 : vector<1x1x16xi32> to vector<16xi32>
    %swap3A_235 = vector.shape_cast %select_n3A_227 : vector<16xi32> to vector<1x1x16xi32>
    tpu.vector_store %arg6[%swap3A_230, %swap3A_231, %swap3A_232], %swap3A_235 {strides = array<i32>} : memref<250x2x80xi32, #tpu.memory_space<vmem>>, vector<1x1x16xi32>,
    %get3A_236 = arith.constant 249 : i32
    %get3A_237 = arith.constant 1 : i32
    %get3A_238 = arith.index_cast %get3A_236 : i32 to index
    %get3A_239 = arith.index_cast %get3A_237 : i32 to index
    %get3A_240 = arith.constant 32 : index
    %get3A_241 = tpu.vector_load %arg6[%get3A_238, %get3A_239, %get3A_240] {strides = array<i32>} : memref<250x2x80xi32, #tpu.memory_space<vmem>>, vector<1x1x16xi32>,
    %get3A_242 = vector.shape_cast %get3A_241 : vector<1x1x16xi32> to vector<16xi32>
    %sub3A_243 = vector.broadcast %mul3A_6 : i32 to vector<16xi32>
    %sub3A_244 = arith.subi %get3A_242, %sub3A_243 : vector<16xi32>
    %ge3A_245 = arith.constant 0 : i32
    %ge3A_246 = vector.broadcast %ge3A_245 : i32 to vector<16xi32>
    %ge3A_247 = arith.cmpi sge, %sub3A_244, %ge3A_246 : vector<16xi32>
    %lt3A_248 = arith.constant 5120 : i32
    %lt3A_249 = vector.broadcast %lt3A_248 : i32 to vector<16xi32>
    %lt3A_250 = arith.cmpi slt, %sub3A_244, %lt3A_249 : vector<16xi32>
    %and3A_251 = arith.andi %ge3A_247, %lt3A_250 : vector<16xi1>
    %and3A_252 = arith.constant 127 : i32
    %and3A_253 = vector.broadcast %and3A_252 : i32 to vector<16xi32>
    %and3A_254 = arith.andi %get3A_242, %and3A_253 : vector<16xi32>
    %add3A_255 = arith.constant 5120 : i32
    %add3A_256 = vector.broadcast %add3A_255 : i32 to vector<16xi32>
    %add3A_257 = arith.addi %add3A_256, %and3A_254 : vector<16xi32>
    %select_n3A_258 = arith.select %and3A_251, %sub3A_244, %add3A_257 : vector<16xi1>, vector<16xi32>
    %swap3A_259 = arith.constant 249 : i32
    %swap3A_260 = arith.constant 1 : i32
    %swap3A_261 = arith.index_cast %swap3A_259 : i32 to index
    %swap3A_262 = arith.index_cast %swap3A_260 : i32 to index
    %swap3A_263 = arith.constant 32 : index
    %swap3A_264 = tpu.vector_load %arg6[%swap3A_261, %swap3A_262, %swap3A_263] {strides = array<i32>} : memref<250x2x80xi32, #tpu.memory_space<vmem>>, vector<1x1x16xi32>,
    %swap3A_265 = vector.shape_cast %swap3A_264 : vector<1x1x16xi32> to vector<16xi32>
    %swap3A_266 = vector.shape_cast %select_n3A_258 : vector<16xi32> to vector<1x1x16xi32>
    tpu.vector_store %arg6[%swap3A_261, %swap3A_262, %swap3A_263], %swap3A_266 {strides = array<i32>} : memref<250x2x80xi32, #tpu.memory_space<vmem>>, vector<1x1x16xi32>,
    %get3A_267 = arith.constant 249 : i32
    %get3A_268 = arith.constant 1 : i32
    %get3A_269 = arith.index_cast %get3A_267 : i32 to index
    %get3A_270 = arith.index_cast %get3A_268 : i32 to index
    %get3A_271 = arith.constant 48 : index
    %get3A_272 = tpu.vector_load %arg6[%get3A_269, %get3A_270, %get3A_271] {strides = array<i32>} : memref<250x2x80xi32, #tpu.memory_space<vmem>>, vector<1x1x16xi32>,
    %get3A_273 = vector.shape_cast %get3A_272 : vector<1x1x16xi32> to vector<16xi32>
    %sub3A_274 = vector.broadcast %mul3A_6 : i32 to vector<16xi32>
    %sub3A_275 = arith.subi %get3A_273, %sub3A_274 : vector<16xi32>
    %ge3A_276 = arith.constant 0 : i32
    %ge3A_277 = vector.broadcast %ge3A_276 : i32 to vector<16xi32>
    %ge3A_278 = arith.cmpi sge, %sub3A_275, %ge3A_277 : vector<16xi32>
    %lt3A_279 = arith.constant 5120 : i32
    %lt3A_280 = vector.broadcast %lt3A_279 : i32 to vector<16xi32>
    %lt3A_281 = arith.cmpi slt, %sub3A_275, %lt3A_280 : vector<16xi32>
    %and3A_282 = arith.andi %ge3A_278, %lt3A_281 : vector<16xi1>
    %and3A_283 = arith.constant 127 : i32
    %and3A_284 = vector.broadcast %and3A_283 : i32 to vector<16xi32>
    %and3A_285 = arith.andi %get3A_273, %and3A_284 : vector<16xi32>
    %add3A_286 = arith.constant 5120 : i32
    %add3A_287 = vector.broadcast %add3A_286 : i32 to vector<16xi32>
    %add3A_288 = arith.addi %add3A_287, %and3A_285 : vector<16xi32>
    %select_n3A_289 = arith.select %and3A_282, %sub3A_275, %add3A_288 : vector<16xi1>, vector<16xi32>
    %swap3A_290 = arith.constant 249 : i32
    %swap3A_291 = arith.constant 1 : i32
    %swap3A_292 = arith.index_cast %swap3A_290 : i32 to index
    %swap3A_293 = arith.index_cast %swap3A_291 : i32 to index
    %swap3A_294 = arith.constant 48 : index
    %swap3A_295 = tpu.vector_load %arg6[%swap3A_292, %swap3A_293, %swap3A_294] {strides = array<i32>} : memref<250x2x80xi32, #tpu.memory_space<vmem>>, vector<1x1x16xi32>,
    %swap3A_296 = vector.shape_cast %swap3A_295 : vector<1x1x16xi32> to vector<16xi32>
    %swap3A_297 = vector.shape_cast %select_n3A_289 : vector<16xi32> to vector<1x1x16xi32>
    tpu.vector_store %arg6[%swap3A_292, %swap3A_293, %swap3A_294], %swap3A_297 {strides = array<i32>} : memref<250x2x80xi32, #tpu.memory_space<vmem>>, vector<1x1x16xi32>,
    %get3A_298 = arith.constant 249 : i32
    %get3A_299 = arith.constant 1 : i32
    %get3A_300 = arith.index_cast %get3A_298 : i32 to index
    %get3A_301 = arith.index_cast %get3A_299 : i32 to index
    %get3A_302 = arith.constant 64 : index
    %get3A_303 = tpu.vector_load %arg6[%get3A_300, %get3A_301, %get3A_302] {strides = array<i32>} : memref<250x2x80xi32, #tpu.memory_space<vmem>>, vector<1x1x16xi32>,
    %get3A_304 = vector.shape_cast %get3A_303 : vector<1x1x16xi32> to vector<16xi32>
    %sub3A_305 = vector.broadcast %mul3A_6 : i32 to vector<16xi32>
    %sub3A_306 = arith.subi %get3A_304, %sub3A_305 : vector<16xi32>
    %ge3A_307 = arith.constant 0 : i32
    %ge3A_308 = vector.broadcast %ge3A_307 : i32 to vector<16xi32>
    %ge3A_309 = arith.cmpi sge, %sub3A_306, %ge3A_308 : vector<16xi32>
    %lt3A_310 = arith.constant 5120 : i32
    %lt3A_311 = vector.broadcast %lt3A_310 : i32 to vector<16xi32>
    %lt3A_312 = arith.cmpi slt, %sub3A_306, %lt3A_311 : vector<16xi32>
    %and3A_313 = arith.andi %ge3A_309, %lt3A_312 : vector<16xi1>
    %and3A_314 = arith.constant 127 : i32
    %and3A_315 = vector.broadcast %and3A_314 : i32 to vector<16xi32>
    %and3A_316 = arith.andi %get3A_304, %and3A_315 : vector<16xi32>
    %add3A_317 = arith.constant 5120 : i32
    %add3A_318 = vector.broadcast %add3A_317 : i32 to vector<16xi32>
    %add3A_319 = arith.addi %add3A_318, %and3A_316 : vector<16xi32>
    %select_n3A_320 = arith.select %and3A_313, %sub3A_306, %add3A_319 : vector<16xi1>, vector<16xi32>
    %swap3A_321 = arith.constant 249 : i32
    %swap3A_322 = arith.constant 1 : i32
    %swap3A_323 = arith.index_cast %swap3A_321 : i32 to index
    %swap3A_324 = arith.index_cast %swap3A_322 : i32 to index
    %swap3A_325 = arith.constant 64 : index
    %swap3A_326 = tpu.vector_load %arg6[%swap3A_323, %swap3A_324, %swap3A_325] {strides = array<i32>} : memref<250x2x80xi32, #tpu.memory_space<vmem>>, vector<1x1x16xi32>,
    %swap3A_327 = vector.shape_cast %swap3A_326 : vector<1x1x16xi32> to vector<16xi32>
    %swap3A_328 = vector.shape_cast %select_n3A_320 : vector<16xi32> to vector<1x1x16xi32>
    tpu.vector_store %arg6[%swap3A_323, %swap3A_324, %swap3A_325], %swap3A_328 {strides = array<i32>} : memref<250x2x80xi32, #tpu.memory_space<vmem>>, vector<1x1x16xi32>,
    %dma_wait3A = arith.constant 248 : i32
    %dma_wait3A_329 = arith.constant 0 : i32
    %dma_wait3A_330 = arith.constant 0 : i32
    %dma_wait3A_331 = tpu.memref_slice %arg6[%dma_wait3A, %dma_wait3A_329, %dma_wait3A_330] : memref<250x2x80xi32, #tpu.memory_space<vmem>> -> memref<1x1x80xi32, #tpu.memory_space<vmem>>
    %dma_wait3A_332 = tpu.memref_squeeze %dma_wait3A_331 : memref<1x1x80xi32, #tpu.memory_space<vmem>> -> memref<80xi32, #tpu.memory_space<vmem>>
    %dma_wait3A_333 = arith.constant 0 : i32
    %dma_wait3A_334 = arith.constant 0 : i32
    %dma_wait3A_335 = tpu.memref_slice %arg2[%dma_wait3A_333, %dma_wait3A_334] : memref<1024x128xf32, #tpu.memory_space<hbm>> -> memref<1024x128xf32, #tpu.memory_space<hbm>>
    tpu.wait_indirect_dma semaphore(%arg10 : memref<!tpu.dma_semaphore, #tpu.memory_space<semaphore_mem>>) src(%dma_wait3A_335 : memref<1024x128xf32, #tpu.memory_space<hbm>>) dst(%arg7 : memref<80x128xf32, #tpu.memory_space<vmem>>)
    %run_scoped3A = arith.constant 248 : i32
    %run_scoped3A_336 = arith.constant 1 : i32
    "tpu.region"() ({
      %run_scoped3A_396 = tpu.sem_alloc : memref<!tpu.dma_semaphore, #tpu.memory_space<semaphore_mem>>
      %dma_start3A_397 = arith.constant 0 : i32
      %dma_start3A_398 = tpu.memref_slice %arg6[%run_scoped3A, %run_scoped3A_336, %dma_start3A_397] : memref<250x2x80xi32, #tpu.memory_space<vmem>> -> memref<1x1x80xi32, #tpu.memory_space<vmem>>
      %dma_start3A_399 = tpu.memref_squeeze %dma_start3A_398 : memref<1x1x80xi32, #tpu.memory_space<vmem>> -> memref<80xi32, #tpu.memory_space<vmem>>
      %dma_start3A_400 = arith.constant 0 : i32
      %dma_start3A_401 = arith.constant 0 : i32
      %dma_start3A_402 = tpu.memref_slice %arg9[%dma_start3A_400, %dma_start3A_401] : memref<5248x128xf32, #tpu.memory_space<vmem_shared>> -> memref<5248x128xf32, #tpu.memory_space<vmem_shared>>
      tpu.enqueue_indirect_dma source(%arg7 : memref<80x128xf32, #tpu.memory_space<vmem>>) target(%dma_start3A_402 : memref<5248x128xf32, #tpu.memory_space<vmem_shared>>) offsets(%dma_start3A_399 : memref<80xi32, #tpu.memory_space<vmem>>) semaphore(%run_scoped3A_396 : memref<!tpu.dma_semaphore, #tpu.memory_space<semaphore_mem>>) {add = true}
      %dma_wait3A_403 = arith.constant 0 : i32
      %dma_wait3A_404 = tpu.memref_slice %arg6[%run_scoped3A, %run_scoped3A_336, %dma_wait3A_403] : memref<250x2x80xi32, #tpu.memory_space<vmem>> -> memref<1x1x80xi32, #tpu.memory_space<vmem>>
      %dma_wait3A_405 = tpu.memref_squeeze %dma_wait3A_404 : memref<1x1x80xi32, #tpu.memory_space<vmem>> -> memref<80xi32, #tpu.memory_space<vmem>>
      %dma_wait3A_406 = arith.constant 0 : i32
      %dma_wait3A_407 = arith.constant 0 : i32
      %dma_wait3A_408 = tpu.memref_slice %arg9[%dma_wait3A_406, %dma_wait3A_407] : memref<5248x128xf32, #tpu.memory_space<vmem_shared>> -> memref<5248x128xf32, #tpu.memory_space<vmem_shared>>
      tpu.wait_indirect_dma semaphore(%run_scoped3A_396 : memref<!tpu.dma_semaphore, #tpu.memory_space<semaphore_mem>>) src(%arg7 : memref<80x128xf32, #tpu.memory_space<vmem>>) dst(%dma_wait3A_408 : memref<5248x128xf32, #tpu.memory_space<vmem_shared>>)
      tpu.yield
    }) : () -> ()
    %dma_wait3A_337 = arith.constant 249 : i32
    %dma_wait3A_338 = arith.constant 0 : i32
    %dma_wait3A_339 = arith.constant 0 : i32
    %dma_wait3A_340 = tpu.memref_slice %arg6[%dma_wait3A_337, %dma_wait3A_338, %dma_wait3A_339] : memref<250x2x80xi32, #tpu.memory_space<vmem>> -> memref<1x1x80xi32, #tpu.memory_space<vmem>>
    %dma_wait3A_341 = tpu.memref_squeeze %dma_wait3A_340 : memref<1x1x80xi32, #tpu.memory_space<vmem>> -> memref<80xi32, #tpu.memory_space<vmem>>
    %dma_wait3A_342 = arith.constant 0 : i32
    %dma_wait3A_343 = arith.constant 0 : i32
    %dma_wait3A_344 = tpu.memref_slice %arg2[%dma_wait3A_342, %dma_wait3A_343] : memref<1024x128xf32, #tpu.memory_space<hbm>> -> memref<1024x128xf32, #tpu.memory_space<hbm>>
    tpu.wait_indirect_dma semaphore(%arg11 : memref<!tpu.dma_semaphore, #tpu.memory_space<semaphore_mem>>) src(%dma_wait3A_344 : memref<1024x128xf32, #tpu.memory_space<hbm>>) dst(%arg8 : memref<80x128xf32, #tpu.memory_space<vmem>>)
    %run_scoped3A_345 = arith.constant 249 : i32
    %run_scoped3A_346 = arith.constant 1 : i32
    "tpu.region"() ({
      %run_scoped3A_396 = tpu.sem_alloc : memref<!tpu.dma_semaphore, #tpu.memory_space<semaphore_mem>>
      %dma_start3A_397 = arith.constant 0 : i32
      %dma_start3A_398 = tpu.memref_slice %arg6[%run_scoped3A_345, %run_scoped3A_346, %dma_start3A_397] : memref<250x2x80xi32, #tpu.memory_space<vmem>> -> memref<1x1x80xi32, #tpu.memory_space<vmem>>
      %dma_start3A_399 = tpu.memref_squeeze %dma_start3A_398 : memref<1x1x80xi32, #tpu.memory_space<vmem>> -> memref<80xi32, #tpu.memory_space<vmem>>
      %dma_start3A_400 = arith.constant 0 : i32
      %dma_start3A_401 = arith.constant 0 : i32
      %dma_start3A_402 = tpu.memref_slice %arg9[%dma_start3A_400, %dma_start3A_401] : memref<5248x128xf32, #tpu.memory_space<vmem_shared>> -> memref<5248x128xf32, #tpu.memory_space<vmem_shared>>
      tpu.enqueue_indirect_dma source(%arg8 : memref<80x128xf32, #tpu.memory_space<vmem>>) target(%dma_start3A_402 : memref<5248x128xf32, #tpu.memory_space<vmem_shared>>) offsets(%dma_start3A_399 : memref<80xi32, #tpu.memory_space<vmem>>) semaphore(%run_scoped3A_396 : memref<!tpu.dma_semaphore, #tpu.memory_space<semaphore_mem>>) {add = true}
      %dma_wait3A_403 = arith.constant 0 : i32
      %dma_wait3A_404 = tpu.memref_slice %arg6[%run_scoped3A_345, %run_scoped3A_346, %dma_wait3A_403] : memref<250x2x80xi32, #tpu.memory_space<vmem>> -> memref<1x1x80xi32, #tpu.memory_space<vmem>>
      %dma_wait3A_405 = tpu.memref_squeeze %dma_wait3A_404 : memref<1x1x80xi32, #tpu.memory_space<vmem>> -> memref<80xi32, #tpu.memory_space<vmem>>
      %dma_wait3A_406 = arith.constant 0 : i32
      %dma_wait3A_407 = arith.constant 0 : i32
      %dma_wait3A_408 = tpu.memref_slice %arg9[%dma_wait3A_406, %dma_wait3A_407] : memref<5248x128xf32, #tpu.memory_space<vmem_shared>> -> memref<5248x128xf32, #tpu.memory_space<vmem_shared>>
      tpu.wait_indirect_dma semaphore(%run_scoped3A_396 : memref<!tpu.dma_semaphore, #tpu.memory_space<semaphore_mem>>) src(%arg8 : memref<80x128xf32, #tpu.memory_space<vmem>>) dst(%dma_wait3A_408 : memref<5248x128xf32, #tpu.memory_space<vmem_shared>>)
      tpu.yield
    }) : () -> ()
    %barrier3A_347 = arith.constant 0 : index
    tpu.barrier barrier_id(%barrier3A_347)
    %mul3A_348 = arith.constant 5120 : i32
    %mul3A_349 = arith.muli %arg0, %mul3A_348 : i32
    %mul3A_350 = arith.constant 320 : i32
    %mul3A_351 = arith.muli %arg1, %mul3A_350 : i32
    %add3A_352 = arith.addi %mul3A_349, %mul3A_351 : i32
    %add3A_353 = arith.constant 0 : i32
    %add3A_354 = arith.addi %add3A_352, %add3A_353 : i32
    %lt3A_355 = arith.constant 10000 : i32
    %lt3A_356 = arith.cmpi slt, %add3A_354, %lt3A_355 : i32
    %convert_element_type3A_357 = arith.extui %lt3A_356 : i1 to i32
    %cond3A_358 = arith.constant 0 : i32
    %cond3A_359 = arith.cmpi ne, %convert_element_type3A_357, %cond3A_358 : i32
    scf.if %cond3A_359 {
      %mul3A_396 = arith.constant 320 : i32
      %mul3A_397 = arith.muli %arg1, %mul3A_396 : i32
      %add3A_398 = arith.constant 0 : i32
      %add3A_399 = arith.addi %mul3A_397, %add3A_398 : i32
      "tpu.region"() ({
        %run_scoped3A_400 = tpu.sem_alloc : memref<!tpu.dma_semaphore, #tpu.memory_space<semaphore_mem>>
        %dma_start3A_401 = arith.constant 0 : i32
        %dma_start3A_402 = tpu.memref_slice %arg5[%add3A_354, %dma_start3A_401] : memref<10000x128xf32, #tpu.memory_space<hbm>> -> memref<80x128xf32, #tpu.memory_space<hbm>>
        %dma_start3A_403 = arith.constant 0 : i32
        %dma_start3A_404 = tpu.memref_slice %arg9[%add3A_399, %dma_start3A_403] : memref<5248x128xf32, #tpu.memory_space<vmem_shared>> -> memref<80x128xf32, #tpu.memory_space<vmem_shared>>
        tpu.enqueue_dma source(%dma_start3A_404 : memref<80x128xf32, #tpu.memory_space<vmem_shared>>) target(%dma_start3A_402 : memref<80x128xf32, #tpu.memory_space<hbm>>) target_semaphore(%run_scoped3A_400 : memref<!tpu.dma_semaphore, #tpu.memory_space<semaphore_mem>>)
        %dma_wait3A_405 = arith.constant 0 : i32
        %dma_wait3A_406 = tpu.memref_slice %arg5[%add3A_354, %dma_wait3A_405] : memref<10000x128xf32, #tpu.memory_space<hbm>> -> memref<80x128xf32, #tpu.memory_space<hbm>>
        %dma_wait3A_407 = arith.constant 0 : i32
        %dma_wait3A_408 = tpu.memref_slice %arg9[%add3A_399, %dma_wait3A_407] : memref<5248x128xf32, #tpu.memory_space<vmem_shared>> -> memref<80x128xf32, #tpu.memory_space<vmem_shared>>
        tpu.wait_dma2 semaphore(%run_scoped3A_400 : memref<!tpu.dma_semaphore, #tpu.memory_space<semaphore_mem>>) src(%dma_wait3A_408 : memref<80x128xf32, #tpu.memory_space<vmem_shared>>) dst(%dma_wait3A_406 : memref<80x128xf32, #tpu.memory_space<hbm>>)
        tpu.yield
      }) : () -> ()
    } else {
    }
    %mul3A_360 = arith.constant 5120 : i32
    %mul3A_361 = arith.muli %arg0, %mul3A_360 : i32
    %mul3A_362 = arith.constant 320 : i32
    %mul3A_363 = arith.muli %arg1, %mul3A_362 : i32
    %add3A_364 = arith.addi %mul3A_361, %mul3A_363 : i32
    %add3A_365 = arith.constant 80 : i32
    %add3A_366 = arith.addi %add3A_364, %add3A_365 : i32
    %lt3A_367 = arith.constant 10000 : i32
    %lt3A_368 = arith.cmpi slt, %add3A_366, %lt3A_367 : i32
    %convert_element_type3A_369 = arith.extui %lt3A_368 : i1 to i32
    %cond3A_370 = arith.constant 0 : i32
    %cond3A_371 = arith.cmpi ne, %convert_element_type3A_369, %cond3A_370 : i32
    scf.if %cond3A_371 {
      %mul3A_396 = arith.constant 320 : i32
      %mul3A_397 = arith.muli %arg1, %mul3A_396 : i32
      %add3A_398 = arith.constant 80 : i32
      %add3A_399 = arith.addi %mul3A_397, %add3A_398 : i32
      "tpu.region"() ({
        %run_scoped3A_400 = tpu.sem_alloc : memref<!tpu.dma_semaphore, #tpu.memory_space<semaphore_mem>>
        %dma_start3A_401 = arith.constant 0 : i32
        %dma_start3A_402 = tpu.memref_slice %arg5[%add3A_366, %dma_start3A_401] : memref<10000x128xf32, #tpu.memory_space<hbm>> -> memref<80x128xf32, #tpu.memory_space<hbm>>
        %dma_start3A_403 = arith.constant 0 : i32
        %dma_start3A_404 = tpu.memref_slice %arg9[%add3A_399, %dma_start3A_403] : memref<5248x128xf32, #tpu.memory_space<vmem_shared>> -> memref<80x128xf32, #tpu.memory_space<vmem_shared>>
        tpu.enqueue_dma source(%dma_start3A_404 : memref<80x128xf32, #tpu.memory_space<vmem_shared>>) target(%dma_start3A_402 : memref<80x128xf32, #tpu.memory_space<hbm>>) target_semaphore(%run_scoped3A_400 : memref<!tpu.dma_semaphore, #tpu.memory_space<semaphore_mem>>)
        %dma_wait3A_405 = arith.constant 0 : i32
        %dma_wait3A_406 = tpu.memref_slice %arg5[%add3A_366, %dma_wait3A_405] : memref<10000x128xf32, #tpu.memory_space<hbm>> -> memref<80x128xf32, #tpu.memory_space<hbm>>
        %dma_wait3A_407 = arith.constant 0 : i32
        %dma_wait3A_408 = tpu.memref_slice %arg9[%add3A_399, %dma_wait3A_407] : memref<5248x128xf32, #tpu.memory_space<vmem_shared>> -> memref<80x128xf32, #tpu.memory_space<vmem_shared>>
        tpu.wait_dma2 semaphore(%run_scoped3A_400 : memref<!tpu.dma_semaphore, #tpu.memory_space<semaphore_mem>>) src(%dma_wait3A_408 : memref<80x128xf32, #tpu.memory_space<vmem_shared>>) dst(%dma_wait3A_406 : memref<80x128xf32, #tpu.memory_space<hbm>>)
        tpu.yield
      }) : () -> ()
    } else {
    }
    %mul3A_372 = arith.constant 5120 : i32
    %mul3A_373 = arith.muli %arg0, %mul3A_372 : i32
    %mul3A_374 = arith.constant 320 : i32
    %mul3A_375 = arith.muli %arg1, %mul3A_374 : i32
    %add3A_376 = arith.addi %mul3A_373, %mul3A_375 : i32
    %add3A_377 = arith.constant 160 : i32
    %add3A_378 = arith.addi %add3A_376, %add3A_377 : i32
    %lt3A_379 = arith.constant 10000 : i32
    %lt3A_380 = arith.cmpi slt, %add3A_378, %lt3A_379 : i32
    %convert_element_type3A_381 = arith.extui %lt3A_380 : i1 to i32
    %cond3A_382 = arith.constant 0 : i32
    %cond3A_383 = arith.cmpi ne, %convert_element_type3A_381, %cond3A_382 : i32
    scf.if %cond3A_383 {
      %mul3A_396 = arith.constant 320 : i32
      %mul3A_397 = arith.muli %arg1, %mul3A_396 : i32
      %add3A_398 = arith.constant 160 : i32
      %add3A_399 = arith.addi %mul3A_397, %add3A_398 : i32
      "tpu.region"() ({
        %run_scoped3A_400 = tpu.sem_alloc : memref<!tpu.dma_semaphore, #tpu.memory_space<semaphore_mem>>
        %dma_start3A_401 = arith.constant 0 : i32
        %dma_start3A_402 = tpu.memref_slice %arg5[%add3A_378, %dma_start3A_401] : memref<10000x128xf32, #tpu.memory_space<hbm>> -> memref<80x128xf32, #tpu.memory_space<hbm>>
        %dma_start3A_403 = arith.constant 0 : i32
        %dma_start3A_404 = tpu.memref_slice %arg9[%add3A_399, %dma_start3A_403] : memref<5248x128xf32, #tpu.memory_space<vmem_shared>> -> memref<80x128xf32, #tpu.memory_space<vmem_shared>>
        tpu.enqueue_dma source(%dma_start3A_404 : memref<80x128xf32, #tpu.memory_space<vmem_shared>>) target(%dma_start3A_402 : memref<80x128xf32, #tpu.memory_space<hbm>>) target_semaphore(%run_scoped3A_400 : memref<!tpu.dma_semaphore, #tpu.memory_space<semaphore_mem>>)
        %dma_wait3A_405 = arith.constant 0 : i32
        %dma_wait3A_406 = tpu.memref_slice %arg5[%add3A_378, %dma_wait3A_405] : memref<10000x128xf32, #tpu.memory_space<hbm>> -> memref<80x128xf32, #tpu.memory_space<hbm>>
        %dma_wait3A_407 = arith.constant 0 : i32
        %dma_wait3A_408 = tpu.memref_slice %arg9[%add3A_399, %dma_wait3A_407] : memref<5248x128xf32, #tpu.memory_space<vmem_shared>> -> memref<80x128xf32, #tpu.memory_space<vmem_shared>>
        tpu.wait_dma2 semaphore(%run_scoped3A_400 : memref<!tpu.dma_semaphore, #tpu.memory_space<semaphore_mem>>) src(%dma_wait3A_408 : memref<80x128xf32, #tpu.memory_space<vmem_shared>>) dst(%dma_wait3A_406 : memref<80x128xf32, #tpu.memory_space<hbm>>)
        tpu.yield
      }) : () -> ()
    } else {
    }
    %mul3A_384 = arith.constant 5120 : i32
    %mul3A_385 = arith.muli %arg0, %mul3A_384 : i32
    %mul3A_386 = arith.constant 320 : i32
    %mul3A_387 = arith.muli %arg1, %mul3A_386 : i32
    %add3A_388 = arith.addi %mul3A_385, %mul3A_387 : i32
    %add3A_389 = arith.constant 240 : i32
    %add3A_390 = arith.addi %add3A_388, %add3A_389 : i32
    %lt3A_391 = arith.constant 10000 : i32
    %lt3A_392 = arith.cmpi slt, %add3A_390, %lt3A_391 : i32
    %convert_element_type3A_393 = arith.extui %lt3A_392 : i1 to i32
    %cond3A_394 = arith.constant 0 : i32
    %cond3A_395 = arith.cmpi ne, %convert_element_type3A_393, %cond3A_394 : i32
    scf.if %cond3A_395 {
      %mul3A_396 = arith.constant 320 : i32
      %mul3A_397 = arith.muli %arg1, %mul3A_396 : i32
      %add3A_398 = arith.constant 240 : i32
      %add3A_399 = arith.addi %mul3A_397, %add3A_398 : i32
      "tpu.region"() ({
        %run_scoped3A_400 = tpu.sem_alloc : memref<!tpu.dma_semaphore, #tpu.memory_space<semaphore_mem>>
        %dma_start3A_401 = arith.constant 0 : i32
        %dma_start3A_402 = tpu.memref_slice %arg5[%add3A_390, %dma_start3A_401] : memref<10000x128xf32, #tpu.memory_space<hbm>> -> memref<80x128xf32, #tpu.memory_space<hbm>>
        %dma_start3A_403 = arith.constant 0 : i32
        %dma_start3A_404 = tpu.memref_slice %arg9[%add3A_399, %dma_start3A_403] : memref<5248x128xf32, #tpu.memory_space<vmem_shared>> -> memref<80x128xf32, #tpu.memory_space<vmem_shared>>
        tpu.enqueue_dma source(%dma_start3A_404 : memref<80x128xf32, #tpu.memory_space<vmem_shared>>) target(%dma_start3A_402 : memref<80x128xf32, #tpu.memory_space<hbm>>) target_semaphore(%run_scoped3A_400 : memref<!tpu.dma_semaphore, #tpu.memory_space<semaphore_mem>>)
        %dma_wait3A_405 = arith.constant 0 : i32
        %dma_wait3A_406 = tpu.memref_slice %arg5[%add3A_390, %dma_wait3A_405] : memref<10000x128xf32, #tpu.memory_space<hbm>> -> memref<80x128xf32, #tpu.memory_space<hbm>>
        %dma_wait3A_407 = arith.constant 0 : i32
        %dma_wait3A_408 = tpu.memref_slice %arg9[%add3A_399, %dma_wait3A_407] : memref<5248x128xf32, #tpu.memory_space<vmem_shared>> -> memref<80x128xf32, #tpu.memory_space<vmem_shared>>
        tpu.wait_dma2 semaphore(%run_scoped3A_400 : memref<!tpu.dma_semaphore, #tpu.memory_space<semaphore_mem>>) src(%dma_wait3A_408 : memref<80x128xf32, #tpu.memory_space<vmem_shared>>) dst(%dma_wait3A_406 : memref<80x128xf32, #tpu.memory_space<hbm>>)
        tpu.yield
      }) : () -> ()
    } else {
    }
    return
  }
}

#map = affine_map<(d0, d1) -> (0, 0)>
module attributes {stable_mosaic.version = 14 : i64} {
  func.func @_bag_kernel(%arg0: i32, %arg1: i32, %arg2: memref<50000x128xf32, #tpu.memory_space<hbm>>, %arg3: memref<1024x80xi32, #tpu.memory_space<hbm>>, %arg4: memref<512x80xi32, #tpu.memory_space<hbm>>, %arg5: memref<320x128xf32, #tpu.memory_space<hbm>>, %arg6: memref<10000x128xf32, #tpu.memory_space<hbm>>, %arg7: memref<32x80xi32, #tpu.memory_space<vmem>>, %arg8: memref<32x80xi32, #tpu.memory_space<vmem>>, %arg9: memref<80x128xf32, #tpu.memory_space<vmem>>, %arg10: memref<80x128xf32, #tpu.memory_space<vmem>>, %arg11: memref<5120x128xf32, #tpu.memory_space<vmem_shared>>, %arg12: memref<!tpu.dma_semaphore, #tpu.memory_space<semaphore_mem>>, %arg13: memref<!tpu.dma_semaphore, #tpu.memory_space<semaphore_mem>>) attributes {dimension_semantics = [#tpu.dimension_semantics<core_parallel>, #tpu.dimension_semantics<subcore_parallel>], iteration_bounds = array<i64: 2, 16>, scalar_prefetch = 0 : i64, scratch_operands = 7 : i64, tpu.core_type = #tpu.core_type<sc_vector_subcore>, window_params = [{transform_indices = #map}, {transform_indices = #map}, {transform_indices = #map}, {transform_indices = #map}, {transform_indices = #map}]} {
    %mul3A = arith.constant 16 : i32
    %mul3A_0 = arith.muli %arg0, %mul3A : i32
    %add3A = arith.addi %mul3A_0, %arg1 : i32
    %mul3A_1 = arith.constant 32 : i32
    %mul3A_2 = arith.muli %add3A, %mul3A_1 : i32
    "tpu.region"() ({
      %run_scoped3A_84 = tpu.sem_alloc : memref<!tpu.dma_semaphore, #tpu.memory_space<semaphore_mem>>
      %dma_start3A_85 = arith.constant 0 : i32
      %dma_start3A_86 = tpu.memref_slice %arg3[%mul3A_2, %dma_start3A_85] : memref<1024x80xi32, #tpu.memory_space<hbm>> -> memref<32x80xi32, #tpu.memory_space<hbm>>
      %dma_start3A_87 = arith.constant 0 : i32
      %dma_start3A_88 = tpu.memref_slice %arg3[%mul3A_2, %dma_start3A_87] : memref<1024x80xi32, #tpu.memory_space<hbm>> -> memref<32x80xi32, #tpu.memory_space<hbm>>
      tpu.enqueue_dma source(%dma_start3A_88 : memref<32x80xi32, #tpu.memory_space<hbm>>) target(%arg7 : memref<32x80xi32, #tpu.memory_space<vmem>>) target_semaphore(%run_scoped3A_84 : memref<!tpu.dma_semaphore, #tpu.memory_space<semaphore_mem>>)
      %dma_wait3A_89 = arith.constant 0 : i32
      %dma_wait3A_90 = tpu.memref_slice %arg3[%mul3A_2, %dma_wait3A_89] : memref<1024x80xi32, #tpu.memory_space<hbm>> -> memref<32x80xi32, #tpu.memory_space<hbm>>
      %dma_wait3A_91 = arith.constant 0 : i32
      %dma_wait3A_92 = tpu.memref_slice %arg3[%mul3A_2, %dma_wait3A_91] : memref<1024x80xi32, #tpu.memory_space<hbm>> -> memref<32x80xi32, #tpu.memory_space<hbm>>
      tpu.wait_dma2 semaphore(%run_scoped3A_84 : memref<!tpu.dma_semaphore, #tpu.memory_space<semaphore_mem>>) src(%dma_wait3A_92 : memref<32x80xi32, #tpu.memory_space<hbm>>) dst(%arg7 : memref<32x80xi32, #tpu.memory_space<vmem>>)
      tpu.yield
    }) : () -> ()
    %mul3A_3 = arith.constant 32 : i32
    %mul3A_4 = arith.muli %arg1, %mul3A_3 : i32
    "tpu.region"() ({
      %run_scoped3A_84 = tpu.sem_alloc : memref<!tpu.dma_semaphore, #tpu.memory_space<semaphore_mem>>
      %dma_start3A_85 = arith.constant 0 : i32
      %dma_start3A_86 = tpu.memref_slice %arg4[%mul3A_4, %dma_start3A_85] : memref<512x80xi32, #tpu.memory_space<hbm>> -> memref<32x80xi32, #tpu.memory_space<hbm>>
      %dma_start3A_87 = arith.constant 0 : i32
      %dma_start3A_88 = tpu.memref_slice %arg4[%mul3A_4, %dma_start3A_87] : memref<512x80xi32, #tpu.memory_space<hbm>> -> memref<32x80xi32, #tpu.memory_space<hbm>>
      tpu.enqueue_dma source(%dma_start3A_88 : memref<32x80xi32, #tpu.memory_space<hbm>>) target(%arg8 : memref<32x80xi32, #tpu.memory_space<vmem>>) target_semaphore(%run_scoped3A_84 : memref<!tpu.dma_semaphore, #tpu.memory_space<semaphore_mem>>)
      %dma_wait3A_89 = arith.constant 0 : i32
      %dma_wait3A_90 = tpu.memref_slice %arg4[%mul3A_4, %dma_wait3A_89] : memref<512x80xi32, #tpu.memory_space<hbm>> -> memref<32x80xi32, #tpu.memory_space<hbm>>
      %dma_wait3A_91 = arith.constant 0 : i32
      %dma_wait3A_92 = tpu.memref_slice %arg4[%mul3A_4, %dma_wait3A_91] : memref<512x80xi32, #tpu.memory_space<hbm>> -> memref<32x80xi32, #tpu.memory_space<hbm>>
      tpu.wait_dma2 semaphore(%run_scoped3A_84 : memref<!tpu.dma_semaphore, #tpu.memory_space<semaphore_mem>>) src(%dma_wait3A_92 : memref<32x80xi32, #tpu.memory_space<hbm>>) dst(%arg8 : memref<32x80xi32, #tpu.memory_space<vmem>>)
      tpu.yield
    }) : () -> ()
    %mul3A_5 = arith.constant 320 : i32
    %mul3A_6 = arith.muli %arg1, %mul3A_5 : i32
    "tpu.region"() ({
      %run_scoped3A_84 = tpu.sem_alloc : memref<!tpu.dma_semaphore, #tpu.memory_space<semaphore_mem>>
      %dma_start3A_85 = arith.constant 0 : i32
      %dma_start3A_86 = tpu.memref_slice %arg11[%mul3A_6, %dma_start3A_85] : memref<5120x128xf32, #tpu.memory_space<vmem_shared>> -> memref<320x128xf32, #tpu.memory_space<vmem_shared>>
      %dma_start3A_87 = arith.constant 0 : i32
      %dma_start3A_88 = arith.constant 0 : i32
      %dma_start3A_89 = tpu.memref_slice %arg5[%dma_start3A_87, %dma_start3A_88] : memref<320x128xf32, #tpu.memory_space<hbm>> -> memref<320x128xf32, #tpu.memory_space<hbm>>
      tpu.enqueue_dma source(%dma_start3A_89 : memref<320x128xf32, #tpu.memory_space<hbm>>) target(%dma_start3A_86 : memref<320x128xf32, #tpu.memory_space<vmem_shared>>) target_semaphore(%run_scoped3A_84 : memref<!tpu.dma_semaphore, #tpu.memory_space<semaphore_mem>>)
      %dma_wait3A_90 = arith.constant 0 : i32
      %dma_wait3A_91 = tpu.memref_slice %arg11[%mul3A_6, %dma_wait3A_90] : memref<5120x128xf32, #tpu.memory_space<vmem_shared>> -> memref<320x128xf32, #tpu.memory_space<vmem_shared>>
      %dma_wait3A_92 = arith.constant 0 : i32
      %dma_wait3A_93 = arith.constant 0 : i32
      %dma_wait3A_94 = tpu.memref_slice %arg5[%dma_wait3A_92, %dma_wait3A_93] : memref<320x128xf32, #tpu.memory_space<hbm>> -> memref<320x128xf32, #tpu.memory_space<hbm>>
      tpu.wait_dma2 semaphore(%run_scoped3A_84 : memref<!tpu.dma_semaphore, #tpu.memory_space<semaphore_mem>>) src(%dma_wait3A_94 : memref<320x128xf32, #tpu.memory_space<hbm>>) dst(%dma_wait3A_91 : memref<320x128xf32, #tpu.memory_space<vmem_shared>>)
      tpu.yield
    }) : () -> ()
    %dma_start3A = arith.constant 0 : i32
    %dma_start3A_7 = arith.constant 0 : i32
    %dma_start3A_8 = tpu.memref_slice %arg7[%dma_start3A, %dma_start3A_7] : memref<32x80xi32, #tpu.memory_space<vmem>> -> memref<1x80xi32, #tpu.memory_space<vmem>>
    %dma_start3A_9 = tpu.memref_squeeze %dma_start3A_8 : memref<1x80xi32, #tpu.memory_space<vmem>> -> memref<80xi32, #tpu.memory_space<vmem>>
    %dma_start3A_10 = arith.constant 0 : i32
    %dma_start3A_11 = arith.constant 0 : i32
    %dma_start3A_12 = tpu.memref_slice %arg2[%dma_start3A_10, %dma_start3A_11] : memref<50000x128xf32, #tpu.memory_space<hbm>> -> memref<50000x128xf32, #tpu.memory_space<hbm>>
    tpu.enqueue_indirect_dma source(%dma_start3A_12 : memref<50000x128xf32, #tpu.memory_space<hbm>>) target(%arg9 : memref<80x128xf32, #tpu.memory_space<vmem>>) offsets(%dma_start3A_9 : memref<80xi32, #tpu.memory_space<vmem>>) semaphore(%arg12 : memref<!tpu.dma_semaphore, #tpu.memory_space<semaphore_mem>>)
    %scan3A = arith.constant 0 : i32
    %scan3A_13 = arith.constant 0 : i32
    %scan3A_14 = arith.constant 15 : i32
    %scan3A_15 = arith.addi %scan3A_13, %scan3A_14 : i32
    %scan3A_16 = arith.constant 1 : i32
    scf.for %scan3A_84 = %scan3A_13 to %scan3A_15 step %scan3A_16  : i32 {
      %mul3A_85 = arith.constant 2 : i32
      %mul3A_86 = arith.muli %mul3A_85, %scan3A_84 : i32
      %add3A_87 = arith.constant 1 : i32
      %add3A_88 = arith.addi %add3A_87, %mul3A_86 : i32
      %dma_start3A_89 = arith.constant 0 : i32
      %dma_start3A_90 = tpu.memref_slice %arg7[%add3A_88, %dma_start3A_89] : memref<32x80xi32, #tpu.memory_space<vmem>> -> memref<1x80xi32, #tpu.memory_space<vmem>>
      %dma_start3A_91 = tpu.memref_squeeze %dma_start3A_90 : memref<1x80xi32, #tpu.memory_space<vmem>> -> memref<80xi32, #tpu.memory_space<vmem>>
      %dma_start3A_92 = arith.constant 0 : i32
      %dma_start3A_93 = arith.constant 0 : i32
      %dma_start3A_94 = tpu.memref_slice %arg2[%dma_start3A_92, %dma_start3A_93] : memref<50000x128xf32, #tpu.memory_space<hbm>> -> memref<50000x128xf32, #tpu.memory_space<hbm>>
      tpu.enqueue_indirect_dma source(%dma_start3A_94 : memref<50000x128xf32, #tpu.memory_space<hbm>>) target(%arg10 : memref<80x128xf32, #tpu.memory_space<vmem>>) offsets(%dma_start3A_91 : memref<80xi32, #tpu.memory_space<vmem>>) semaphore(%arg13 : memref<!tpu.dma_semaphore, #tpu.memory_space<semaphore_mem>>)
      %sub3A = arith.constant 1 : i32
      %sub3A_95 = arith.subi %add3A_88, %sub3A : i32
      %dma_wait3A_96 = arith.constant 0 : i32
      %dma_wait3A_97 = tpu.memref_slice %arg7[%sub3A_95, %dma_wait3A_96] : memref<32x80xi32, #tpu.memory_space<vmem>> -> memref<1x80xi32, #tpu.memory_space<vmem>>
      %dma_wait3A_98 = tpu.memref_squeeze %dma_wait3A_97 : memref<1x80xi32, #tpu.memory_space<vmem>> -> memref<80xi32, #tpu.memory_space<vmem>>
      %dma_wait3A_99 = arith.constant 0 : i32
      %dma_wait3A_100 = arith.constant 0 : i32
      %dma_wait3A_101 = tpu.memref_slice %arg2[%dma_wait3A_99, %dma_wait3A_100] : memref<50000x128xf32, #tpu.memory_space<hbm>> -> memref<50000x128xf32, #tpu.memory_space<hbm>>
      tpu.wait_indirect_dma semaphore(%arg12 : memref<!tpu.dma_semaphore, #tpu.memory_space<semaphore_mem>>) src(%dma_wait3A_101 : memref<50000x128xf32, #tpu.memory_space<hbm>>) dst(%arg9 : memref<80x128xf32, #tpu.memory_space<vmem>>)
      "tpu.region"() ({
        %run_scoped3A_116 = tpu.sem_alloc : memref<!tpu.dma_semaphore, #tpu.memory_space<semaphore_mem>>
        %dma_start3A_117 = arith.constant 0 : i32
        %dma_start3A_118 = tpu.memref_slice %arg8[%sub3A_95, %dma_start3A_117] : memref<32x80xi32, #tpu.memory_space<vmem>> -> memref<1x80xi32, #tpu.memory_space<vmem>>
        %dma_start3A_119 = tpu.memref_squeeze %dma_start3A_118 : memref<1x80xi32, #tpu.memory_space<vmem>> -> memref<80xi32, #tpu.memory_space<vmem>>
        %dma_start3A_120 = arith.constant 0 : i32
        %dma_start3A_121 = arith.constant 0 : i32
        %dma_start3A_122 = tpu.memref_slice %arg11[%dma_start3A_120, %dma_start3A_121] : memref<5120x128xf32, #tpu.memory_space<vmem_shared>> -> memref<5120x128xf32, #tpu.memory_space<vmem_shared>>
        tpu.enqueue_indirect_dma source(%arg9 : memref<80x128xf32, #tpu.memory_space<vmem>>) target(%dma_start3A_122 : memref<5120x128xf32, #tpu.memory_space<vmem_shared>>) offsets(%dma_start3A_119 : memref<80xi32, #tpu.memory_space<vmem>>) semaphore(%run_scoped3A_116 : memref<!tpu.dma_semaphore, #tpu.memory_space<semaphore_mem>>) {add = true}
        %dma_wait3A_123 = arith.constant 0 : i32
        %dma_wait3A_124 = tpu.memref_slice %arg8[%sub3A_95, %dma_wait3A_123] : memref<32x80xi32, #tpu.memory_space<vmem>> -> memref<1x80xi32, #tpu.memory_space<vmem>>
        %dma_wait3A_125 = tpu.memref_squeeze %dma_wait3A_124 : memref<1x80xi32, #tpu.memory_space<vmem>> -> memref<80xi32, #tpu.memory_space<vmem>>
        %dma_wait3A_126 = arith.constant 0 : i32
        %dma_wait3A_127 = arith.constant 0 : i32
        %dma_wait3A_128 = tpu.memref_slice %arg11[%dma_wait3A_126, %dma_wait3A_127] : memref<5120x128xf32, #tpu.memory_space<vmem_shared>> -> memref<5120x128xf32, #tpu.memory_space<vmem_shared>>
        tpu.wait_indirect_dma semaphore(%run_scoped3A_116 : memref<!tpu.dma_semaphore, #tpu.memory_space<semaphore_mem>>) src(%arg9 : memref<80x128xf32, #tpu.memory_space<vmem>>) dst(%dma_wait3A_128 : memref<5120x128xf32, #tpu.memory_space<vmem_shared>>)
        tpu.yield
      }) : () -> ()
      %add3A_102 = arith.constant 1 : i32
      %add3A_103 = arith.addi %add3A_88, %add3A_102 : i32
      %dma_start3A_104 = arith.constant 0 : i32
      %dma_start3A_105 = tpu.memref_slice %arg7[%add3A_103, %dma_start3A_104] : memref<32x80xi32, #tpu.memory_space<vmem>> -> memref<1x80xi32, #tpu.memory_space<vmem>>
      %dma_start3A_106 = tpu.memref_squeeze %dma_start3A_105 : memref<1x80xi32, #tpu.memory_space<vmem>> -> memref<80xi32, #tpu.memory_space<vmem>>
      %dma_start3A_107 = arith.constant 0 : i32
      %dma_start3A_108 = arith.constant 0 : i32
      %dma_start3A_109 = tpu.memref_slice %arg2[%dma_start3A_107, %dma_start3A_108] : memref<50000x128xf32, #tpu.memory_space<hbm>> -> memref<50000x128xf32, #tpu.memory_space<hbm>>
      tpu.enqueue_indirect_dma source(%dma_start3A_109 : memref<50000x128xf32, #tpu.memory_space<hbm>>) target(%arg9 : memref<80x128xf32, #tpu.memory_space<vmem>>) offsets(%dma_start3A_106 : memref<80xi32, #tpu.memory_space<vmem>>) semaphore(%arg12 : memref<!tpu.dma_semaphore, #tpu.memory_space<semaphore_mem>>)
      %dma_wait3A_110 = arith.constant 0 : i32
      %dma_wait3A_111 = tpu.memref_slice %arg7[%add3A_88, %dma_wait3A_110] : memref<32x80xi32, #tpu.memory_space<vmem>> -> memref<1x80xi32, #tpu.memory_space<vmem>>
      %dma_wait3A_112 = tpu.memref_squeeze %dma_wait3A_111 : memref<1x80xi32, #tpu.memory_space<vmem>> -> memref<80xi32, #tpu.memory_space<vmem>>
      %dma_wait3A_113 = arith.constant 0 : i32
      %dma_wait3A_114 = arith.constant 0 : i32
      %dma_wait3A_115 = tpu.memref_slice %arg2[%dma_wait3A_113, %dma_wait3A_114] : memref<50000x128xf32, #tpu.memory_space<hbm>> -> memref<50000x128xf32, #tpu.memory_space<hbm>>
      tpu.wait_indirect_dma semaphore(%arg13 : memref<!tpu.dma_semaphore, #tpu.memory_space<semaphore_mem>>) src(%dma_wait3A_115 : memref<50000x128xf32, #tpu.memory_space<hbm>>) dst(%arg10 : memref<80x128xf32, #tpu.memory_space<vmem>>)
      "tpu.region"() ({
        %run_scoped3A_116 = tpu.sem_alloc : memref<!tpu.dma_semaphore, #tpu.memory_space<semaphore_mem>>
        %dma_start3A_117 = arith.constant 0 : i32
        %dma_start3A_118 = tpu.memref_slice %arg8[%add3A_88, %dma_start3A_117] : memref<32x80xi32, #tpu.memory_space<vmem>> -> memref<1x80xi32, #tpu.memory_space<vmem>>
        %dma_start3A_119 = tpu.memref_squeeze %dma_start3A_118 : memref<1x80xi32, #tpu.memory_space<vmem>> -> memref<80xi32, #tpu.memory_space<vmem>>
        %dma_start3A_120 = arith.constant 0 : i32
        %dma_start3A_121 = arith.constant 0 : i32
        %dma_start3A_122 = tpu.memref_slice %arg11[%dma_start3A_120, %dma_start3A_121] : memref<5120x128xf32, #tpu.memory_space<vmem_shared>> -> memref<5120x128xf32, #tpu.memory_space<vmem_shared>>
        tpu.enqueue_indirect_dma source(%arg10 : memref<80x128xf32, #tpu.memory_space<vmem>>) target(%dma_start3A_122 : memref<5120x128xf32, #tpu.memory_space<vmem_shared>>) offsets(%dma_start3A_119 : memref<80xi32, #tpu.memory_space<vmem>>) semaphore(%run_scoped3A_116 : memref<!tpu.dma_semaphore, #tpu.memory_space<semaphore_mem>>) {add = true}
        %dma_wait3A_123 = arith.constant 0 : i32
        %dma_wait3A_124 = tpu.memref_slice %arg8[%add3A_88, %dma_wait3A_123] : memref<32x80xi32, #tpu.memory_space<vmem>> -> memref<1x80xi32, #tpu.memory_space<vmem>>
        %dma_wait3A_125 = tpu.memref_squeeze %dma_wait3A_124 : memref<1x80xi32, #tpu.memory_space<vmem>> -> memref<80xi32, #tpu.memory_space<vmem>>
        %dma_wait3A_126 = arith.constant 0 : i32
        %dma_wait3A_127 = arith.constant 0 : i32
        %dma_wait3A_128 = tpu.memref_slice %arg11[%dma_wait3A_126, %dma_wait3A_127] : memref<5120x128xf32, #tpu.memory_space<vmem_shared>> -> memref<5120x128xf32, #tpu.memory_space<vmem_shared>>
        tpu.wait_indirect_dma semaphore(%run_scoped3A_116 : memref<!tpu.dma_semaphore, #tpu.memory_space<semaphore_mem>>) src(%arg10 : memref<80x128xf32, #tpu.memory_space<vmem>>) dst(%dma_wait3A_128 : memref<5120x128xf32, #tpu.memory_space<vmem_shared>>)
        tpu.yield
      }) : () -> ()
    }
    %scan3A_17 = arith.constant 15 : i32
    %dma_start3A_18 = arith.constant 31 : i32
    %dma_start3A_19 = arith.constant 0 : i32
    %dma_start3A_20 = tpu.memref_slice %arg7[%dma_start3A_18, %dma_start3A_19] : memref<32x80xi32, #tpu.memory_space<vmem>> -> memref<1x80xi32, #tpu.memory_space<vmem>>
    %dma_start3A_21 = tpu.memref_squeeze %dma_start3A_20 : memref<1x80xi32, #tpu.memory_space<vmem>> -> memref<80xi32, #tpu.memory_space<vmem>>
    %dma_start3A_22 = arith.constant 0 : i32
    %dma_start3A_23 = arith.constant 0 : i32
    %dma_start3A_24 = tpu.memref_slice %arg2[%dma_start3A_22, %dma_start3A_23] : memref<50000x128xf32, #tpu.memory_space<hbm>> -> memref<50000x128xf32, #tpu.memory_space<hbm>>
    tpu.enqueue_indirect_dma source(%dma_start3A_24 : memref<50000x128xf32, #tpu.memory_space<hbm>>) target(%arg10 : memref<80x128xf32, #tpu.memory_space<vmem>>) offsets(%dma_start3A_21 : memref<80xi32, #tpu.memory_space<vmem>>) semaphore(%arg13 : memref<!tpu.dma_semaphore, #tpu.memory_space<semaphore_mem>>)
    %dma_wait3A = arith.constant 30 : i32
    %dma_wait3A_25 = arith.constant 0 : i32
    %dma_wait3A_26 = tpu.memref_slice %arg7[%dma_wait3A, %dma_wait3A_25] : memref<32x80xi32, #tpu.memory_space<vmem>> -> memref<1x80xi32, #tpu.memory_space<vmem>>
    %dma_wait3A_27 = tpu.memref_squeeze %dma_wait3A_26 : memref<1x80xi32, #tpu.memory_space<vmem>> -> memref<80xi32, #tpu.memory_space<vmem>>
    %dma_wait3A_28 = arith.constant 0 : i32
    %dma_wait3A_29 = arith.constant 0 : i32
    %dma_wait3A_30 = tpu.memref_slice %arg2[%dma_wait3A_28, %dma_wait3A_29] : memref<50000x128xf32, #tpu.memory_space<hbm>> -> memref<50000x128xf32, #tpu.memory_space<hbm>>
    tpu.wait_indirect_dma semaphore(%arg12 : memref<!tpu.dma_semaphore, #tpu.memory_space<semaphore_mem>>) src(%dma_wait3A_30 : memref<50000x128xf32, #tpu.memory_space<hbm>>) dst(%arg9 : memref<80x128xf32, #tpu.memory_space<vmem>>)
    %run_scoped3A = arith.constant 30 : i32
    "tpu.region"() ({
      %run_scoped3A_84 = tpu.sem_alloc : memref<!tpu.dma_semaphore, #tpu.memory_space<semaphore_mem>>
      %dma_start3A_85 = arith.constant 0 : i32
      %dma_start3A_86 = tpu.memref_slice %arg8[%run_scoped3A, %dma_start3A_85] : memref<32x80xi32, #tpu.memory_space<vmem>> -> memref<1x80xi32, #tpu.memory_space<vmem>>
      %dma_start3A_87 = tpu.memref_squeeze %dma_start3A_86 : memref<1x80xi32, #tpu.memory_space<vmem>> -> memref<80xi32, #tpu.memory_space<vmem>>
      %dma_start3A_88 = arith.constant 0 : i32
      %dma_start3A_89 = arith.constant 0 : i32
      %dma_start3A_90 = tpu.memref_slice %arg11[%dma_start3A_88, %dma_start3A_89] : memref<5120x128xf32, #tpu.memory_space<vmem_shared>> -> memref<5120x128xf32, #tpu.memory_space<vmem_shared>>
      tpu.enqueue_indirect_dma source(%arg9 : memref<80x128xf32, #tpu.memory_space<vmem>>) target(%dma_start3A_90 : memref<5120x128xf32, #tpu.memory_space<vmem_shared>>) offsets(%dma_start3A_87 : memref<80xi32, #tpu.memory_space<vmem>>) semaphore(%run_scoped3A_84 : memref<!tpu.dma_semaphore, #tpu.memory_space<semaphore_mem>>) {add = true}
      %dma_wait3A_91 = arith.constant 0 : i32
      %dma_wait3A_92 = tpu.memref_slice %arg8[%run_scoped3A, %dma_wait3A_91] : memref<32x80xi32, #tpu.memory_space<vmem>> -> memref<1x80xi32, #tpu.memory_space<vmem>>
      %dma_wait3A_93 = tpu.memref_squeeze %dma_wait3A_92 : memref<1x80xi32, #tpu.memory_space<vmem>> -> memref<80xi32, #tpu.memory_space<vmem>>
      %dma_wait3A_94 = arith.constant 0 : i32
      %dma_wait3A_95 = arith.constant 0 : i32
      %dma_wait3A_96 = tpu.memref_slice %arg11[%dma_wait3A_94, %dma_wait3A_95] : memref<5120x128xf32, #tpu.memory_space<vmem_shared>> -> memref<5120x128xf32, #tpu.memory_space<vmem_shared>>
      tpu.wait_indirect_dma semaphore(%run_scoped3A_84 : memref<!tpu.dma_semaphore, #tpu.memory_space<semaphore_mem>>) src(%arg9 : memref<80x128xf32, #tpu.memory_space<vmem>>) dst(%dma_wait3A_96 : memref<5120x128xf32, #tpu.memory_space<vmem_shared>>)
      tpu.yield
    }) : () -> ()
    %dma_wait3A_31 = arith.constant 31 : i32
    %dma_wait3A_32 = arith.constant 0 : i32
    %dma_wait3A_33 = tpu.memref_slice %arg7[%dma_wait3A_31, %dma_wait3A_32] : memref<32x80xi32, #tpu.memory_space<vmem>> -> memref<1x80xi32, #tpu.memory_space<vmem>>
    %dma_wait3A_34 = tpu.memref_squeeze %dma_wait3A_33 : memref<1x80xi32, #tpu.memory_space<vmem>> -> memref<80xi32, #tpu.memory_space<vmem>>
    %dma_wait3A_35 = arith.constant 0 : i32
    %dma_wait3A_36 = arith.constant 0 : i32
    %dma_wait3A_37 = tpu.memref_slice %arg2[%dma_wait3A_35, %dma_wait3A_36] : memref<50000x128xf32, #tpu.memory_space<hbm>> -> memref<50000x128xf32, #tpu.memory_space<hbm>>
    tpu.wait_indirect_dma semaphore(%arg13 : memref<!tpu.dma_semaphore, #tpu.memory_space<semaphore_mem>>) src(%dma_wait3A_37 : memref<50000x128xf32, #tpu.memory_space<hbm>>) dst(%arg10 : memref<80x128xf32, #tpu.memory_space<vmem>>)
    %run_scoped3A_38 = arith.constant 31 : i32
    "tpu.region"() ({
      %run_scoped3A_84 = tpu.sem_alloc : memref<!tpu.dma_semaphore, #tpu.memory_space<semaphore_mem>>
      %dma_start3A_85 = arith.constant 0 : i32
      %dma_start3A_86 = tpu.memref_slice %arg8[%run_scoped3A_38, %dma_start3A_85] : memref<32x80xi32, #tpu.memory_space<vmem>> -> memref<1x80xi32, #tpu.memory_space<vmem>>
      %dma_start3A_87 = tpu.memref_squeeze %dma_start3A_86 : memref<1x80xi32, #tpu.memory_space<vmem>> -> memref<80xi32, #tpu.memory_space<vmem>>
      %dma_start3A_88 = arith.constant 0 : i32
      %dma_start3A_89 = arith.constant 0 : i32
      %dma_start3A_90 = tpu.memref_slice %arg11[%dma_start3A_88, %dma_start3A_89] : memref<5120x128xf32, #tpu.memory_space<vmem_shared>> -> memref<5120x128xf32, #tpu.memory_space<vmem_shared>>
      tpu.enqueue_indirect_dma source(%arg10 : memref<80x128xf32, #tpu.memory_space<vmem>>) target(%dma_start3A_90 : memref<5120x128xf32, #tpu.memory_space<vmem_shared>>) offsets(%dma_start3A_87 : memref<80xi32, #tpu.memory_space<vmem>>) semaphore(%run_scoped3A_84 : memref<!tpu.dma_semaphore, #tpu.memory_space<semaphore_mem>>) {add = true}
      %dma_wait3A_91 = arith.constant 0 : i32
      %dma_wait3A_92 = tpu.memref_slice %arg8[%run_scoped3A_38, %dma_wait3A_91] : memref<32x80xi32, #tpu.memory_space<vmem>> -> memref<1x80xi32, #tpu.memory_space<vmem>>
      %dma_wait3A_93 = tpu.memref_squeeze %dma_wait3A_92 : memref<1x80xi32, #tpu.memory_space<vmem>> -> memref<80xi32, #tpu.memory_space<vmem>>
      %dma_wait3A_94 = arith.constant 0 : i32
      %dma_wait3A_95 = arith.constant 0 : i32
      %dma_wait3A_96 = tpu.memref_slice %arg11[%dma_wait3A_94, %dma_wait3A_95] : memref<5120x128xf32, #tpu.memory_space<vmem_shared>> -> memref<5120x128xf32, #tpu.memory_space<vmem_shared>>
      tpu.wait_indirect_dma semaphore(%run_scoped3A_84 : memref<!tpu.dma_semaphore, #tpu.memory_space<semaphore_mem>>) src(%arg10 : memref<80x128xf32, #tpu.memory_space<vmem>>) dst(%dma_wait3A_96 : memref<5120x128xf32, #tpu.memory_space<vmem_shared>>)
      tpu.yield
    }) : () -> ()
    %mul3A_39 = arith.constant 5120 : i32
    %mul3A_40 = arith.muli %arg0, %mul3A_39 : i32
    %mul3A_41 = arith.constant 320 : i32
    %mul3A_42 = arith.muli %arg1, %mul3A_41 : i32
    %add3A_43 = arith.addi %mul3A_40, %mul3A_42 : i32
    %add3A_44 = arith.constant 0 : i32
    %add3A_45 = arith.addi %add3A_43, %add3A_44 : i32
    %lt3A = arith.constant 10000 : i32
    %lt3A_46 = arith.cmpi slt, %add3A_45, %lt3A : i32
    %convert_element_type3A = arith.extui %lt3A_46 : i1 to i32
    %cond3A = arith.constant 0 : i32
    %cond3A_47 = arith.cmpi ne, %convert_element_type3A, %cond3A : i32
    scf.if %cond3A_47 {
      %mul3A_84 = arith.constant 320 : i32
      %mul3A_85 = arith.muli %arg1, %mul3A_84 : i32
      %add3A_86 = arith.constant 0 : i32
      %add3A_87 = arith.addi %mul3A_85, %add3A_86 : i32
      "tpu.region"() ({
        %run_scoped3A_88 = tpu.sem_alloc : memref<!tpu.dma_semaphore, #tpu.memory_space<semaphore_mem>>
        %dma_start3A_89 = arith.constant 0 : i32
        %dma_start3A_90 = tpu.memref_slice %arg6[%add3A_45, %dma_start3A_89] : memref<10000x128xf32, #tpu.memory_space<hbm>> -> memref<80x128xf32, #tpu.memory_space<hbm>>
        %dma_start3A_91 = arith.constant 0 : i32
        %dma_start3A_92 = tpu.memref_slice %arg11[%add3A_87, %dma_start3A_91] : memref<5120x128xf32, #tpu.memory_space<vmem_shared>> -> memref<80x128xf32, #tpu.memory_space<vmem_shared>>
        tpu.enqueue_dma source(%dma_start3A_92 : memref<80x128xf32, #tpu.memory_space<vmem_shared>>) target(%dma_start3A_90 : memref<80x128xf32, #tpu.memory_space<hbm>>) target_semaphore(%run_scoped3A_88 : memref<!tpu.dma_semaphore, #tpu.memory_space<semaphore_mem>>)
        %dma_wait3A_93 = arith.constant 0 : i32
        %dma_wait3A_94 = tpu.memref_slice %arg6[%add3A_45, %dma_wait3A_93] : memref<10000x128xf32, #tpu.memory_space<hbm>> -> memref<80x128xf32, #tpu.memory_space<hbm>>
        %dma_wait3A_95 = arith.constant 0 : i32
        %dma_wait3A_96 = tpu.memref_slice %arg11[%add3A_87, %dma_wait3A_95] : memref<5120x128xf32, #tpu.memory_space<vmem_shared>> -> memref<80x128xf32, #tpu.memory_space<vmem_shared>>
        tpu.wait_dma2 semaphore(%run_scoped3A_88 : memref<!tpu.dma_semaphore, #tpu.memory_space<semaphore_mem>>) src(%dma_wait3A_96 : memref<80x128xf32, #tpu.memory_space<vmem_shared>>) dst(%dma_wait3A_94 : memref<80x128xf32, #tpu.memory_space<hbm>>)
        tpu.yield
      }) : () -> ()
    } else {
    }
    %mul3A_48 = arith.constant 5120 : i32
    %mul3A_49 = arith.muli %arg0, %mul3A_48 : i32
    %mul3A_50 = arith.constant 320 : i32
    %mul3A_51 = arith.muli %arg1, %mul3A_50 : i32
    %add3A_52 = arith.addi %mul3A_49, %mul3A_51 : i32
    %add3A_53 = arith.constant 80 : i32
    %add3A_54 = arith.addi %add3A_52, %add3A_53 : i32
    %lt3A_55 = arith.constant 10000 : i32
    %lt3A_56 = arith.cmpi slt, %add3A_54, %lt3A_55 : i32
    %convert_element_type3A_57 = arith.extui %lt3A_56 : i1 to i32
    %cond3A_58 = arith.constant 0 : i32
    %cond3A_59 = arith.cmpi ne, %convert_element_type3A_57, %cond3A_58 : i32
    scf.if %cond3A_59 {
      %mul3A_84 = arith.constant 320 : i32
      %mul3A_85 = arith.muli %arg1, %mul3A_84 : i32
      %add3A_86 = arith.constant 80 : i32
      %add3A_87 = arith.addi %mul3A_85, %add3A_86 : i32
      "tpu.region"() ({
        %run_scoped3A_88 = tpu.sem_alloc : memref<!tpu.dma_semaphore, #tpu.memory_space<semaphore_mem>>
        %dma_start3A_89 = arith.constant 0 : i32
        %dma_start3A_90 = tpu.memref_slice %arg6[%add3A_54, %dma_start3A_89] : memref<10000x128xf32, #tpu.memory_space<hbm>> -> memref<80x128xf32, #tpu.memory_space<hbm>>
        %dma_start3A_91 = arith.constant 0 : i32
        %dma_start3A_92 = tpu.memref_slice %arg11[%add3A_87, %dma_start3A_91] : memref<5120x128xf32, #tpu.memory_space<vmem_shared>> -> memref<80x128xf32, #tpu.memory_space<vmem_shared>>
        tpu.enqueue_dma source(%dma_start3A_92 : memref<80x128xf32, #tpu.memory_space<vmem_shared>>) target(%dma_start3A_90 : memref<80x128xf32, #tpu.memory_space<hbm>>) target_semaphore(%run_scoped3A_88 : memref<!tpu.dma_semaphore, #tpu.memory_space<semaphore_mem>>)
        %dma_wait3A_93 = arith.constant 0 : i32
        %dma_wait3A_94 = tpu.memref_slice %arg6[%add3A_54, %dma_wait3A_93] : memref<10000x128xf32, #tpu.memory_space<hbm>> -> memref<80x128xf32, #tpu.memory_space<hbm>>
        %dma_wait3A_95 = arith.constant 0 : i32
        %dma_wait3A_96 = tpu.memref_slice %arg11[%add3A_87, %dma_wait3A_95] : memref<5120x128xf32, #tpu.memory_space<vmem_shared>> -> memref<80x128xf32, #tpu.memory_space<vmem_shared>>
        tpu.wait_dma2 semaphore(%run_scoped3A_88 : memref<!tpu.dma_semaphore, #tpu.memory_space<semaphore_mem>>) src(%dma_wait3A_96 : memref<80x128xf32, #tpu.memory_space<vmem_shared>>) dst(%dma_wait3A_94 : memref<80x128xf32, #tpu.memory_space<hbm>>)
        tpu.yield
      }) : () -> ()
    } else {
    }
    %mul3A_60 = arith.constant 5120 : i32
    %mul3A_61 = arith.muli %arg0, %mul3A_60 : i32
    %mul3A_62 = arith.constant 320 : i32
    %mul3A_63 = arith.muli %arg1, %mul3A_62 : i32
    %add3A_64 = arith.addi %mul3A_61, %mul3A_63 : i32
    %add3A_65 = arith.constant 160 : i32
    %add3A_66 = arith.addi %add3A_64, %add3A_65 : i32
    %lt3A_67 = arith.constant 10000 : i32
    %lt3A_68 = arith.cmpi slt, %add3A_66, %lt3A_67 : i32
    %convert_element_type3A_69 = arith.extui %lt3A_68 : i1 to i32
    %cond3A_70 = arith.constant 0 : i32
    %cond3A_71 = arith.cmpi ne, %convert_element_type3A_69, %cond3A_70 : i32
    scf.if %cond3A_71 {
      %mul3A_84 = arith.constant 320 : i32
      %mul3A_85 = arith.muli %arg1, %mul3A_84 : i32
      %add3A_86 = arith.constant 160 : i32
      %add3A_87 = arith.addi %mul3A_85, %add3A_86 : i32
      "tpu.region"() ({
        %run_scoped3A_88 = tpu.sem_alloc : memref<!tpu.dma_semaphore, #tpu.memory_space<semaphore_mem>>
        %dma_start3A_89 = arith.constant 0 : i32
        %dma_start3A_90 = tpu.memref_slice %arg6[%add3A_66, %dma_start3A_89] : memref<10000x128xf32, #tpu.memory_space<hbm>> -> memref<80x128xf32, #tpu.memory_space<hbm>>
        %dma_start3A_91 = arith.constant 0 : i32
        %dma_start3A_92 = tpu.memref_slice %arg11[%add3A_87, %dma_start3A_91] : memref<5120x128xf32, #tpu.memory_space<vmem_shared>> -> memref<80x128xf32, #tpu.memory_space<vmem_shared>>
        tpu.enqueue_dma source(%dma_start3A_92 : memref<80x128xf32, #tpu.memory_space<vmem_shared>>) target(%dma_start3A_90 : memref<80x128xf32, #tpu.memory_space<hbm>>) target_semaphore(%run_scoped3A_88 : memref<!tpu.dma_semaphore, #tpu.memory_space<semaphore_mem>>)
        %dma_wait3A_93 = arith.constant 0 : i32
        %dma_wait3A_94 = tpu.memref_slice %arg6[%add3A_66, %dma_wait3A_93] : memref<10000x128xf32, #tpu.memory_space<hbm>> -> memref<80x128xf32, #tpu.memory_space<hbm>>
        %dma_wait3A_95 = arith.constant 0 : i32
        %dma_wait3A_96 = tpu.memref_slice %arg11[%add3A_87, %dma_wait3A_95] : memref<5120x128xf32, #tpu.memory_space<vmem_shared>> -> memref<80x128xf32, #tpu.memory_space<vmem_shared>>
        tpu.wait_dma2 semaphore(%run_scoped3A_88 : memref<!tpu.dma_semaphore, #tpu.memory_space<semaphore_mem>>) src(%dma_wait3A_96 : memref<80x128xf32, #tpu.memory_space<vmem_shared>>) dst(%dma_wait3A_94 : memref<80x128xf32, #tpu.memory_space<hbm>>)
        tpu.yield
      }) : () -> ()
    } else {
    }
    %mul3A_72 = arith.constant 5120 : i32
    %mul3A_73 = arith.muli %arg0, %mul3A_72 : i32
    %mul3A_74 = arith.constant 320 : i32
    %mul3A_75 = arith.muli %arg1, %mul3A_74 : i32
    %add3A_76 = arith.addi %mul3A_73, %mul3A_75 : i32
    %add3A_77 = arith.constant 240 : i32
    %add3A_78 = arith.addi %add3A_76, %add3A_77 : i32
    %lt3A_79 = arith.constant 10000 : i32
    %lt3A_80 = arith.cmpi slt, %add3A_78, %lt3A_79 : i32
    %convert_element_type3A_81 = arith.extui %lt3A_80 : i1 to i32
    %cond3A_82 = arith.constant 0 : i32
    %cond3A_83 = arith.cmpi ne, %convert_element_type3A_81, %cond3A_82 : i32
    scf.if %cond3A_83 {
      %mul3A_84 = arith.constant 320 : i32
      %mul3A_85 = arith.muli %arg1, %mul3A_84 : i32
      %add3A_86 = arith.constant 240 : i32
      %add3A_87 = arith.addi %mul3A_85, %add3A_86 : i32
      "tpu.region"() ({
        %run_scoped3A_88 = tpu.sem_alloc : memref<!tpu.dma_semaphore, #tpu.memory_space<semaphore_mem>>
        %dma_start3A_89 = arith.constant 0 : i32
        %dma_start3A_90 = tpu.memref_slice %arg6[%add3A_78, %dma_start3A_89] : memref<10000x128xf32, #tpu.memory_space<hbm>> -> memref<80x128xf32, #tpu.memory_space<hbm>>
        %dma_start3A_91 = arith.constant 0 : i32
        %dma_start3A_92 = tpu.memref_slice %arg11[%add3A_87, %dma_start3A_91] : memref<5120x128xf32, #tpu.memory_space<vmem_shared>> -> memref<80x128xf32, #tpu.memory_space<vmem_shared>>
        tpu.enqueue_dma source(%dma_start3A_92 : memref<80x128xf32, #tpu.memory_space<vmem_shared>>) target(%dma_start3A_90 : memref<80x128xf32, #tpu.memory_space<hbm>>) target_semaphore(%run_scoped3A_88 : memref<!tpu.dma_semaphore, #tpu.memory_space<semaphore_mem>>)
        %dma_wait3A_93 = arith.constant 0 : i32
        %dma_wait3A_94 = tpu.memref_slice %arg6[%add3A_78, %dma_wait3A_93] : memref<10000x128xf32, #tpu.memory_space<hbm>> -> memref<80x128xf32, #tpu.memory_space<hbm>>
        %dma_wait3A_95 = arith.constant 0 : i32
        %dma_wait3A_96 = tpu.memref_slice %arg11[%add3A_87, %dma_wait3A_95] : memref<5120x128xf32, #tpu.memory_space<vmem_shared>> -> memref<80x128xf32, #tpu.memory_space<vmem_shared>>
        tpu.wait_dma2 semaphore(%run_scoped3A_88 : memref<!tpu.dma_semaphore, #tpu.memory_space<semaphore_mem>>) src(%dma_wait3A_96 : memref<80x128xf32, #tpu.memory_space<vmem_shared>>) dst(%dma_wait3A_94 : memref<80x128xf32, #tpu.memory_space<hbm>>)
        tpu.yield
      }) : () -> ()
    } else {
    }
    return
  }
}

module attributes {stable_mosaic.version = 14 : i64} {
  func.func @_dense_body(%arg0: i32, %arg1: i32, %arg2: memref<2000x128xf32, #tpu.memory_space<vmem>>, %arg3: memref<2000x128xf32, #tpu.memory_space<vmem>>, %arg4: memref<2000x128xf32, #tpu.memory_space<vmem>>, %arg5: memref<128x256xf32, #tpu.memory_space<vmem>>, %arg6: memref<1x256xf32, #tpu.memory_space<vmem>>, %arg7: memref<256x128xf32, #tpu.memory_space<vmem>>, %arg8: memref<1x128xf32, #tpu.memory_space<vmem>>, %arg9: memref<1x128xf32, #tpu.memory_space<vmem>>, %arg10: memref<1x128xf32, #tpu.memory_space<vmem>>, %arg11: memref<2000x128xf32, #tpu.memory_space<vmem>>, %arg12: memref<10000x128xf32, #tpu.memory_space<vmem>>, %arg13: memref<8x128xf32, #tpu.memory_space<vmem>>) attributes {dimension_semantics = [#tpu.dimension_semantics<arbitrary>, #tpu.dimension_semantics<arbitrary>], iteration_bounds = array<i64: 2, 5>, scalar_prefetch = 0 : i64, scratch_operands = 2 : i64, tpu.core_type = #tpu.core_type<tc>, window_params = [{transform_indices = @transform_0, window_bounds = array<i64: 2000, 128>}, {transform_indices = @transform_1, window_bounds = array<i64: 2000, 128>}, {transform_indices = @transform_2, window_bounds = array<i64: 2000, 128>}, {pipeline_mode = #tpu.pipeline_mode<synchronous>, transform_indices = @transform_3, window_bounds = array<i64: 128, 256>}, {pipeline_mode = #tpu.pipeline_mode<synchronous>, transform_indices = @transform_4, window_bounds = array<i64: 1, 256>}, {pipeline_mode = #tpu.pipeline_mode<synchronous>, transform_indices = @transform_5, window_bounds = array<i64: 256, 128>}, {pipeline_mode = #tpu.pipeline_mode<synchronous>, transform_indices = @transform_6, window_bounds = array<i64: 1, 128>}, {pipeline_mode = #tpu.pipeline_mode<synchronous>, transform_indices = @transform_7, window_bounds = array<i64: 1, 128>}, {pipeline_mode = #tpu.pipeline_mode<synchronous>, transform_indices = @transform_8, window_bounds = array<i64: 1, 128>}, {transform_indices = @transform_9, window_bounds = array<i64: 2000, 128>}]} {
    %eq3A = arith.constant 0 : i32
    %eq3A_0 = arith.cmpi eq, %arg0, %eq3A : i32
    %convert_element_type3A = arith.extui %eq3A_0 : i1 to i32
    %cond3A = arith.constant 0 : i32
    %cond3A_1 = arith.cmpi ne, %convert_element_type3A, %cond3A : i32
    scf.if %cond3A_1 {
      %get3A = arith.constant 0 : index
      %get3A_7 = arith.constant 0 : index
      %get3A_8 = vector.load %arg3[%get3A, %get3A_7] : memref<2000x128xf32, #tpu.memory_space<vmem>>, vector<2000x128xf32>
      %get3A_9 = arith.constant 0 : index
      %get3A_10 = arith.constant 0 : index
      %get3A_11 = vector.load %arg4[%get3A_9, %get3A_10] : memref<2000x128xf32, #tpu.memory_space<vmem>>, vector<2000x128xf32>
      %add3A = arith.addf %get3A_8, %get3A_11 : vector<2000x128xf32>
      %get3A_12 = arith.constant 0 : index
      %get3A_13 = arith.constant 0 : index
      %get3A_14 = vector.load %arg2[%get3A_12, %get3A_13] : memref<2000x128xf32, #tpu.memory_space<vmem>>, vector<2000x128xf32>
      %add3A_15 = arith.addf %add3A, %get3A_14 : vector<2000x128xf32>
      %get3A_16 = arith.constant 0 : index
      %get3A_17 = arith.constant 0 : index
      %get3A_18 = vector.load %arg5[%get3A_16, %get3A_17] : memref<128x256xf32, #tpu.memory_space<vmem>>, vector<128x256xf32>
      %dot_general3A = arith.constant dense<0.000000e+00> : vector<2000x256xf32>
      %dot_general3A_19 = tpu.matmul %add3A_15, %get3A_18, %dot_general3A {dimension_numbers = #tpu.dot_dimension_numbers<[1], [0], [0], [1], [0, 0, 1, 1], [], []>, transpose_lhs_hint = false} : vector<2000x128xf32>, vector<128x256xf32>, vector<2000x256xf32> -> vector<2000x256xf32>
      %get3A_20 = arith.constant 0 : index
      %get3A_21 = arith.constant 0 : index
      %get3A_22 = vector.load %arg6[%get3A_20, %get3A_21] : memref<1x256xf32, #tpu.memory_space<vmem>>, vector<1x256xf32>
      %add3A_23 = vector.broadcast %get3A_22 : vector<1x256xf32> to vector<2000x256xf32>
      %add3A_24 = arith.addf %dot_general3A_19, %add3A_23 : vector<2000x256xf32>
      %max3A = arith.constant 0.000000e+00 : f32
      %max3A_25 = vector.broadcast %max3A : f32 to vector<2000x256xf32>
      %max3A_26 = arith.maximumf %add3A_24, %max3A_25 : vector<2000x256xf32>
      %get3A_27 = arith.constant 0 : index
      %get3A_28 = arith.constant 0 : index
      %get3A_29 = vector.load %arg7[%get3A_27, %get3A_28] : memref<256x128xf32, #tpu.memory_space<vmem>>, vector<256x128xf32>
      %dot_general3A_30 = arith.constant dense<0.000000e+00> : vector<2000x128xf32>
      %dot_general3A_31 = tpu.matmul %max3A_26, %get3A_29, %dot_general3A_30 {dimension_numbers = #tpu.dot_dimension_numbers<[1], [0], [0], [1], [0, 0, 1, 1], [], []>, transpose_lhs_hint = false} : vector<2000x256xf32>, vector<256x128xf32>, vector<2000x128xf32> -> vector<2000x128xf32>
      %get3A_32 = arith.constant 0 : index
      %get3A_33 = arith.constant 0 : index
      %get3A_34 = vector.load %arg8[%get3A_32, %get3A_33] : memref<1x128xf32, #tpu.memory_space<vmem>>, vector<1x128xf32>
      %add3A_35 = vector.broadcast %get3A_34 : vector<1x128xf32> to vector<2000x128xf32>
      %add3A_36 = arith.addf %dot_general3A_31, %add3A_35 : vector<2000x128xf32>
      %mul3A = arith.constant 2000 : i32
      %mul3A_37 = arith.muli %arg1, %mul3A : i32
      %swap3A = arith.index_cast %mul3A_37 : i32 to index
      %swap3A_38 = arith.constant 0 : index
      %swap3A_39 = vector.load %arg12[%swap3A, %swap3A_38] : memref<10000x128xf32, #tpu.memory_space<vmem>>, vector<2000x128xf32>
      tpu.vector_store %arg12[%swap3A, %swap3A_38], %add3A_36 {strides = array<i32>} : memref<10000x128xf32, #tpu.memory_space<vmem>>, vector<2000x128xf32>,
      %eq3A_40 = arith.constant 0 : i32
      %eq3A_41 = arith.cmpi eq, %arg1, %eq3A_40 : i32
      %convert_element_type3A_42 = arith.extui %eq3A_41 : i1 to i32
      %cond3A_43 = arith.constant 0 : i32
      %cond3A_44 = arith.cmpi ne, %convert_element_type3A_42, %cond3A_43 : i32
      scf.if %cond3A_44 {
        %broadcast_in_dim3A_64 = arith.constant 0.000000e+00 : f32
        %broadcast_in_dim3A_65 = vector.broadcast %broadcast_in_dim3A_64 : f32 to vector<8x128xf32>
        %swap3A_66 = arith.constant 0 : index
        %swap3A_67 = arith.constant 0 : index
        %swap3A_68 = vector.load %arg13[%swap3A_66, %swap3A_67] : memref<8x128xf32, #tpu.memory_space<vmem>>, vector<8x128xf32>
        tpu.vector_store %arg13[%swap3A_66, %swap3A_67], %broadcast_in_dim3A_65 {strides = array<i32>} : memref<8x128xf32, #tpu.memory_space<vmem>>, vector<8x128xf32>,
      } else {
      }
      %get3A_45 = arith.constant 0 : index
      %get3A_46 = arith.constant 0 : index
      %get3A_47 = vector.load %arg13[%get3A_45, %get3A_46] : memref<8x128xf32, #tpu.memory_space<vmem>>, vector<1x128xf32>
      %reduce_sum3A = arith.constant dense<0.000000e+00> : vector<128xf32>
      %reduce_sum3A_48 = vector.multi_reduction <add>, %add3A_36, %reduce_sum3A [0] : vector<2000x128xf32> to vector<128xf32>
      %broadcast_in_dim3A = vector.shape_cast %reduce_sum3A_48 : vector<128xf32> to vector<1x128xf32>
      %add3A_49 = arith.addf %get3A_47, %broadcast_in_dim3A : vector<1x128xf32>
      %swap3A_50 = arith.constant 0 : index
      %swap3A_51 = arith.constant 0 : index
      %swap3A_52 = vector.load %arg13[%swap3A_50, %swap3A_51] : memref<8x128xf32, #tpu.memory_space<vmem>>, vector<1x128xf32>
      tpu.vector_store %arg13[%swap3A_50, %swap3A_51], %add3A_49 {strides = array<i32>} : memref<8x128xf32, #tpu.memory_space<vmem>>, vector<1x128xf32>,
      %get3A_53 = arith.constant 1 : index
      %get3A_54 = arith.constant 0 : index
      %get3A_55 = vector.load %arg13[%get3A_53, %get3A_54] : memref<8x128xf32, #tpu.memory_space<vmem>>, vector<1x128xf32>
      %mul3A_56 = arith.mulf %add3A_36, %add3A_36 : vector<2000x128xf32>
      %reduce_sum3A_57 = arith.constant dense<0.000000e+00> : vector<128xf32>
      %reduce_sum3A_58 = vector.multi_reduction <add>, %mul3A_56, %reduce_sum3A_57 [0] : vector<2000x128xf32> to vector<128xf32>
      %broadcast_in_dim3A_59 = vector.shape_cast %reduce_sum3A_58 : vector<128xf32> to vector<1x128xf32>
      %add3A_60 = arith.addf %get3A_55, %broadcast_in_dim3A_59 : vector<1x128xf32>
      %swap3A_61 = arith.constant 1 : index
      %swap3A_62 = arith.constant 0 : index
      %swap3A_63 = vector.load %arg13[%swap3A_61, %swap3A_62] : memref<8x128xf32, #tpu.memory_space<vmem>>, vector<1x128xf32>
      tpu.vector_store %arg13[%swap3A_61, %swap3A_62], %add3A_60 {strides = array<i32>} : memref<8x128xf32, #tpu.memory_space<vmem>>, vector<1x128xf32>,
    } else {
    }
    %eq3A_2 = arith.constant 1 : i32
    %eq3A_3 = arith.cmpi eq, %arg0, %eq3A_2 : i32
    %convert_element_type3A_4 = arith.extui %eq3A_3 : i1 to i32
    %cond3A_5 = arith.constant 0 : i32
    %cond3A_6 = arith.cmpi ne, %convert_element_type3A_4, %cond3A_5 : i32
    scf.if %cond3A_6 {
      %mul3A = arith.constant 2000 : i32
      %mul3A_7 = arith.muli %arg1, %mul3A : i32
      %get3A = arith.index_cast %mul3A_7 : i32 to index
      %get3A_8 = arith.constant 0 : index
      %get3A_9 = vector.load %arg12[%get3A, %get3A_8] : memref<10000x128xf32, #tpu.memory_space<vmem>>, vector<2000x128xf32>
      %get3A_10 = arith.constant 0 : index
      %get3A_11 = arith.constant 0 : index
      %get3A_12 = vector.load %arg13[%get3A_10, %get3A_11] : memref<8x128xf32, #tpu.memory_space<vmem>>, vector<1x128xf32>
      %mul3A_13 = arith.constant 9.99999974E-5 : f32
      %mul3A_14 = vector.broadcast %mul3A_13 : f32 to vector<1x128xf32>
      %mul3A_15 = arith.mulf %get3A_12, %mul3A_14 : vector<1x128xf32>
      %get3A_16 = arith.constant 1 : index
      %get3A_17 = arith.constant 0 : index
      %get3A_18 = vector.load %arg13[%get3A_16, %get3A_17] : memref<8x128xf32, #tpu.memory_space<vmem>>, vector<1x128xf32>
      %mul3A_19 = arith.constant 9.99999974E-5 : f32
      %mul3A_20 = vector.broadcast %mul3A_19 : f32 to vector<1x128xf32>
      %mul3A_21 = arith.mulf %get3A_18, %mul3A_20 : vector<1x128xf32>
      %mul3A_22 = arith.mulf %mul3A_15, %mul3A_15 : vector<1x128xf32>
      %sub3A = arith.subf %mul3A_21, %mul3A_22 : vector<1x128xf32>
      %sub3A_23 = vector.broadcast %mul3A_15 : vector<1x128xf32> to vector<2000x128xf32>
      %sub3A_24 = arith.subf %get3A_9, %sub3A_23 : vector<2000x128xf32>
      %add3A = arith.constant 9.99999974E-6 : f32
      %add3A_25 = vector.broadcast %add3A : f32 to vector<1x128xf32>
      %add3A_26 = arith.addf %sub3A, %add3A_25 : vector<1x128xf32>
      %rsqrt3A = math.rsqrt %add3A_26 : vector<1x128xf32>
      %mul3A_27 = vector.broadcast %rsqrt3A : vector<1x128xf32> to vector<2000x128xf32>
      %mul3A_28 = arith.mulf %sub3A_24, %mul3A_27 : vector<2000x128xf32>
      %get3A_29 = arith.constant 0 : index
      %get3A_30 = arith.constant 0 : index
      %get3A_31 = vector.load %arg9[%get3A_29, %get3A_30] : memref<1x128xf32, #tpu.memory_space<vmem>>, vector<1x128xf32>
      %mul3A_32 = vector.broadcast %get3A_31 : vector<1x128xf32> to vector<2000x128xf32>
      %mul3A_33 = arith.mulf %mul3A_28, %mul3A_32 : vector<2000x128xf32>
      %get3A_34 = arith.constant 0 : index
      %get3A_35 = arith.constant 0 : index
      %get3A_36 = vector.load %arg10[%get3A_34, %get3A_35] : memref<1x128xf32, #tpu.memory_space<vmem>>, vector<1x128xf32>
      %add3A_37 = vector.broadcast %get3A_36 : vector<1x128xf32> to vector<2000x128xf32>
      %add3A_38 = arith.addf %mul3A_33, %add3A_37 : vector<2000x128xf32>
      %max3A = arith.constant 0.000000e+00 : f32
      %max3A_39 = vector.broadcast %max3A : f32 to vector<2000x128xf32>
      %max3A_40 = arith.maximumf %add3A_38, %max3A_39 : vector<2000x128xf32>
      %swap3A = arith.constant 0 : index
      %swap3A_41 = arith.constant 0 : index
      %swap3A_42 = vector.load %arg11[%swap3A, %swap3A_41] : memref<2000x128xf32, #tpu.memory_space<vmem>>, vector<2000x128xf32>
      tpu.vector_store %arg11[%swap3A, %swap3A_41], %max3A_40 {strides = array<i32>} : memref<2000x128xf32, #tpu.memory_space<vmem>>, vector<2000x128xf32>,
    } else {
    }
    return
  }
  func.func @transform_0(%arg0: i32, %arg1: i32) -> (i32, i32) {
    %eq3A = arith.constant 0 : i32
    %eq3A_0 = arith.cmpi eq, %arg0, %eq3A : i32
    %jit3A = arith.constant 0 : i32
    %select_n3A = arith.select %eq3A_0, %arg1, %jit3A : i32
    %c0_i32 = arith.constant 0 : i32
    %c0_i32_1 = arith.constant 0 : i32
    return %select_n3A, %c0_i32 : i32, i32
  }
  func.func @transform_1(%arg0: i32, %arg1: i32) -> (i32, i32) {
    %eq3A = arith.constant 0 : i32
    %eq3A_0 = arith.cmpi eq, %arg0, %eq3A : i32
    %jit3A = arith.constant 0 : i32
    %select_n3A = arith.select %eq3A_0, %arg1, %jit3A : i32
    %c0_i32 = arith.constant 0 : i32
    %c0_i32_1 = arith.constant 0 : i32
    return %select_n3A, %c0_i32 : i32, i32
  }
  func.func @transform_2(%arg0: i32, %arg1: i32) -> (i32, i32) {
    %eq3A = arith.constant 0 : i32
    %eq3A_0 = arith.cmpi eq, %arg0, %eq3A : i32
    %jit3A = arith.constant 0 : i32
    %select_n3A = arith.select %eq3A_0, %arg1, %jit3A : i32
    %c0_i32 = arith.constant 0 : i32
    %c0_i32_1 = arith.constant 0 : i32
    return %select_n3A, %c0_i32 : i32, i32
  }
  func.func @transform_3(%arg0: i32, %arg1: i32) -> (i32, i32) {
    %c0_i32 = arith.constant 0 : i32
    %c0_i32_0 = arith.constant 0 : i32
    %c0_i32_1 = arith.constant 0 : i32
    return %c0_i32, %c0_i32_0 : i32, i32
  }
  func.func @transform_4(%arg0: i32, %arg1: i32) -> (i32, i32) {
    %c0_i32 = arith.constant 0 : i32
    %c0_i32_0 = arith.constant 0 : i32
    %c0_i32_1 = arith.constant 0 : i32
    return %c0_i32, %c0_i32_0 : i32, i32
  }
  func.func @transform_5(%arg0: i32, %arg1: i32) -> (i32, i32) {
    %c0_i32 = arith.constant 0 : i32
    %c0_i32_0 = arith.constant 0 : i32
    %c0_i32_1 = arith.constant 0 : i32
    return %c0_i32, %c0_i32_0 : i32, i32
  }
  func.func @transform_6(%arg0: i32, %arg1: i32) -> (i32, i32) {
    %c0_i32 = arith.constant 0 : i32
    %c0_i32_0 = arith.constant 0 : i32
    %c0_i32_1 = arith.constant 0 : i32
    return %c0_i32, %c0_i32_0 : i32, i32
  }
  func.func @transform_7(%arg0: i32, %arg1: i32) -> (i32, i32) {
    %c0_i32 = arith.constant 0 : i32
    %c0_i32_0 = arith.constant 0 : i32
    %c0_i32_1 = arith.constant 0 : i32
    return %c0_i32, %c0_i32_0 : i32, i32
  }
  func.func @transform_8(%arg0: i32, %arg1: i32) -> (i32, i32) {
    %c0_i32 = arith.constant 0 : i32
    %c0_i32_0 = arith.constant 0 : i32
    %c0_i32_1 = arith.constant 0 : i32
    return %c0_i32, %c0_i32_0 : i32, i32
  }
  func.func @transform_9(%arg0: i32, %arg1: i32) -> (i32, i32) {
    %eq3A = arith.constant 1 : i32
    %eq3A_0 = arith.cmpi eq, %arg0, %eq3A : i32
    %jit3A = arith.constant 0 : i32
    %select_n3A = arith.select %eq3A_0, %arg1, %jit3A : i32
    %c0_i32 = arith.constant 0 : i32
    %c0_i32_1 = arith.constant 0 : i32
    return %select_n3A, %c0_i32 : i32, i32
  }
}

module attributes {stable_mosaic.version = 14 : i64} {
  func.func @_final_body(%arg0: i32, %arg1: i32, %arg2: memref<2000x128xf32, #tpu.memory_space<vmem>>, %arg3: memref<2000x128xf32, #tpu.memory_space<vmem>>, %arg4: memref<2000x128xf32, #tpu.memory_space<vmem>>, %arg5: memref<128x256xf32, #tpu.memory_space<vmem>>, %arg6: memref<1x256xf32, #tpu.memory_space<vmem>>, %arg7: memref<256x128xf32, #tpu.memory_space<vmem>>, %arg8: memref<1x128xf32, #tpu.memory_space<vmem>>, %arg9: memref<1x128xf32, #tpu.memory_space<vmem>>, %arg10: memref<1x128xf32, #tpu.memory_space<vmem>>, %arg11: memref<2000x1xi32, #tpu.memory_space<vmem>>, %arg12: memref<128x1xf32, #tpu.memory_space<vmem>>, %arg13: memref<1x1xf32, #tpu.memory_space<vmem>>, %arg14: memref<64x1xf32, #tpu.memory_space<vmem>>, %arg15: memref<10000x128xf32, #tpu.memory_space<vmem>>, %arg16: memref<8x128xf32, #tpu.memory_space<vmem>>, %arg17: memref<64x128xf32, #tpu.memory_space<vmem>>, %arg18: memref<64x128xf32, #tpu.memory_space<vmem>>) attributes {dimension_semantics = [#tpu.dimension_semantics<arbitrary>, #tpu.dimension_semantics<arbitrary>], iteration_bounds = array<i64: 2, 5>, scalar_prefetch = 0 : i64, scratch_operands = 4 : i64, tpu.core_type = #tpu.core_type<tc>, window_params = [{transform_indices = @transform_0, window_bounds = array<i64: 2000, 128>}, {transform_indices = @transform_1, window_bounds = array<i64: 2000, 128>}, {transform_indices = @transform_2, window_bounds = array<i64: 2000, 128>}, {pipeline_mode = #tpu.pipeline_mode<synchronous>, transform_indices = @transform_3, window_bounds = array<i64: 128, 256>}, {pipeline_mode = #tpu.pipeline_mode<synchronous>, transform_indices = @transform_4, window_bounds = array<i64: 1, 256>}, {pipeline_mode = #tpu.pipeline_mode<synchronous>, transform_indices = @transform_5, window_bounds = array<i64: 256, 128>}, {pipeline_mode = #tpu.pipeline_mode<synchronous>, transform_indices = @transform_6, window_bounds = array<i64: 1, 128>}, {pipeline_mode = #tpu.pipeline_mode<synchronous>, transform_indices = @transform_7, window_bounds = array<i64: 1, 128>}, {pipeline_mode = #tpu.pipeline_mode<synchronous>, transform_indices = @transform_8, window_bounds = array<i64: 1, 128>}, {transform_indices = @transform_9, window_bounds = array<i64: 2000, 1>}, {pipeline_mode = #tpu.pipeline_mode<synchronous>, transform_indices = @transform_10, window_bounds = array<i64: 128, 1>}, {pipeline_mode = #tpu.pipeline_mode<synchronous>, transform_indices = @transform_11, window_bounds = array<i64: 1, 1>}, {pipeline_mode = #tpu.pipeline_mode<synchronous>, transform_indices = @transform_12, window_bounds = array<i64: 64, 1>}]} {
    %eq3A = arith.constant 0 : i32
    %eq3A_0 = arith.cmpi eq, %arg0, %eq3A : i32
    %convert_element_type3A = arith.extui %eq3A_0 : i1 to i32
    %cond3A = arith.constant 0 : i32
    %cond3A_1 = arith.cmpi ne, %convert_element_type3A, %cond3A : i32
    scf.if %cond3A_1 {
      %get3A = arith.constant 0 : index
      %get3A_7 = arith.constant 0 : index
      %get3A_8 = vector.load %arg3[%get3A, %get3A_7] : memref<2000x128xf32, #tpu.memory_space<vmem>>, vector<2000x128xf32>
      %get3A_9 = arith.constant 0 : index
      %get3A_10 = arith.constant 0 : index
      %get3A_11 = vector.load %arg4[%get3A_9, %get3A_10] : memref<2000x128xf32, #tpu.memory_space<vmem>>, vector<2000x128xf32>
      %add3A = arith.addf %get3A_8, %get3A_11 : vector<2000x128xf32>
      %get3A_12 = arith.constant 0 : index
      %get3A_13 = arith.constant 0 : index
      %get3A_14 = vector.load %arg2[%get3A_12, %get3A_13] : memref<2000x128xf32, #tpu.memory_space<vmem>>, vector<2000x128xf32>
      %add3A_15 = arith.addf %add3A, %get3A_14 : vector<2000x128xf32>
      %get3A_16 = arith.constant 0 : index
      %get3A_17 = arith.constant 0 : index
      %get3A_18 = vector.load %arg5[%get3A_16, %get3A_17] : memref<128x256xf32, #tpu.memory_space<vmem>>, vector<128x256xf32>
      %dot_general3A = arith.constant dense<0.000000e+00> : vector<2000x256xf32>
      %dot_general3A_19 = tpu.matmul %add3A_15, %get3A_18, %dot_general3A {dimension_numbers = #tpu.dot_dimension_numbers<[1], [0], [0], [1], [0, 0, 1, 1], [], []>, transpose_lhs_hint = false} : vector<2000x128xf32>, vector<128x256xf32>, vector<2000x256xf32> -> vector<2000x256xf32>
      %get3A_20 = arith.constant 0 : index
      %get3A_21 = arith.constant 0 : index
      %get3A_22 = vector.load %arg6[%get3A_20, %get3A_21] : memref<1x256xf32, #tpu.memory_space<vmem>>, vector<1x256xf32>
      %add3A_23 = vector.broadcast %get3A_22 : vector<1x256xf32> to vector<2000x256xf32>
      %add3A_24 = arith.addf %dot_general3A_19, %add3A_23 : vector<2000x256xf32>
      %max3A = arith.constant 0.000000e+00 : f32
      %max3A_25 = vector.broadcast %max3A : f32 to vector<2000x256xf32>
      %max3A_26 = arith.maximumf %add3A_24, %max3A_25 : vector<2000x256xf32>
      %get3A_27 = arith.constant 0 : index
      %get3A_28 = arith.constant 0 : index
      %get3A_29 = vector.load %arg7[%get3A_27, %get3A_28] : memref<256x128xf32, #tpu.memory_space<vmem>>, vector<256x128xf32>
      %dot_general3A_30 = arith.constant dense<0.000000e+00> : vector<2000x128xf32>
      %dot_general3A_31 = tpu.matmul %max3A_26, %get3A_29, %dot_general3A_30 {dimension_numbers = #tpu.dot_dimension_numbers<[1], [0], [0], [1], [0, 0, 1, 1], [], []>, transpose_lhs_hint = false} : vector<2000x256xf32>, vector<256x128xf32>, vector<2000x128xf32> -> vector<2000x128xf32>
      %get3A_32 = arith.constant 0 : index
      %get3A_33 = arith.constant 0 : index
      %get3A_34 = vector.load %arg8[%get3A_32, %get3A_33] : memref<1x128xf32, #tpu.memory_space<vmem>>, vector<1x128xf32>
      %add3A_35 = vector.broadcast %get3A_34 : vector<1x128xf32> to vector<2000x128xf32>
      %add3A_36 = arith.addf %dot_general3A_31, %add3A_35 : vector<2000x128xf32>
      %mul3A = arith.constant 2000 : i32
      %mul3A_37 = arith.muli %arg1, %mul3A : i32
      %swap3A = arith.index_cast %mul3A_37 : i32 to index
      %swap3A_38 = arith.constant 0 : index
      %swap3A_39 = vector.load %arg15[%swap3A, %swap3A_38] : memref<10000x128xf32, #tpu.memory_space<vmem>>, vector<2000x128xf32>
      tpu.vector_store %arg15[%swap3A, %swap3A_38], %add3A_36 {strides = array<i32>} : memref<10000x128xf32, #tpu.memory_space<vmem>>, vector<2000x128xf32>,
      %eq3A_40 = arith.constant 0 : i32
      %eq3A_41 = arith.cmpi eq, %arg1, %eq3A_40 : i32
      %convert_element_type3A_42 = arith.extui %eq3A_41 : i1 to i32
      %cond3A_43 = arith.constant 0 : i32
      %cond3A_44 = arith.cmpi ne, %convert_element_type3A_42, %cond3A_43 : i32
      scf.if %cond3A_44 {
        %broadcast_in_dim3A_64 = arith.constant 0.000000e+00 : f32
        %broadcast_in_dim3A_65 = vector.broadcast %broadcast_in_dim3A_64 : f32 to vector<8x128xf32>
        %swap3A_66 = arith.constant 0 : index
        %swap3A_67 = arith.constant 0 : index
        %swap3A_68 = vector.load %arg16[%swap3A_66, %swap3A_67] : memref<8x128xf32, #tpu.memory_space<vmem>>, vector<8x128xf32>
        tpu.vector_store %arg16[%swap3A_66, %swap3A_67], %broadcast_in_dim3A_65 {strides = array<i32>} : memref<8x128xf32, #tpu.memory_space<vmem>>, vector<8x128xf32>,
      } else {
      }
      %get3A_45 = arith.constant 0 : index
      %get3A_46 = arith.constant 0 : index
      %get3A_47 = vector.load %arg16[%get3A_45, %get3A_46] : memref<8x128xf32, #tpu.memory_space<vmem>>, vector<1x128xf32>
      %reduce_sum3A = arith.constant dense<0.000000e+00> : vector<128xf32>
      %reduce_sum3A_48 = vector.multi_reduction <add>, %add3A_36, %reduce_sum3A [0] : vector<2000x128xf32> to vector<128xf32>
      %broadcast_in_dim3A = vector.shape_cast %reduce_sum3A_48 : vector<128xf32> to vector<1x128xf32>
      %add3A_49 = arith.addf %get3A_47, %broadcast_in_dim3A : vector<1x128xf32>
      %swap3A_50 = arith.constant 0 : index
      %swap3A_51 = arith.constant 0 : index
      %swap3A_52 = vector.load %arg16[%swap3A_50, %swap3A_51] : memref<8x128xf32, #tpu.memory_space<vmem>>, vector<1x128xf32>
      tpu.vector_store %arg16[%swap3A_50, %swap3A_51], %add3A_49 {strides = array<i32>} : memref<8x128xf32, #tpu.memory_space<vmem>>, vector<1x128xf32>,
      %get3A_53 = arith.constant 1 : index
      %get3A_54 = arith.constant 0 : index
      %get3A_55 = vector.load %arg16[%get3A_53, %get3A_54] : memref<8x128xf32, #tpu.memory_space<vmem>>, vector<1x128xf32>
      %mul3A_56 = arith.mulf %add3A_36, %add3A_36 : vector<2000x128xf32>
      %reduce_sum3A_57 = arith.constant dense<0.000000e+00> : vector<128xf32>
      %reduce_sum3A_58 = vector.multi_reduction <add>, %mul3A_56, %reduce_sum3A_57 [0] : vector<2000x128xf32> to vector<128xf32>
      %broadcast_in_dim3A_59 = vector.shape_cast %reduce_sum3A_58 : vector<128xf32> to vector<1x128xf32>
      %add3A_60 = arith.addf %get3A_55, %broadcast_in_dim3A_59 : vector<1x128xf32>
      %swap3A_61 = arith.constant 1 : index
      %swap3A_62 = arith.constant 0 : index
      %swap3A_63 = vector.load %arg16[%swap3A_61, %swap3A_62] : memref<8x128xf32, #tpu.memory_space<vmem>>, vector<1x128xf32>
      tpu.vector_store %arg16[%swap3A_61, %swap3A_62], %add3A_60 {strides = array<i32>} : memref<8x128xf32, #tpu.memory_space<vmem>>, vector<1x128xf32>,
    } else {
    }
    %eq3A_2 = arith.constant 1 : i32
    %eq3A_3 = arith.cmpi eq, %arg0, %eq3A_2 : i32
    %convert_element_type3A_4 = arith.extui %eq3A_3 : i1 to i32
    %cond3A_5 = arith.constant 0 : i32
    %cond3A_6 = arith.cmpi ne, %convert_element_type3A_4, %cond3A_5 : i32
    scf.if %cond3A_6 {
      %mul3A = arith.constant 2000 : i32
      %mul3A_7 = arith.muli %arg1, %mul3A : i32
      %get3A = arith.index_cast %mul3A_7 : i32 to index
      %get3A_8 = arith.constant 0 : index
      %get3A_9 = vector.load %arg15[%get3A, %get3A_8] : memref<10000x128xf32, #tpu.memory_space<vmem>>, vector<2000x128xf32>
      %get3A_10 = arith.constant 0 : index
      %get3A_11 = arith.constant 0 : index
      %get3A_12 = vector.load %arg16[%get3A_10, %get3A_11] : memref<8x128xf32, #tpu.memory_space<vmem>>, vector<1x128xf32>
      %mul3A_13 = arith.constant 9.99999974E-5 : f32
      %mul3A_14 = vector.broadcast %mul3A_13 : f32 to vector<1x128xf32>
      %mul3A_15 = arith.mulf %get3A_12, %mul3A_14 : vector<1x128xf32>
      %get3A_16 = arith.constant 1 : index
      %get3A_17 = arith.constant 0 : index
      %get3A_18 = vector.load %arg16[%get3A_16, %get3A_17] : memref<8x128xf32, #tpu.memory_space<vmem>>, vector<1x128xf32>
      %mul3A_19 = arith.constant 9.99999974E-5 : f32
      %mul3A_20 = vector.broadcast %mul3A_19 : f32 to vector<1x128xf32>
      %mul3A_21 = arith.mulf %get3A_18, %mul3A_20 : vector<1x128xf32>
      %mul3A_22 = arith.mulf %mul3A_15, %mul3A_15 : vector<1x128xf32>
      %sub3A = arith.subf %mul3A_21, %mul3A_22 : vector<1x128xf32>
      %sub3A_23 = vector.broadcast %mul3A_15 : vector<1x128xf32> to vector<2000x128xf32>
      %sub3A_24 = arith.subf %get3A_9, %sub3A_23 : vector<2000x128xf32>
      %add3A = arith.constant 9.99999974E-6 : f32
      %add3A_25 = vector.broadcast %add3A : f32 to vector<1x128xf32>
      %add3A_26 = arith.addf %sub3A, %add3A_25 : vector<1x128xf32>
      %rsqrt3A = math.rsqrt %add3A_26 : vector<1x128xf32>
      %mul3A_27 = vector.broadcast %rsqrt3A : vector<1x128xf32> to vector<2000x128xf32>
      %mul3A_28 = arith.mulf %sub3A_24, %mul3A_27 : vector<2000x128xf32>
      %get3A_29 = arith.constant 0 : index
      %get3A_30 = arith.constant 0 : index
      %get3A_31 = vector.load %arg9[%get3A_29, %get3A_30] : memref<1x128xf32, #tpu.memory_space<vmem>>, vector<1x128xf32>
      %mul3A_32 = vector.broadcast %get3A_31 : vector<1x128xf32> to vector<2000x128xf32>
      %mul3A_33 = arith.mulf %mul3A_28, %mul3A_32 : vector<2000x128xf32>
      %get3A_34 = arith.constant 0 : index
      %get3A_35 = arith.constant 0 : index
      %get3A_36 = vector.load %arg10[%get3A_34, %get3A_35] : memref<1x128xf32, #tpu.memory_space<vmem>>, vector<1x128xf32>
      %add3A_37 = vector.broadcast %get3A_36 : vector<1x128xf32> to vector<2000x128xf32>
      %add3A_38 = arith.addf %mul3A_33, %add3A_37 : vector<2000x128xf32>
      %iota3A = tpu.iota {dimensions = array<i32: 1>} : vector<1x64xi32>
      %get3A_39 = arith.constant 0 : index
      %get3A_40 = arith.constant 0 : index
      %get3A_41 = vector.load %arg11[%get3A_39, %get3A_40] : memref<2000x1xi32, #tpu.memory_space<vmem>>, vector<2000x1xi32>
      %eq3A_42 = vector.broadcast %get3A_41 : vector<2000x1xi32> to vector<2000x64xi32>
      %eq3A_43 = vector.broadcast %iota3A : vector<1x64xi32> to vector<2000x64xi32>
      %eq3A_44 = arith.cmpi eq, %eq3A_42, %eq3A_43 : vector<2000x64xi32>
      %convert_element_type3A_45 = arith.extui %eq3A_44 : vector<2000x64xi1> to vector<2000x64xi32>
      %convert_element_type3A_46 = arith.sitofp %convert_element_type3A_45 : vector<2000x64xi32> to vector<2000x64xf32>
      %eq3A_47 = arith.constant 0 : i32
      %eq3A_48 = arith.cmpi eq, %arg1, %eq3A_47 : i32
      %convert_element_type3A_49 = arith.extui %eq3A_48 : i1 to i32
      %cond3A_50 = arith.constant 0 : i32
      %cond3A_51 = arith.cmpi ne, %convert_element_type3A_49, %cond3A_50 : i32
      scf.if %cond3A_51 {
        %broadcast_in_dim3A_74 = arith.constant 0.000000e+00 : f32
        %broadcast_in_dim3A_75 = vector.broadcast %broadcast_in_dim3A_74 : f32 to vector<64x128xf32>
        %swap3A_76 = arith.constant 0 : index
        %swap3A_77 = arith.constant 0 : index
        %swap3A_78 = vector.load %arg17[%swap3A_76, %swap3A_77] : memref<64x128xf32, #tpu.memory_space<vmem>>, vector<64x128xf32>
        tpu.vector_store %arg17[%swap3A_76, %swap3A_77], %broadcast_in_dim3A_75 {strides = array<i32>} : memref<64x128xf32, #tpu.memory_space<vmem>>, vector<64x128xf32>,
        %broadcast_in_dim3A_79 = arith.constant 0.000000e+00 : f32
        %broadcast_in_dim3A_80 = vector.broadcast %broadcast_in_dim3A_79 : f32 to vector<64x128xf32>
        %swap3A_81 = arith.constant 0 : index
        %swap3A_82 = arith.constant 0 : index
        %swap3A_83 = vector.load %arg18[%swap3A_81, %swap3A_82] : memref<64x128xf32, #tpu.memory_space<vmem>>, vector<64x128xf32>
        tpu.vector_store %arg18[%swap3A_81, %swap3A_82], %broadcast_in_dim3A_80 {strides = array<i32>} : memref<64x128xf32, #tpu.memory_space<vmem>>, vector<64x128xf32>,
      } else {
      }
      %get3A_52 = arith.constant 0 : index
      %get3A_53 = arith.constant 0 : index
      %get3A_54 = vector.load %arg17[%get3A_52, %get3A_53] : memref<64x128xf32, #tpu.memory_space<vmem>>, vector<64x128xf32>
      %dot_general3A = arith.constant dense<0.000000e+00> : vector<64x128xf32>
      %dot_general3A_55 = tpu.matmul %convert_element_type3A_46, %add3A_38, %dot_general3A {dimension_numbers = #tpu.dot_dimension_numbers<[0], [0], [1], [1], [0, 1, 1, 1], [], []>, transpose_lhs_hint = false} : vector<2000x64xf32>, vector<2000x128xf32>, vector<64x128xf32> -> vector<64x128xf32>
      %add3A_56 = arith.addf %get3A_54, %dot_general3A_55 : vector<64x128xf32>
      %swap3A = arith.constant 0 : index
      %swap3A_57 = arith.constant 0 : index
      %swap3A_58 = vector.load %arg17[%swap3A, %swap3A_57] : memref<64x128xf32, #tpu.memory_space<vmem>>, vector<64x128xf32>
      tpu.vector_store %arg17[%swap3A, %swap3A_57], %add3A_56 {strides = array<i32>} : memref<64x128xf32, #tpu.memory_space<vmem>>, vector<64x128xf32>,
      %get3A_59 = arith.constant 0 : index
      %get3A_60 = arith.constant 0 : index
      %get3A_61 = vector.load %arg18[%get3A_59, %get3A_60] : memref<64x128xf32, #tpu.memory_space<vmem>>, vector<64x128xf32>
      %reduce_sum3A = arith.constant dense<0.000000e+00> : vector<64xf32>
      %reduce_sum3A_62 = vector.multi_reduction <add>, %convert_element_type3A_46, %reduce_sum3A [0] : vector<2000x64xf32> to vector<64xf32>
      %broadcast_in_dim3A = vector.shape_cast %reduce_sum3A_62 : vector<64xf32> to vector<64x1xf32>
      %broadcast_in_dim3A_63 = vector.shape_cast %broadcast_in_dim3A : vector<64x1xf32> to vector<64x1xf32>
      %broadcast_in_dim3A_64 = vector.broadcast %broadcast_in_dim3A_63 : vector<64x1xf32> to vector<64x128xf32>
      %add3A_65 = arith.addf %get3A_61, %broadcast_in_dim3A_64 : vector<64x128xf32>
      %swap3A_66 = arith.constant 0 : index
      %swap3A_67 = arith.constant 0 : index
      %swap3A_68 = vector.load %arg18[%swap3A_66, %swap3A_67] : memref<64x128xf32, #tpu.memory_space<vmem>>, vector<64x128xf32>
      tpu.vector_store %arg18[%swap3A_66, %swap3A_67], %add3A_65 {strides = array<i32>} : memref<64x128xf32, #tpu.memory_space<vmem>>, vector<64x128xf32>,
      %eq3A_69 = arith.constant 4 : i32
      %eq3A_70 = arith.cmpi eq, %arg1, %eq3A_69 : i32
      %convert_element_type3A_71 = arith.extui %eq3A_70 : i1 to i32
      %cond3A_72 = arith.constant 0 : i32
      %cond3A_73 = arith.cmpi ne, %convert_element_type3A_71, %cond3A_72 : i32
      scf.if %cond3A_73 {
        %get3A_74 = arith.constant 0 : index
        %get3A_75 = arith.constant 0 : index
        %get3A_76 = vector.load %arg17[%get3A_74, %get3A_75] : memref<64x128xf32, #tpu.memory_space<vmem>>, vector<64x128xf32>
        %get3A_77 = arith.constant 0 : index
        %get3A_78 = arith.constant 0 : index
        %get3A_79 = vector.load %arg18[%get3A_77, %get3A_78] : memref<64x128xf32, #tpu.memory_space<vmem>>, vector<64x128xf32>
        %max3A = arith.constant 1.000000e+00 : f32
        %max3A_80 = vector.broadcast %max3A : f32 to vector<64x128xf32>
        %max3A_81 = arith.maximumf %get3A_79, %max3A_80 : vector<64x128xf32>
        %div3A = arith.divf %get3A_76, %max3A_81 : vector<64x128xf32>
        %get3A_82 = arith.constant 0 : index
        %get3A_83 = arith.constant 0 : index
        %get3A_84 = vector.load %arg12[%get3A_82, %get3A_83] : memref<128x1xf32, #tpu.memory_space<vmem>>, vector<128x1xf32>
        %dot_general3A_85 = arith.constant dense<0.000000e+00> : vector<64x1xf32>
        %dot_general3A_86 = tpu.matmul %div3A, %get3A_84, %dot_general3A_85 {dimension_numbers = #tpu.dot_dimension_numbers<[1], [0], [0], [1], [0, 0, 1, 1], [], []>, transpose_lhs_hint = false} : vector<64x128xf32>, vector<128x1xf32>, vector<64x1xf32> -> vector<64x1xf32>
        %get3A_87 = arith.constant 0 : index
        %get3A_88 = arith.constant 0 : index
        %get3A_89 = vector.load %arg13[%get3A_87, %get3A_88] : memref<1x1xf32, #tpu.memory_space<vmem>>, vector<1x1xf32>
        %add3A_90 = vector.broadcast %get3A_89 : vector<1x1xf32> to vector<64x1xf32>
        %add3A_91 = arith.addf %dot_general3A_86, %add3A_90 : vector<64x1xf32>
        %swap3A_92 = arith.constant 0 : index
        %swap3A_93 = arith.constant 0 : index
        %swap3A_94 = vector.load %arg14[%swap3A_92, %swap3A_93] : memref<64x1xf32, #tpu.memory_space<vmem>>, vector<64x1xf32>
        tpu.vector_store %arg14[%swap3A_92, %swap3A_93], %add3A_91 {strides = array<i32>} : memref<64x1xf32, #tpu.memory_space<vmem>>, vector<64x1xf32>,
      } else {
      }
    } else {
    }
    return
  }
  func.func @transform_0(%arg0: i32, %arg1: i32) -> (i32, i32) {
    %eq3A = arith.constant 0 : i32
    %eq3A_0 = arith.cmpi eq, %arg0, %eq3A : i32
    %jit3A = arith.constant 0 : i32
    %select_n3A = arith.select %eq3A_0, %arg1, %jit3A : i32
    %c0_i32 = arith.constant 0 : i32
    %c0_i32_1 = arith.constant 0 : i32
    return %select_n3A, %c0_i32 : i32, i32
  }
  func.func @transform_1(%arg0: i32, %arg1: i32) -> (i32, i32) {
    %eq3A = arith.constant 0 : i32
    %eq3A_0 = arith.cmpi eq, %arg0, %eq3A : i32
    %jit3A = arith.constant 0 : i32
    %select_n3A = arith.select %eq3A_0, %arg1, %jit3A : i32
    %c0_i32 = arith.constant 0 : i32
    %c0_i32_1 = arith.constant 0 : i32
    return %select_n3A, %c0_i32 : i32, i32
  }
  func.func @transform_2(%arg0: i32, %arg1: i32) -> (i32, i32) {
    %eq3A = arith.constant 0 : i32
    %eq3A_0 = arith.cmpi eq, %arg0, %eq3A : i32
    %jit3A = arith.constant 0 : i32
    %select_n3A = arith.select %eq3A_0, %arg1, %jit3A : i32
    %c0_i32 = arith.constant 0 : i32
    %c0_i32_1 = arith.constant 0 : i32
    return %select_n3A, %c0_i32 : i32, i32
  }
  func.func @transform_3(%arg0: i32, %arg1: i32) -> (i32, i32) {
    %c0_i32 = arith.constant 0 : i32
    %c0_i32_0 = arith.constant 0 : i32
    %c0_i32_1 = arith.constant 0 : i32
    return %c0_i32, %c0_i32_0 : i32, i32
  }
  func.func @transform_4(%arg0: i32, %arg1: i32) -> (i32, i32) {
    %c0_i32 = arith.constant 0 : i32
    %c0_i32_0 = arith.constant 0 : i32
    %c0_i32_1 = arith.constant 0 : i32
    return %c0_i32, %c0_i32_0 : i32, i32
  }
  func.func @transform_5(%arg0: i32, %arg1: i32) -> (i32, i32) {
    %c0_i32 = arith.constant 0 : i32
    %c0_i32_0 = arith.constant 0 : i32
    %c0_i32_1 = arith.constant 0 : i32
    return %c0_i32, %c0_i32_0 : i32, i32
  }
  func.func @transform_6(%arg0: i32, %arg1: i32) -> (i32, i32) {
    %c0_i32 = arith.constant 0 : i32
    %c0_i32_0 = arith.constant 0 : i32
    %c0_i32_1 = arith.constant 0 : i32
    return %c0_i32, %c0_i32_0 : i32, i32
  }
  func.func @transform_7(%arg0: i32, %arg1: i32) -> (i32, i32) {
    %c0_i32 = arith.constant 0 : i32
    %c0_i32_0 = arith.constant 0 : i32
    %c0_i32_1 = arith.constant 0 : i32
    return %c0_i32, %c0_i32_0 : i32, i32
  }
  func.func @transform_8(%arg0: i32, %arg1: i32) -> (i32, i32) {
    %c0_i32 = arith.constant 0 : i32
    %c0_i32_0 = arith.constant 0 : i32
    %c0_i32_1 = arith.constant 0 : i32
    return %c0_i32, %c0_i32_0 : i32, i32
  }
  func.func @transform_9(%arg0: i32, %arg1: i32) -> (i32, i32) {
    %eq3A = arith.constant 1 : i32
    %eq3A_0 = arith.cmpi eq, %arg0, %eq3A : i32
    %jit3A = arith.constant 0 : i32
    %select_n3A = arith.select %eq3A_0, %arg1, %jit3A : i32
    %c0_i32 = arith.constant 0 : i32
    %c0_i32_1 = arith.constant 0 : i32
    return %select_n3A, %c0_i32 : i32, i32
  }
  func.func @transform_10(%arg0: i32, %arg1: i32) -> (i32, i32) {
    %c0_i32 = arith.constant 0 : i32
    %c0_i32_0 = arith.constant 0 : i32
    %c0_i32_1 = arith.constant 0 : i32
    return %c0_i32, %c0_i32_0 : i32, i32
  }
  func.func @transform_11(%arg0: i32, %arg1: i32) -> (i32, i32) {
    %c0_i32 = arith.constant 0 : i32
    %c0_i32_0 = arith.constant 0 : i32
    %c0_i32_1 = arith.constant 0 : i32
    return %c0_i32, %c0_i32_0 : i32, i32
  }
  func.func @transform_12(%arg0: i32, %arg1: i32) -> (i32, i32) {
    %c0_i32 = arith.constant 0 : i32
    %c0_i32_0 = arith.constant 0 : i32
    %c0_i32_1 = arith.constant 0 : i32
    return %c0_i32, %c0_i32_0 : i32, i32
  }
}

</mosaic_0001>

<sc_bundles>
// kernel: kernel.11.cloned.1.call-start
scs
__scs_entry_jumppad:
0x0: {  	(pc) =	sbr.rel $0x88, $3  }
0x1: {  	(tag) =	ssettag $0x0;
	lr =	simm.s32 $0x1  }
0x2: {  	[smem:$0x3F8D] =	sst lr;
	_ =	strace $0xD0000000  }
0x3: {  	_ = 	snop  }
0x4: {  	_ = 	snop  }
0x5: {  	_ = 	snop  }
0x6: {  	_ = 	snop  }
0x7: {  	_ = 	snop  }
__scs_overlays_trampoline_lowered:
0x8: {  	[smem:$0x3F9C] =	sst s0  }
0x9: {  	[smem:$0x3F9D] =	sst s1  }
0xa: {  	[smem:$0x3F9E] =	sst s2  }
0xb: {  	[smem:$0x3F9F] =	sst s3  }
0xc: {  	[smem:$0x3FA0] =	sst s4  }
0xd: {  	[smem:$0x3FA1] =	sst s5  }
0xe: {  	[smem:$0x3FA2] =	sst s6  }
0xf: {  	[smem:$0x3FA3] =	sst s7  }
0x10: {  	[smem:$0x3FA4] =	sst s8  }
0x11: {  	[smem:$0x3FA5] =	sst s9;
	s0 =	simm.s32 @!p0 $0x0  }
0x12: {  	s1 =	sld [smem:$0x3F8B];
	s0 =	simm.s32 @p0 $0x1  }
0x13: {  	[smem:$0x3FA6] =	sst s0;
	s0 =	simm.s32 @!p1 $0x0  }
0x14: {  	s2 =	sld [smem:$0x3F8A];
	s0 =	simm.s32 @p1 $0x1  }
0x15: {  	[smem:$0x3FA7] =	sst s0;
	s0 =	simm.s32 @!p2 $0x0  }
0x16: {  	s3 =	sld [smem:$0x3FDB];
	s0 =	simm.s32 @p2 $0x1  }
0x17: {  	s4 =	simm.s32 $0x1BF5;
	[smem:$0x3FA9] =	sst s0  }
0x18: {  	s0 =	sld [smem:$0x3F8C];
	_ =	swait.ge [sflag:s4], $0x0  }
0x19: {  	s7 =	sld [smem:$0x3F8D]  }
0x1a: {  	s8 =	sadd.s32 $0xFFFFE003, lr  }
0x1b: {  	s9 =	sadd.s32 $0xFFFFFEF7, lr;
	s5 =	simm.s32 $0xFFFFFFFF;
	p2 =	slt.u32 s8, $0xFFFFF086  }
0x1c: {  	p1 =	slt.u32 s9, $0xF7A;
	s5 =	simm.s32 @!p2 $0x0  }
0x1d: {  	s5 =	simm.s32 @p1 $0x1;
	p0 =	seq.s32 s7, s2  }
0x1e: {  	s7 =	smul.u32 @!p0 $0xF7A, s2;
	p2 =	seq.s32 @!p0 s5, $0x0  }
0x1f: {  	s9 =	smul.u32 $0xF7A, s1;
	s8 =	simm.s32 @!p0 $0x1BF5;
	p2 =	por !p2, p0  }
0x20: {  	[sflag:s8] =	ssyncset.s32 @!p0 $0xFFFFF086;
	s6 =	sadd.s32 @!p0 s3, s7;
	s7 =	simm.s32 @!p0 $0x108  }
0x21: {  	s3 =	sadd.s32 s3, s9;
	s6 =	sadd.s32 @!p0 $0x88, s6;
	s7 =	simm.s32 @p2 $0x1082  }
0x22: {  	[simem:s7], [sflag:s8] =	dma.local @!p0 [hbm:s6], $0xF7A  }
0x23: {  	s9 =	sor.u32 $0xD0000000, s2;
	s6 =	simm.s32 $0x108;
	_ =	swait.ge @!p0 [sflag:s8], $0x0  }
0x24: {  	s3 =	sadd.s32 $0x88, s3;
	s6 =	simm.s32 @!p1 $0x1082;
	[sflag:s4] =	ssyncset.s32 $0xFFFFF086  }
0x25: {  	[simem:s6], [sflag:s4] =	dma.local [hbm:s3], $0xF7A  }
0x26: {  	[smem:$0x3F8D] =	sst s1;
	(tag) =	ssettag s2;
	_ =	strace s9  }
0x27: {  	s1 =	sld [smem:$0x3F9D]  }
0x28: {  	s2 =	sld [smem:$0x3F9E]  }
0x29: {  	s4 =	sld [smem:$0x3FA0]  }
0x2a: {  	p0 =	seq.s32 s5, $0x0;
	s5 =	sld [smem:$0x3FA1]  }
0x2b: {  	s6 =	sld [smem:$0x3FA2]  }
0x2c: {  	s7 =	sld [smem:$0x3FA3]  }
0x2d: {  	s3 =	simm.s32 $0x108;
	s8 =	sld [smem:$0x3FA4]  }
0x2e: {  	s3 =	simm.s32 @!p0 $0x1082;
	s9 =	sld [smem:$0x3FA5]  }
0x2f: {  	lr =	sadd.s32 s0, s3;
	s0 =	sld [smem:$0x3F9C]  }
0x30: {  	s3 =	sld [smem:$0x3F9F]  }
0x31: {  	[smem:$0x3FA8] =	sst s10  }
0x32: {  	s10 =	sld [smem:$0x3FA6];
	_ =	sdelay $0x3  }
0x33: {  	p0 =	seq.s32 s10, $0x1;
	s10 =	sld [smem:$0x3FA8];
	_ =	sdelay $0x3  }
0x34: {  	[smem:$0x3FA8] =	sst s10  }
0x35: {  	s10 =	sld [smem:$0x3FA7];
	_ =	sdelay $0x3  }
0x36: {  	p1 =	seq.s32 s10, $0x1;
	s10 =	sld [smem:$0x3FA8];
	_ =	sdelay $0x3  }
0x37: {  	[smem:$0x3FA8] =	sst s10  }
0x38: {  	s10 =	sld [smem:$0x3FA9]  }
0x39: {  	_ = 	snop;
	(pc) =	sbr.ind lr, $3  }
0x3a: {  	_ = 	snop  }
0x3b: {  	_ = 	snop  }
0x3c: {  	p2 =	seq.s32 s10, $0x1;
	s10 =	sld [smem:$0x3FA8]  }
0x3d: {  	_ =	shalt  }
0x3e: {  	_ =	shalt  }
0x3f: {  	_ =	shalt  }
0x40: {  	_ =	shalt  }
0x41: {  	_ =	shalt  }
0x42: {  	_ =	shalt  }
0x43: {  	_ =	shalt  }
0x44: {  	_ =	shalt  }
0x45: {  	_ =	shalt  }
0x46: {  	_ =	shalt  }
0x47: {  	_ =	shalt  }
0x48: {  	_ =	shalt  }
0x49: {  	_ =	shalt  }
0x4a: {  	_ =	shalt  }
0x4b: {  	_ =	shalt  }
0x4c: {  	_ =	shalt  }
0x4d: {  	_ =	shalt  }
0x4e: {  	_ =	shalt  }
0x4f: {  	_ =	shalt  }
0x50: {  	_ =	shalt  }
0x51: {  	_ =	shalt  }
0x52: {  	_ =	shalt  }
0x53: {  	_ =	shalt  }
0x54: {  	_ =	shalt  }
0x55: {  	_ =	shalt  }
0x56: {  	_ =	shalt  }
0x57: {  	_ =	shalt  }
0x58: {  	_ =	shalt  }
0x59: {  	_ =	shalt  }
0x5a: {  	_ =	shalt  }
0x5b: {  	_ =	shalt  }
0x5c: {  	_ =	shalt  }
0x5d: {  	_ =	shalt  }
0x5e: {  	_ =	shalt  }
0x5f: {  	_ =	shalt  }
0x60: {  	_ =	shalt  }
0x61: {  	_ =	shalt  }
0x62: {  	_ =	shalt  }
0x63: {  	_ =	shalt  }
0x64: {  	_ =	shalt  }
0x65: {  	_ =	shalt  }
0x66: {  	_ =	shalt  }
0x67: {  	_ =	shalt  }
0x68: {  	_ =	shalt  }
0x69: {  	_ =	shalt  }
0x6a: {  	_ =	shalt  }
0x6b: {  	_ =	shalt  }
0x6c: {  	_ =	shalt  }
0x6d: {  	_ =	shalt  }
0x6e: {  	_ =	shalt  }
0x6f: {  	_ =	shalt  }
0x70: {  	_ =	shalt  }
0x71: {  	_ =	shalt  }
0x72: {  	_ =	shalt  }
0x73: {  	_ =	shalt  }
0x74: {  	_ =	shalt  }
0x75: {  	_ =	shalt  }
0x76: {  	_ =	shalt  }
0x77: {  	_ =	shalt  }
0x78: {  	_ =	shalt  }
0x79: {  	_ =	shalt  }
0x7a: {  	_ =	shalt  }
0x7b: {  	_ =	shalt  }
0x7c: {  	_ =	shalt  }
0x7d: {  	_ =	shalt  }
0x7e: {  	_ =	shalt  }
0x7f: {  	_ =	shalt  }
0x80: {  	_ =	shalt  }
0x81: {  	_ =	shalt  }
0x82: {  	_ =	shalt  }
0x83: {  	_ =	shalt  }
0x84: {  	_ =	shalt  }
0x85: {  	_ =	shalt  }
0x86: {  	_ =	shalt  }
0x87: {  	_ =	shalt  }
.Lfunc_end0:
.L_simem_size_0:
called_computation.1_lowered:
.L_overlay_start_0:
0x88: {  	s2 =	sld [smem:$0x3FD9]  }
0x89: {  	s3 =	sld [smem:$0x3FFE];
	_ =	sdelay $0x1  }
0x8a: {  	s1 =	srdreg.scid  }
0x8b: {  	s0 =	sand.u32 $0x1, s1  }
0x8c: {  	s17 =	sshll.u32 s0, $0xA;
	s2 =	sadd.s32 s3, s2  }
0x8d: {  	s2 =	sadd.s32 s2, s17  }
0x8e: {  	[smem:$0x3FB4] =	sst s2  }
0x8f: {  	_ = 	snop  }
0x90: {  	(tm) =	ssettm $0x1  }
0x91: {  	s18 =	sld [smem:$0x3FFB];
	_ =	sdelay $0x3  }
0x92: {  	_ =	strace s18  }
0x93: {  	s2 =	sld [smem:$0x3FFC];
	_ =	sdelay $0x3  }
0x94: {  	_ =	strace s2  }
0x95: {  	s2 =	sld [smem:$0x3FFD];
	_ =	sdelay $0x3  }
0x96: {  	_ =	strace s2  }
0x97: {  	_ =	strace $0x8FFFFFFF  }
0x98: {  	s19 =	sld [smem:$0x3FDB];
	_ =	sdelay $0x1  }
0x99: {  	s20 =	simm.s32 $_scs_section_size  }
0x9a: {  	s4 =	simm.s32 $_size__tile_overlayer_lowered;
	s5 =	simm.s32 $_tile_overlayer_lowered  }
0x9b: {  	s6 =	simm.s32 $0x1BFF;
	s21 =	sshll.u32 s5, $0x1;
	s3 =	sadd.s32 s20, s19  }
0x9c: {  	s22 =	simm.s32 $0x0;
	s4 =	sshll.u32 s4, $0x1;
	s5 =	sadd.s32 s21, s3  }
0x9d: {  	[timem:s22], [sflag:s6] =	dma.local [hbm:s5], s4  }
0x9e: {  	_ =	swait.ge [sflag:s6], s4  }
0x9f: {  	s4 =	ssub.s32 $0x0, s4;
	[sflag:s6] =	ssyncset.done $0x0  }
0xa0: {  	[sflag:s6] =	ssyncadd.s32 s4;
	_ =	sdelay $0x1  }
0xa1: {  	s23 =	simm.s32 $0x1B8B  }
0xa2: {  	_ =	swait.ge [sflag:s23], $0x1  }
0xa3: {  	[sflag:s23] =	ssyncset.done $0x0  }
0xa4: {  	[sflag:s23] =	ssyncadd.s32 $0xFFFFFFFF  }
0xa5: {  	s4 =	sld [smem:$0x0]  }
0xa6: {  	s5 =	sand.u32 $0xFFFFFFFE, s1  }
0xa7: {  	p0 =	sne.s32 s1, s5  }
0xa8: {  	s5 =	sshll.u32 @p0 s5, $0xE  }
0xa9: {  	s5 =	sadd.s32 @p0 $0x11B8D, s5;
	s6 =	sshll.u32 @p0 s4, $0x11  }
0xaa: {  	s5 =	sor.u32 @p0 s6, s5  }
0xab: {  	[sflag:s5] =	ssyncadd.remote.s32 @p0 $0x1;
	_ =	sdelay $0x1  }
0xac: {  	s5 =	simm.s32 @p0 $0x1B8D  }
0xad: {  	_ =	swait.eq @p0 [sflag:s5], $0x1  }
0xae: {  	[sflag:s5] =	ssyncadd.s32 @p0 $0xFFFFFFFF  }
0xaf: {  	s6 =	sshll.u32 @!p0 s1, $0xE  }
0xb0: {  	s6 =	sor.u32 @!p0 $0x4000, s6;
	s5 =	simm.s32 @!p0 $0x1B8D  }
0xb1: {  	s4 =	sshll.u32 @!p0 s4, $0x11;
	s6 =	sadd.s32 @!p0 $0x11B8D, s6;
	_ =	swait.eq @!p0 [sflag:s5], $0x1  }
0xb2: {  	s4 =	sor.u32 @!p0 s4, s6;
	[sflag:s5] =	ssyncadd.s32 @!p0 $0xFFFFFFFF  }
0xb3: {  	s25 =	simm.s32 $0x1B8E;
	s24 =	sld [smem:$0x3FFE];
	[sflag:s4] =	ssyncadd.remote.s32 @!p0 $0x1  }
0xb4: {  	s26 =	simm.s32 $execute0_lowered;
	[smem:$0x3FD2] =	sst s25  }
0xb5: {  	s5 =	sshll.u32 s26, $0x1;
	_ =	strace $0x80000049;
	[dreg:$0x1] =	wrdreg $0xFFFFFFFF  }
0xb6: {  	s28 =	simm.s32 $_size_execute0_lowered;
	s3 =	sadd.s32 s3, s5;
	[dreg:$0x0] =	wrdreg $0x0  }
0xb7: {  	s5 =	sshll.u32 s28, $0x1;
	[dreg:$0x2] =	wrdreg s3  }
0xb8: {  	[dreg:$0x3] =	wrdreg s5  }
0xb9: {  	[dreg:$0x4] =	wrdreg $0xC0  }
0xba: {  	_ =	task [dreg:s22], $0x5FFFF  }
0xbb: {  	[dreg:$0x1] =	wrdreg $0xFFFFFFFF  }
0xbc: {  	[dreg:$0x0] =	wrdreg $0x60  }
0xbd: {  	[dreg:$0x2] =	wrdreg s24  }
0xbe: {  	[dreg:$0x3] =	wrdreg $0x14A000  }
0xbf: {  	[dreg:$0x4] =	wrdreg $0x9  }
0xc0: {  	_ =	task.clear_ibuf [dreg:s22], $0x5FFFF;
	_ =	strace $0x90000049  }
0xc1: {  	s29 =	simm.s32 $0x9;
	_ =	strace $0x8000004B  }
0xc2: {  	_ =	swait.ge [sflag:s29], $0x1  }
0xc3: {  	[sflag:s29] =	ssyncadd.s32 $0xFFFFFFFF  }
0xc4: {  	_ =	strace $0x9000004B  }
0xc5: {  	_ =	sfence  }
0xc6: {  	s30 =	sld [smem:$0x0];
	_ =	sdelay $0x2  }
0xc7: {  	s31 =	sshll.u32 s1, $0xD;
	s1 =	sshrl.u32 s1, $0x2  }
0xc8: {  	s4 =	sand.u32 $0x4000, s31;
	s1 =	sadd.s32 s1, s30  }
0xc9: {  	s0 =	sor.u32 s4, s0;
	s1 =	sshll.u32 s1, $0x11  }
0xca: {  	s0 =	sor.u32 s1, s0  }
0xcb: {  	s0 =	sadd.s32 $0x8F2B, s0  }
0xcc: {  	[sflag:s0] =	ssyncadd.remote.s32 $0x1  }
0xcd: {  	_ =	sfence.sel $0xFFFF  }
0xce: {  	[dreg:$0x0] =	wrdreg $0xFFFFFFFF;
	(pc) =	sbr.abs _section_cstart, $3  }
0xcf: {  	[dreg:$0x1] =	wrdreg $0xFFFFFFFF  }
0xd0: {  	_ =	task.clear_ibuf [dreg:s22], $0x2FFFF;
	_ =	strace $0x9FFFFFFF  }
0xd1: {  	(tm) =	ssettm $0x7FFFFFFF  }
tec
execute0_lowered:
.L_overlay_start_1:
0x0: {  	(tag) =	ssettag $0x1  }
0x1: {  	s5 =	rddreg [dreg:$0x0]  }
0x2: {  	s1 =	rddreg [dreg:$0x1]  }
0x3: {  	s0 =	rddreg [dreg:$0x2];
	s12 =	stileid.u32  }
0x4: {  	s3 =	srdreg.scid;
	s2 =	simm.s32 $0x0;
	s11 =	simm.s32 $0x3  }
0x5: {  	s15 =	simm.s32 $0x50;
	s16 =	simm.s32 $0xFA00;
	s17 =	simm.s32 $0x12200  }
0x6: {  	s18 =	simm.s32 $0x1;
	s19 =	simm.s32 $0x2;
	s21 =	simm.s32 $0xF880  }
0x7: {  	s23 =	simm.s32 $0xF980;
	s4 =	smul.u32 $0x1F40, s12;
	s6 =	sand.u32 $0x1, s3  }
0x8: {  	s7 =	smul.u32 $0x140, s12;
	[smem:$0x7FF] =	sst s2;
	s3 =	sadd.s32 $0x71400, s5  }
0x9: {  	s30 =	smul.u32 $0x28000, s12;
	s14 =	sadd.s32 $0xA0000, s1;
	p0 =	sne.s32 s12, $0x0  }
0xa: {  	s12 =	sshll.u32 s12, $0x6;
	s24 =	smul.u32 $0x1400, s6;
	_ =	strace $0x8000004A  }
0xb: {  	s6 =	ssub.s32 $0x2, s6;
	s12 =	sor.u32 $0x1C03, s12;
	s14 =	sshrl.u32 @!p0 s14, $0x3  }
0xc: {  	s8 =	sadd.s32 s4, s5;
	s4 =	sadd.s32 $0xA600, s5;
	s31 =	sshrl.u32 s6, $0x1  }
0xd: {  	s20 =	sadd.s32 s7, s24;
	s7 =	sshrl.u32 s30, $0x2;
	s10 =	ssub.s32 s6, s31  }
0xe: {  	s9 =	sshll.u32 s20, $0x4;
	s13 =	sadd.s32 s7, s1;
	s10 =	smax.u32 s10, $0x1  }
0xf: {  	p1 =	sgt.u32 s20, $0x26BF;
	s9 =	sadd.s32 s9, s5;
	s5 =	sadd.s32 $0x32C00, s8  }
0x10: {  	s22 =	sadd.s32 $0x2800, s13;
	s25 =	sadd.s32 $0x5000, s13;
	p3 =	sgt.u32 @!p1 s20, $0x266F  }
0x11: {  	s26 =	sadd.s32 $0x7800, s13;
	s13 =	sshrl.u32 s13, $0x3;
	p2 =	por p3, p1  }
0x12: {  	s6 =	sadd.s32 $0x75400, s9;
	s7 =	sadd.s32 $0x75900, s9;
	p4 =	sgt.u32 @!p2 s20, $0x261F  }
0x13: {  	s8 =	sadd.s32 $0x75E00, s9;
	s9 =	sadd.s32 $0x76300, s9;
	p3 =	por @!p1 p4, p3  }
0x14: {  	s22 =	sshrl.u32 @!p1 s22, $0x3;
	s20 =	simm.s32 $0xF900;
	p3 =	por p3, p1  }
0x15: {  	v0 =	vmov s24;
	s24 =	sshrl.u32 @!p2 s25, $0x3;
	s25 =	sshrl.u32 @!p3 s26, $0x3;
	s26 =	simm.s32 $0x0  }
.LBB2_1:
0x16: {  	[tilespmem:s2], [sflag:$0x3] =	stream.linear.gather [hbm4b:s5+s2], $0xFA00, $0x38;
	[tilespmem:$0x1EE00] =	vst v63  }
0x17: {  	_ =	swait.ge [sflag:s11], $0xFA00  }
0x18: {  	[sflag:s11] =	ssyncset.done $0x0  }
0x19: {  	[sflag:s11] =	ssyncadd.s32 $0xFFFF0600  }
0x1a: {  	[spmem:s13], [sflag:s12] =	dma.local [hbm:s4], $0x1400  }
0x1b: {  	_ =	swait.ge [sflag:s11], $0x1400  }
0x1c: {  	[sflag:s11] =	ssyncset.done $0x0  }
0x1d: {  	s28 =	simm.s32 @!p0 $0x3;
	[sflag:s11] =	ssyncadd.s32 $0xFFFFEC00  }
0x1e: {  	[spmem:s14], [sflag:s12] =	dma.local @!p0 [hbm:s4], $0x800  }
0x1f: {  	_ =	swait.ge @!p0 [sflag:s28], $0x800  }
0x20: {  	[sflag:s28] =	ssyncset.done @!p0 $0x0  }
0x21: {  	[sflag:s28] =	ssyncadd.s32 @!p0 $0xFFFFF800  }
0x22: {  	[bflag:$0x0] =	sbarrier.arrive $0xFFFF  }
0x23: {  	[tilespmem:s16], [sflag:$0x1] =	stream.indirect.gather [hbm4b:s3+s15], $0x80, s2, s15, $0xb8;
	[tilespmem:$0x1EE00] =	vst v63  }
0x24: {  	v1 =	vld [tilespmem:$0x80]  }
0x25: {  	v2 =	vld [tilespmem:$0x90]  }
0x26: {  	v3 =	vld [tilespmem:$0xA0]  }
0x27: {  	v5 =	vld [tilespmem:$0xB0]  }
0x28: {  	v7 =	vld [tilespmem:$0xC0];
	_ =	sdelay $0x2  }
0x29: {  	v4 =	vsub.s32 v1, v0;
	v1 =	vand.u32 $0x7F, v1;
	v6 =	vsub.s32 v2, v0  }
0x2a: {  	v2 =	vand.u32 $0x7F, v2;
	v49 =	vsub.s32 v3, v0;
	v3 =	vand.u32 $0x7F, v3  }
0x2b: {  	v50 =	vsub.s32 v5, v0;
	v51 =	vand.u32 $0x7F, v7;
	vm0 =	vlt.u32 v4, $0x1400  }
0x2c: {  	v1 =	vor.u32 $0x1400, v1;
	vm15 =	vlt.u32 v6, $0x1400;
	v2 =	vor.u32 $0x1400, v2  }
0x2d: {  	vm4 =	vlt.u32 v49, $0x1400;
	v3 =	vor.u32 $0x1400, v3;
	v1 =	vsel vm0, v4, v1  }
0x2e: {  	v2 =	vsel vm15, v6, v2;
	[tilespmem:$0x80] =	vst v1;
	v1 =	vsel vm4, v49, v3;
	v3 =	vand.u32 $0x7F, v5  }
0x2f: {  	vm5 =	vlt.u32 v50, $0x1400;
	[tilespmem:$0x90] =	vst v2;
	v2 =	vor.u32 $0x1400, v3;
	v3 =	vsub.s32 v7, v0  }
0x30: {  	[tilespmem:$0xA0] =	vst v1;
	v1 =	vsel vm5, v50, v2;
	vm6 =	vlt.u32 v3, $0x1400;
	v2 =	vor.u32 $0x1400, v51  }
0x31: {  	[tilespmem:$0xB0] =	vst v1;
	v1 =	vsel vm6, v3, v2  }
0x32: {  	s29 =	simm.s32 $0x100;
	s28 =	simm.s32 $0xFFFF0800;
	[tilespmem:$0xC0] =	vst v1  }
0x33: {  	[tilespmem:s17], [sflag:$0x2] =	stream.indirect.gather [hbm4b:s3+s15], $0x80, s29, s15, $0xb8;
	[tilespmem:$0x1EE00] =	vst v63  }
0x34: {  	v1 =	vld [tilespmem:s28+$0xF9C0]  }
0x35: {  	v2 =	vld [tilespmem:s28+$0xF9B0]  }
0x36: {  	v3 =	vld [tilespmem:s28+$0xF9A0]  }
0x37: {  	v52 =	vld [tilespmem:s28+$0xF980]  }
0x38: {  	v53 =	vld [tilespmem:s28+$0xF990];
	_ =	sdelay $0x2  }
0x39: {  	v54 =	vsub.s32 v1, v0;
	v1 =	vand.u32 $0x7F, v1;
	v55 =	vsub.s32 v2, v0  }
0x3a: {  	v2 =	vand.u32 $0x7F, v2;
	v8 =	vsub.s32 v3, v0;
	v3 =	vand.u32 $0x7F, v3  }
0x3b: {  	v9 =	vand.u32 $0x7F, v52;
	v56 =	vsub.s32 v53, v0;
	v5 =	vand.u32 $0x7F, v53  }
0x3c: {  	v4 =	vsub.s32 v52, v0;
	v1 =	vor.u32 $0x1400, v1;
	vm7 =	vlt.u32 v54, $0x1400  }
0x3d: {  	vm1 =	vlt.u32 v56, $0x1400;
	v5 =	vor.u32 $0x1400, v5;
	v1 =	vsel vm7, v54, v1  }
0x3e: {  	vm8 =	vlt.u32 v8, $0x1400;
	v3 =	vor.u32 $0x1400, v3;
	[tilespmem:s28+$0xF9C0] =	vst v1;
	v1 =	vsel vm1, v56, v5  }
0x3f: {  	v57 =	vor.u32 $0x1400, v9;
	vm9 =	vlt.u32 v4, $0x1400;
	[tilespmem:s28+$0xF990] =	vst v1;
	v1 =	vsel vm8, v8, v3  }
0x40: {  	vm10 =	vlt.u32 v55, $0x1400;
	v2 =	vor.u32 $0x1400, v2;
	v3 =	vsel vm9, v4, v57;
	[tilespmem:s28+$0xF9A0] =	vst v1  }
0x41: {  	v1 =	vsel vm10, v55, v2;
	[tilespmem:s28+$0xF980] =	vst v3  }
0x42: {  	[tilespmem:s28+$0xF9B0] =	vst v1  }
0x43: {  	_ =	swait.ge [sflag:s18], $0x2800  }
0x44: {  	[sflag:s18] =	ssyncset.done $0x0  }
0x45: {  	s29 =	simm.s32 $0x80;
	[sflag:s18] =	ssyncadd.s32 $0xFFFFD800  }
0x46: {  	[spmem:s1] =	stream.indirect.scatter.add.f32 [tilespmem:s16], [sflag:$0x3], $0x80, s29, s15, $0xb8;
	[tilespmem:$0x1EE00] =	vst v63  }
0x47: {  	_ =	swait.ge [sflag:s11], $0x2800  }
0x48: {  	[sflag:s11] =	ssyncset.done $0x0  }
0x49: {  	s29 =	simm.s32 $0x200;
	[sflag:s11] =	ssyncadd.s32 $0xFFFFD800  }
0x4a: {  	[tilespmem:s16], [sflag:$0x1] =	stream.indirect.gather [hbm4b:s3+s15], $0x80, s29, s15, $0xb8;
	[tilespmem:$0x1EE00] =	vst v63  }
0x4b: {  	v1 =	vld [tilespmem:s28+$0xFA80]  }
0x4c: {  	v2 =	vld [tilespmem:s28+$0xFA90]  }
0x4d: {  	v3 =	vld [tilespmem:s28+$0xFAB0]  }
0x4e: {  	v58 =	vld [tilespmem:s28+$0xFAA0]  }
0x4f: {  	v59 =	vld [tilespmem:s28+$0xFAC0];
	_ =	sdelay $0x2  }
0x50: {  	v60 =	vsub.s32 v1, v0;
	v1 =	vand.u32 $0x7F, v1;
	v61 =	vsub.s32 v2, v0  }
0x51: {  	v2 =	vand.u32 $0x7F, v2;
	v62 =	vsub.s32 v3, v0;
	v3 =	vand.u32 $0x7F, v3  }
0x52: {  	v63 =	vand.u32 $0x7F, v58;
	v4 =	vsub.s32 v58, v0;
	v5 =	vsub.s32 v59, v0  }
0x53: {  	vm11 =	vlt.u32 v61, $0x1400;
	vm12 =	vlt.u32 v62, $0x1400;
	v3 =	vor.u32 $0x1400, v3  }
0x54: {  	v2 =	vor.u32 $0x1400, v2;
	v7 =	vor.u32 $0x1400, v63;
	v3 =	vsel vm12, v62, v3  }
0x55: {  	vm15 =	vlt.u32 v60, $0x1400;
	v1 =	vor.u32 $0x1400, v1;
	v2 =	vsel vm11, v61, v2;
	[tilespmem:s28+$0xFAB0] =	vst v3  }
0x56: {  	vm13 =	vlt.u32 v4, $0x1400;
	v1 =	vsel vm15, v60, v1;
	v3 =	vand.u32 $0x7F, v59;
	[tilespmem:s28+$0xFA90] =	vst v2  }
0x57: {  	vm14 =	vlt.u32 v5, $0x1400;
	v2 =	vsel vm13, v4, v7;
	[tilespmem:s28+$0xFA80] =	vst v1;
	v3 =	vor.u32 $0x1400, v3  }
0x58: {  	[tilespmem:s28+$0xFAA0] =	vst v2;
	v2 =	vsel vm14, v5, v3  }
0x59: {  	[tilespmem:s28+$0xFAC0] =	vst v2  }
0x5a: {  	_ =	swait.ge [sflag:s19], $0x2800  }
0x5b: {  	[sflag:s19] =	ssyncset.done $0x0  }
0x5c: {  	s28 =	simm.s32 $0x180;
	[sflag:s19] =	ssyncadd.s32 $0xFFFFD800  }
0x5d: {  	[spmem:s1] =	stream.indirect.scatter.add.f32 [tilespmem:s17], [sflag:$0x3], $0x80, s28, s15, $0xb8;
	[tilespmem:$0x1EE00] =	vst v63  }
0x5e: {  	_ =	swait.ge [sflag:s11], $0x2800  }
0x5f: {  	s29 =	simm.s32 $0xFFFC3000;
	s28 =	simm.s32 $0xFFFF0A00;
	[sflag:s11] =	ssyncset.done $0x0  }
.LBB2_2:
0x60: {  	p4 =	sne.s32 s29, $0xFFFFF800;
	s30 =	sadd.s32 $0xF900, s28;
	[sflag:s11] =	ssyncadd.s32 $0xFFFFD800  }
0x61: {  	[tilespmem:s17], [sflag:$0x2] =	stream.indirect.gather [hbm4b:s3+s15], $0x80, s30, s15, $0xb8;
	[tilespmem:$0x1EE00] =	vst v63  }
0x62: {  	s30 =	smov.u32 s29;
	s29 =	sadd.s32 $0x800, s29;
	v1 =	vld [tilespmem:s28+$0xF9C0]  }
0x63: {  	v2 =	vld [tilespmem:s28+$0xF9B0]  }
0x64: {  	v3 =	vld [tilespmem:s28+$0xF9A0]  }
0x65: {  	v4 =	vld [tilespmem:s28+$0xF980]  }
0x66: {  	v5 =	vld [tilespmem:s28+$0xF990]  }
0x67: {  	v6 =	vsub.s32 v1, v0;
	v1 =	vand.u32 $0x7F, v1  }
0x68: {  	v7 =	vsub.s32 v2, v0;
	v2 =	vand.u32 $0x7F, v2;
	v1 =	vor.u32 $0x1400, v1  }
0x69: {  	vm0 =	vlt.u32 v6, $0x1400;
	v8 =	vsub.s32 v3, v0;
	v3 =	vand.u32 $0x7F, v3  }
0x6a: {  	v1 =	vsel vm0, v6, v1;
	v9 =	vand.u32 $0x7F, v4;
	vm1 =	vlt.u32 v8, $0x1400  }
0x6b: {  	v4 =	vsub.s32 v4, v0;
	v6 =	vsub.s32 v5, v0;
	v5 =	vand.u32 $0x7F, v5;
	[tilespmem:s28+$0xF9C0] =	vst v1  }
0x6c: {  	v1 =	vor.u32 $0x1400, v9;
	vm0 =	vlt.u32 v6, $0x1400;
	v5 =	vor.u32 $0x1400, v5  }
0x6d: {  	v3 =	vor.u32 $0x1400, v3;
	vm2 =	vlt.u32 v4, $0x1400;
	v5 =	vsel vm0, v6, v5  }
0x6e: {  	v2 =	vor.u32 $0x1400, v2;
	v3 =	vsel vm1, v8, v3;
	vm0 =	vlt.u32 v7, $0x1400;
	[tilespmem:s28+$0xF990] =	vst v5  }
0x6f: {  	v1 =	vsel vm2, v4, v1;
	v2 =	vsel vm0, v7, v2;
	[tilespmem:s28+$0xF9A0] =	vst v3  }
0x70: {  	[tilespmem:s28+$0xF980] =	vst v1  }
0x71: {  	[tilespmem:s28+$0xF9B0] =	vst v2  }
0x72: {  	_ =	swait.ge [sflag:s18], $0x2800  }
0x73: {  	[sflag:s18] =	ssyncset.done $0x0  }
0x74: {  	s31 =	sadd.s32 $0xF880, s28;
	[sflag:s18] =	ssyncadd.s32 $0xFFFFD800  }
0x75: {  	[spmem:s1] =	stream.indirect.scatter.add.f32 [tilespmem:s16], [sflag:$0x3], $0x80, s31, s15, $0xb8;
	[tilespmem:$0x1EE00] =	vst v63  }
0x76: {  	_ =	swait.ge [sflag:s11], $0x2800  }
0x77: {  	[sflag:s11] =	ssyncset.done $0x0  }
0x78: {  	s31 =	sadd.s32 $0xFA00, s28;
	[sflag:s11] =	ssyncadd.s32 $0xFFFFD800  }
0x79: {  	[tilespmem:s16], [sflag:$0x1] =	stream.indirect.gather [hbm4b:s3+s15], $0x80, s31, s15, $0xb8;
	[tilespmem:$0x1EE00] =	vst v63  }
0x7a: {  	v1 =	vld [tilespmem:s28+$0xFA80]  }
0x7b: {  	v2 =	vld [tilespmem:s28+$0xFA90]  }
0x7c: {  	v3 =	vld [tilespmem:s28+$0xFAB0]  }
0x7d: {  	v4 =	vld [tilespmem:s28+$0xFAA0]  }
0x7e: {  	v5 =	vld [tilespmem:s28+$0xFAC0]  }
0x7f: {  	v6 =	vsub.s32 v1, v0;
	v1 =	vand.u32 $0x7F, v1  }
0x80: {  	vm0 =	vlt.u32 v6, $0x1400;
	v7 =	vsub.s32 v2, v0;
	v2 =	vand.u32 $0x7F, v2  }
0x81: {  	vm1 =	vlt.u32 v7, $0x1400;
	v8 =	vsub.s32 v3, v0;
	v3 =	vand.u32 $0x7F, v3  }
0x82: {  	v2 =	vor.u32 $0x1400, v2;
	vm2 =	vlt.u32 v8, $0x1400;
	v3 =	vor.u32 $0x1400, v3  }
0x83: {  	v2 =	vsel vm1, v7, v2;
	v7 =	vand.u32 $0x7F, v4;
	v3 =	vsel vm2, v8, v3  }
0x84: {  	v4 =	vsub.s32 v4, v0;
	v7 =	vor.u32 $0x1400, v7;
	[tilespmem:s28+$0xFAB0] =	vst v3;
	v3 =	vand.u32 $0x7F, v5  }
0x85: {  	vm1 =	vlt.u32 v4, $0x1400;
	v5 =	vsub.s32 v5, v0;
	v3 =	vor.u32 $0x1400, v3  }
0x86: {  	v1 =	vor.u32 $0x1400, v1;
	[tilespmem:s28+$0xFA90] =	vst v2;
	v2 =	vsel vm1, v4, v7;
	vm1 =	vlt.u32 v5, $0x1400  }
0x87: {  	v1 =	vsel vm0, v6, v1;
	[tilespmem:s28+$0xFAA0] =	vst v2;
	v2 =	vsel vm1, v5, v3  }
0x88: {  	[tilespmem:s28+$0xFAC0] =	vst v2  }
0x89: {  	[tilespmem:s28+$0xFA80] =	vst v1  }
0x8a: {  	_ =	swait.ge [sflag:s19], $0x2800  }
.Ltmp0:
0x8b: {  	[sflag:s19] =	ssyncset.done $0x0;
	(pc) =	sbr.rel @p4 .LBB2_2-.Ltmp0, $4  }
0x8c: {  	s28 =	sadd.s32 $0xF980, s28;
	[sflag:s19] =	ssyncadd.s32 $0xFFFFD800  }
0x8d: {  	[spmem:s1] =	stream.indirect.scatter.add.f32 [tilespmem:s17], [sflag:$0x3], $0x80, s28, s15, $0xb8;
	[tilespmem:$0x1EE00] =	vst v63  }
0x8e: {  	_ =	swait.ge [sflag:s11], $0x2800  }
0x8f: {  	s28 =	sshra.s32 s30, $0x2;
	[sflag:s11] =	ssyncset.done $0x0  }
0x90: {  	s29 =	sadd.s32 $0xF900, s28;
	[sflag:s11] =	ssyncadd.s32 $0xFFFFD800  }
0x91: {  	[tilespmem:s17], [sflag:$0x2] =	stream.indirect.gather [hbm4b:s3+s15], $0x80, s29, s15, $0xb8;
	[tilespmem:$0x1EE00] =	vst v63  }
0x92: {  	v1 =	vld [tilespmem:s28+$0xF9C0]  }
0x93: {  	v2 =	vld [tilespmem:s28+$0xF9B0]  }
0x94: {  	v3 =	vld [tilespmem:s28+$0xF9A0]  }
0x95: {  	v4 =	vld [tilespmem:s28+$0xF980]  }
0x96: {  	v5 =	vld [tilespmem:s28+$0xF990];
	_ =	sdelay $0x2  }
0x97: {  	v6 =	vsub.s32 v1, v0;
	v1 =	vand.u32 $0x7F, v1;
	v7 =	vsub.s32 v2, v0  }
0x98: {  	v2 =	vand.u32 $0x7F, v2;
	v8 =	vsub.s32 v3, v0;
	v3 =	vand.u32 $0x7F, v3  }
0x99: {  	v9 =	vand.u32 $0x7F, v4;
	v49 =	vsub.s32 v5, v0;
	v5 =	vand.u32 $0x7F, v5  }
0x9a: {  	v4 =	vsub.s32 v4, v0;
	v1 =	vor.u32 $0x1400, v1;
	vm0 =	vlt.u32 v6, $0x1400  }
0x9b: {  	vm1 =	vlt.u32 v49, $0x1400;
	v5 =	vor.u32 $0x1400, v5;
	v1 =	vsel vm0, v6, v1  }
0x9c: {  	vm15 =	vlt.u32 v8, $0x1400;
	v3 =	vor.u32 $0x1400, v3;
	[tilespmem:s28+$0xF9C0] =	vst v1;
	v1 =	vsel vm1, v49, v5  }
0x9d: {  	v50 =	vor.u32 $0x1400, v9;
	vm4 =	vlt.u32 v4, $0x1400;
	[tilespmem:s28+$0xF990] =	vst v1;
	v1 =	vsel vm15, v8, v3  }
0x9e: {  	vm5 =	vlt.u32 v7, $0x1400;
	v2 =	vor.u32 $0x1400, v2;
	v3 =	vsel vm4, v4, v50;
	[tilespmem:s28+$0xF9A0] =	vst v1  }
0x9f: {  	v1 =	vsel vm5, v7, v2;
	[tilespmem:s28+$0xF980] =	vst v3  }
0xa0: {  	[tilespmem:s28+$0xF9B0] =	vst v1  }
0xa1: {  	_ =	swait.ge [sflag:s18], $0x2800  }
0xa2: {  	[sflag:s18] =	ssyncset.done $0x0  }
0xa3: {  	s31 =	sadd.s32 $0xF880, s28;
	[sflag:s18] =	ssyncadd.s32 $0xFFFFD800  }
0xa4: {  	[spmem:s1] =	stream.indirect.scatter.add.f32 [tilespmem:s16], [sflag:$0x3], $0x80, s31, s15, $0xb8;
	[tilespmem:$0x1EE00] =	vst v63  }
0xa5: {  	_ =	swait.ge [sflag:s11], $0x2800  }
0xa6: {  	[sflag:s11] =	ssyncset.done $0x0  }
0xa7: {  	s30 =	sadd.s32 $0xFA00, s28;
	[sflag:s11] =	ssyncadd.s32 $0xFFFFD800  }
0xa8: {  	[tilespmem:s16], [sflag:$0x1] =	stream.indirect.gather [hbm4b:s3+s15], $0x80, s30, s15, $0xb8;
	[tilespmem:$0x1EE00] =	vst v63  }
0xa9: {  	v1 =	vld [tilespmem:s28+$0xFA80]  }
0xaa: {  	v2 =	vld [tilespmem:s28+$0xFA90]  }
0xab: {  	v3 =	vld [tilespmem:s28+$0xFAB0]  }
0xac: {  	v51 =	vld [tilespmem:s28+$0xFAA0]  }
0xad: {  	v52 =	vld [tilespmem:s28+$0xFAC0];
	_ =	sdelay $0x2  }
0xae: {  	v53 =	vsub.s32 v1, v0;
	v1 =	vand.u32 $0x7F, v1;
	v54 =	vsub.s32 v2, v0  }
0xaf: {  	v2 =	vand.u32 $0x7F, v2;
	v55 =	vsub.s32 v3, v0;
	v3 =	vand.u32 $0x7F, v3  }
0xb0: {  	v56 =	vand.u32 $0x7F, v51;
	v4 =	vsub.s32 v51, v0;
	v5 =	vsub.s32 v52, v0  }
0xb1: {  	vm6 =	vlt.u32 v54, $0x1400;
	vm7 =	vlt.u32 v55, $0x1400;
	v3 =	vor.u32 $0x1400, v3  }
0xb2: {  	v2 =	vor.u32 $0x1400, v2;
	v7 =	vor.u32 $0x1400, v56;
	v3 =	vsel vm7, v55, v3  }
0xb3: {  	vm10 =	vlt.u32 v53, $0x1400;
	v1 =	vor.u32 $0x1400, v1;
	v2 =	vsel vm6, v54, v2;
	[tilespmem:s28+$0xFAB0] =	vst v3  }
0xb4: {  	vm8 =	vlt.u32 v4, $0x1400;
	v1 =	vsel vm10, v53, v1;
	v3 =	vand.u32 $0x7F, v52;
	[tilespmem:s28+$0xFA90] =	vst v2  }
0xb5: {  	vm9 =	vlt.u32 v5, $0x1400;
	v2 =	vsel vm8, v4, v7;
	[tilespmem:s28+$0xFA80] =	vst v1;
	v3 =	vor.u32 $0x1400, v3  }
0xb6: {  	[tilespmem:s28+$0xFAA0] =	vst v2;
	v2 =	vsel vm9, v5, v3  }
0xb7: {  	[tilespmem:s28+$0xFAC0] =	vst v2  }
0xb8: {  	_ =	swait.ge [sflag:s19], $0x2800  }
0xb9: {  	[sflag:s19] =	ssyncset.done $0x0  }
0xba: {  	s31 =	sadd.s32 $0xF980, s28;
	[sflag:s19] =	ssyncadd.s32 $0xFFFFD800  }
0xbb: {  	[spmem:s1] =	stream.indirect.scatter.add.f32 [tilespmem:s17], [sflag:$0x3], $0x80, s31, s15, $0xb8;
	[tilespmem:$0x1EE00] =	vst v63  }
0xbc: {  	_ =	swait.ge [sflag:s11], $0x2800  }
0xbd: {  	[sflag:s11] =	ssyncset.done $0x0  }
0xbe: {  	[sflag:s11] =	ssyncadd.s32 $0xFFFFD800  }
0xbf: {  	[tilespmem:s17], [sflag:$0x2] =	stream.indirect.gather [hbm4b:s3+s15], $0x80, s20, s15, $0xb8;
	[tilespmem:$0x1EE00] =	vst v63  }
0xc0: {  	v1 =	vld [tilespmem:$0xF980]  }
0xc1: {  	v2 =	vld [tilespmem:$0xF990]  }
0xc2: {  	v3 =	vld [tilespmem:$0xF9A0]  }
0xc3: {  	v58 =	vld [tilespmem:$0xF9B0]  }
0xc4: {  	v60 =	vld [tilespmem:$0xF9C0];
	_ =	sdelay $0x2  }
0xc5: {  	v57 =	vsub.s32 v1, v0;
	v1 =	vand.u32 $0x7F, v1;
	v59 =	vsub.s32 v2, v0  }
0xc6: {  	v2 =	vand.u32 $0x7F, v2;
	v61 =	vsub.s32 v3, v0;
	v3 =	vand.u32 $0x7F, v3  }
0xc7: {  	v62 =	vsub.s32 v58, v0;
	v63 =	vand.u32 $0x7F, v60;
	vm11 =	vlt.u32 v57, $0x1400  }
0xc8: {  	v1 =	vor.u32 $0x1400, v1;
	vm12 =	vlt.u32 v59, $0x1400;
	v2 =	vor.u32 $0x1400, v2  }
0xc9: {  	vm13 =	vlt.u32 v61, $0x1400;
	v3 =	vor.u32 $0x1400, v3;
	v1 =	vsel vm11, v57, v1  }
0xca: {  	v2 =	vsel vm12, v59, v2;
	[tilespmem:$0xF980] =	vst v1;
	v1 =	vsel vm13, v61, v3;
	v3 =	vand.u32 $0x7F, v58  }
0xcb: {  	vm14 =	vlt.u32 v62, $0x1400;
	[tilespmem:$0xF990] =	vst v2;
	v2 =	vor.u32 $0x1400, v3;
	v3 =	vsub.s32 v60, v0  }
0xcc: {  	[tilespmem:$0xF9A0] =	vst v1;
	v1 =	vsel vm14, v62, v2;
	vm15 =	vlt.u32 v3, $0x1400;
	v2 =	vor.u32 $0x1400, v63  }
0xcd: {  	[tilespmem:$0xF9B0] =	vst v1;
	v1 =	vsel vm15, v3, v2  }
0xce: {  	[tilespmem:$0xF9C0] =	vst v1  }
0xcf: {  	_ =	swait.ge [sflag:s18], $0x2800  }
0xd0: {  	[sflag:s18] =	ssyncset.done $0x0  }
0xd1: {  	[sflag:s18] =	ssyncadd.s32 $0xFFFFD800  }
0xd2: {  	[spmem:s1] =	stream.indirect.scatter.add.f32 [tilespmem:s16], [sflag:$0x3], $0x80, s21, s15, $0xb8;
	[tilespmem:$0x1EE00] =	vst v63  }
0xd3: {  	_ =	swait.ge [sflag:s11], $0x2800  }
0xd4: {  	[sflag:s11] =	ssyncset.done $0x0  }
0xd5: {  	[sflag:s11] =	ssyncadd.s32 $0xFFFFD800  }
0xd6: {  	_ =	swait.ge [sflag:s19], $0x2800  }
0xd7: {  	[sflag:s19] =	ssyncset.done $0x0  }
0xd8: {  	[sflag:s19] =	ssyncadd.s32 $0xFFFFD800  }
0xd9: {  	[spmem:s1] =	stream.indirect.scatter.add.f32 [tilespmem:s17], [sflag:$0x3], $0x80, s23, s15, $0xb8;
	[tilespmem:$0x1EE00] =	vst v63  }
0xda: {  	_ =	swait.ge [sflag:s11], $0x2800  }
0xdb: {  	[sflag:s11] =	ssyncset.done $0x0  }
0xdc: {  	[sflag:s11] =	ssyncadd.s32 $0xFFFFD800  }
0xdd: {  	[bflag:$0x0] =	sbarrier.arrive $0xFFFF  }
0xde: {  	[hbm:s6], [sflag:s12] =	dma.local [spmem:s13], $0x500  }
0xdf: {  	_ =	swait.ge [sflag:s11], $0x500  }
0xe0: {  	[sflag:s11] =	ssyncset.done $0x0  }
0xe1: {  	s28 =	simm.s32 @!p1 $0x3;
	[sflag:s11] =	ssyncadd.s32 $0xFFFFFB00  }
0xe2: {  	[hbm:s7], [sflag:s12] =	dma.local @!p1 [spmem:s22], $0x500  }
0xe3: {  	_ =	swait.ge @!p1 [sflag:s28], $0x500  }
0xe4: {  	[sflag:s28] =	ssyncset.done @!p1 $0x0  }
0xe5: {  	[sflag:s28] =	ssyncadd.s32 @!p1 $0xFFFFFB00;
	s28 =	simm.s32 @!p2 $0x3  }
0xe6: {  	[hbm:s8], [sflag:s12] =	dma.local @!p2 [spmem:s24], $0x500  }
0xe7: {  	s26 =	sadd.s32 $0x1, s26;
	_ =	swait.ge @!p2 [sflag:s28], $0x500  }
0xe8: {  	p4 =	sne.s32 s26, s10;
	[sflag:s28] =	ssyncset.done @!p2 $0x0  }
.Ltmp1:
0xe9: {  	[sflag:s28] =	ssyncadd.s32 @!p2 $0xFFFFFB00;
	s28 =	simm.s32 @!p3 $0x3;
	(pc) =	sbr.rel @p4 .LBB2_1-.Ltmp1, $4  }
0xea: {  	[hbm:s9], [sflag:s12] =	dma.local @!p3 [spmem:s25], $0x500  }
0xeb: {  	_ =	swait.ge @!p3 [sflag:s28], $0x500  }
0xec: {  	[sflag:s28] =	ssyncset.done @!p3 $0x0  }
0xed: {  	[sflag:s28] =	ssyncadd.s32 @!p3 $0xFFFFFB00  }
0xee: {  	_ =	sfence.sel $0x180000  }
0xef: {  	[bflag:$0x0] =	sbarrier.arrive $0xFFFF  }
0xf0: {  	_ =	strace $0x9000004A  }
0xf1: {  	s0 =	sadd.s32 @!p0 $0x100000, s0;
	[bflag:$0x2] =	sbarrier.arrive $0xFFFF  }
0xf2: {  	[sflag:s0] =	ssyncadd.tile.s32 @!p0 $0x1;
	_ =	shalt  }
.Lfunc_end2:
_tile_overlayer_lowered:
.L_overlay_start_2:
0xf3: {  	(tag) =	ssettag $0x2  }
0xf4: {  	s0 =	rddreg [dreg:$0x0];
	s2 =	stileid.u32  }
0xf5: {  	s1 =	rddreg [dreg:$0x1];
	p0 =	sne.s32 s2, $0x0  }
0xf6: {  	s3 =	rddreg [dreg:$0x2];
	[bflag:$0x3] =	sbarrier.arrive $0xFFFF;
	s2 =	simm.s32 @!p0 $0x1C03  }
0xf7: {  	[timem:s3], [sflag:s2] =	dma.local @!p0 [hbm:s0], s1  }
0xf8: {  	s0 =	simm.s32 @!p0 $0x3  }
0xf9: {  	_ =	swait.ge @!p0 [sflag:s0], s1  }
0xfa: {  	s1 =	ssub.s32 @!p0 $0x0, s1;
	[sflag:s0] =	ssyncset.done @!p0 $0x0  }
0xfb: {  	[sflag:s0] =	ssyncadd.s32 @!p0 s1  }
0xfc: {  	[bflag:$0x3] =	sbarrier.arrive $0xFFFF  }
0xfd: {  	_ =	shalt  }

// kernel: kernel.14.cloned.1.call-start
scs
__scs_entry_jumppad:
0x0: {  	(pc) =	sbr.rel $0x88, $3  }
0x1: {  	(tag) =	ssettag $0x0;
	lr =	simm.s32 $0x1  }
0x2: {  	[smem:$0x3F8D] =	sst lr;
	_ =	strace $0xD0000000  }
0x3: {  	_ = 	snop  }
0x4: {  	_ = 	snop  }
0x5: {  	_ = 	snop  }
0x6: {  	_ = 	snop  }
0x7: {  	_ = 	snop  }
__scs_overlays_trampoline_lowered:
0x8: {  	[smem:$0x3F9C] =	sst s0  }
0x9: {  	[smem:$0x3F9D] =	sst s1  }
0xa: {  	[smem:$0x3F9E] =	sst s2  }
0xb: {  	[smem:$0x3F9F] =	sst s3  }
0xc: {  	[smem:$0x3FA0] =	sst s4  }
0xd: {  	[smem:$0x3FA1] =	sst s5  }
0xe: {  	[smem:$0x3FA2] =	sst s6  }
0xf: {  	[smem:$0x3FA3] =	sst s7  }
0x10: {  	[smem:$0x3FA4] =	sst s8  }
0x11: {  	[smem:$0x3FA5] =	sst s9;
	s0 =	simm.s32 @!p0 $0x0  }
0x12: {  	s1 =	sld [smem:$0x3F8B];
	s0 =	simm.s32 @p0 $0x1  }
0x13: {  	[smem:$0x3FA6] =	sst s0;
	s0 =	simm.s32 @!p1 $0x0  }
0x14: {  	s2 =	sld [smem:$0x3F8A];
	s0 =	simm.s32 @p1 $0x1  }
0x15: {  	[smem:$0x3FA7] =	sst s0;
	s0 =	simm.s32 @!p2 $0x0  }
0x16: {  	s3 =	sld [smem:$0x3FDB];
	s0 =	simm.s32 @p2 $0x1  }
0x17: {  	s4 =	simm.s32 $0x1BF5;
	[smem:$0x3FA9] =	sst s0  }
0x18: {  	s0 =	sld [smem:$0x3F8C];
	_ =	swait.ge [sflag:s4], $0x0  }
0x19: {  	s7 =	sld [smem:$0x3F8D]  }
0x1a: {  	s8 =	sadd.s32 $0xFFFFE003, lr  }
0x1b: {  	s9 =	sadd.s32 $0xFFFFFEF7, lr;
	s5 =	simm.s32 $0xFFFFFFFF;
	p2 =	slt.u32 s8, $0xFFFFF086  }
0x1c: {  	p1 =	slt.u32 s9, $0xF7A;
	s5 =	simm.s32 @!p2 $0x0  }
0x1d: {  	s5 =	simm.s32 @p1 $0x1;
	p0 =	seq.s32 s7, s2  }
0x1e: {  	s7 =	smul.u32 @!p0 $0xF7A, s2;
	p2 =	seq.s32 @!p0 s5, $0x0  }
0x1f: {  	s9 =	smul.u32 $0xF7A, s1;
	s8 =	simm.s32 @!p0 $0x1BF5;
	p2 =	por !p2, p0  }
0x20: {  	[sflag:s8] =	ssyncset.s32 @!p0 $0xFFFFF086;
	s6 =	sadd.s32 @!p0 s3, s7;
	s7 =	simm.s32 @!p0 $0x108  }
0x21: {  	s3 =	sadd.s32 s3, s9;
	s6 =	sadd.s32 @!p0 $0x88, s6;
	s7 =	simm.s32 @p2 $0x1082  }
0x22: {  	[simem:s7], [sflag:s8] =	dma.local @!p0 [hbm:s6], $0xF7A  }
0x23: {  	s9 =	sor.u32 $0xD0000000, s2;
	s6 =	simm.s32 $0x108;
	_ =	swait.ge @!p0 [sflag:s8], $0x0  }
0x24: {  	s3 =	sadd.s32 $0x88, s3;
	s6 =	simm.s32 @!p1 $0x1082;
	[sflag:s4] =	ssyncset.s32 $0xFFFFF086  }
0x25: {  	[simem:s6], [sflag:s4] =	dma.local [hbm:s3], $0xF7A  }
0x26: {  	[smem:$0x3F8D] =	sst s1;
	(tag) =	ssettag s2;
	_ =	strace s9  }
0x27: {  	s1 =	sld [smem:$0x3F9D]  }
0x28: {  	s2 =	sld [smem:$0x3F9E]  }
0x29: {  	s4 =	sld [smem:$0x3FA0]  }
0x2a: {  	p0 =	seq.s32 s5, $0x0;
	s5 =	sld [smem:$0x3FA1]  }
0x2b: {  	s6 =	sld [smem:$0x3FA2]  }
0x2c: {  	s7 =	sld [smem:$0x3FA3]  }
0x2d: {  	s3 =	simm.s32 $0x108;
	s8 =	sld [smem:$0x3FA4]  }
0x2e: {  	s3 =	simm.s32 @!p0 $0x1082;
	s9 =	sld [smem:$0x3FA5]  }
0x2f: {  	lr =	sadd.s32 s0, s3;
	s0 =	sld [smem:$0x3F9C]  }
0x30: {  	s3 =	sld [smem:$0x3F9F]  }
0x31: {  	[smem:$0x3FA8] =	sst s10  }
0x32: {  	s10 =	sld [smem:$0x3FA6];
	_ =	sdelay $0x3  }
0x33: {  	p0 =	seq.s32 s10, $0x1;
	s10 =	sld [smem:$0x3FA8];
	_ =	sdelay $0x3  }
0x34: {  	[smem:$0x3FA8] =	sst s10  }
0x35: {  	s10 =	sld [smem:$0x3FA7];
	_ =	sdelay $0x3  }
0x36: {  	p1 =	seq.s32 s10, $0x1;
	s10 =	sld [smem:$0x3FA8];
	_ =	sdelay $0x3  }
0x37: {  	[smem:$0x3FA8] =	sst s10  }
0x38: {  	s10 =	sld [smem:$0x3FA9]  }
0x39: {  	_ = 	snop;
	(pc) =	sbr.ind lr, $3  }
0x3a: {  	_ = 	snop  }
0x3b: {  	_ = 	snop  }
0x3c: {  	p2 =	seq.s32 s10, $0x1;
	s10 =	sld [smem:$0x3FA8]  }
0x3d: {  	_ =	shalt  }
0x3e: {  	_ =	shalt  }
0x3f: {  	_ =	shalt  }
0x40: {  	_ =	shalt  }
0x41: {  	_ =	shalt  }
0x42: {  	_ =	shalt  }
0x43: {  	_ =	shalt  }
0x44: {  	_ =	shalt  }
0x45: {  	_ =	shalt  }
0x46: {  	_ =	shalt  }
0x47: {  	_ =	shalt  }
0x48: {  	_ =	shalt  }
0x49: {  	_ =	shalt  }
0x4a: {  	_ =	shalt  }
0x4b: {  	_ =	shalt  }
0x4c: {  	_ =	shalt  }
0x4d: {  	_ =	shalt  }
0x4e: {  	_ =	shalt  }
0x4f: {  	_ =	shalt  }
0x50: {  	_ =	shalt  }
0x51: {  	_ =	shalt  }
0x52: {  	_ =	shalt  }
0x53: {  	_ =	shalt  }
0x54: {  	_ =	shalt  }
0x55: {  	_ =	shalt  }
0x56: {  	_ =	shalt  }
0x57: {  	_ =	shalt  }
0x58: {  	_ =	shalt  }
0x59: {  	_ =	shalt  }
0x5a: {  	_ =	shalt  }
0x5b: {  	_ =	shalt  }
0x5c: {  	_ =	shalt  }
0x5d: {  	_ =	shalt  }
0x5e: {  	_ =	shalt  }
0x5f: {  	_ =	shalt  }
0x60: {  	_ =	shalt  }
0x61: {  	_ =	shalt  }
0x62: {  	_ =	shalt  }
0x63: {  	_ =	shalt  }
0x64: {  	_ =	shalt  }
0x65: {  	_ =	shalt  }
0x66: {  	_ =	shalt  }
0x67: {  	_ =	shalt  }
0x68: {  	_ =	shalt  }
0x69: {  	_ =	shalt  }
0x6a: {  	_ =	shalt  }
0x6b: {  	_ =	shalt  }
0x6c: {  	_ =	shalt  }
0x6d: {  	_ =	shalt  }
0x6e: {  	_ =	shalt  }
0x6f: {  	_ =	shalt  }
0x70: {  	_ =	shalt  }
0x71: {  	_ =	shalt  }
0x72: {  	_ =	shalt  }
0x73: {  	_ =	shalt  }
0x74: {  	_ =	shalt  }
0x75: {  	_ =	shalt  }
0x76: {  	_ =	shalt  }
0x77: {  	_ =	shalt  }
0x78: {  	_ =	shalt  }
0x79: {  	_ =	shalt  }
0x7a: {  	_ =	shalt  }
0x7b: {  	_ =	shalt  }
0x7c: {  	_ =	shalt  }
0x7d: {  	_ =	shalt  }
0x7e: {  	_ =	shalt  }
0x7f: {  	_ =	shalt  }
0x80: {  	_ =	shalt  }
0x81: {  	_ =	shalt  }
0x82: {  	_ =	shalt  }
0x83: {  	_ =	shalt  }
0x84: {  	_ =	shalt  }
0x85: {  	_ =	shalt  }
0x86: {  	_ =	shalt  }
0x87: {  	_ =	shalt  }
.Lfunc_end0:
.L_simem_size_0:
called_computation.2_lowered:
.L_overlay_start_0:
0x88: {  	s2 =	sld [smem:$0x3FD9]  }
0x89: {  	s3 =	sld [smem:$0x3FFE];
	_ =	sdelay $0x1  }
0x8a: {  	s1 =	srdreg.scid  }
0x8b: {  	s0 =	sand.u32 $0x1, s1  }
0x8c: {  	s17 =	sshll.u32 s0, $0xA;
	s2 =	sadd.s32 s3, s2  }
0x8d: {  	s2 =	sadd.s32 s2, s17  }
0x8e: {  	[smem:$0x3FB4] =	sst s2  }
0x8f: {  	_ = 	snop  }
0x90: {  	(tm) =	ssettm $0x1  }
0x91: {  	s18 =	sld [smem:$0x3FFB];
	_ =	sdelay $0x3  }
0x92: {  	_ =	strace s18  }
0x93: {  	s2 =	sld [smem:$0x3FFC];
	_ =	sdelay $0x3  }
0x94: {  	_ =	strace s2  }
0x95: {  	s2 =	sld [smem:$0x3FFD];
	_ =	sdelay $0x3  }
0x96: {  	_ =	strace s2  }
0x97: {  	_ =	strace $0x8FFFFFFF  }
0x98: {  	s19 =	sld [smem:$0x3FDB];
	_ =	sdelay $0x1  }
0x99: {  	s20 =	simm.s32 $_scs_section_size  }
0x9a: {  	s4 =	simm.s32 $_size__tile_overlayer_lowered;
	s5 =	simm.s32 $_tile_overlayer_lowered  }
0x9b: {  	s6 =	simm.s32 $0x1BFF;
	s21 =	sshll.u32 s5, $0x1;
	s3 =	sadd.s32 s20, s19  }
0x9c: {  	s22 =	simm.s32 $0x0;
	s4 =	sshll.u32 s4, $0x1;
	s5 =	sadd.s32 s21, s3  }
0x9d: {  	[timem:s22], [sflag:s6] =	dma.local [hbm:s5], s4  }
0x9e: {  	_ =	swait.ge [sflag:s6], s4  }
0x9f: {  	s4 =	ssub.s32 $0x0, s4;
	[sflag:s6] =	ssyncset.done $0x0  }
0xa0: {  	[sflag:s6] =	ssyncadd.s32 s4;
	_ =	sdelay $0x1  }
0xa1: {  	s23 =	simm.s32 $0x1B8B  }
0xa2: {  	_ =	swait.ge [sflag:s23], $0x1  }
0xa3: {  	[sflag:s23] =	ssyncset.done $0x0  }
0xa4: {  	[sflag:s23] =	ssyncadd.s32 $0xFFFFFFFF  }
0xa5: {  	s4 =	sld [smem:$0x0]  }
0xa6: {  	s5 =	sand.u32 $0xFFFFFFFE, s1  }
0xa7: {  	p0 =	sne.s32 s1, s5  }
0xa8: {  	s5 =	sshll.u32 @p0 s5, $0xE  }
0xa9: {  	s5 =	sadd.s32 @p0 $0x11B8D, s5;
	s6 =	sshll.u32 @p0 s4, $0x11  }
0xaa: {  	s5 =	sor.u32 @p0 s6, s5  }
0xab: {  	[sflag:s5] =	ssyncadd.remote.s32 @p0 $0x1;
	_ =	sdelay $0x1  }
0xac: {  	s5 =	simm.s32 @p0 $0x1B8D  }
0xad: {  	_ =	swait.eq @p0 [sflag:s5], $0x1  }
0xae: {  	[sflag:s5] =	ssyncadd.s32 @p0 $0xFFFFFFFF  }
0xaf: {  	s6 =	sshll.u32 @!p0 s1, $0xE  }
0xb0: {  	s6 =	sor.u32 @!p0 $0x4000, s6;
	s5 =	simm.s32 @!p0 $0x1B8D  }
0xb1: {  	s4 =	sshll.u32 @!p0 s4, $0x11;
	s6 =	sadd.s32 @!p0 $0x11B8D, s6;
	_ =	swait.eq @!p0 [sflag:s5], $0x1  }
0xb2: {  	s4 =	sor.u32 @!p0 s4, s6;
	[sflag:s5] =	ssyncadd.s32 @!p0 $0xFFFFFFFF  }
0xb3: {  	s25 =	simm.s32 $0x1B8E;
	s24 =	sld [smem:$0x3FFE];
	[sflag:s4] =	ssyncadd.remote.s32 @!p0 $0x1  }
0xb4: {  	s26 =	simm.s32 $execute0_lowered;
	[smem:$0x3FD2] =	sst s25  }
0xb5: {  	s5 =	sshll.u32 s26, $0x1;
	_ =	strace $0x8000004C;
	[dreg:$0x1] =	wrdreg $0xFFFFFFFF  }
0xb6: {  	s28 =	simm.s32 $_size_execute0_lowered;
	s3 =	sadd.s32 s3, s5;
	[dreg:$0x0] =	wrdreg $0x0  }
0xb7: {  	s5 =	sshll.u32 s28, $0x1;
	[dreg:$0x2] =	wrdreg s3  }
0xb8: {  	[dreg:$0x3] =	wrdreg s5  }
0xb9: {  	[dreg:$0x4] =	wrdreg $0xC0  }
0xba: {  	_ =	task [dreg:s22], $0x5FFFF  }
0xbb: {  	[dreg:$0x1] =	wrdreg $0xFFFFFFFF  }
0xbc: {  	[dreg:$0x0] =	wrdreg $0x60  }
0xbd: {  	[dreg:$0x2] =	wrdreg s24  }
0xbe: {  	[dreg:$0x3] =	wrdreg $0x14A000  }
0xbf: {  	[dreg:$0x4] =	wrdreg $0xA  }
0xc0: {  	_ =	task.clear_ibuf [dreg:s22], $0x5FFFF;
	_ =	strace $0x9000004C  }
0xc1: {  	s29 =	simm.s32 $0xA;
	_ =	strace $0x8000004E  }
0xc2: {  	_ =	swait.ge [sflag:s29], $0x1  }
0xc3: {  	[sflag:s29] =	ssyncadd.s32 $0xFFFFFFFF  }
0xc4: {  	_ =	strace $0x9000004E  }
0xc5: {  	_ =	sfence  }
0xc6: {  	s30 =	sld [smem:$0x0];
	_ =	sdelay $0x2  }
0xc7: {  	s31 =	sshll.u32 s1, $0xD;
	s1 =	sshrl.u32 s1, $0x2  }
0xc8: {  	s4 =	sand.u32 $0x4000, s31;
	s1 =	sadd.s32 s1, s30  }
0xc9: {  	s0 =	sor.u32 s4, s0;
	s1 =	sshll.u32 s1, $0x11  }
0xca: {  	s0 =	sor.u32 s1, s0  }
0xcb: {  	s0 =	sadd.s32 $0x8F2B, s0  }
0xcc: {  	[sflag:s0] =	ssyncadd.remote.s32 $0x1  }
0xcd: {  	_ =	sfence.sel $0xFFFF  }
0xce: {  	[dreg:$0x0] =	wrdreg $0xFFFFFFFF;
	(pc) =	sbr.abs _section_cstart, $3  }
0xcf: {  	[dreg:$0x1] =	wrdreg $0xFFFFFFFF  }
0xd0: {  	_ =	task.clear_ibuf [dreg:s22], $0x2FFFF;
	_ =	strace $0x9FFFFFFF  }
0xd1: {  	(tm) =	ssettm $0x7FFFFFFF  }
tec
execute0_lowered:
.L_overlay_start_1:
0x0: {  	(tag) =	ssettag $0x1  }
0x1: {  	s5 =	rddreg [dreg:$0x0]  }
0x2: {  	s1 =	rddreg [dreg:$0x1]  }
0x3: {  	s0 =	rddreg [dreg:$0x2];
	s12 =	stileid.u32  }
0x4: {  	s3 =	srdreg.scid;
	s2 =	simm.s32 $0x0;
	s11 =	simm.s32 $0x3  }
0x5: {  	s15 =	simm.s32 $0x50;
	s16 =	simm.s32 $0xFA00;
	s17 =	simm.s32 $0x12200  }
0x6: {  	s18 =	simm.s32 $0x1;
	s19 =	simm.s32 $0x2;
	s21 =	simm.s32 $0xF880  }
0x7: {  	s23 =	simm.s32 $0xF980;
	s4 =	smul.u32 $0x1F40, s12;
	s6 =	sand.u32 $0x1, s3  }
0x8: {  	s7 =	smul.u32 $0x140, s12;
	[smem:$0x7FF] =	sst s2;
	s3 =	sadd.s32 $0xBA00, s5  }
0x9: {  	s30 =	smul.u32 $0x28000, s12;
	s14 =	sadd.s32 $0xA0000, s1;
	p0 =	sne.s32 s12, $0x0  }
0xa: {  	s12 =	sshll.u32 s12, $0x6;
	s24 =	smul.u32 $0x1400, s6;
	_ =	strace $0x8000004D  }
0xb: {  	s6 =	ssub.s32 $0x2, s6;
	s12 =	sor.u32 $0x1C03, s12;
	s14 =	sshrl.u32 @!p0 s14, $0x3  }
0xc: {  	s8 =	sadd.s32 s4, s5;
	s4 =	sadd.s32 $0xA600, s5;
	s31 =	sshrl.u32 s6, $0x1  }
0xd: {  	s20 =	sadd.s32 s7, s24;
	s7 =	sshrl.u32 s30, $0x2;
	s10 =	ssub.s32 s6, s31  }
0xe: {  	s9 =	sshll.u32 s20, $0x4;
	s13 =	sadd.s32 s7, s1;
	s10 =	smax.u32 s10, $0x1  }
0xf: {  	p1 =	sgt.u32 s20, $0x26BF;
	s9 =	sadd.s32 s9, s5;
	s5 =	sadd.s32 $0x52000, s8  }
0x10: {  	s22 =	sadd.s32 $0x2800, s13;
	s25 =	sadd.s32 $0x5000, s13;
	p3 =	sgt.u32 @!p1 s20, $0x266F  }
0x11: {  	s26 =	sadd.s32 $0x7800, s13;
	s13 =	sshrl.u32 s13, $0x3;
	p2 =	por p3, p1  }
0x12: {  	s6 =	sadd.s32 $0x9C600, s9;
	s7 =	sadd.s32 $0x9CB00, s9;
	p4 =	sgt.u32 @!p2 s20, $0x261F  }
0x13: {  	s8 =	sadd.s32 $0x9D000, s9;
	s9 =	sadd.s32 $0x9D500, s9;
	p3 =	por @!p1 p4, p3  }
0x14: {  	s22 =	sshrl.u32 @!p1 s22, $0x3;
	s20 =	simm.s32 $0xF900;
	p3 =	por p3, p1  }
0x15: {  	v0 =	vmov s24;
	s24 =	sshrl.u32 @!p2 s25, $0x3;
	s25 =	sshrl.u32 @!p3 s26, $0x3;
	s26 =	simm.s32 $0x0  }
.LBB2_1:
0x16: {  	[tilespmem:s2], [sflag:$0x3] =	stream.linear.gather [hbm4b:s5+s2], $0xFA00, $0x38;
	[tilespmem:$0x1EE00] =	vst v63  }
0x17: {  	_ =	swait.ge [sflag:s11], $0xFA00  }
0x18: {  	[sflag:s11] =	ssyncset.done $0x0  }
0x19: {  	[sflag:s11] =	ssyncadd.s32 $0xFFFF0600  }
0x1a: {  	[spmem:s13], [sflag:s12] =	dma.local [hbm:s4], $0x1400  }
0x1b: {  	_ =	swait.ge [sflag:s11], $0x1400  }
0x1c: {  	[sflag:s11] =	ssyncset.done $0x0  }
0x1d: {  	s28 =	simm.s32 @!p0 $0x3;
	[sflag:s11] =	ssyncadd.s32 $0xFFFFEC00  }
0x1e: {  	[spmem:s14], [sflag:s12] =	dma.local @!p0 [hbm:s4], $0x800  }
0x1f: {  	_ =	swait.ge @!p0 [sflag:s28], $0x800  }
0x20: {  	[sflag:s28] =	ssyncset.done @!p0 $0x0  }
0x21: {  	[sflag:s28] =	ssyncadd.s32 @!p0 $0xFFFFF800  }
0x22: {  	[bflag:$0x0] =	sbarrier.arrive $0xFFFF  }
0x23: {  	[tilespmem:s16], [sflag:$0x1] =	stream.indirect.gather [hbm4b:s3+s15], $0x80, s2, s15, $0xb8;
	[tilespmem:$0x1EE00] =	vst v63  }
0x24: {  	v1 =	vld [tilespmem:$0x80]  }
0x25: {  	v2 =	vld [tilespmem:$0x90]  }
0x26: {  	v3 =	vld [tilespmem:$0xA0]  }
0x27: {  	v5 =	vld [tilespmem:$0xB0]  }
0x28: {  	v7 =	vld [tilespmem:$0xC0];
	_ =	sdelay $0x2  }
0x29: {  	v4 =	vsub.s32 v1, v0;
	v1 =	vand.u32 $0x7F, v1;
	v6 =	vsub.s32 v2, v0  }
0x2a: {  	v2 =	vand.u32 $0x7F, v2;
	v49 =	vsub.s32 v3, v0;
	v3 =	vand.u32 $0x7F, v3  }
0x2b: {  	v50 =	vsub.s32 v5, v0;
	v51 =	vand.u32 $0x7F, v7;
	vm0 =	vlt.u32 v4, $0x1400  }
0x2c: {  	v1 =	vor.u32 $0x1400, v1;
	vm15 =	vlt.u32 v6, $0x1400;
	v2 =	vor.u32 $0x1400, v2  }
0x2d: {  	vm4 =	vlt.u32 v49, $0x1400;
	v3 =	vor.u32 $0x1400, v3;
	v1 =	vsel vm0, v4, v1  }
0x2e: {  	v2 =	vsel vm15, v6, v2;
	[tilespmem:$0x80] =	vst v1;
	v1 =	vsel vm4, v49, v3;
	v3 =	vand.u32 $0x7F, v5  }
0x2f: {  	vm5 =	vlt.u32 v50, $0x1400;
	[tilespmem:$0x90] =	vst v2;
	v2 =	vor.u32 $0x1400, v3;
	v3 =	vsub.s32 v7, v0  }
0x30: {  	[tilespmem:$0xA0] =	vst v1;
	v1 =	vsel vm5, v50, v2;
	vm6 =	vlt.u32 v3, $0x1400;
	v2 =	vor.u32 $0x1400, v51  }
0x31: {  	[tilespmem:$0xB0] =	vst v1;
	v1 =	vsel vm6, v3, v2  }
0x32: {  	s29 =	simm.s32 $0x100;
	s28 =	simm.s32 $0xFFFF0800;
	[tilespmem:$0xC0] =	vst v1  }
0x33: {  	[tilespmem:s17], [sflag:$0x2] =	stream.indirect.gather [hbm4b:s3+s15], $0x80, s29, s15, $0xb8;
	[tilespmem:$0x1EE00] =	vst v63  }
0x34: {  	v1 =	vld [tilespmem:s28+$0xF9C0]  }
0x35: {  	v2 =	vld [tilespmem:s28+$0xF9B0]  }
0x36: {  	v3 =	vld [tilespmem:s28+$0xF9A0]  }
0x37: {  	v52 =	vld [tilespmem:s28+$0xF980]  }
0x38: {  	v53 =	vld [tilespmem:s28+$0xF990];
	_ =	sdelay $0x2  }
0x39: {  	v54 =	vsub.s32 v1, v0;
	v1 =	vand.u32 $0x7F, v1;
	v55 =	vsub.s32 v2, v0  }
0x3a: {  	v2 =	vand.u32 $0x7F, v2;
	v8 =	vsub.s32 v3, v0;
	v3 =	vand.u32 $0x7F, v3  }
0x3b: {  	v9 =	vand.u32 $0x7F, v52;
	v56 =	vsub.s32 v53, v0;
	v5 =	vand.u32 $0x7F, v53  }
0x3c: {  	v4 =	vsub.s32 v52, v0;
	v1 =	vor.u32 $0x1400, v1;
	vm7 =	vlt.u32 v54, $0x1400  }
0x3d: {  	vm1 =	vlt.u32 v56, $0x1400;
	v5 =	vor.u32 $0x1400, v5;
	v1 =	vsel vm7, v54, v1  }
0x3e: {  	vm8 =	vlt.u32 v8, $0x1400;
	v3 =	vor.u32 $0x1400, v3;
	[tilespmem:s28+$0xF9C0] =	vst v1;
	v1 =	vsel vm1, v56, v5  }
0x3f: {  	v57 =	vor.u32 $0x1400, v9;
	vm9 =	vlt.u32 v4, $0x1400;
	[tilespmem:s28+$0xF990] =	vst v1;
	v1 =	vsel vm8, v8, v3  }
0x40: {  	vm10 =	vlt.u32 v55, $0x1400;
	v2 =	vor.u32 $0x1400, v2;
	v3 =	vsel vm9, v4, v57;
	[tilespmem:s28+$0xF9A0] =	vst v1  }
0x41: {  	v1 =	vsel vm10, v55, v2;
	[tilespmem:s28+$0xF980] =	vst v3  }
0x42: {  	[tilespmem:s28+$0xF9B0] =	vst v1  }
0x43: {  	_ =	swait.ge [sflag:s18], $0x2800  }
0x44: {  	[sflag:s18] =	ssyncset.done $0x0  }
0x45: {  	s29 =	simm.s32 $0x80;
	[sflag:s18] =	ssyncadd.s32 $0xFFFFD800  }
0x46: {  	[spmem:s1] =	stream.indirect.scatter.add.f32 [tilespmem:s16], [sflag:$0x3], $0x80, s29, s15, $0xb8;
	[tilespmem:$0x1EE00] =	vst v63  }
0x47: {  	_ =	swait.ge [sflag:s11], $0x2800  }
0x48: {  	[sflag:s11] =	ssyncset.done $0x0  }
0x49: {  	s29 =	simm.s32 $0x200;
	[sflag:s11] =	ssyncadd.s32 $0xFFFFD800  }
0x4a: {  	[tilespmem:s16], [sflag:$0x1] =	stream.indirect.gather [hbm4b:s3+s15], $0x80, s29, s15, $0xb8;
	[tilespmem:$0x1EE00] =	vst v63  }
0x4b: {  	v1 =	vld [tilespmem:s28+$0xFA80]  }
0x4c: {  	v2 =	vld [tilespmem:s28+$0xFA90]  }
0x4d: {  	v3 =	vld [tilespmem:s28+$0xFAB0]  }
0x4e: {  	v58 =	vld [tilespmem:s28+$0xFAA0]  }
0x4f: {  	v59 =	vld [tilespmem:s28+$0xFAC0];
	_ =	sdelay $0x2  }
0x50: {  	v60 =	vsub.s32 v1, v0;
	v1 =	vand.u32 $0x7F, v1;
	v61 =	vsub.s32 v2, v0  }
0x51: {  	v2 =	vand.u32 $0x7F, v2;
	v62 =	vsub.s32 v3, v0;
	v3 =	vand.u32 $0x7F, v3  }
0x52: {  	v63 =	vand.u32 $0x7F, v58;
	v4 =	vsub.s32 v58, v0;
	v5 =	vsub.s32 v59, v0  }
0x53: {  	vm11 =	vlt.u32 v61, $0x1400;
	vm12 =	vlt.u32 v62, $0x1400;
	v3 =	vor.u32 $0x1400, v3  }
0x54: {  	v2 =	vor.u32 $0x1400, v2;
	v7 =	vor.u32 $0x1400, v63;
	v3 =	vsel vm12, v62, v3  }
0x55: {  	vm15 =	vlt.u32 v60, $0x1400;
	v1 =	vor.u32 $0x1400, v1;
	v2 =	vsel vm11, v61, v2;
	[tilespmem:s28+$0xFAB0] =	vst v3  }
0x56: {  	vm13 =	vlt.u32 v4, $0x1400;
	v1 =	vsel vm15, v60, v1;
	v3 =	vand.u32 $0x7F, v59;
	[tilespmem:s28+$0xFA90] =	vst v2  }
0x57: {  	vm14 =	vlt.u32 v5, $0x1400;
	v2 =	vsel vm13, v4, v7;
	[tilespmem:s28+$0xFA80] =	vst v1;
	v3 =	vor.u32 $0x1400, v3  }
0x58: {  	[tilespmem:s28+$0xFAA0] =	vst v2;
	v2 =	vsel vm14, v5, v3  }
0x59: {  	[tilespmem:s28+$0xFAC0] =	vst v2  }
0x5a: {  	_ =	swait.ge [sflag:s19], $0x2800  }
0x5b: {  	[sflag:s19] =	ssyncset.done $0x0  }
0x5c: {  	s28 =	simm.s32 $0x180;
	[sflag:s19] =	ssyncadd.s32 $0xFFFFD800  }
0x5d: {  	[spmem:s1] =	stream.indirect.scatter.add.f32 [tilespmem:s17], [sflag:$0x3], $0x80, s28, s15, $0xb8;
	[tilespmem:$0x1EE00] =	vst v63  }
0x5e: {  	_ =	swait.ge [sflag:s11], $0x2800  }
0x5f: {  	s29 =	simm.s32 $0xFFFC3000;
	s28 =	simm.s32 $0xFFFF0A00;
	[sflag:s11] =	ssyncset.done $0x0  }
.LBB2_2:
0x60: {  	p4 =	sne.s32 s29, $0xFFFFF800;
	s30 =	sadd.s32 $0xF900, s28;
	[sflag:s11] =	ssyncadd.s32 $0xFFFFD800  }
0x61: {  	[tilespmem:s17], [sflag:$0x2] =	stream.indirect.gather [hbm4b:s3+s15], $0x80, s30, s15, $0xb8;
	[tilespmem:$0x1EE00] =	vst v63  }
0x62: {  	s30 =	smov.u32 s29;
	s29 =	sadd.s32 $0x800, s29;
	v1 =	vld [tilespmem:s28+$0xF9C0]  }
0x63: {  	v2 =	vld [tilespmem:s28+$0xF9B0]  }
0x64: {  	v3 =	vld [tilespmem:s28+$0xF9A0]  }
0x65: {  	v4 =	vld [tilespmem:s28+$0xF980]  }
0x66: {  	v5 =	vld [tilespmem:s28+$0xF990]  }
0x67: {  	v6 =	vsub.s32 v1, v0;
	v1 =	vand.u32 $0x7F, v1  }
0x68: {  	v7 =	vsub.s32 v2, v0;
	v2 =	vand.u32 $0x7F, v2;
	v1 =	vor.u32 $0x1400, v1  }
0x69: {  	vm0 =	vlt.u32 v6, $0x1400;
	v8 =	vsub.s32 v3, v0;
	v3 =	vand.u32 $0x7F, v3  }
0x6a: {  	v1 =	vsel vm0, v6, v1;
	v9 =	vand.u32 $0x7F, v4;
	vm1 =	vlt.u32 v8, $0x1400  }
0x6b: {  	v4 =	vsub.s32 v4, v0;
	v6 =	vsub.s32 v5, v0;
	v5 =	vand.u32 $0x7F, v5;
	[tilespmem:s28+$0xF9C0] =	vst v1  }
0x6c: {  	v1 =	vor.u32 $0x1400, v9;
	vm0 =	vlt.u32 v6, $0x1400;
	v5 =	vor.u32 $0x1400, v5  }
0x6d: {  	v3 =	vor.u32 $0x1400, v3;
	vm2 =	vlt.u32 v4, $0x1400;
	v5 =	vsel vm0, v6, v5  }
0x6e: {  	v2 =	vor.u32 $0x1400, v2;
	v3 =	vsel vm1, v8, v3;
	vm0 =	vlt.u32 v7, $0x1400;
	[tilespmem:s28+$0xF990] =	vst v5  }
0x6f: {  	v1 =	vsel vm2, v4, v1;
	v2 =	vsel vm0, v7, v2;
	[tilespmem:s28+$0xF9A0] =	vst v3  }
0x70: {  	[tilespmem:s28+$0xF980] =	vst v1  }
0x71: {  	[tilespmem:s28+$0xF9B0] =	vst v2  }
0x72: {  	_ =	swait.ge [sflag:s18], $0x2800  }
0x73: {  	[sflag:s18] =	ssyncset.done $0x0  }
0x74: {  	s31 =	sadd.s32 $0xF880, s28;
	[sflag:s18] =	ssyncadd.s32 $0xFFFFD800  }
0x75: {  	[spmem:s1] =	stream.indirect.scatter.add.f32 [tilespmem:s16], [sflag:$0x3], $0x80, s31, s15, $0xb8;
	[tilespmem:$0x1EE00] =	vst v63  }
0x76: {  	_ =	swait.ge [sflag:s11], $0x2800  }
0x77: {  	[sflag:s11] =	ssyncset.done $0x0  }
0x78: {  	s31 =	sadd.s32 $0xFA00, s28;
	[sflag:s11] =	ssyncadd.s32 $0xFFFFD800  }
0x79: {  	[tilespmem:s16], [sflag:$0x1] =	stream.indirect.gather [hbm4b:s3+s15], $0x80, s31, s15, $0xb8;
	[tilespmem:$0x1EE00] =	vst v63  }
0x7a: {  	v1 =	vld [tilespmem:s28+$0xFA80]  }
0x7b: {  	v2 =	vld [tilespmem:s28+$0xFA90]  }
0x7c: {  	v3 =	vld [tilespmem:s28+$0xFAB0]  }
0x7d: {  	v4 =	vld [tilespmem:s28+$0xFAA0]  }
0x7e: {  	v5 =	vld [tilespmem:s28+$0xFAC0]  }
0x7f: {  	v6 =	vsub.s32 v1, v0;
	v1 =	vand.u32 $0x7F, v1  }
0x80: {  	vm0 =	vlt.u32 v6, $0x1400;
	v7 =	vsub.s32 v2, v0;
	v2 =	vand.u32 $0x7F, v2  }
0x81: {  	vm1 =	vlt.u32 v7, $0x1400;
	v8 =	vsub.s32 v3, v0;
	v3 =	vand.u32 $0x7F, v3  }
0x82: {  	v2 =	vor.u32 $0x1400, v2;
	vm2 =	vlt.u32 v8, $0x1400;
	v3 =	vor.u32 $0x1400, v3  }
0x83: {  	v2 =	vsel vm1, v7, v2;
	v7 =	vand.u32 $0x7F, v4;
	v3 =	vsel vm2, v8, v3  }
0x84: {  	v4 =	vsub.s32 v4, v0;
	v7 =	vor.u32 $0x1400, v7;
	[tilespmem:s28+$0xFAB0] =	vst v3;
	v3 =	vand.u32 $0x7F, v5  }
0x85: {  	vm1 =	vlt.u32 v4, $0x1400;
	v5 =	vsub.s32 v5, v0;
	v3 =	vor.u32 $0x1400, v3  }
0x86: {  	v1 =	vor.u32 $0x1400, v1;
	[tilespmem:s28+$0xFA90] =	vst v2;
	v2 =	vsel vm1, v4, v7;
	vm1 =	vlt.u32 v5, $0x1400  }
0x87: {  	v1 =	vsel vm0, v6, v1;
	[tilespmem:s28+$0xFAA0] =	vst v2;
	v2 =	vsel vm1, v5, v3  }
0x88: {  	[tilespmem:s28+$0xFAC0] =	vst v2  }
0x89: {  	[tilespmem:s28+$0xFA80] =	vst v1  }
0x8a: {  	_ =	swait.ge [sflag:s19], $0x2800  }
.Ltmp0:
0x8b: {  	[sflag:s19] =	ssyncset.done $0x0;
	(pc) =	sbr.rel @p4 .LBB2_2-.Ltmp0, $4  }
0x8c: {  	s28 =	sadd.s32 $0xF980, s28;
	[sflag:s19] =	ssyncadd.s32 $0xFFFFD800  }
0x8d: {  	[spmem:s1] =	stream.indirect.scatter.add.f32 [tilespmem:s17], [sflag:$0x3], $0x80, s28, s15, $0xb8;
	[tilespmem:$0x1EE00] =	vst v63  }
0x8e: {  	_ =	swait.ge [sflag:s11], $0x2800  }
0x8f: {  	s28 =	sshra.s32 s30, $0x2;
	[sflag:s11] =	ssyncset.done $0x0  }
0x90: {  	s29 =	sadd.s32 $0xF900, s28;
	[sflag:s11] =	ssyncadd.s32 $0xFFFFD800  }
0x91: {  	[tilespmem:s17], [sflag:$0x2] =	stream.indirect.gather [hbm4b:s3+s15], $0x80, s29, s15, $0xb8;
	[tilespmem:$0x1EE00] =	vst v63  }
0x92: {  	v1 =	vld [tilespmem:s28+$0xF9C0]  }
0x93: {  	v2 =	vld [tilespmem:s28+$0xF9B0]  }
0x94: {  	v3 =	vld [tilespmem:s28+$0xF9A0]  }
0x95: {  	v4 =	vld [tilespmem:s28+$0xF980]  }
0x96: {  	v5 =	vld [tilespmem:s28+$0xF990];
	_ =	sdelay $0x2  }
0x97: {  	v6 =	vsub.s32 v1, v0;
	v1 =	vand.u32 $0x7F, v1;
	v7 =	vsub.s32 v2, v0  }
0x98: {  	v2 =	vand.u32 $0x7F, v2;
	v8 =	vsub.s32 v3, v0;
	v3 =	vand.u32 $0x7F, v3  }
0x99: {  	v9 =	vand.u32 $0x7F, v4;
	v49 =	vsub.s32 v5, v0;
	v5 =	vand.u32 $0x7F, v5  }
0x9a: {  	v4 =	vsub.s32 v4, v0;
	v1 =	vor.u32 $0x1400, v1;
	vm0 =	vlt.u32 v6, $0x1400  }
0x9b: {  	vm1 =	vlt.u32 v49, $0x1400;
	v5 =	vor.u32 $0x1400, v5;
	v1 =	vsel vm0, v6, v1  }
0x9c: {  	vm15 =	vlt.u32 v8, $0x1400;
	v3 =	vor.u32 $0x1400, v3;
	[tilespmem:s28+$0xF9C0] =	vst v1;
	v1 =	vsel vm1, v49, v5  }
0x9d: {  	v50 =	vor.u32 $0x1400, v9;
	vm4 =	vlt.u32 v4, $0x1400;
	[tilespmem:s28+$0xF990] =	vst v1;
	v1 =	vsel vm15, v8, v3  }
0x9e: {  	vm5 =	vlt.u32 v7, $0x1400;
	v2 =	vor.u32 $0x1400, v2;
	v3 =	vsel vm4, v4, v50;
	[tilespmem:s28+$0xF9A0] =	vst v1  }
0x9f: {  	v1 =	vsel vm5, v7, v2;
	[tilespmem:s28+$0xF980] =	vst v3  }
0xa0: {  	[tilespmem:s28+$0xF9B0] =	vst v1  }
0xa1: {  	_ =	swait.ge [sflag:s18], $0x2800  }
0xa2: {  	[sflag:s18] =	ssyncset.done $0x0  }
0xa3: {  	s31 =	sadd.s32 $0xF880, s28;
	[sflag:s18] =	ssyncadd.s32 $0xFFFFD800  }
0xa4: {  	[spmem:s1] =	stream.indirect.scatter.add.f32 [tilespmem:s16], [sflag:$0x3], $0x80, s31, s15, $0xb8;
	[tilespmem:$0x1EE00] =	vst v63  }
0xa5: {  	_ =	swait.ge [sflag:s11], $0x2800  }
0xa6: {  	[sflag:s11] =	ssyncset.done $0x0  }
0xa7: {  	s30 =	sadd.s32 $0xFA00, s28;
	[sflag:s11] =	ssyncadd.s32 $0xFFFFD800  }
0xa8: {  	[tilespmem:s16], [sflag:$0x1] =	stream.indirect.gather [hbm4b:s3+s15], $0x80, s30, s15, $0xb8;
	[tilespmem:$0x1EE00] =	vst v63  }
0xa9: {  	v1 =	vld [tilespmem:s28+$0xFA80]  }
0xaa: {  	v2 =	vld [tilespmem:s28+$0xFA90]  }
0xab: {  	v3 =	vld [tilespmem:s28+$0xFAB0]  }
0xac: {  	v51 =	vld [tilespmem:s28+$0xFAA0]  }
0xad: {  	v52 =	vld [tilespmem:s28+$0xFAC0];
	_ =	sdelay $0x2  }
0xae: {  	v53 =	vsub.s32 v1, v0;
	v1 =	vand.u32 $0x7F, v1;
	v54 =	vsub.s32 v2, v0  }
0xaf: {  	v2 =	vand.u32 $0x7F, v2;
	v55 =	vsub.s32 v3, v0;
	v3 =	vand.u32 $0x7F, v3  }
0xb0: {  	v56 =	vand.u32 $0x7F, v51;
	v4 =	vsub.s32 v51, v0;
	v5 =	vsub.s32 v52, v0  }
0xb1: {  	vm6 =	vlt.u32 v54, $0x1400;
	vm7 =	vlt.u32 v55, $0x1400;
	v3 =	vor.u32 $0x1400, v3  }
0xb2: {  	v2 =	vor.u32 $0x1400, v2;
	v7 =	vor.u32 $0x1400, v56;
	v3 =	vsel vm7, v55, v3  }
0xb3: {  	vm10 =	vlt.u32 v53, $0x1400;
	v1 =	vor.u32 $0x1400, v1;
	v2 =	vsel vm6, v54, v2;
	[tilespmem:s28+$0xFAB0] =	vst v3  }
0xb4: {  	vm8 =	vlt.u32 v4, $0x1400;
	v1 =	vsel vm10, v53, v1;
	v3 =	vand.u32 $0x7F, v52;
	[tilespmem:s28+$0xFA90] =	vst v2  }
0xb5: {  	vm9 =	vlt.u32 v5, $0x1400;
	v2 =	vsel vm8, v4, v7;
	[tilespmem:s28+$0xFA80] =	vst v1;
	v3 =	vor.u32 $0x1400, v3  }
0xb6: {  	[tilespmem:s28+$0xFAA0] =	vst v2;
	v2 =	vsel vm9, v5, v3  }
0xb7: {  	[tilespmem:s28+$0xFAC0] =	vst v2  }
0xb8: {  	_ =	swait.ge [sflag:s19], $0x2800  }
0xb9: {  	[sflag:s19] =	ssyncset.done $0x0  }
0xba: {  	s31 =	sadd.s32 $0xF980, s28;
	[sflag:s19] =	ssyncadd.s32 $0xFFFFD800  }
0xbb: {  	[spmem:s1] =	stream.indirect.scatter.add.f32 [tilespmem:s17], [sflag:$0x3], $0x80, s31, s15, $0xb8;
	[tilespmem:$0x1EE00] =	vst v63  }
0xbc: {  	_ =	swait.ge [sflag:s11], $0x2800  }
0xbd: {  	[sflag:s11] =	ssyncset.done $0x0  }
0xbe: {  	[sflag:s11] =	ssyncadd.s32 $0xFFFFD800  }
0xbf: {  	[tilespmem:s17], [sflag:$0x2] =	stream.indirect.gather [hbm4b:s3+s15], $0x80, s20, s15, $0xb8;
	[tilespmem:$0x1EE00] =	vst v63  }
0xc0: {  	v1 =	vld [tilespmem:$0xF980]  }
0xc1: {  	v2 =	vld [tilespmem:$0xF990]  }
0xc2: {  	v3 =	vld [tilespmem:$0xF9A0]  }
0xc3: {  	v58 =	vld [tilespmem:$0xF9B0]  }
0xc4: {  	v60 =	vld [tilespmem:$0xF9C0];
	_ =	sdelay $0x2  }
0xc5: {  	v57 =	vsub.s32 v1, v0;
	v1 =	vand.u32 $0x7F, v1;
	v59 =	vsub.s32 v2, v0  }
0xc6: {  	v2 =	vand.u32 $0x7F, v2;
	v61 =	vsub.s32 v3, v0;
	v3 =	vand.u32 $0x7F, v3  }
0xc7: {  	v62 =	vsub.s32 v58, v0;
	v63 =	vand.u32 $0x7F, v60;
	vm11 =	vlt.u32 v57, $0x1400  }
0xc8: {  	v1 =	vor.u32 $0x1400, v1;
	vm12 =	vlt.u32 v59, $0x1400;
	v2 =	vor.u32 $0x1400, v2  }
0xc9: {  	vm13 =	vlt.u32 v61, $0x1400;
	v3 =	vor.u32 $0x1400, v3;
	v1 =	vsel vm11, v57, v1  }
0xca: {  	v2 =	vsel vm12, v59, v2;
	[tilespmem:$0xF980] =	vst v1;
	v1 =	vsel vm13, v61, v3;
	v3 =	vand.u32 $0x7F, v58  }
0xcb: {  	vm14 =	vlt.u32 v62, $0x1400;
	[tilespmem:$0xF990] =	vst v2;
	v2 =	vor.u32 $0x1400, v3;
	v3 =	vsub.s32 v60, v0  }
0xcc: {  	[tilespmem:$0xF9A0] =	vst v1;
	v1 =	vsel vm14, v62, v2;
	vm15 =	vlt.u32 v3, $0x1400;
	v2 =	vor.u32 $0x1400, v63  }
0xcd: {  	[tilespmem:$0xF9B0] =	vst v1;
	v1 =	vsel vm15, v3, v2  }
0xce: {  	[tilespmem:$0xF9C0] =	vst v1  }
0xcf: {  	_ =	swait.ge [sflag:s18], $0x2800  }
0xd0: {  	[sflag:s18] =	ssyncset.done $0x0  }
0xd1: {  	[sflag:s18] =	ssyncadd.s32 $0xFFFFD800  }
0xd2: {  	[spmem:s1] =	stream.indirect.scatter.add.f32 [tilespmem:s16], [sflag:$0x3], $0x80, s21, s15, $0xb8;
	[tilespmem:$0x1EE00] =	vst v63  }
0xd3: {  	_ =	swait.ge [sflag:s11], $0x2800  }
0xd4: {  	[sflag:s11] =	ssyncset.done $0x0  }
0xd5: {  	[sflag:s11] =	ssyncadd.s32 $0xFFFFD800  }
0xd6: {  	_ =	swait.ge [sflag:s19], $0x2800  }
0xd7: {  	[sflag:s19] =	ssyncset.done $0x0  }
0xd8: {  	[sflag:s19] =	ssyncadd.s32 $0xFFFFD800  }
0xd9: {  	[spmem:s1] =	stream.indirect.scatter.add.f32 [tilespmem:s17], [sflag:$0x3], $0x80, s23, s15, $0xb8;
	[tilespmem:$0x1EE00] =	vst v63  }
0xda: {  	_ =	swait.ge [sflag:s11], $0x2800  }
0xdb: {  	[sflag:s11] =	ssyncset.done $0x0  }
0xdc: {  	[sflag:s11] =	ssyncadd.s32 $0xFFFFD800  }
0xdd: {  	[bflag:$0x0] =	sbarrier.arrive $0xFFFF  }
0xde: {  	[hbm:s6], [sflag:s12] =	dma.local [spmem:s13], $0x500  }
0xdf: {  	_ =	swait.ge [sflag:s11], $0x500  }
0xe0: {  	[sflag:s11] =	ssyncset.done $0x0  }
0xe1: {  	s28 =	simm.s32 @!p1 $0x3;
	[sflag:s11] =	ssyncadd.s32 $0xFFFFFB00  }
0xe2: {  	[hbm:s7], [sflag:s12] =	dma.local @!p1 [spmem:s22], $0x500  }
0xe3: {  	_ =	swait.ge @!p1 [sflag:s28], $0x500  }
0xe4: {  	[sflag:s28] =	ssyncset.done @!p1 $0x0  }
0xe5: {  	[sflag:s28] =	ssyncadd.s32 @!p1 $0xFFFFFB00;
	s28 =	simm.s32 @!p2 $0x3  }
0xe6: {  	[hbm:s8], [sflag:s12] =	dma.local @!p2 [spmem:s24], $0x500  }
0xe7: {  	s26 =	sadd.s32 $0x1, s26;
	_ =	swait.ge @!p2 [sflag:s28], $0x500  }
0xe8: {  	p4 =	sne.s32 s26, s10;
	[sflag:s28] =	ssyncset.done @!p2 $0x0  }
.Ltmp1:
0xe9: {  	[sflag:s28] =	ssyncadd.s32 @!p2 $0xFFFFFB00;
	s28 =	simm.s32 @!p3 $0x3;
	(pc) =	sbr.rel @p4 .LBB2_1-.Ltmp1, $4  }
0xea: {  	[hbm:s9], [sflag:s12] =	dma.local @!p3 [spmem:s25], $0x500  }
0xeb: {  	_ =	swait.ge @!p3 [sflag:s28], $0x500  }
0xec: {  	[sflag:s28] =	ssyncset.done @!p3 $0x0  }
0xed: {  	[sflag:s28] =	ssyncadd.s32 @!p3 $0xFFFFFB00  }
0xee: {  	_ =	sfence.sel $0x180000  }
0xef: {  	[bflag:$0x0] =	sbarrier.arrive $0xFFFF  }
0xf0: {  	_ =	strace $0x9000004D  }
0xf1: {  	s0 =	sadd.s32 @!p0 $0x100000, s0;
	[bflag:$0x2] =	sbarrier.arrive $0xFFFF  }
0xf2: {  	[sflag:s0] =	ssyncadd.tile.s32 @!p0 $0x1;
	_ =	shalt  }
.Lfunc_end2:
_tile_overlayer_lowered:
.L_overlay_start_2:
0xf3: {  	(tag) =	ssettag $0x2  }
0xf4: {  	s0 =	rddreg [dreg:$0x0];
	s2 =	stileid.u32  }
0xf5: {  	s1 =	rddreg [dreg:$0x1];
	p0 =	sne.s32 s2, $0x0  }
0xf6: {  	s3 =	rddreg [dreg:$0x2];
	[bflag:$0x3] =	sbarrier.arrive $0xFFFF;
	s2 =	simm.s32 @!p0 $0x1C03  }
0xf7: {  	[timem:s3], [sflag:s2] =	dma.local @!p0 [hbm:s0], s1  }
0xf8: {  	s0 =	simm.s32 @!p0 $0x3  }
0xf9: {  	_ =	swait.ge @!p0 [sflag:s0], s1  }
0xfa: {  	s1 =	ssub.s32 @!p0 $0x0, s1;
	[sflag:s0] =	ssyncset.done @!p0 $0x0  }
0xfb: {  	[sflag:s0] =	ssyncadd.s32 @!p0 s1  }
0xfc: {  	[bflag:$0x3] =	sbarrier.arrive $0xFFFF  }
0xfd: {  	_ =	shalt  }

// kernel: kernel.17.cloned.1.call-start
scs
__scs_entry_jumppad:
0x0: {  	(pc) =	sbr.rel $0x88, $3  }
0x1: {  	(tag) =	ssettag $0x0;
	lr =	simm.s32 $0x1  }
0x2: {  	[smem:$0x3F8D] =	sst lr;
	_ =	strace $0xD0000000  }
0x3: {  	_ = 	snop  }
0x4: {  	_ = 	snop  }
0x5: {  	_ = 	snop  }
0x6: {  	_ = 	snop  }
0x7: {  	_ = 	snop  }
__scs_overlays_trampoline_lowered:
0x8: {  	[smem:$0x3F9C] =	sst s0  }
0x9: {  	[smem:$0x3F9D] =	sst s1  }
0xa: {  	[smem:$0x3F9E] =	sst s2  }
0xb: {  	[smem:$0x3F9F] =	sst s3  }
0xc: {  	[smem:$0x3FA0] =	sst s4  }
0xd: {  	[smem:$0x3FA1] =	sst s5  }
0xe: {  	[smem:$0x3FA2] =	sst s6  }
0xf: {  	[smem:$0x3FA3] =	sst s7  }
0x10: {  	[smem:$0x3FA4] =	sst s8  }
0x11: {  	[smem:$0x3FA5] =	sst s9;
	s0 =	simm.s32 @!p0 $0x0  }
0x12: {  	s1 =	sld [smem:$0x3F8B];
	s0 =	simm.s32 @p0 $0x1  }
0x13: {  	[smem:$0x3FA6] =	sst s0;
	s0 =	simm.s32 @!p1 $0x0  }
0x14: {  	s2 =	sld [smem:$0x3F8A];
	s0 =	simm.s32 @p1 $0x1  }
0x15: {  	[smem:$0x3FA7] =	sst s0;
	s0 =	simm.s32 @!p2 $0x0  }
0x16: {  	s3 =	sld [smem:$0x3FDB];
	s0 =	simm.s32 @p2 $0x1  }
0x17: {  	s4 =	simm.s32 $0x1BF5;
	[smem:$0x3FA9] =	sst s0  }
0x18: {  	s0 =	sld [smem:$0x3F8C];
	_ =	swait.ge [sflag:s4], $0x0  }
0x19: {  	s7 =	sld [smem:$0x3F8D]  }
0x1a: {  	s8 =	sadd.s32 $0xFFFFE003, lr  }
0x1b: {  	s9 =	sadd.s32 $0xFFFFFEF7, lr;
	s5 =	simm.s32 $0xFFFFFFFF;
	p2 =	slt.u32 s8, $0xFFFFF086  }
0x1c: {  	p1 =	slt.u32 s9, $0xF7A;
	s5 =	simm.s32 @!p2 $0x0  }
0x1d: {  	s5 =	simm.s32 @p1 $0x1;
	p0 =	seq.s32 s7, s2  }
0x1e: {  	s7 =	smul.u32 @!p0 $0xF7A, s2;
	p2 =	seq.s32 @!p0 s5, $0x0  }
0x1f: {  	s9 =	smul.u32 $0xF7A, s1;
	s8 =	simm.s32 @!p0 $0x1BF5;
	p2 =	por !p2, p0  }
0x20: {  	[sflag:s8] =	ssyncset.s32 @!p0 $0xFFFFF086;
	s6 =	sadd.s32 @!p0 s3, s7;
	s7 =	simm.s32 @!p0 $0x108  }
0x21: {  	s3 =	sadd.s32 s3, s9;
	s6 =	sadd.s32 @!p0 $0x88, s6;
	s7 =	simm.s32 @p2 $0x1082  }
0x22: {  	[simem:s7], [sflag:s8] =	dma.local @!p0 [hbm:s6], $0xF7A  }
0x23: {  	s9 =	sor.u32 $0xD0000000, s2;
	s6 =	simm.s32 $0x108;
	_ =	swait.ge @!p0 [sflag:s8], $0x0  }
0x24: {  	s3 =	sadd.s32 $0x88, s3;
	s6 =	simm.s32 @!p1 $0x1082;
	[sflag:s4] =	ssyncset.s32 $0xFFFFF086  }
0x25: {  	[simem:s6], [sflag:s4] =	dma.local [hbm:s3], $0xF7A  }
0x26: {  	[smem:$0x3F8D] =	sst s1;
	(tag) =	ssettag s2;
	_ =	strace s9  }
0x27: {  	s1 =	sld [smem:$0x3F9D]  }
0x28: {  	s2 =	sld [smem:$0x3F9E]  }
0x29: {  	s4 =	sld [smem:$0x3FA0]  }
0x2a: {  	p0 =	seq.s32 s5, $0x0;
	s5 =	sld [smem:$0x3FA1]  }
0x2b: {  	s6 =	sld [smem:$0x3FA2]  }
0x2c: {  	s7 =	sld [smem:$0x3FA3]  }
0x2d: {  	s3 =	simm.s32 $0x108;
	s8 =	sld [smem:$0x3FA4]  }
0x2e: {  	s3 =	simm.s32 @!p0 $0x1082;
	s9 =	sld [smem:$0x3FA5]  }
0x2f: {  	lr =	sadd.s32 s0, s3;
	s0 =	sld [smem:$0x3F9C]  }
0x30: {  	s3 =	sld [smem:$0x3F9F]  }
0x31: {  	[smem:$0x3FA8] =	sst s10  }
0x32: {  	s10 =	sld [smem:$0x3FA6];
	_ =	sdelay $0x3  }
0x33: {  	p0 =	seq.s32 s10, $0x1;
	s10 =	sld [smem:$0x3FA8];
	_ =	sdelay $0x3  }
0x34: {  	[smem:$0x3FA8] =	sst s10  }
0x35: {  	s10 =	sld [smem:$0x3FA7];
	_ =	sdelay $0x3  }
0x36: {  	p1 =	seq.s32 s10, $0x1;
	s10 =	sld [smem:$0x3FA8];
	_ =	sdelay $0x3  }
0x37: {  	[smem:$0x3FA8] =	sst s10  }
0x38: {  	s10 =	sld [smem:$0x3FA9]  }
0x39: {  	_ = 	snop;
	(pc) =	sbr.ind lr, $3  }
0x3a: {  	_ = 	snop  }
0x3b: {  	_ = 	snop  }
0x3c: {  	p2 =	seq.s32 s10, $0x1;
	s10 =	sld [smem:$0x3FA8]  }
0x3d: {  	_ =	shalt  }
0x3e: {  	_ =	shalt  }
0x3f: {  	_ =	shalt  }
0x40: {  	_ =	shalt  }
0x41: {  	_ =	shalt  }
0x42: {  	_ =	shalt  }
0x43: {  	_ =	shalt  }
0x44: {  	_ =	shalt  }
0x45: {  	_ =	shalt  }
0x46: {  	_ =	shalt  }
0x47: {  	_ =	shalt  }
0x48: {  	_ =	shalt  }
0x49: {  	_ =	shalt  }
0x4a: {  	_ =	shalt  }
0x4b: {  	_ =	shalt  }
0x4c: {  	_ =	shalt  }
0x4d: {  	_ =	shalt  }
0x4e: {  	_ =	shalt  }
0x4f: {  	_ =	shalt  }
0x50: {  	_ =	shalt  }
0x51: {  	_ =	shalt  }
0x52: {  	_ =	shalt  }
0x53: {  	_ =	shalt  }
0x54: {  	_ =	shalt  }
0x55: {  	_ =	shalt  }
0x56: {  	_ =	shalt  }
0x57: {  	_ =	shalt  }
0x58: {  	_ =	shalt  }
0x59: {  	_ =	shalt  }
0x5a: {  	_ =	shalt  }
0x5b: {  	_ =	shalt  }
0x5c: {  	_ =	shalt  }
0x5d: {  	_ =	shalt  }
0x5e: {  	_ =	shalt  }
0x5f: {  	_ =	shalt  }
0x60: {  	_ =	shalt  }
0x61: {  	_ =	shalt  }
0x62: {  	_ =	shalt  }
0x63: {  	_ =	shalt  }
0x64: {  	_ =	shalt  }
0x65: {  	_ =	shalt  }
0x66: {  	_ =	shalt  }
0x67: {  	_ =	shalt  }
0x68: {  	_ =	shalt  }
0x69: {  	_ =	shalt  }
0x6a: {  	_ =	shalt  }
0x6b: {  	_ =	shalt  }
0x6c: {  	_ =	shalt  }
0x6d: {  	_ =	shalt  }
0x6e: {  	_ =	shalt  }
0x6f: {  	_ =	shalt  }
0x70: {  	_ =	shalt  }
0x71: {  	_ =	shalt  }
0x72: {  	_ =	shalt  }
0x73: {  	_ =	shalt  }
0x74: {  	_ =	shalt  }
0x75: {  	_ =	shalt  }
0x76: {  	_ =	shalt  }
0x77: {  	_ =	shalt  }
0x78: {  	_ =	shalt  }
0x79: {  	_ =	shalt  }
0x7a: {  	_ =	shalt  }
0x7b: {  	_ =	shalt  }
0x7c: {  	_ =	shalt  }
0x7d: {  	_ =	shalt  }
0x7e: {  	_ =	shalt  }
0x7f: {  	_ =	shalt  }
0x80: {  	_ =	shalt  }
0x81: {  	_ =	shalt  }
0x82: {  	_ =	shalt  }
0x83: {  	_ =	shalt  }
0x84: {  	_ =	shalt  }
0x85: {  	_ =	shalt  }
0x86: {  	_ =	shalt  }
0x87: {  	_ =	shalt  }
.Lfunc_end0:
.L_simem_size_0:
called_computation.3_lowered:
.L_overlay_start_0:
0x88: {  	s2 =	sld [smem:$0x3FD9]  }
0x89: {  	s3 =	sld [smem:$0x3FFE];
	_ =	sdelay $0x1  }
0x8a: {  	s1 =	srdreg.scid  }
0x8b: {  	s0 =	sand.u32 $0x1, s1  }
0x8c: {  	s16 =	sshll.u32 s0, $0xA;
	s2 =	sadd.s32 s3, s2  }
0x8d: {  	s2 =	sadd.s32 s2, s16  }
0x8e: {  	[smem:$0x3FB4] =	sst s2  }
0x8f: {  	_ = 	snop  }
0x90: {  	(tm) =	ssettm $0x1  }
0x91: {  	s17 =	sld [smem:$0x3FFB];
	_ =	sdelay $0x3  }
0x92: {  	_ =	strace s17  }
0x93: {  	s2 =	sld [smem:$0x3FFC];
	_ =	sdelay $0x3  }
0x94: {  	_ =	strace s2  }
0x95: {  	s2 =	sld [smem:$0x3FFD];
	_ =	sdelay $0x3  }
0x96: {  	_ =	strace s2  }
0x97: {  	_ =	strace $0x8FFFFFFF  }
0x98: {  	s18 =	sld [smem:$0x3FDB];
	_ =	sdelay $0x1  }
0x99: {  	s19 =	simm.s32 $_scs_section_size  }
0x9a: {  	s4 =	simm.s32 $_size__tile_overlayer_lowered;
	s5 =	simm.s32 $_tile_overlayer_lowered  }
0x9b: {  	s22 =	simm.s32 $0x1BFF;
	s21 =	sshll.u32 s5, $0x1;
	s2 =	sadd.s32 s19, s18  }
0x9c: {  	s6 =	simm.s32 $0x0;
	s20 =	sshll.u32 s4, $0x1;
	s4 =	sadd.s32 s21, s2  }
0x9d: {  	[timem:s6], [sflag:s22] =	dma.local [hbm:s4], s20  }
0x9e: {  	_ =	swait.ge [sflag:s22], s20  }
0x9f: {  	s3 =	ssub.s32 $0x0, s20;
	[sflag:s22] =	ssyncset.done $0x0  }
0xa0: {  	[sflag:s22] =	ssyncadd.s32 s3;
	_ =	sdelay $0x1  }
0xa1: {  	s23 =	simm.s32 $0x1B8B  }
0xa2: {  	_ =	swait.ge [sflag:s23], $0x1  }
0xa3: {  	[sflag:s23] =	ssyncset.done $0x0  }
0xa4: {  	s25 =	simm.s32 $0x1B8E;
	s24 =	sld [smem:$0x3FFE];
	[sflag:s23] =	ssyncadd.s32 $0xFFFFFFFF  }
0xa5: {  	s26 =	simm.s32 $execute0_lowered;
	[smem:$0x3FD2] =	sst s25  }
0xa6: {  	s4 =	sshll.u32 s26, $0x1;
	_ =	strace $0x8000004F;
	[dreg:$0x1] =	wrdreg $0xFFFFFFFF  }
0xa7: {  	s28 =	simm.s32 $_size_execute0_lowered;
	s2 =	sadd.s32 s2, s4;
	[dreg:$0x0] =	wrdreg $0x0  }
0xa8: {  	s4 =	sshll.u32 s28, $0x1;
	[dreg:$0x2] =	wrdreg s2  }
0xa9: {  	[dreg:$0x3] =	wrdreg s4  }
0xaa: {  	[dreg:$0x4] =	wrdreg $0xC0  }
0xab: {  	_ =	task [dreg:s6], $0x5FFFF  }
0xac: {  	[dreg:$0x1] =	wrdreg $0xFFFFFFFF  }
0xad: {  	[dreg:$0x0] =	wrdreg $0x60  }
0xae: {  	[dreg:$0x2] =	wrdreg s24  }
0xaf: {  	[dreg:$0x3] =	wrdreg $0x14A000  }
0xb0: {  	[dreg:$0x4] =	wrdreg $0x9  }
0xb1: {  	_ =	task.clear_ibuf [dreg:s6], $0x5FFFF;
	_ =	strace $0x9000004F  }
0xb2: {  	s29 =	simm.s32 $0x9;
	_ =	strace $0x80000051  }
0xb3: {  	_ =	swait.ge [sflag:s29], $0x1  }
0xb4: {  	[sflag:s29] =	ssyncadd.s32 $0xFFFFFFFF  }
0xb5: {  	_ =	strace $0x90000051  }
0xb6: {  	_ =	sfence  }
0xb7: {  	s30 =	sld [smem:$0x0];
	_ =	sdelay $0x2  }
0xb8: {  	s31 =	sshll.u32 s1, $0xD;
	s1 =	sshrl.u32 s1, $0x2  }
0xb9: {  	s3 =	sand.u32 $0x4000, s31;
	s1 =	sadd.s32 s1, s30  }
0xba: {  	s0 =	sor.u32 s3, s0;
	s1 =	sshll.u32 s1, $0x11  }
0xbb: {  	s0 =	sor.u32 s1, s0  }
0xbc: {  	s0 =	sadd.s32 $0x8F2B, s0  }
0xbd: {  	[sflag:s0] =	ssyncadd.remote.s32 $0x1  }
0xbe: {  	_ =	sfence.sel $0xFFFF  }
0xbf: {  	[dreg:$0x0] =	wrdreg $0xFFFFFFFF;
	(pc) =	sbr.abs _section_cstart, $3  }
0xc0: {  	[dreg:$0x1] =	wrdreg $0xFFFFFFFF  }
0xc1: {  	_ =	task.clear_ibuf [dreg:s6], $0x2FFFF;
	_ =	strace $0x9FFFFFFF  }
0xc2: {  	(tm) =	ssettm $0x7FFFFFFF  }
0xc3: {  	_ =	shalt  }
tec
execute0_lowered:
.L_overlay_start_1:
0x0: {  	(tag) =	ssettag $0x1  }
0x1: {  	s5 =	rddreg [dreg:$0x0]  }
0x2: {  	s1 =	rddreg [dreg:$0x1]  }
0x3: {  	s0 =	rddreg [dreg:$0x2];
	s12 =	stileid.u32  }
0x4: {  	s3 =	srdreg.scid;
	s2 =	simm.s32 $0x0;
	s11 =	simm.s32 $0x3  }
0x5: {  	s15 =	simm.s32 $0x50;
	s16 =	simm.s32 $0xFA00;
	s17 =	simm.s32 $0x12200  }
0x6: {  	s18 =	simm.s32 $0x1;
	s19 =	simm.s32 $0x2;
	s21 =	simm.s32 $0xF880  }
0x7: {  	s23 =	simm.s32 $0xF980;
	s4 =	smul.u32 $0x1F40, s12;
	s6 =	sand.u32 $0x1, s3  }
0x8: {  	s7 =	smul.u32 $0x140, s12;
	[smem:$0x7FF] =	sst s2;
	s3 =	sadd.s32 $0xBA00, s5  }
0x9: {  	s30 =	smul.u32 $0x28000, s12;
	s14 =	sadd.s32 $0xA0000, s1;
	p0 =	sne.s32 s12, $0x0  }
0xa: {  	s12 =	sshll.u32 s12, $0x6;
	s24 =	smul.u32 $0x1400, s6;
	_ =	strace $0x80000050  }
0xb: {  	s6 =	ssub.s32 $0x2, s6;
	s12 =	sor.u32 $0x1C03, s12;
	s14 =	sshrl.u32 @!p0 s14, $0x3  }
0xc: {  	s8 =	sadd.s32 s4, s5;
	s4 =	sadd.s32 $0xA600, s5;
	s31 =	sshrl.u32 s6, $0x1  }
0xd: {  	s20 =	sadd.s32 s7, s24;
	s7 =	sshrl.u32 s30, $0x2;
	s10 =	ssub.s32 s6, s31  }
0xe: {  	s9 =	sshll.u32 s20, $0x4;
	s13 =	sadd.s32 s7, s1;
	s10 =	smax.u32 s10, $0x1  }
0xf: {  	p1 =	sgt.u32 s20, $0x26BF;
	s9 =	sadd.s32 s9, s5;
	s5 =	sadd.s32 $0x52000, s8  }
0x10: {  	s22 =	sadd.s32 $0x2800, s13;
	s25 =	sadd.s32 $0x5000, s13;
	p3 =	sgt.u32 @!p1 s20, $0x266F  }
0x11: {  	s26 =	sadd.s32 $0x7800, s13;
	s13 =	sshrl.u32 s13, $0x3;
	p2 =	por p3, p1  }
0x12: {  	s6 =	sadd.s32 $0x9C600, s9;
	s7 =	sadd.s32 $0x9CB00, s9;
	p4 =	sgt.u32 @!p2 s20, $0x261F  }
0x13: {  	s8 =	sadd.s32 $0x9D000, s9;
	s9 =	sadd.s32 $0x9D500, s9;
	p3 =	por @!p1 p4, p3  }
0x14: {  	s22 =	sshrl.u32 @!p1 s22, $0x3;
	s20 =	simm.s32 $0xF900;
	p3 =	por p3, p1  }
0x15: {  	v0 =	vmov s24;
	s24 =	sshrl.u32 @!p2 s25, $0x3;
	s25 =	sshrl.u32 @!p3 s26, $0x3;
	s26 =	simm.s32 $0x0  }
.LBB2_1:
0x16: {  	[tilespmem:s2], [sflag:$0x3] =	stream.linear.gather [hbm4b:s5+s2], $0xFA00, $0x38;
	[tilespmem:$0x1EE00] =	vst v63  }
0x17: {  	_ =	swait.ge [sflag:s11], $0xFA00  }
0x18: {  	[sflag:s11] =	ssyncset.done $0x0  }
0x19: {  	[sflag:s11] =	ssyncadd.s32 $0xFFFF0600  }
0x1a: {  	[spmem:s13], [sflag:s12] =	dma.local [hbm:s4], $0x1400  }
0x1b: {  	_ =	swait.ge [sflag:s11], $0x1400  }
0x1c: {  	[sflag:s11] =	ssyncset.done $0x0  }
0x1d: {  	s28 =	simm.s32 @!p0 $0x3;
	[sflag:s11] =	ssyncadd.s32 $0xFFFFEC00  }
0x1e: {  	[spmem:s14], [sflag:s12] =	dma.local @!p0 [hbm:s4], $0x800  }
0x1f: {  	_ =	swait.ge @!p0 [sflag:s28], $0x800  }
0x20: {  	[sflag:s28] =	ssyncset.done @!p0 $0x0  }
0x21: {  	[sflag:s28] =	ssyncadd.s32 @!p0 $0xFFFFF800  }
0x22: {  	[bflag:$0x0] =	sbarrier.arrive $0xFFFF  }
0x23: {  	[tilespmem:s16], [sflag:$0x1] =	stream.indirect.gather [hbm4b:s3+s15], $0x80, s2, s15, $0xb8;
	[tilespmem:$0x1EE00] =	vst v63  }
0x24: {  	v1 =	vld [tilespmem:$0x80]  }
0x25: {  	v2 =	vld [tilespmem:$0x90]  }
0x26: {  	v3 =	vld [tilespmem:$0xA0]  }
0x27: {  	v5 =	vld [tilespmem:$0xB0]  }
0x28: {  	v7 =	vld [tilespmem:$0xC0];
	_ =	sdelay $0x2  }
0x29: {  	v4 =	vsub.s32 v1, v0;
	v1 =	vand.u32 $0x7F, v1;
	v6 =	vsub.s32 v2, v0  }
0x2a: {  	v2 =	vand.u32 $0x7F, v2;
	v49 =	vsub.s32 v3, v0;
	v3 =	vand.u32 $0x7F, v3  }
0x2b: {  	v50 =	vsub.s32 v5, v0;
	v51 =	vand.u32 $0x7F, v7;
	vm0 =	vlt.u32 v4, $0x1400  }
0x2c: {  	v1 =	vor.u32 $0x1400, v1;
	vm15 =	vlt.u32 v6, $0x1400;
	v2 =	vor.u32 $0x1400, v2  }
0x2d: {  	vm4 =	vlt.u32 v49, $0x1400;
	v3 =	vor.u32 $0x1400, v3;
	v1 =	vsel vm0, v4, v1  }
0x2e: {  	v2 =	vsel vm15, v6, v2;
	[tilespmem:$0x80] =	vst v1;
	v1 =	vsel vm4, v49, v3;
	v3 =	vand.u32 $0x7F, v5  }
0x2f: {  	vm5 =	vlt.u32 v50, $0x1400;
	[tilespmem:$0x90] =	vst v2;
	v2 =	vor.u32 $0x1400, v3;
	v3 =	vsub.s32 v7, v0  }
0x30: {  	[tilespmem:$0xA0] =	vst v1;
	v1 =	vsel vm5, v50, v2;
	vm6 =	vlt.u32 v3, $0x1400;
	v2 =	vor.u32 $0x1400, v51  }
0x31: {  	[tilespmem:$0xB0] =	vst v1;
	v1 =	vsel vm6, v3, v2  }
0x32: {  	s29 =	simm.s32 $0x100;
	s28 =	simm.s32 $0xFFFF0800;
	[tilespmem:$0xC0] =	vst v1  }
0x33: {  	[tilespmem:s17], [sflag:$0x2] =	stream.indirect.gather [hbm4b:s3+s15], $0x80, s29, s15, $0xb8;
	[tilespmem:$0x1EE00] =	vst v63  }
0x34: {  	v1 =	vld [tilespmem:s28+$0xF9C0]  }
0x35: {  	v2 =	vld [tilespmem:s28+$0xF9B0]  }
0x36: {  	v3 =	vld [tilespmem:s28+$0xF9A0]  }
0x37: {  	v52 =	vld [tilespmem:s28+$0xF980]  }
0x38: {  	v53 =	vld [tilespmem:s28+$0xF990];
	_ =	sdelay $0x2  }
0x39: {  	v54 =	vsub.s32 v1, v0;
	v1 =	vand.u32 $0x7F, v1;
	v55 =	vsub.s32 v2, v0  }
0x3a: {  	v2 =	vand.u32 $0x7F, v2;
	v8 =	vsub.s32 v3, v0;
	v3 =	vand.u32 $0x7F, v3  }
0x3b: {  	v9 =	vand.u32 $0x7F, v52;
	v56 =	vsub.s32 v53, v0;
	v5 =	vand.u32 $0x7F, v53  }
0x3c: {  	v4 =	vsub.s32 v52, v0;
	v1 =	vor.u32 $0x1400, v1;
	vm7 =	vlt.u32 v54, $0x1400  }
0x3d: {  	vm1 =	vlt.u32 v56, $0x1400;
	v5 =	vor.u32 $0x1400, v5;
	v1 =	vsel vm7, v54, v1  }
0x3e: {  	vm8 =	vlt.u32 v8, $0x1400;
	v3 =	vor.u32 $0x1400, v3;
	[tilespmem:s28+$0xF9C0] =	vst v1;
	v1 =	vsel vm1, v56, v5  }
0x3f: {  	v57 =	vor.u32 $0x1400, v9;
	vm9 =	vlt.u32 v4, $0x1400;
	[tilespmem:s28+$0xF990] =	vst v1;
	v1 =	vsel vm8, v8, v3  }
0x40: {  	vm10 =	vlt.u32 v55, $0x1400;
	v2 =	vor.u32 $0x1400, v2;
	v3 =	vsel vm9, v4, v57;
	[tilespmem:s28+$0xF9A0] =	vst v1  }
0x41: {  	v1 =	vsel vm10, v55, v2;
	[tilespmem:s28+$0xF980] =	vst v3  }
0x42: {  	[tilespmem:s28+$0xF9B0] =	vst v1  }
0x43: {  	_ =	swait.ge [sflag:s18], $0x2800  }
0x44: {  	[sflag:s18] =	ssyncset.done $0x0  }
0x45: {  	s29 =	simm.s32 $0x80;
	[sflag:s18] =	ssyncadd.s32 $0xFFFFD800  }
0x46: {  	[spmem:s1] =	stream.indirect.scatter.add.f32 [tilespmem:s16], [sflag:$0x3], $0x80, s29, s15, $0xb8;
	[tilespmem:$0x1EE00] =	vst v63  }
0x47: {  	_ =	swait.ge [sflag:s11], $0x2800  }
0x48: {  	[sflag:s11] =	ssyncset.done $0x0  }
0x49: {  	s29 =	simm.s32 $0x200;
	[sflag:s11] =	ssyncadd.s32 $0xFFFFD800  }
0x4a: {  	[tilespmem:s16], [sflag:$0x1] =	stream.indirect.gather [hbm4b:s3+s15], $0x80, s29, s15, $0xb8;
	[tilespmem:$0x1EE00] =	vst v63  }
0x4b: {  	v1 =	vld [tilespmem:s28+$0xFA80]  }
0x4c: {  	v2 =	vld [tilespmem:s28+$0xFA90]  }
0x4d: {  	v3 =	vld [tilespmem:s28+$0xFAB0]  }
0x4e: {  	v58 =	vld [tilespmem:s28+$0xFAA0]  }
0x4f: {  	v59 =	vld [tilespmem:s28+$0xFAC0];
	_ =	sdelay $0x2  }
0x50: {  	v60 =	vsub.s32 v1, v0;
	v1 =	vand.u32 $0x7F, v1;
	v61 =	vsub.s32 v2, v0  }
0x51: {  	v2 =	vand.u32 $0x7F, v2;
	v62 =	vsub.s32 v3, v0;
	v3 =	vand.u32 $0x7F, v3  }
0x52: {  	v63 =	vand.u32 $0x7F, v58;
	v4 =	vsub.s32 v58, v0;
	v5 =	vsub.s32 v59, v0  }
0x53: {  	vm11 =	vlt.u32 v61, $0x1400;
	vm12 =	vlt.u32 v62, $0x1400;
	v3 =	vor.u32 $0x1400, v3  }
0x54: {  	v2 =	vor.u32 $0x1400, v2;
	v7 =	vor.u32 $0x1400, v63;
	v3 =	vsel vm12, v62, v3  }
0x55: {  	vm15 =	vlt.u32 v60, $0x1400;
	v1 =	vor.u32 $0x1400, v1;
	v2 =	vsel vm11, v61, v2;
	[tilespmem:s28+$0xFAB0] =	vst v3  }
0x56: {  	vm13 =	vlt.u32 v4, $0x1400;
	v1 =	vsel vm15, v60, v1;
	v3 =	vand.u32 $0x7F, v59;
	[tilespmem:s28+$0xFA90] =	vst v2  }
0x57: {  	vm14 =	vlt.u32 v5, $0x1400;
	v2 =	vsel vm13, v4, v7;
	[tilespmem:s28+$0xFA80] =	vst v1;
	v3 =	vor.u32 $0x1400, v3  }
0x58: {  	[tilespmem:s28+$0xFAA0] =	vst v2;
	v2 =	vsel vm14, v5, v3  }
0x59: {  	[tilespmem:s28+$0xFAC0] =	vst v2  }
0x5a: {  	_ =	swait.ge [sflag:s19], $0x2800  }
0x5b: {  	[sflag:s19] =	ssyncset.done $0x0  }
0x5c: {  	s28 =	simm.s32 $0x180;
	[sflag:s19] =	ssyncadd.s32 $0xFFFFD800  }
0x5d: {  	[spmem:s1] =	stream.indirect.scatter.add.f32 [tilespmem:s17], [sflag:$0x3], $0x80, s28, s15, $0xb8;
	[tilespmem:$0x1EE00] =	vst v63  }
0x5e: {  	_ =	swait.ge [sflag:s11], $0x2800  }
0x5f: {  	s29 =	simm.s32 $0xFFFC3000;
	s28 =	simm.s32 $0xFFFF0A00;
	[sflag:s11] =	ssyncset.done $0x0  }
.LBB2_2:
0x60: {  	p4 =	sne.s32 s29, $0xFFFFF800;
	s30 =	sadd.s32 $0xF900, s28;
	[sflag:s11] =	ssyncadd.s32 $0xFFFFD800  }
0x61: {  	[tilespmem:s17], [sflag:$0x2] =	stream.indirect.gather [hbm4b:s3+s15], $0x80, s30, s15, $0xb8;
	[tilespmem:$0x1EE00] =	vst v63  }
0x62: {  	s30 =	smov.u32 s29;
	s29 =	sadd.s32 $0x800, s29;
	v1 =	vld [tilespmem:s28+$0xF9C0]  }
0x63: {  	v2 =	vld [tilespmem:s28+$0xF9B0]  }
0x64: {  	v3 =	vld [tilespmem:s28+$0xF9A0]  }
0x65: {  	v4 =	vld [tilespmem:s28+$0xF980]  }
0x66: {  	v5 =	vld [tilespmem:s28+$0xF990]  }
0x67: {  	v6 =	vsub.s32 v1, v0;
	v1 =	vand.u32 $0x7F, v1  }
0x68: {  	v7 =	vsub.s32 v2, v0;
	v2 =	vand.u32 $0x7F, v2;
	v1 =	vor.u32 $0x1400, v1  }
0x69: {  	vm0 =	vlt.u32 v6, $0x1400;
	v8 =	vsub.s32 v3, v0;
	v3 =	vand.u32 $0x7F, v3  }
0x6a: {  	v1 =	vsel vm0, v6, v1;
	v9 =	vand.u32 $0x7F, v4;
	vm1 =	vlt.u32 v8, $0x1400  }
0x6b: {  	v4 =	vsub.s32 v4, v0;
	v6 =	vsub.s32 v5, v0;
	v5 =	vand.u32 $0x7F, v5;
	[tilespmem:s28+$0xF9C0] =	vst v1  }
0x6c: {  	v1 =	vor.u32 $0x1400, v9;
	vm0 =	vlt.u32 v6, $0x1400;
	v5 =	vor.u32 $0x1400, v5  }
0x6d: {  	v3 =	vor.u32 $0x1400, v3;
	vm2 =	vlt.u32 v4, $0x1400;
	v5 =	vsel vm0, v6, v5  }
0x6e: {  	v2 =	vor.u32 $0x1400, v2;
	v3 =	vsel vm1, v8, v3;
	vm0 =	vlt.u32 v7, $0x1400;
	[tilespmem:s28+$0xF990] =	vst v5  }
0x6f: {  	v1 =	vsel vm2, v4, v1;
	v2 =	vsel vm0, v7, v2;
	[tilespmem:s28+$0xF9A0] =	vst v3  }
0x70: {  	[tilespmem:s28+$0xF980] =	vst v1  }
0x71: {  	[tilespmem:s28+$0xF9B0] =	vst v2  }
0x72: {  	_ =	swait.ge [sflag:s18], $0x2800  }
0x73: {  	[sflag:s18] =	ssyncset.done $0x0  }
0x74: {  	s31 =	sadd.s32 $0xF880, s28;
	[sflag:s18] =	ssyncadd.s32 $0xFFFFD800  }
0x75: {  	[spmem:s1] =	stream.indirect.scatter.add.f32 [tilespmem:s16], [sflag:$0x3], $0x80, s31, s15, $0xb8;
	[tilespmem:$0x1EE00] =	vst v63  }
0x76: {  	_ =	swait.ge [sflag:s11], $0x2800  }
0x77: {  	[sflag:s11] =	ssyncset.done $0x0  }
0x78: {  	s31 =	sadd.s32 $0xFA00, s28;
	[sflag:s11] =	ssyncadd.s32 $0xFFFFD800  }
0x79: {  	[tilespmem:s16], [sflag:$0x1] =	stream.indirect.gather [hbm4b:s3+s15], $0x80, s31, s15, $0xb8;
	[tilespmem:$0x1EE00] =	vst v63  }
0x7a: {  	v1 =	vld [tilespmem:s28+$0xFA80]  }
0x7b: {  	v2 =	vld [tilespmem:s28+$0xFA90]  }
0x7c: {  	v3 =	vld [tilespmem:s28+$0xFAB0]  }
0x7d: {  	v4 =	vld [tilespmem:s28+$0xFAA0]  }
0x7e: {  	v5 =	vld [tilespmem:s28+$0xFAC0]  }
0x7f: {  	v6 =	vsub.s32 v1, v0;
	v1 =	vand.u32 $0x7F, v1  }
0x80: {  	vm0 =	vlt.u32 v6, $0x1400;
	v7 =	vsub.s32 v2, v0;
	v2 =	vand.u32 $0x7F, v2  }
0x81: {  	vm1 =	vlt.u32 v7, $0x1400;
	v8 =	vsub.s32 v3, v0;
	v3 =	vand.u32 $0x7F, v3  }
0x82: {  	v2 =	vor.u32 $0x1400, v2;
	vm2 =	vlt.u32 v8, $0x1400;
	v3 =	vor.u32 $0x1400, v3  }
0x83: {  	v2 =	vsel vm1, v7, v2;
	v7 =	vand.u32 $0x7F, v4;
	v3 =	vsel vm2, v8, v3  }
0x84: {  	v4 =	vsub.s32 v4, v0;
	v7 =	vor.u32 $0x1400, v7;
	[tilespmem:s28+$0xFAB0] =	vst v3;
	v3 =	vand.u32 $0x7F, v5  }
0x85: {  	vm1 =	vlt.u32 v4, $0x1400;
	v5 =	vsub.s32 v5, v0;
	v3 =	vor.u32 $0x1400, v3  }
0x86: {  	v1 =	vor.u32 $0x1400, v1;
	[tilespmem:s28+$0xFA90] =	vst v2;
	v2 =	vsel vm1, v4, v7;
	vm1 =	vlt.u32 v5, $0x1400  }
0x87: {  	v1 =	vsel vm0, v6, v1;
	[tilespmem:s28+$0xFAA0] =	vst v2;
	v2 =	vsel vm1, v5, v3  }
0x88: {  	[tilespmem:s28+$0xFAC0] =	vst v2  }
0x89: {  	[tilespmem:s28+$0xFA80] =	vst v1  }
0x8a: {  	_ =	swait.ge [sflag:s19], $0x2800  }
.Ltmp0:
0x8b: {  	[sflag:s19] =	ssyncset.done $0x0;
	(pc) =	sbr.rel @p4 .LBB2_2-.Ltmp0, $4  }
0x8c: {  	s28 =	sadd.s32 $0xF980, s28;
	[sflag:s19] =	ssyncadd.s32 $0xFFFFD800  }
0x8d: {  	[spmem:s1] =	stream.indirect.scatter.add.f32 [tilespmem:s17], [sflag:$0x3], $0x80, s28, s15, $0xb8;
	[tilespmem:$0x1EE00] =	vst v63  }
0x8e: {  	_ =	swait.ge [sflag:s11], $0x2800  }
0x8f: {  	s28 =	sshra.s32 s30, $0x2;
	[sflag:s11] =	ssyncset.done $0x0  }
0x90: {  	s29 =	sadd.s32 $0xF900, s28;
	[sflag:s11] =	ssyncadd.s32 $0xFFFFD800  }
0x91: {  	[tilespmem:s17], [sflag:$0x2] =	stream.indirect.gather [hbm4b:s3+s15], $0x80, s29, s15, $0xb8;
	[tilespmem:$0x1EE00] =	vst v63  }
0x92: {  	v1 =	vld [tilespmem:s28+$0xF9C0]  }
0x93: {  	v2 =	vld [tilespmem:s28+$0xF9B0]  }
0x94: {  	v3 =	vld [tilespmem:s28+$0xF9A0]  }
0x95: {  	v4 =	vld [tilespmem:s28+$0xF980]  }
0x96: {  	v5 =	vld [tilespmem:s28+$0xF990];
	_ =	sdelay $0x2  }
0x97: {  	v6 =	vsub.s32 v1, v0;
	v1 =	vand.u32 $0x7F, v1;
	v7 =	vsub.s32 v2, v0  }
0x98: {  	v2 =	vand.u32 $0x7F, v2;
	v8 =	vsub.s32 v3, v0;
	v3 =	vand.u32 $0x7F, v3  }
0x99: {  	v9 =	vand.u32 $0x7F, v4;
	v49 =	vsub.s32 v5, v0;
	v5 =	vand.u32 $0x7F, v5  }
0x9a: {  	v4 =	vsub.s32 v4, v0;
	v1 =	vor.u32 $0x1400, v1;
	vm0 =	vlt.u32 v6, $0x1400  }
0x9b: {  	vm1 =	vlt.u32 v49, $0x1400;
	v5 =	vor.u32 $0x1400, v5;
	v1 =	vsel vm0, v6, v1  }
0x9c: {  	vm15 =	vlt.u32 v8, $0x1400;
	v3 =	vor.u32 $0x1400, v3;
	[tilespmem:s28+$0xF9C0] =	vst v1;
	v1 =	vsel vm1, v49, v5  }
0x9d: {  	v50 =	vor.u32 $0x1400, v9;
	vm4 =	vlt.u32 v4, $0x1400;
	[tilespmem:s28+$0xF990] =	vst v1;
	v1 =	vsel vm15, v8, v3  }
0x9e: {  	vm5 =	vlt.u32 v7, $0x1400;
	v2 =	vor.u32 $0x1400, v2;
	v3 =	vsel vm4, v4, v50;
	[tilespmem:s28+$0xF9A0] =	vst v1  }
0x9f: {  	v1 =	vsel vm5, v7, v2;
	[tilespmem:s28+$0xF980] =	vst v3  }
0xa0: {  	[tilespmem:s28+$0xF9B0] =	vst v1  }
0xa1: {  	_ =	swait.ge [sflag:s18], $0x2800  }
0xa2: {  	[sflag:s18] =	ssyncset.done $0x0  }
0xa3: {  	s31 =	sadd.s32 $0xF880, s28;
	[sflag:s18] =	ssyncadd.s32 $0xFFFFD800  }
0xa4: {  	[spmem:s1] =	stream.indirect.scatter.add.f32 [tilespmem:s16], [sflag:$0x3], $0x80, s31, s15, $0xb8;
	[tilespmem:$0x1EE00] =	vst v63  }
0xa5: {  	_ =	swait.ge [sflag:s11], $0x2800  }
0xa6: {  	[sflag:s11] =	ssyncset.done $0x0  }
0xa7: {  	s30 =	sadd.s32 $0xFA00, s28;
	[sflag:s11] =	ssyncadd.s32 $0xFFFFD800  }
0xa8: {  	[tilespmem:s16], [sflag:$0x1] =	stream.indirect.gather [hbm4b:s3+s15], $0x80, s30, s15, $0xb8;
	[tilespmem:$0x1EE00] =	vst v63  }
0xa9: {  	v1 =	vld [tilespmem:s28+$0xFA80]  }
0xaa: {  	v2 =	vld [tilespmem:s28+$0xFA90]  }
0xab: {  	v3 =	vld [tilespmem:s28+$0xFAB0]  }
0xac: {  	v51 =	vld [tilespmem:s28+$0xFAA0]  }
0xad: {  	v52 =	vld [tilespmem:s28+$0xFAC0];
	_ =	sdelay $0x2  }
0xae: {  	v53 =	vsub.s32 v1, v0;
	v1 =	vand.u32 $0x7F, v1;
	v54 =	vsub.s32 v2, v0  }
0xaf: {  	v2 =	vand.u32 $0x7F, v2;
	v55 =	vsub.s32 v3, v0;
	v3 =	vand.u32 $0x7F, v3  }
0xb0: {  	v56 =	vand.u32 $0x7F, v51;
	v4 =	vsub.s32 v51, v0;
	v5 =	vsub.s32 v52, v0  }
0xb1: {  	vm6 =	vlt.u32 v54, $0x1400;
	vm7 =	vlt.u32 v55, $0x1400;
	v3 =	vor.u32 $0x1400, v3  }
0xb2: {  	v2 =	vor.u32 $0x1400, v2;
	v7 =	vor.u32 $0x1400, v56;
	v3 =	vsel vm7, v55, v3  }
0xb3: {  	vm10 =	vlt.u32 v53, $0x1400;
	v1 =	vor.u32 $0x1400, v1;
	v2 =	vsel vm6, v54, v2;
	[tilespmem:s28+$0xFAB0] =	vst v3  }
0xb4: {  	vm8 =	vlt.u32 v4, $0x1400;
	v1 =	vsel vm10, v53, v1;
	v3 =	vand.u32 $0x7F, v52;
	[tilespmem:s28+$0xFA90] =	vst v2  }
0xb5: {  	vm9 =	vlt.u32 v5, $0x1400;
	v2 =	vsel vm8, v4, v7;
	[tilespmem:s28+$0xFA80] =	vst v1;
	v3 =	vor.u32 $0x1400, v3  }
0xb6: {  	[tilespmem:s28+$0xFAA0] =	vst v2;
	v2 =	vsel vm9, v5, v3  }
0xb7: {  	[tilespmem:s28+$0xFAC0] =	vst v2  }
0xb8: {  	_ =	swait.ge [sflag:s19], $0x2800  }
0xb9: {  	[sflag:s19] =	ssyncset.done $0x0  }
0xba: {  	s31 =	sadd.s32 $0xF980, s28;
	[sflag:s19] =	ssyncadd.s32 $0xFFFFD800  }
0xbb: {  	[spmem:s1] =	stream.indirect.scatter.add.f32 [tilespmem:s17], [sflag:$0x3], $0x80, s31, s15, $0xb8;
	[tilespmem:$0x1EE00] =	vst v63  }
0xbc: {  	_ =	swait.ge [sflag:s11], $0x2800  }
0xbd: {  	[sflag:s11] =	ssyncset.done $0x0  }
0xbe: {  	[sflag:s11] =	ssyncadd.s32 $0xFFFFD800  }
0xbf: {  	[tilespmem:s17], [sflag:$0x2] =	stream.indirect.gather [hbm4b:s3+s15], $0x80, s20, s15, $0xb8;
	[tilespmem:$0x1EE00] =	vst v63  }
0xc0: {  	v1 =	vld [tilespmem:$0xF980]  }
0xc1: {  	v2 =	vld [tilespmem:$0xF990]  }
0xc2: {  	v3 =	vld [tilespmem:$0xF9A0]  }
0xc3: {  	v58 =	vld [tilespmem:$0xF9B0]  }
0xc4: {  	v60 =	vld [tilespmem:$0xF9C0];
	_ =	sdelay $0x2  }
0xc5: {  	v57 =	vsub.s32 v1, v0;
	v1 =	vand.u32 $0x7F, v1;
	v59 =	vsub.s32 v2, v0  }
0xc6: {  	v2 =	vand.u32 $0x7F, v2;
	v61 =	vsub.s32 v3, v0;
	v3 =	vand.u32 $0x7F, v3  }
0xc7: {  	v62 =	vsub.s32 v58, v0;
	v63 =	vand.u32 $0x7F, v60;
	vm11 =	vlt.u32 v57, $0x1400  }
0xc8: {  	v1 =	vor.u32 $0x1400, v1;
	vm12 =	vlt.u32 v59, $0x1400;
	v2 =	vor.u32 $0x1400, v2  }
0xc9: {  	vm13 =	vlt.u32 v61, $0x1400;
	v3 =	vor.u32 $0x1400, v3;
	v1 =	vsel vm11, v57, v1  }
0xca: {  	v2 =	vsel vm12, v59, v2;
	[tilespmem:$0xF980] =	vst v1;
	v1 =	vsel vm13, v61, v3;
	v3 =	vand.u32 $0x7F, v58  }
0xcb: {  	vm14 =	vlt.u32 v62, $0x1400;
	[tilespmem:$0xF990] =	vst v2;
	v2 =	vor.u32 $0x1400, v3;
	v3 =	vsub.s32 v60, v0  }
0xcc: {  	[tilespmem:$0xF9A0] =	vst v1;
	v1 =	vsel vm14, v62, v2;
	vm15 =	vlt.u32 v3, $0x1400;
	v2 =	vor.u32 $0x1400, v63  }
0xcd: {  	[tilespmem:$0xF9B0] =	vst v1;
	v1 =	vsel vm15, v3, v2  }
0xce: {  	[tilespmem:$0xF9C0] =	vst v1  }
0xcf: {  	_ =	swait.ge [sflag:s18], $0x2800  }
0xd0: {  	[sflag:s18] =	ssyncset.done $0x0  }
0xd1: {  	[sflag:s18] =	ssyncadd.s32 $0xFFFFD800  }
0xd2: {  	[spmem:s1] =	stream.indirect.scatter.add.f32 [tilespmem:s16], [sflag:$0x3], $0x80, s21, s15, $0xb8;
	[tilespmem:$0x1EE00] =	vst v63  }
0xd3: {  	_ =	swait.ge [sflag:s11], $0x2800  }
0xd4: {  	[sflag:s11] =	ssyncset.done $0x0  }
0xd5: {  	[sflag:s11] =	ssyncadd.s32 $0xFFFFD800  }
0xd6: {  	_ =	swait.ge [sflag:s19], $0x2800  }
0xd7: {  	[sflag:s19] =	ssyncset.done $0x0  }
0xd8: {  	[sflag:s19] =	ssyncadd.s32 $0xFFFFD800  }
0xd9: {  	[spmem:s1] =	stream.indirect.scatter.add.f32 [tilespmem:s17], [sflag:$0x3], $0x80, s23, s15, $0xb8;
	[tilespmem:$0x1EE00] =	vst v63  }
0xda: {  	_ =	swait.ge [sflag:s11], $0x2800  }
0xdb: {  	[sflag:s11] =	ssyncset.done $0x0  }
0xdc: {  	[sflag:s11] =	ssyncadd.s32 $0xFFFFD800  }
0xdd: {  	[bflag:$0x0] =	sbarrier.arrive $0xFFFF  }
0xde: {  	[hbm:s6], [sflag:s12] =	dma.local [spmem:s13], $0x500  }
0xdf: {  	_ =	swait.ge [sflag:s11], $0x500  }
0xe0: {  	[sflag:s11] =	ssyncset.done $0x0  }
0xe1: {  	s28 =	simm.s32 @!p1 $0x3;
	[sflag:s11] =	ssyncadd.s32 $0xFFFFFB00  }
0xe2: {  	[hbm:s7], [sflag:s12] =	dma.local @!p1 [spmem:s22], $0x500  }
0xe3: {  	_ =	swait.ge @!p1 [sflag:s28], $0x500  }
0xe4: {  	[sflag:s28] =	ssyncset.done @!p1 $0x0  }
0xe5: {  	[sflag:s28] =	ssyncadd.s32 @!p1 $0xFFFFFB00;
	s28 =	simm.s32 @!p2 $0x3  }
0xe6: {  	[hbm:s8], [sflag:s12] =	dma.local @!p2 [spmem:s24], $0x500  }
0xe7: {  	s26 =	sadd.s32 $0x1, s26;
	_ =	swait.ge @!p2 [sflag:s28], $0x500  }
0xe8: {  	p4 =	sne.s32 s26, s10;
	[sflag:s28] =	ssyncset.done @!p2 $0x0  }
.Ltmp1:
0xe9: {  	[sflag:s28] =	ssyncadd.s32 @!p2 $0xFFFFFB00;
	s28 =	simm.s32 @!p3 $0x3;
	(pc) =	sbr.rel @p4 .LBB2_1-.Ltmp1, $4  }
0xea: {  	[hbm:s9], [sflag:s12] =	dma.local @!p3 [spmem:s25], $0x500  }
0xeb: {  	_ =	swait.ge @!p3 [sflag:s28], $0x500  }
0xec: {  	[sflag:s28] =	ssyncset.done @!p3 $0x0  }
0xed: {  	[sflag:s28] =	ssyncadd.s32 @!p3 $0xFFFFFB00  }
0xee: {  	_ =	sfence.sel $0x180000  }
0xef: {  	[bflag:$0x0] =	sbarrier.arrive $0xFFFF  }
0xf0: {  	_ =	strace $0x90000050  }
0xf1: {  	s0 =	sadd.s32 @!p0 $0x100000, s0;
	[bflag:$0x2] =	sbarrier.arrive $0xFFFF  }
0xf2: {  	[sflag:s0] =	ssyncadd.tile.s32 @!p0 $0x1;
	_ =	shalt  }
.Lfunc_end2:
_tile_overlayer_lowered:
.L_overlay_start_2:
0xf3: {  	(tag) =	ssettag $0x2  }
0xf4: {  	s0 =	rddreg [dreg:$0x0];
	s2 =	stileid.u32  }
0xf5: {  	s1 =	rddreg [dreg:$0x1];
	p0 =	sne.s32 s2, $0x0  }
0xf6: {  	s3 =	rddreg [dreg:$0x2];
	[bflag:$0x3] =	sbarrier.arrive $0xFFFF;
	s2 =	simm.s32 @!p0 $0x1C03  }
0xf7: {  	[timem:s3], [sflag:s2] =	dma.local @!p0 [hbm:s0], s1  }
0xf8: {  	s0 =	simm.s32 @!p0 $0x3  }
0xf9: {  	_ =	swait.ge @!p0 [sflag:s0], s1  }
0xfa: {  	s1 =	ssub.s32 @!p0 $0x0, s1;
	[sflag:s0] =	ssyncset.done @!p0 $0x0  }
0xfb: {  	[sflag:s0] =	ssyncadd.s32 @!p0 s1  }
0xfc: {  	[bflag:$0x3] =	sbarrier.arrive $0xFFFF  }
0xfd: {  	_ =	shalt  }

// kernel: kernel.8.cloned.1.call-start
scs
__scs_entry_jumppad:
0x0: {  	(pc) =	sbr.rel $0x88, $3  }
0x1: {  	(tag) =	ssettag $0x0;
	lr =	simm.s32 $0x1  }
0x2: {  	[smem:$0x3F8D] =	sst lr;
	_ =	strace $0xD0000000  }
0x3: {  	_ = 	snop  }
0x4: {  	_ = 	snop  }
0x5: {  	_ = 	snop  }
0x6: {  	_ = 	snop  }
0x7: {  	_ = 	snop  }
__scs_overlays_trampoline_lowered:
0x8: {  	[smem:$0x3F9C] =	sst s0  }
0x9: {  	[smem:$0x3F9D] =	sst s1  }
0xa: {  	[smem:$0x3F9E] =	sst s2  }
0xb: {  	[smem:$0x3F9F] =	sst s3  }
0xc: {  	[smem:$0x3FA0] =	sst s4  }
0xd: {  	[smem:$0x3FA1] =	sst s5  }
0xe: {  	[smem:$0x3FA2] =	sst s6  }
0xf: {  	[smem:$0x3FA3] =	sst s7  }
0x10: {  	[smem:$0x3FA4] =	sst s8  }
0x11: {  	[smem:$0x3FA5] =	sst s9;
	s0 =	simm.s32 @!p0 $0x0  }
0x12: {  	s1 =	sld [smem:$0x3F8B];
	s0 =	simm.s32 @p0 $0x1  }
0x13: {  	[smem:$0x3FA6] =	sst s0;
	s0 =	simm.s32 @!p1 $0x0  }
0x14: {  	s2 =	sld [smem:$0x3F8A];
	s0 =	simm.s32 @p1 $0x1  }
0x15: {  	[smem:$0x3FA7] =	sst s0;
	s0 =	simm.s32 @!p2 $0x0  }
0x16: {  	s3 =	sld [smem:$0x3FDB];
	s0 =	simm.s32 @p2 $0x1  }
0x17: {  	s4 =	simm.s32 $0x1BF5;
	[smem:$0x3FA9] =	sst s0  }
0x18: {  	s0 =	sld [smem:$0x3F8C];
	_ =	swait.ge [sflag:s4], $0x0  }
0x19: {  	s7 =	sld [smem:$0x3F8D]  }
0x1a: {  	s8 =	sadd.s32 $0xFFFFE003, lr  }
0x1b: {  	s9 =	sadd.s32 $0xFFFFFEF7, lr;
	s5 =	simm.s32 $0xFFFFFFFF;
	p2 =	slt.u32 s8, $0xFFFFF086  }
0x1c: {  	p1 =	slt.u32 s9, $0xF7A;
	s5 =	simm.s32 @!p2 $0x0  }
0x1d: {  	s5 =	simm.s32 @p1 $0x1;
	p0 =	seq.s32 s7, s2  }
0x1e: {  	s7 =	smul.u32 @!p0 $0xF7A, s2;
	p2 =	seq.s32 @!p0 s5, $0x0  }
0x1f: {  	s9 =	smul.u32 $0xF7A, s1;
	s8 =	simm.s32 @!p0 $0x1BF5;
	p2 =	por !p2, p0  }
0x20: {  	[sflag:s8] =	ssyncset.s32 @!p0 $0xFFFFF086;
	s6 =	sadd.s32 @!p0 s3, s7;
	s7 =	simm.s32 @!p0 $0x108  }
0x21: {  	s3 =	sadd.s32 s3, s9;
	s6 =	sadd.s32 @!p0 $0x88, s6;
	s7 =	simm.s32 @p2 $0x1082  }
0x22: {  	[simem:s7], [sflag:s8] =	dma.local @!p0 [hbm:s6], $0xF7A  }
0x23: {  	s9 =	sor.u32 $0xD0000000, s2;
	s6 =	simm.s32 $0x108;
	_ =	swait.ge @!p0 [sflag:s8], $0x0  }
0x24: {  	s3 =	sadd.s32 $0x88, s3;
	s6 =	simm.s32 @!p1 $0x1082;
	[sflag:s4] =	ssyncset.s32 $0xFFFFF086  }
0x25: {  	[simem:s6], [sflag:s4] =	dma.local [hbm:s3], $0xF7A  }
0x26: {  	[smem:$0x3F8D] =	sst s1;
	(tag) =	ssettag s2;
	_ =	strace s9  }
0x27: {  	s1 =	sld [smem:$0x3F9D]  }
0x28: {  	s2 =	sld [smem:$0x3F9E]  }
0x29: {  	s4 =	sld [smem:$0x3FA0]  }
0x2a: {  	p0 =	seq.s32 s5, $0x0;
	s5 =	sld [smem:$0x3FA1]  }
0x2b: {  	s6 =	sld [smem:$0x3FA2]  }
0x2c: {  	s7 =	sld [smem:$0x3FA3]  }
0x2d: {  	s3 =	simm.s32 $0x108;
	s8 =	sld [smem:$0x3FA4]  }
0x2e: {  	s3 =	simm.s32 @!p0 $0x1082;
	s9 =	sld [smem:$0x3FA5]  }
0x2f: {  	lr =	sadd.s32 s0, s3;
	s0 =	sld [smem:$0x3F9C]  }
0x30: {  	s3 =	sld [smem:$0x3F9F]  }
0x31: {  	[smem:$0x3FA8] =	sst s10  }
0x32: {  	s10 =	sld [smem:$0x3FA6];
	_ =	sdelay $0x3  }
0x33: {  	p0 =	seq.s32 s10, $0x1;
	s10 =	sld [smem:$0x3FA8];
	_ =	sdelay $0x3  }
0x34: {  	[smem:$0x3FA8] =	sst s10  }
0x35: {  	s10 =	sld [smem:$0x3FA7];
	_ =	sdelay $0x3  }
0x36: {  	p1 =	seq.s32 s10, $0x1;
	s10 =	sld [smem:$0x3FA8];
	_ =	sdelay $0x3  }
0x37: {  	[smem:$0x3FA8] =	sst s10  }
0x38: {  	s10 =	sld [smem:$0x3FA9]  }
0x39: {  	_ = 	snop;
	(pc) =	sbr.ind lr, $3  }
0x3a: {  	_ = 	snop  }
0x3b: {  	_ = 	snop  }
0x3c: {  	p2 =	seq.s32 s10, $0x1;
	s10 =	sld [smem:$0x3FA8]  }
0x3d: {  	_ =	shalt  }
0x3e: {  	_ =	shalt  }
0x3f: {  	_ =	shalt  }
0x40: {  	_ =	shalt  }
0x41: {  	_ =	shalt  }
0x42: {  	_ =	shalt  }
0x43: {  	_ =	shalt  }
0x44: {  	_ =	shalt  }
0x45: {  	_ =	shalt  }
0x46: {  	_ =	shalt  }
0x47: {  	_ =	shalt  }
0x48: {  	_ =	shalt  }
0x49: {  	_ =	shalt  }
0x4a: {  	_ =	shalt  }
0x4b: {  	_ =	shalt  }
0x4c: {  	_ =	shalt  }
0x4d: {  	_ =	shalt  }
0x4e: {  	_ =	shalt  }
0x4f: {  	_ =	shalt  }
0x50: {  	_ =	shalt  }
0x51: {  	_ =	shalt  }
0x52: {  	_ =	shalt  }
0x53: {  	_ =	shalt  }
0x54: {  	_ =	shalt  }
0x55: {  	_ =	shalt  }
0x56: {  	_ =	shalt  }
0x57: {  	_ =	shalt  }
0x58: {  	_ =	shalt  }
0x59: {  	_ =	shalt  }
0x5a: {  	_ =	shalt  }
0x5b: {  	_ =	shalt  }
0x5c: {  	_ =	shalt  }
0x5d: {  	_ =	shalt  }
0x5e: {  	_ =	shalt  }
0x5f: {  	_ =	shalt  }
0x60: {  	_ =	shalt  }
0x61: {  	_ =	shalt  }
0x62: {  	_ =	shalt  }
0x63: {  	_ =	shalt  }
0x64: {  	_ =	shalt  }
0x65: {  	_ =	shalt  }
0x66: {  	_ =	shalt  }
0x67: {  	_ =	shalt  }
0x68: {  	_ =	shalt  }
0x69: {  	_ =	shalt  }
0x6a: {  	_ =	shalt  }
0x6b: {  	_ =	shalt  }
0x6c: {  	_ =	shalt  }
0x6d: {  	_ =	shalt  }
0x6e: {  	_ =	shalt  }
0x6f: {  	_ =	shalt  }
0x70: {  	_ =	shalt  }
0x71: {  	_ =	shalt  }
0x72: {  	_ =	shalt  }
0x73: {  	_ =	shalt  }
0x74: {  	_ =	shalt  }
0x75: {  	_ =	shalt  }
0x76: {  	_ =	shalt  }
0x77: {  	_ =	shalt  }
0x78: {  	_ =	shalt  }
0x79: {  	_ =	shalt  }
0x7a: {  	_ =	shalt  }
0x7b: {  	_ =	shalt  }
0x7c: {  	_ =	shalt  }
0x7d: {  	_ =	shalt  }
0x7e: {  	_ =	shalt  }
0x7f: {  	_ =	shalt  }
0x80: {  	_ =	shalt  }
0x81: {  	_ =	shalt  }
0x82: {  	_ =	shalt  }
0x83: {  	_ =	shalt  }
0x84: {  	_ =	shalt  }
0x85: {  	_ =	shalt  }
0x86: {  	_ =	shalt  }
0x87: {  	_ =	shalt  }
.Lfunc_end0:
.L_simem_size_0:
called_computation_lowered:
.L_overlay_start_0:
0x88: {  	s2 =	sld [smem:$0x3FD9]  }
0x89: {  	s3 =	sld [smem:$0x3FFE];
	_ =	sdelay $0x1  }
0x8a: {  	s1 =	srdreg.scid  }
0x8b: {  	s0 =	sand.u32 $0x1, s1  }
0x8c: {  	s17 =	sshll.u32 s0, $0xA;
	s2 =	sadd.s32 s3, s2  }
0x8d: {  	s2 =	sadd.s32 s2, s17  }
0x8e: {  	[smem:$0x3FB4] =	sst s2  }
0x8f: {  	_ = 	snop  }
0x90: {  	s2 =	sld [smem:$0x3FC5];
	(tm) =	ssettm $0x1  }
0x91: {  	s18 =	sld [smem:$0x3FFB];
	_ =	sdelay $0x3  }
0x92: {  	_ =	strace s18  }
0x93: {  	s3 =	sld [smem:$0x3FFC];
	_ =	sdelay $0x3  }
0x94: {  	_ =	strace s3  }
0x95: {  	s3 =	sld [smem:$0x3FFD];
	_ =	sdelay $0x3  }
0x96: {  	_ =	strace s3  }
0x97: {  	_ =	strace $0x8FFFFFFF  }
0x98: {  	s19 =	sld [smem:$0x3FDB];
	_ =	sdelay $0x1  }
0x99: {  	s4 =	simm.s32 $_scs_section_size  }
0x9a: {  	s5 =	simm.s32 $_size__tile_overlayer_lowered;
	s6 =	simm.s32 $_tile_overlayer_lowered  }
0x9b: {  	s22 =	simm.s32 $0x1BFF;
	s21 =	sshll.u32 s6, $0x1;
	s3 =	sadd.s32 s4, s19  }
0x9c: {  	s7 =	simm.s32 $0x0;
	s20 =	sshll.u32 s5, $0x1;
	s5 =	sadd.s32 s21, s3  }
0x9d: {  	[timem:s7], [sflag:s22] =	dma.local [hbm:s5], s20  }
0x9e: {  	_ =	swait.ge [sflag:s22], s20  }
0x9f: {  	s4 =	ssub.s32 $0x0, s20;
	[sflag:s22] =	ssyncset.done $0x0  }
0xa0: {  	[sflag:s22] =	ssyncadd.s32 s4;
	_ =	sdelay $0x1  }
0xa1: {  	s23 =	simm.s32 $0x1B8B  }
0xa2: {  	_ =	swait.ge [sflag:s23], $0x1  }
0xa3: {  	[sflag:s23] =	ssyncset.done $0x0  }
0xa4: {  	s25 =	simm.s32 $0x1B8E;
	s24 =	sld [smem:$0x3FFE];
	[sflag:s23] =	ssyncadd.s32 $0xFFFFFFFF  }
0xa5: {  	s26 =	simm.s32 $execute0_lowered;
	[smem:$0x3FD2] =	sst s25  }
0xa6: {  	s5 =	sshll.u32 s26, $0x1;
	_ =	strace $0x80000046;
	[dreg:$0x1] =	wrdreg $0xFFFFFFFF  }
0xa7: {  	s28 =	simm.s32 $_size_execute0_lowered;
	s3 =	sadd.s32 s3, s5;
	[dreg:$0x0] =	wrdreg $0x0  }
0xa8: {  	s5 =	sshll.u32 s28, $0x1;
	[dreg:$0x2] =	wrdreg s3  }
0xa9: {  	[dreg:$0x3] =	wrdreg s5  }
0xaa: {  	[dreg:$0x4] =	wrdreg $0xC0  }
0xab: {  	_ =	task [dreg:s7], $0x5FFFF  }
0xac: {  	[dreg:$0x1] =	wrdreg $0xFFFFFFFF  }
0xad: {  	[dreg:$0x0] =	wrdreg $0x60  }
0xae: {  	[dreg:$0x2] =	wrdreg s2  }
0xaf: {  	[dreg:$0x3] =	wrdreg s24  }
0xb0: {  	[dreg:$0x4] =	wrdreg $0x70000  }
0xb1: {  	[dreg:$0x5] =	wrdreg $0xA  }
0xb2: {  	_ =	task.clear_ibuf [dreg:s7], $0x6FFFF;
	_ =	strace $0x90000046  }
0xb3: {  	s29 =	simm.s32 $0xA;
	_ =	strace $0x80000048  }
0xb4: {  	_ =	swait.ge [sflag:s29], $0x1  }
0xb5: {  	[sflag:s29] =	ssyncadd.s32 $0xFFFFFFFF  }
0xb6: {  	_ =	strace $0x90000048  }
0xb7: {  	_ =	sfence  }
0xb8: {  	s30 =	sld [smem:$0x0];
	_ =	sdelay $0x2  }
0xb9: {  	s31 =	sshll.u32 s1, $0xD;
	s1 =	sshrl.u32 s1, $0x2  }
0xba: {  	s3 =	sand.u32 $0x4000, s31;
	s1 =	sadd.s32 s1, s30  }
0xbb: {  	s0 =	sor.u32 s3, s0;
	s1 =	sshll.u32 s1, $0x11  }
0xbc: {  	s0 =	sor.u32 s1, s0  }
0xbd: {  	s0 =	sadd.s32 $0x8F2B, s0  }
0xbe: {  	[sflag:s0] =	ssyncadd.remote.s32 $0x1  }
0xbf: {  	_ =	sfence.sel $0xFFFF  }
0xc0: {  	[dreg:$0x0] =	wrdreg $0xFFFFFFFF;
	(pc) =	sbr.abs _section_cstart, $3  }
0xc1: {  	[dreg:$0x1] =	wrdreg $0xFFFFFFFF  }
0xc2: {  	_ =	task.clear_ibuf [dreg:s7], $0x2FFFF;
	_ =	strace $0x9FFFFFFF  }
0xc3: {  	(tm) =	ssettm $0x7FFFFFFF  }
tec
execute0_lowered:
.L_overlay_start_1:
0x0: {  	(tag) =	ssettag $0x1  }
0x1: {  	s1 =	rddreg [dreg:$0x0]  }
0x2: {  	s6 =	rddreg [dreg:$0x1];
	s0 =	stileid.u32  }
0x3: {  	s2 =	srdreg.scid;
	s3 =	rddreg [dreg:$0x2];
	s4 =	simm.s32 $0x0  }
0x4: {  	s17 =	simm.s32 $0x50;
	s18 =	simm.s32 $0x2000;
	s20 =	simm.s32 $0x1  }
0x5: {  	s21 =	simm.s32 $0x2;
	s22 =	simm.s32 $0xF80;
	s28 =	simm.s32 $0x1F80  }
0x6: {  	s29 =	simm.s32 $0x0;
	s7 =	sand.u32 $0x1, s2;
	s5 =	smul.u32 $0x140, s0  }
0x7: {  	[smem:$0x7FF] =	sst s4;
	s9 =	sshll.u32 s0, $0x9;
	s11 =	smul.u32 $0x28000, s0  }
0x8: {  	s15 =	sshll.u32 s0, $0x6;
	s8 =	smul.u32 $0x1400, s7;
	_ =	strace $0x80000047  }
0x9: {  	s25 =	sadd.s32 s9, s6;
	s10 =	ssub.s32 $0x2, s7;
	s7 =	sshll.u32 s7, $0xD  }
0xa: {  	s15 =	sor.u32 $0x1C03, s15;
	s30 =	sshrl.u32 s10, $0x1;
	s7 =	sadd.s32 s7, s25  }
0xb: {  	s31 =	sshrl.u32 s11, $0x2;
	s19 =	sadd.s32 s5, s8;
	s5 =	sadd.s32 $0xA600, s6  }
0xc: {  	s13 =	ssub.s32 s10, s30;
	s16 =	sadd.s32 s31, s3;
	s26 =	sshll.u32 s19, $0x4  }
0xd: {  	s23 =	sadd.s32 $0x2800, s16;
	s24 =	sadd.s32 $0x5000, s16;
	p0 =	sgt.u32 s19, $0x26BF  }
0xe: {  	s12 =	sadd.s32 s26, s6;
	s6 =	sadd.s32 $0x4600, s7;
	s7 =	sadd.s32 $0x8600, s25  }
0xf: {  	s25 =	sadd.s32 $0x7800, s16;
	p2 =	sgt.u32 @!p0 s19, $0x266F;
	s16 =	sshrl.u32 s16, $0x3  }
0x10: {  	s23 =	sshrl.u32 @!p0 s23, $0x3;
	s26 =	simm.s32 $0x1F00;
	p1 =	por p2, p0  }
0x11: {  	s8 =	sadd.s32 $0xBA00, s12;
	s9 =	sadd.s32 $0xBF00, s12;
	p3 =	sgt.u32 @!p1 s19, $0x261F  }
0x12: {  	s10 =	sadd.s32 $0xC400, s12;
	s11 =	sadd.s32 $0xC900, s12;
	p2 =	por @!p0 p3, p2  }
0x13: {  	s12 =	smax.u32 s13, $0x1;
	s13 =	simm.s32 $0x3;
	p2 =	por p2, p0  }
0x14: {  	s19 =	simm.s32 $0x4800;
	s24 =	sshrl.u32 @!p1 s24, $0x3;
	s25 =	sshrl.u32 @!p2 s25, $0x3  }
.LBB2_1:
0x15: {  	[tilespmem:s4], [sflag:$0x3] =	stream.linear.gather [hbm4b:s6+s4], $0x1000, $0x38;
	[tilespmem:$0x11000] =	vst v63  }
0x16: {  	_ =	swait.ge [sflag:s13], $0x1000  }
0x17: {  	[sflag:s13] =	ssyncset.done $0x0  }
0x18: {  	s0 =	simm.s32 $0x1000;
	[sflag:s13] =	ssyncadd.s32 $0xFFFFF000  }
0x19: {  	[tilespmem:s0], [sflag:$0x3] =	stream.linear.gather [hbm4b:s7+s4], $0x1000, $0x38;
	[tilespmem:$0x11000] =	vst v63  }
0x1a: {  	_ =	swait.ge [sflag:s13], $0x1000  }
0x1b: {  	[sflag:s13] =	ssyncset.done $0x0  }
0x1c: {  	[sflag:s13] =	ssyncadd.s32 $0xFFFFF000  }
0x1d: {  	[spmem:s16], [sflag:s15] =	dma.local [hbm:s5], $0x1400  }
0x1e: {  	_ =	swait.ge [sflag:s13], $0x1400  }
0x1f: {  	[sflag:s13] =	ssyncset.done $0x0  }
0x20: {  	[sflag:s13] =	ssyncadd.s32 $0xFFFFEC00  }
0x21: {  	[tilespmem:s18], [sflag:$0x1] =	stream.indirect.gather [hbm4b:s1+s17], $0x80, s4, s17, $0xb8;
	[tilespmem:$0x11000] =	vst v63  }
0x22: {  	s30 =	simm.s32 $0x80  }
0x23: {  	[tilespmem:s19], [sflag:$0x2] =	stream.indirect.gather [hbm4b:s1+s17], $0x80, s30, s17, $0xb8;
	[tilespmem:$0x11000] =	vst v63  }
0x24: {  	_ =	swait.ge [sflag:s20], $0x2800  }
0x25: {  	[sflag:s20] =	ssyncset.done $0x0  }
0x26: {  	s30 =	simm.s32 $0x1000;
	[sflag:s20] =	ssyncadd.s32 $0xFFFFD800  }
0x27: {  	[spmem:s3] =	stream.indirect.scatter.add.f32 [tilespmem:s18], [sflag:$0x3], $0x80, s30, s17, $0xb8;
	[tilespmem:$0x11000] =	vst v63  }
0x28: {  	_ =	swait.ge [sflag:s13], $0x2800  }
0x29: {  	[sflag:s13] =	ssyncset.done $0x0  }
0x2a: {  	s30 =	simm.s32 $0x100;
	[sflag:s13] =	ssyncadd.s32 $0xFFFFD800  }
0x2b: {  	[tilespmem:s18], [sflag:$0x1] =	stream.indirect.gather [hbm4b:s1+s17], $0x80, s30, s17, $0xb8;
	[tilespmem:$0x11000] =	vst v63  }
0x2c: {  	_ =	swait.ge [sflag:s21], $0x2800  }
0x2d: {  	[sflag:s21] =	ssyncset.done $0x0  }
0x2e: {  	s30 =	simm.s32 $0x1080;
	[sflag:s21] =	ssyncadd.s32 $0xFFFFD800  }
0x2f: {  	[spmem:s3] =	stream.indirect.scatter.add.f32 [tilespmem:s19], [sflag:$0x3], $0x80, s30, s17, $0xb8;
	[tilespmem:$0x11000] =	vst v63  }
0x30: {  	_ =	swait.ge [sflag:s13], $0x2800  }
0x31: {  	s31 =	simm.s32 $0x800;
	s30 =	simm.s32 $0x100;
	[sflag:s13] =	ssyncset.done $0x0  }
.LBB2_2:
0x32: {  	s2 =	sadd.s32 $0x80, s30  }
0x33: {  	[sflag:s13] =	ssyncadd.s32 $0xFFFFD800;
	s0 =	smov.u32 s31;
	s14 =	sadd.s32 $0x400, s31  }
0x34: {  	[tilespmem:s19], [sflag:$0x2] =	stream.indirect.gather [hbm4b:s1+s17], $0x80, s2, s17, $0xb8;
	[tilespmem:$0x11000] =	vst v63  }
0x35: {  	p3 =	sne.s32 s31, $0x3800;
	_ =	swait.ge [sflag:s20], $0x2800  }
0x36: {  	[sflag:s20] =	ssyncset.done $0x0  }
0x37: {  	s2 =	sadd.s32 $0x1000, s30;
	[sflag:s20] =	ssyncadd.s32 $0xFFFFD800  }
0x38: {  	[spmem:s3] =	stream.indirect.scatter.add.f32 [tilespmem:s18], [sflag:$0x3], $0x80, s2, s17, $0xb8;
	[tilespmem:$0x11000] =	vst v63  }
0x39: {  	_ =	swait.ge [sflag:s13], $0x2800  }
0x3a: {  	[sflag:s13] =	ssyncset.done $0x0  }
0x3b: {  	s2 =	sadd.s32 $0x100, s30;
	[sflag:s13] =	ssyncadd.s32 $0xFFFFD800  }
0x3c: {  	[tilespmem:s18], [sflag:$0x1] =	stream.indirect.gather [hbm4b:s1+s17], $0x80, s2, s17, $0xb8;
	[tilespmem:$0x11000] =	vst v63  }
0x3d: {  	_ =	swait.ge [sflag:s21], $0x2800  }
.Ltmp0:
0x3e: {  	[sflag:s21] =	ssyncset.done $0x0;
	(pc) =	sbr.rel @p3 .LBB2_2-.Ltmp0, $4  }
0x3f: {  	s2 =	sadd.s32 $0x1080, s30;
	[sflag:s21] =	ssyncadd.s32 $0xFFFFD800  }
0x40: {  	[spmem:s3] =	stream.indirect.scatter.add.f32 [tilespmem:s19], [sflag:$0x3], $0x80, s2, s17, $0xb8;
	[tilespmem:$0x11000] =	vst v63  }
0x41: {  	_ =	swait.ge [sflag:s13], $0x2800  }
0x42: {  	s31 =	smov.u32 s14;
	s30 =	sshra.s32 s0, $0x2;
	[sflag:s13] =	ssyncset.done $0x0  }
0x43: {  	s0 =	sadd.s32 $0x80, s30;
	[sflag:s13] =	ssyncadd.s32 $0xFFFFD800  }
0x44: {  	[tilespmem:s19], [sflag:$0x2] =	stream.indirect.gather [hbm4b:s1+s17], $0x80, s0, s17, $0xb8;
	[tilespmem:$0x11000] =	vst v63  }
0x45: {  	_ =	swait.ge [sflag:s20], $0x2800  }
0x46: {  	[sflag:s20] =	ssyncset.done $0x0  }
0x47: {  	s2 =	sadd.s32 $0x1000, s30;
	[sflag:s20] =	ssyncadd.s32 $0xFFFFD800  }
0x48: {  	[spmem:s3] =	stream.indirect.scatter.add.f32 [tilespmem:s18], [sflag:$0x3], $0x80, s2, s17, $0xb8;
	[tilespmem:$0x11000] =	vst v63  }
0x49: {  	_ =	swait.ge [sflag:s13], $0x2800  }
0x4a: {  	[sflag:s13] =	ssyncset.done $0x0  }
0x4b: {  	s14 =	sadd.s32 $0x100, s30;
	[sflag:s13] =	ssyncadd.s32 $0xFFFFD800  }
0x4c: {  	[tilespmem:s18], [sflag:$0x1] =	stream.indirect.gather [hbm4b:s1+s17], $0x80, s14, s17, $0xb8;
	[tilespmem:$0x11000] =	vst v63  }
0x4d: {  	_ =	swait.ge [sflag:s21], $0x2800  }
0x4e: {  	[sflag:s21] =	ssyncset.done $0x0  }
0x4f: {  	s31 =	sadd.s32 $0x1080, s30;
	[sflag:s21] =	ssyncadd.s32 $0xFFFFD800  }
0x50: {  	[spmem:s3] =	stream.indirect.scatter.add.f32 [tilespmem:s19], [sflag:$0x3], $0x80, s31, s17, $0xb8;
	[tilespmem:$0x11000] =	vst v63  }
0x51: {  	_ =	swait.ge [sflag:s13], $0x2800  }
0x52: {  	[sflag:s13] =	ssyncset.done $0x0  }
0x53: {  	[sflag:s13] =	ssyncadd.s32 $0xFFFFD800  }
0x54: {  	[tilespmem:s19], [sflag:$0x2] =	stream.indirect.gather [hbm4b:s1+s17], $0x80, s22, s17, $0xb8;
	[tilespmem:$0x11000] =	vst v63  }
0x55: {  	_ =	swait.ge [sflag:s20], $0x2800  }
0x56: {  	[sflag:s20] =	ssyncset.done $0x0  }
0x57: {  	[sflag:s20] =	ssyncadd.s32 $0xFFFFD800  }
0x58: {  	[spmem:s3] =	stream.indirect.scatter.add.f32 [tilespmem:s18], [sflag:$0x3], $0x80, s26, s17, $0xb8;
	[tilespmem:$0x11000] =	vst v63  }
0x59: {  	_ =	swait.ge [sflag:s13], $0x2800  }
0x5a: {  	[sflag:s13] =	ssyncset.done $0x0  }
0x5b: {  	[sflag:s13] =	ssyncadd.s32 $0xFFFFD800  }
0x5c: {  	_ =	swait.ge [sflag:s21], $0x2800  }
0x5d: {  	[sflag:s21] =	ssyncset.done $0x0  }
0x5e: {  	[sflag:s21] =	ssyncadd.s32 $0xFFFFD800  }
0x5f: {  	[spmem:s3] =	stream.indirect.scatter.add.f32 [tilespmem:s19], [sflag:$0x3], $0x80, s28, s17, $0xb8;
	[tilespmem:$0x11000] =	vst v63  }
0x60: {  	_ =	swait.ge [sflag:s13], $0x2800  }
0x61: {  	[sflag:s13] =	ssyncset.done $0x0  }
0x62: {  	[sflag:s13] =	ssyncadd.s32 $0xFFFFD800  }
0x63: {  	[hbm:s8], [sflag:s15] =	dma.local [spmem:s16], $0x500  }
0x64: {  	_ =	swait.ge [sflag:s13], $0x500  }
0x65: {  	[sflag:s13] =	ssyncset.done $0x0  }
0x66: {  	s0 =	simm.s32 @!p0 $0x3;
	[sflag:s13] =	ssyncadd.s32 $0xFFFFFB00  }
0x67: {  	[hbm:s9], [sflag:s15] =	dma.local @!p0 [spmem:s23], $0x500  }
0x68: {  	_ =	swait.ge @!p0 [sflag:s0], $0x500  }
0x69: {  	[sflag:s0] =	ssyncset.done @!p0 $0x0  }
0x6a: {  	[sflag:s0] =	ssyncadd.s32 @!p0 $0xFFFFFB00;
	s0 =	simm.s32 @!p1 $0x3  }
0x6b: {  	[hbm:s10], [sflag:s15] =	dma.local @!p1 [spmem:s24], $0x500  }
0x6c: {  	s29 =	sadd.s32 $0x1, s29;
	_ =	swait.ge @!p1 [sflag:s0], $0x500  }
0x6d: {  	p3 =	sne.s32 s29, s12;
	[sflag:s0] =	ssyncset.done @!p1 $0x0  }
.Ltmp1:
0x6e: {  	[sflag:s0] =	ssyncadd.s32 @!p1 $0xFFFFFB00;
	s0 =	simm.s32 @!p2 $0x3;
	(pc) =	sbr.rel @p3 .LBB2_1-.Ltmp1, $4  }
0x6f: {  	[hbm:s11], [sflag:s15] =	dma.local @!p2 [spmem:s25], $0x500  }
0x70: {  	_ =	swait.ge @!p2 [sflag:s0], $0x500  }
0x71: {  	[sflag:s0] =	ssyncset.done @!p2 $0x0  }
0x72: {  	[sflag:s0] =	ssyncadd.s32 @!p2 $0xFFFFFB00  }
0x73: {  	_ =	sfence.sel $0x180000  }
0x74: {  	[bflag:$0x0] =	sbarrier.arrive $0xFFFF  }
0x75: {  	_ =	strace $0x90000047  }
0x76: {  	s0 =	stileid.u32;
	[bflag:$0x2] =	sbarrier.arrive $0xFFFF  }
0x77: {  	p0 =	sne.s32 s0, $0x0;
	s0 =	rddreg [dreg:$0x3]  }
0x78: {  	s0 =	sadd.s32 @!p0 $0x100000, s0  }
0x79: {  	[sflag:s0] =	ssyncadd.tile.s32 @!p0 $0x1;
	_ =	shalt  }
.Lfunc_end2:
_tile_overlayer_lowered:
.L_overlay_start_2:
0x7a: {  	(tag) =	ssettag $0x2  }
0x7b: {  	s0 =	rddreg [dreg:$0x0];
	s2 =	stileid.u32  }
0x7c: {  	s1 =	rddreg [dreg:$0x1];
	p0 =	sne.s32 s2, $0x0  }
0x7d: {  	s3 =	rddreg [dreg:$0x2];
	[bflag:$0x3] =	sbarrier.arrive $0xFFFF;
	s2 =	simm.s32 @!p0 $0x1C03  }
0x7e: {  	[timem:s3], [sflag:s2] =	dma.local @!p0 [hbm:s0], s1  }
0x7f: {  	s0 =	simm.s32 @!p0 $0x3  }
0x80: {  	_ =	swait.ge @!p0 [sflag:s0], s1  }
0x81: {  	s1 =	ssub.s32 @!p0 $0x0, s1;
	[sflag:s0] =	ssyncset.done @!p0 $0x0  }
0x82: {  	[sflag:s0] =	ssyncadd.s32 @!p0 s1  }
0x83: {  	[bflag:$0x3] =	sbarrier.arrive $0xFFFF  }
0x84: {  	_ =	shalt  }

</sc_bundles>
